<compile_context>
chip_gen: v7x
topology: tpu7x:2x2x1
jax: 0.10.2.dev20260603
libtpu: 0.0.44.dev20260713+nightly
codegen_flags: <defaults>
</compile_context>

<pallas_src>
import functools

import jax
import jax.numpy as jnp
from jax import lax
from jax.experimental import pallas as pl
from jax.experimental.pallas import tpu as pltpu
from jax.experimental.pallas import tpu_sc as plsc

N = 10000
NP = 10240
D = 128
NC = 2
NS = 16
NW = NC * NS
CHUNK = 128
RPT = NP // NS
SCH = 64
SPH = 40
DPH = 128
HW = 16


def _mesh():
  return plsc.VectorSubcoreMesh(core_axis_name="c", subcore_axis_name="s")


def _sc_degree(col3, zeros_h, ones_h, nchunk):
  @functools.partial(
      pl.kernel,
      out_type=jax.ShapeDtypeStruct((NC, NP), jnp.float32),
      mesh=_mesh(),
      scratch_types=[
          pltpu.VMEM((nchunk, DPH), jnp.int32),
          pltpu.VMEM((DPH,), jnp.float32),
          pltpu.VMEM_SHARED((NP,), jnp.float32),
          pltpu.SemaphoreType.DMA,
      ],
  )
  def k(col_hbm, zeros_hbm, ones_hbm, out_hbm, col_v, ones_v, hacc, sem):
    c = lax.axis_index("c")
    s = lax.axis_index("s")
    wid = c * NS + s
    pltpu.sync_copy(ones_hbm, ones_v)
    pltpu.sync_copy(col_hbm.at[wid], col_v)
    zr = NP // NS
    pltpu.sync_copy(zeros_hbm.at[pl.ds(s * zr, zr)], hacc.at[pl.ds(s * zr, zr)])
    plsc.subcore_barrier()

    def body(j, carry):
      pltpu.async_copy(ones_v, hacc.at[col_v.at[j]], sem, add=True)
      return carry

    lax.fori_loop(0, nchunk, body, 0)

    def drain(j, carry):
      pltpu.make_async_copy(ones_v, hacc.at[col_v.at[0]], sem).wait()
      return carry

    lax.fori_loop(0, nchunk, drain, 0)
    plsc.subcore_barrier()
    pltpu.sync_copy(hacc.at[pl.ds(s * zr, zr)], out_hbm.at[c, pl.ds(s * zr, zr)])

  return k(col3, zeros_h, ones_h)


def _sc_scatter(y, row4, col4, nchunk):
  nph = nchunk // SPH

  @functools.partial(
      pl.kernel,
      out_type=jax.ShapeDtypeStruct((NC, NP, D), jnp.float32),
      mesh=_mesh(),
      scratch_types=[
          pltpu.VMEM((SPH, SCH), jnp.int32),
          pltpu.VMEM((SPH, SCH), jnp.int32),
          pltpu.VMEM((SCH, D), jnp.float32),
          pltpu.VMEM((SCH, D), jnp.float32),
          pltpu.VMEM((SCH, D), jnp.float32),
          pltpu.VMEM((SCH, D), jnp.float32),
          pltpu.SemaphoreType.DMA,
          pltpu.SemaphoreType.DMA,
          pltpu.SemaphoreType.DMA,
          pltpu.SemaphoreType.DMA,
          pltpu.SemaphoreType.DMA,
          pltpu.SemaphoreType.DMA,
          pltpu.SemaphoreType.DMA,
          pltpu.SemaphoreType.DMA,
          pltpu.VMEM_SHARED((NP, D), jnp.float32),
      ],
  )
  def k(y_hbm, row_hbm, col_hbm, out_hbm, row_v, col_v, m0, m1, m2, m3,
        g0, g1, g2, g3, s0, s1, s2, s3, accum):
    c = lax.axis_index("c")
    s = lax.axis_index("s")
    wid = c * NS + s
    r0 = s * RPT
    msgs = (m0, m1, m2, m3)
    gsems = (g0, g1, g2, g3)
    ssems = (s0, s1, s2, s3)
    pltpu.sync_copy(y_hbm.at[pl.ds(r0, RPT)], accum.at[pl.ds(r0, RPT)])
    plsc.subcore_barrier()

    pltpu.sync_copy(row_hbm.at[wid, 0], row_v)
    pltpu.sync_copy(col_hbm.at[wid, 0], col_v)
    pltpu.async_copy(y_hbm.at[row_v.at[0]], msgs[0], gsems[0])
    pltpu.async_copy(y_hbm.at[row_v.at[1]], msgs[1], gsems[1])

    for ph in range(nph):

      def body(i, carry):
        for bi in range(4):
          j = 4 * i + bi
          b2 = (bi + 2) % 4
          pltpu.make_async_copy(y_hbm.at[row_v.at[j]], msgs[bi], gsems[bi]).wait()
          pltpu.async_copy(msgs[bi], accum.at[col_v.at[j]], ssems[bi], add=True)

          @pl.when(j + 2 < SPH)
          def _():
            if ph == 0:
              @pl.when(j >= 2)
              def _():
                pltpu.make_async_copy(msgs[b2], accum.at[col_v.at[0]],
                                      ssems[b2]).wait()
            else:
              pltpu.make_async_copy(msgs[b2], accum.at[col_v.at[0]],
                                    ssems[b2]).wait()
            pltpu.async_copy(y_hbm.at[row_v.at[j + 2]], msgs[b2], gsems[b2])

        return carry

      lax.fori_loop(0, SPH // 4, body, 0)
      if ph + 1 < nph:
        pltpu.make_async_copy(msgs[0], accum.at[col_v.at[0]], ssems[0]).wait()
        pltpu.make_async_copy(msgs[1], accum.at[col_v.at[0]], ssems[1]).wait()
        pltpu.sync_copy(row_hbm.at[wid, ph + 1], row_v)
        pltpu.sync_copy(col_hbm.at[wid, ph + 1], col_v)
        pltpu.async_copy(y_hbm.at[row_v.at[0]], msgs[0], gsems[0])
        pltpu.async_copy(y_hbm.at[row_v.at[1]], msgs[1], gsems[1])

    for b in range(4):
      pltpu.make_async_copy(msgs[b], accum.at[col_v.at[0]], ssems[b]).wait()

    plsc.subcore_barrier()
    pltpu.sync_copy(accum.at[pl.ds(r0, RPT)], out_hbm.at[c, pl.ds(r0, RPT)])

  return k(y, row4, col4)



BLK = 1024


def _tc_first(x, W, h0, h1):

  def body(x_ref, w_ref, h0_ref, h1_ref, y_ref, dis_ref):
    deg = h0_ref[...] + h1_ref[...] + 1.0
    dis = lax.rsqrt(deg)
    xw = jnp.dot(x_ref[...], w_ref[...], preferred_element_type=jnp.float32)
    y_ref[...] = xw * dis
    dis_ref[...] = dis

  return pl.pallas_call(
      body,
      grid=(NP // BLK,),
      in_specs=[
          pl.BlockSpec((BLK, D), lambda i: (i, 0)),
          pl.BlockSpec((D, D), lambda i: (0, 0)),
          pl.BlockSpec((BLK, 1), lambda i: (i, 0)),
          pl.BlockSpec((BLK, 1), lambda i: (i, 0)),
      ],
      out_specs=[
          pl.BlockSpec((BLK, D), lambda i: (i, 0)),
          pl.BlockSpec((BLK, 1), lambda i: (i, 0)),
      ],
      out_shape=[
          jax.ShapeDtypeStruct((NP, D), jnp.float32),
          jax.ShapeDtypeStruct((NP, 1), jnp.float32),
      ],
  )(x, W, h0, h1)


def _tc_mid(p, y, dis, b2, W):

  def body(p0_ref, p1_ref, y_ref, dis_ref, b_ref, w_ref, out_ref):
    d = dis_ref[...]
    t = jnp.maximum(
        d * (p0_ref[...] + p1_ref[...] - y_ref[...]) + b_ref[...], 0.0
    )
    out_ref[...] = d * jnp.dot(
        t, w_ref[...], preferred_element_type=jnp.float32
    )

  return pl.pallas_call(
      body,
      grid=(NP // BLK,),
      in_specs=[
          pl.BlockSpec((BLK, D), lambda i: (i, 0)),
          pl.BlockSpec((BLK, D), lambda i: (i, 0)),
          pl.BlockSpec((BLK, D), lambda i: (i, 0)),
          pl.BlockSpec((BLK, 1), lambda i: (i, 0)),
          pl.BlockSpec((1, D), lambda i: (0, 0)),
          pl.BlockSpec((D, D), lambda i: (0, 0)),
      ],
      out_specs=pl.BlockSpec((BLK, D), lambda i: (i, 0)),
      out_shape=jax.ShapeDtypeStruct((NP, D), jnp.float32),
  )(p[0], p[1], y, dis, b2, W)


def _tc_last(q, y, dis, b2):

  def body(q0_ref, q1_ref, y_ref, dis_ref, b_ref, out_ref):
    d = dis_ref[...]
    out_ref[...] = jnp.maximum(
        d * (q0_ref[...] + q1_ref[...] - y_ref[...]) + b_ref[...], 0.0
    )

  return pl.pallas_call(
      body,
      grid=(NP // BLK,),
      in_specs=[
          pl.BlockSpec((BLK, D), lambda i: (i, 0)),
          pl.BlockSpec((BLK, D), lambda i: (i, 0)),
          pl.BlockSpec((BLK, D), lambda i: (i, 0)),
          pl.BlockSpec((BLK, 1), lambda i: (i, 0)),
          pl.BlockSpec((1, D), lambda i: (0, 0)),
      ],
      out_specs=pl.BlockSpec((BLK, D), lambda i: (i, 0)),
      out_shape=jax.ShapeDtypeStruct((NP, D), jnp.float32),
  )(q[0], q[1], y, dis, b2)


def kernel(x, edge_index, W, b):
  E = edge_index.shape[1]
  row = edge_index[0].astype(jnp.int32)
  col = edge_index[1].astype(jnp.int32)

  epw = -(-E // NW)

  dchunk = -(-epw // DPH)
  dpad = dchunk * DPH * NW - E
  dpad_ar = jnp.arange(dpad, dtype=jnp.int32)
  col3 = jnp.concatenate([col, N + dpad_ar % (NP - N)]).reshape(
      NW, dchunk, DPH)

  nchunk = -(-epw // SCH)
  if nchunk % SPH:
    nchunk = (nchunk // SPH + 1) * SPH
  pad = nchunk * SCH * NW - E
  pad_ar = jnp.arange(pad, dtype=jnp.int32)
  row4 = jnp.concatenate([row, pad_ar % N]).reshape(
      NW, nchunk // SPH, SPH, SCH)
  col4 = jnp.concatenate([col, N + pad_ar % (NP - N)]).reshape(
      NW, nchunk // SPH, SPH, SCH)

  b2 = b.reshape(1, D)
  zeros_h = jnp.zeros((NP,), jnp.float32)
  ones_h = jnp.ones((DPH,), jnp.float32)
  xp = jnp.pad(x, ((0, NP - N), (0, 0)))

  h = _sc_degree(col3, zeros_h, ones_h, dchunk)
  y, dis = _tc_first(xp, W, h[0].reshape(NP, 1), h[1].reshape(NP, 1))
  p = _sc_scatter(y, row4, col4, nchunk)
  y2 = _tc_mid(p, y, dis, b2, W)
  q = _sc_scatter(y2, row4, col4, nchunk)
  return _tc_last(q, y2, dis, b2)[:N]

# --- scband reference (transcript-rebuilt; emitter-appended) ---
"""Pipeline reference for scband-gcnblock-time-inv-5600637354463 (READ-ONLY COPY).

The authoritative reference and input builder live on the scoring server;
editing this copy changes nothing except your own understanding.
"""

import jax, jax.numpy as jnp
import numpy as np

N_NODES = 10000
N_EDGES = 320000
D = 128
DEPTH = 2


def setup_inputs(seed: int = 0) -> dict:
    key = jax.random.key(seed)
    k1, k2, k3, k4 = jax.random.split(key, 4)
    x = jax.random.normal(k1, (N_NODES, D), dtype=jnp.float32)
    edge_index = jax.random.randint(k2, (2, N_EDGES), 0, N_NODES, dtype=jnp.int64)
    # GCNConv parameters (shared across depth iterations: time-invariant block)
    W = jax.random.normal(k3, (D, D), dtype=jnp.float32) * (1.0 / np.sqrt(D))
    b = jnp.zeros((D,), dtype=jnp.float32)
    return {"x": x, "edge_index": edge_index, "W": W, "b": b}


def _gcn_conv(x, row, col, W, b, n_nodes):
    # symmetric normalization with self-loops already appended to row/col
    deg = jnp.zeros((n_nodes,), dtype=x.dtype).at[col].add(1.0)
    deg_inv_sqrt = jnp.where(deg > 0, deg ** -0.5, 0.0)
    norm = deg_inv_sqrt[row] * deg_inv_sqrt[col]
    xw = x @ W
    msg = xw[row] * norm[:, None]
    out = jnp.zeros((n_nodes, xw.shape[1]), dtype=x.dtype).at[col].add(msg)
    return out + b


def reference(x, edge_index, W, b):
    n_nodes = x.shape[0]
    self_loops = jnp.arange(n_nodes, dtype=edge_index.dtype)
    row = jnp.concatenate([edge_index[0], self_loops])
    col = jnp.concatenate([edge_index[1], self_loops])
    for _ in range(DEPTH):
        # NullControl contributes 0; dropout_rate=0.0 / eval mode -> identity
        x = _gcn_conv(x, row, col, W, b, n_nodes)
        x = jax.nn.relu(x)
    return x

if __name__ == "__main__":
    import jax
    _d = setup_inputs()
    print(jax.jit(kernel)(*tuple(_d.values())))

</pallas_src>

<mosaic_0001>
#map = affine_map<(d0, d1) -> (0, 0, 0)>
#map1 = affine_map<(d0, d1) -> (0)>
#map2 = affine_map<(d0, d1) -> (0, 0)>
module attributes {stable_mosaic.version = 14 : i64} {
  func.func @k(%arg0: i32, %arg1: i32, %arg2: memref<32x79x128xi32, #tpu.memory_space<hbm>>, %arg3: memref<10240xf32, #tpu.memory_space<hbm>>, %arg4: memref<128xf32, #tpu.memory_space<hbm>>, %arg5: memref<2x10240xf32, #tpu.memory_space<hbm>>, %arg6: memref<79x128xi32, #tpu.memory_space<vmem>>, %arg7: memref<128xf32, #tpu.memory_space<vmem>>, %arg8: memref<10240xf32, #tpu.memory_space<vmem_shared>>, %arg9: memref<!tpu.dma_semaphore, #tpu.memory_space<semaphore_mem>>) attributes {dimension_semantics = [#tpu.dimension_semantics<core_parallel>, #tpu.dimension_semantics<subcore_parallel>], iteration_bounds = array<i64: 2, 16>, scalar_prefetch = 0 : i64, scratch_operands = 4 : i64, tpu.core_type = #tpu.core_type<sc_vector_subcore>, window_params = [{transform_indices = #map}, {transform_indices = #map1}, {transform_indices = #map1}, {transform_indices = #map2}]} {
    %mul3A = arith.constant 16 : i32
    %mul3A_0 = arith.muli %arg0, %mul3A : i32
    %add3A = arith.addi %mul3A_0, %arg1 : i32
    "tpu.region"() ({
      %run_scoped3A = tpu.sem_alloc : memref<!tpu.dma_semaphore, #tpu.memory_space<semaphore_mem>>
      tpu.enqueue_dma source(%arg4 : memref<128xf32, #tpu.memory_space<hbm>>) target(%arg7 : memref<128xf32, #tpu.memory_space<vmem>>) target_semaphore(%run_scoped3A : memref<!tpu.dma_semaphore, #tpu.memory_space<semaphore_mem>>)
      tpu.wait_dma2 semaphore(%run_scoped3A : memref<!tpu.dma_semaphore, #tpu.memory_space<semaphore_mem>>) src(%arg4 : memref<128xf32, #tpu.memory_space<hbm>>) dst(%arg7 : memref<128xf32, #tpu.memory_space<vmem>>)
      tpu.yield
    }) : () -> ()
    "tpu.region"() ({
      %run_scoped3A = tpu.sem_alloc : memref<!tpu.dma_semaphore, #tpu.memory_space<semaphore_mem>>
      %dma_start3A = arith.constant 0 : i32
      %dma_start3A_21 = arith.constant 0 : i32
      %dma_start3A_22 = tpu.memref_slice %arg2[%add3A, %dma_start3A, %dma_start3A_21] : memref<32x79x128xi32, #tpu.memory_space<hbm>> -> memref<1x79x128xi32, #tpu.memory_space<hbm>>
      %dma_start3A_23 = tpu.memref_squeeze %dma_start3A_22 : memref<1x79x128xi32, #tpu.memory_space<hbm>> -> memref<79x128xi32, #tpu.memory_space<hbm>>
      %dma_start3A_24 = arith.constant 0 : i32
      %dma_start3A_25 = arith.constant 0 : i32
      %dma_start3A_26 = tpu.memref_slice %arg2[%add3A, %dma_start3A_24, %dma_start3A_25] : memref<32x79x128xi32, #tpu.memory_space<hbm>> -> memref<1x79x128xi32, #tpu.memory_space<hbm>>
      %dma_start3A_27 = tpu.memref_squeeze %dma_start3A_26 : memref<1x79x128xi32, #tpu.memory_space<hbm>> -> memref<79x128xi32, #tpu.memory_space<hbm>>
      tpu.enqueue_dma source(%dma_start3A_27 : memref<79x128xi32, #tpu.memory_space<hbm>>) target(%arg6 : memref<79x128xi32, #tpu.memory_space<vmem>>) target_semaphore(%run_scoped3A : memref<!tpu.dma_semaphore, #tpu.memory_space<semaphore_mem>>)
      %dma_wait3A = arith.constant 0 : i32
      %dma_wait3A_28 = arith.constant 0 : i32
      %dma_wait3A_29 = tpu.memref_slice %arg2[%add3A, %dma_wait3A, %dma_wait3A_28] : memref<32x79x128xi32, #tpu.memory_space<hbm>> -> memref<1x79x128xi32, #tpu.memory_space<hbm>>
      %dma_wait3A_30 = tpu.memref_squeeze %dma_wait3A_29 : memref<1x79x128xi32, #tpu.memory_space<hbm>> -> memref<79x128xi32, #tpu.memory_space<hbm>>
      %dma_wait3A_31 = arith.constant 0 : i32
      %dma_wait3A_32 = arith.constant 0 : i32
      %dma_wait3A_33 = tpu.memref_slice %arg2[%add3A, %dma_wait3A_31, %dma_wait3A_32] : memref<32x79x128xi32, #tpu.memory_space<hbm>> -> memref<1x79x128xi32, #tpu.memory_space<hbm>>
      %dma_wait3A_34 = tpu.memref_squeeze %dma_wait3A_33 : memref<1x79x128xi32, #tpu.memory_space<hbm>> -> memref<79x128xi32, #tpu.memory_space<hbm>>
      tpu.wait_dma2 semaphore(%run_scoped3A : memref<!tpu.dma_semaphore, #tpu.memory_space<semaphore_mem>>) src(%dma_wait3A_34 : memref<79x128xi32, #tpu.memory_space<hbm>>) dst(%arg6 : memref<79x128xi32, #tpu.memory_space<vmem>>)
      tpu.yield
    }) : () -> ()
    %mul3A_1 = arith.constant 640 : i32
    %mul3A_2 = arith.muli %arg1, %mul3A_1 : i32
    %mul3A_3 = arith.constant 640 : i32
    %mul3A_4 = arith.muli %arg1, %mul3A_3 : i32
    "tpu.region"() ({
      %run_scoped3A = tpu.sem_alloc : memref<!tpu.dma_semaphore, #tpu.memory_space<semaphore_mem>>
      %dma_start3A = tpu.memref_slice %arg8[%mul3A_4] : memref<10240xf32, #tpu.memory_space<vmem_shared>> -> memref<640xf32, #tpu.memory_space<vmem_shared>>
      %dma_start3A_21 = tpu.memref_slice %arg3[%mul3A_2] : memref<10240xf32, #tpu.memory_space<hbm>> -> memref<640xf32, #tpu.memory_space<hbm>>
      tpu.enqueue_dma source(%dma_start3A_21 : memref<640xf32, #tpu.memory_space<hbm>>) target(%dma_start3A : memref<640xf32, #tpu.memory_space<vmem_shared>>) target_semaphore(%run_scoped3A : memref<!tpu.dma_semaphore, #tpu.memory_space<semaphore_mem>>)
      %dma_wait3A = tpu.memref_slice %arg8[%mul3A_4] : memref<10240xf32, #tpu.memory_space<vmem_shared>> -> memref<640xf32, #tpu.memory_space<vmem_shared>>
      %dma_wait3A_22 = tpu.memref_slice %arg3[%mul3A_2] : memref<10240xf32, #tpu.memory_space<hbm>> -> memref<640xf32, #tpu.memory_space<hbm>>
      tpu.wait_dma2 semaphore(%run_scoped3A : memref<!tpu.dma_semaphore, #tpu.memory_space<semaphore_mem>>) src(%dma_wait3A_22 : memref<640xf32, #tpu.memory_space<hbm>>) dst(%dma_wait3A : memref<640xf32, #tpu.memory_space<vmem_shared>>)
      tpu.yield
    }) : () -> ()
    %barrier3A = arith.constant 0 : index
    tpu.barrier barrier_id(%barrier3A)
    %scan3A = arith.constant 0 : i32
    %scan3A_5 = arith.constant 0 : i32
    %scan3A_6 = arith.constant 79 : i32
    %scan3A_7 = arith.addi %scan3A_5, %scan3A_6 : i32
    %scan3A_8 = arith.constant 1 : i32
    scf.for %scan3A_21 = %scan3A_5 to %scan3A_7 step %scan3A_8  : i32 {
      %dma_start3A = arith.constant 0 : i32
      %dma_start3A_22 = tpu.memref_slice %arg6[%scan3A_21, %dma_start3A] : memref<79x128xi32, #tpu.memory_space<vmem>> -> memref<1x128xi32, #tpu.memory_space<vmem>>
      %dma_start3A_23 = tpu.memref_squeeze %dma_start3A_22 : memref<1x128xi32, #tpu.memory_space<vmem>> -> memref<128xi32, #tpu.memory_space<vmem>>
      %dma_start3A_24 = arith.constant 0 : i32
      %dma_start3A_25 = tpu.memref_slice %arg8[%dma_start3A_24] : memref<10240xf32, #tpu.memory_space<vmem_shared>> -> memref<10240xf32, #tpu.memory_space<vmem_shared>>
      tpu.enqueue_indirect_dma source(%arg7 : memref<128xf32, #tpu.memory_space<vmem>>) target(%dma_start3A_25 : memref<10240xf32, #tpu.memory_space<vmem_shared>>) offsets(%dma_start3A_23 : memref<128xi32, #tpu.memory_space<vmem>>) semaphore(%arg9 : memref<!tpu.dma_semaphore, #tpu.memory_space<semaphore_mem>>) {add = true}
    }
    %scan3A_9 = arith.constant 79 : i32
    %scan3A_10 = arith.constant 0 : i32
    %scan3A_11 = arith.constant 0 : i32
    %scan3A_12 = arith.constant 79 : i32
    %scan3A_13 = arith.addi %scan3A_11, %scan3A_12 : i32
    %scan3A_14 = arith.constant 1 : i32
    scf.for %scan3A_21 = %scan3A_11 to %scan3A_13 step %scan3A_14  : i32 {
      %dma_wait3A = arith.constant 0 : i32
      %dma_wait3A_22 = arith.constant 0 : i32
      %dma_wait3A_23 = tpu.memref_slice %arg6[%dma_wait3A, %dma_wait3A_22] : memref<79x128xi32, #tpu.memory_space<vmem>> -> memref<1x128xi32, #tpu.memory_space<vmem>>
      %dma_wait3A_24 = tpu.memref_squeeze %dma_wait3A_23 : memref<1x128xi32, #tpu.memory_space<vmem>> -> memref<128xi32, #tpu.memory_space<vmem>>
      %dma_wait3A_25 = arith.constant 0 : i32
      %dma_wait3A_26 = tpu.memref_slice %arg8[%dma_wait3A_25] : memref<10240xf32, #tpu.memory_space<vmem_shared>> -> memref<10240xf32, #tpu.memory_space<vmem_shared>>
      tpu.wait_indirect_dma semaphore(%arg9 : memref<!tpu.dma_semaphore, #tpu.memory_space<semaphore_mem>>) src(%arg7 : memref<128xf32, #tpu.memory_space<vmem>>) dst(%dma_wait3A_26 : memref<10240xf32, #tpu.memory_space<vmem_shared>>)
    }
    %scan3A_15 = arith.constant 79 : i32
    %barrier3A_16 = arith.constant 0 : index
    tpu.barrier barrier_id(%barrier3A_16)
    %mul3A_17 = arith.constant 640 : i32
    %mul3A_18 = arith.muli %arg1, %mul3A_17 : i32
    %mul3A_19 = arith.constant 640 : i32
    %mul3A_20 = arith.muli %arg1, %mul3A_19 : i32
    "tpu.region"() ({
      %run_scoped3A = tpu.sem_alloc : memref<!tpu.dma_semaphore, #tpu.memory_space<semaphore_mem>>
      %dma_start3A = tpu.memref_slice %arg5[%arg0, %mul3A_20] : memref<2x10240xf32, #tpu.memory_space<hbm>> -> memref<1x640xf32, #tpu.memory_space<hbm>>
      %dma_start3A_21 = tpu.memref_squeeze %dma_start3A : memref<1x640xf32, #tpu.memory_space<hbm>> -> memref<640xf32, #tpu.memory_space<hbm>>
      %dma_start3A_22 = tpu.memref_slice %arg8[%mul3A_18] : memref<10240xf32, #tpu.memory_space<vmem_shared>> -> memref<640xf32, #tpu.memory_space<vmem_shared>>
      tpu.enqueue_dma source(%dma_start3A_22 : memref<640xf32, #tpu.memory_space<vmem_shared>>) target(%dma_start3A_21 : memref<640xf32, #tpu.memory_space<hbm>>) target_semaphore(%run_scoped3A : memref<!tpu.dma_semaphore, #tpu.memory_space<semaphore_mem>>)
      %dma_wait3A = tpu.memref_slice %arg5[%arg0, %mul3A_20] : memref<2x10240xf32, #tpu.memory_space<hbm>> -> memref<1x640xf32, #tpu.memory_space<hbm>>
      %dma_wait3A_23 = tpu.memref_squeeze %dma_wait3A : memref<1x640xf32, #tpu.memory_space<hbm>> -> memref<640xf32, #tpu.memory_space<hbm>>
      %dma_wait3A_24 = tpu.memref_slice %arg8[%mul3A_18] : memref<10240xf32, #tpu.memory_space<vmem_shared>> -> memref<640xf32, #tpu.memory_space<vmem_shared>>
      tpu.wait_dma2 semaphore(%run_scoped3A : memref<!tpu.dma_semaphore, #tpu.memory_space<semaphore_mem>>) src(%dma_wait3A_24 : memref<640xf32, #tpu.memory_space<vmem_shared>>) dst(%dma_wait3A_23 : memref<640xf32, #tpu.memory_space<hbm>>)
      tpu.yield
    }) : () -> ()
    return
  }
}

#map = affine_map<(d0, d1) -> (0, 0)>
#map1 = affine_map<(d0, d1) -> (0, 0, 0, 0)>
#map2 = affine_map<(d0, d1) -> (0, 0, 0)>
module attributes {stable_mosaic.version = 14 : i64} {
  func.func @k(%arg0: i32, %arg1: i32, %arg2: memref<10240x128xf32, #tpu.memory_space<hbm>>, %arg3: memref<32x4x40x64xi32, #tpu.memory_space<hbm>>, %arg4: memref<32x4x40x64xi32, #tpu.memory_space<hbm>>, %arg5: memref<2x10240x128xf32, #tpu.memory_space<hbm>>, %arg6: memref<40x64xi32, #tpu.memory_space<vmem>>, %arg7: memref<40x64xi32, #tpu.memory_space<vmem>>, %arg8: memref<64x128xf32, #tpu.memory_space<vmem>>, %arg9: memref<64x128xf32, #tpu.memory_space<vmem>>, %arg10: memref<64x128xf32, #tpu.memory_space<vmem>>, %arg11: memref<64x128xf32, #tpu.memory_space<vmem>>, %arg12: memref<!tpu.dma_semaphore, #tpu.memory_space<semaphore_mem>>, %arg13: memref<!tpu.dma_semaphore, #tpu.memory_space<semaphore_mem>>, %arg14: memref<!tpu.dma_semaphore, #tpu.memory_space<semaphore_mem>>, %arg15: memref<!tpu.dma_semaphore, #tpu.memory_space<semaphore_mem>>, %arg16: memref<!tpu.dma_semaphore, #tpu.memory_space<semaphore_mem>>, %arg17: memref<!tpu.dma_semaphore, #tpu.memory_space<semaphore_mem>>, %arg18: memref<!tpu.dma_semaphore, #tpu.memory_space<semaphore_mem>>, %arg19: memref<!tpu.dma_semaphore, #tpu.memory_space<semaphore_mem>>, %arg20: memref<10240x128xf32, #tpu.memory_space<vmem_shared>>) attributes {dimension_semantics = [#tpu.dimension_semantics<core_parallel>, #tpu.dimension_semantics<subcore_parallel>], iteration_bounds = array<i64: 2, 16>, scalar_prefetch = 0 : i64, scratch_operands = 15 : i64, tpu.core_type = #tpu.core_type<sc_vector_subcore>, window_params = [{transform_indices = #map}, {transform_indices = #map1}, {transform_indices = #map1}, {transform_indices = #map2}]} {
    %mul3A = arith.constant 16 : i32
    %mul3A_0 = arith.muli %arg0, %mul3A : i32
    %add3A = arith.addi %mul3A_0, %arg1 : i32
    %mul3A_1 = arith.constant 640 : i32
    %mul3A_2 = arith.muli %arg1, %mul3A_1 : i32
    "tpu.region"() ({
      %run_scoped3A_158 = tpu.sem_alloc : memref<!tpu.dma_semaphore, #tpu.memory_space<semaphore_mem>>
      %dma_start3A_159 = arith.constant 0 : i32
      %dma_start3A_160 = tpu.memref_slice %arg20[%mul3A_2, %dma_start3A_159] : memref<10240x128xf32, #tpu.memory_space<vmem_shared>> -> memref<640x128xf32, #tpu.memory_space<vmem_shared>>
      %dma_start3A_161 = arith.constant 0 : i32
      %dma_start3A_162 = tpu.memref_slice %arg2[%mul3A_2, %dma_start3A_161] : memref<10240x128xf32, #tpu.memory_space<hbm>> -> memref<640x128xf32, #tpu.memory_space<hbm>>
      tpu.enqueue_dma source(%dma_start3A_162 : memref<640x128xf32, #tpu.memory_space<hbm>>) target(%dma_start3A_160 : memref<640x128xf32, #tpu.memory_space<vmem_shared>>) target_semaphore(%run_scoped3A_158 : memref<!tpu.dma_semaphore, #tpu.memory_space<semaphore_mem>>)
      %dma_wait3A_163 = arith.constant 0 : i32
      %dma_wait3A_164 = tpu.memref_slice %arg20[%mul3A_2, %dma_wait3A_163] : memref<10240x128xf32, #tpu.memory_space<vmem_shared>> -> memref<640x128xf32, #tpu.memory_space<vmem_shared>>
      %dma_wait3A_165 = arith.constant 0 : i32
      %dma_wait3A_166 = tpu.memref_slice %arg2[%mul3A_2, %dma_wait3A_165] : memref<10240x128xf32, #tpu.memory_space<hbm>> -> memref<640x128xf32, #tpu.memory_space<hbm>>
      tpu.wait_dma2 semaphore(%run_scoped3A_158 : memref<!tpu.dma_semaphore, #tpu.memory_space<semaphore_mem>>) src(%dma_wait3A_166 : memref<640x128xf32, #tpu.memory_space<hbm>>) dst(%dma_wait3A_164 : memref<640x128xf32, #tpu.memory_space<vmem_shared>>)
      tpu.yield
    }) : () -> ()
    %barrier3A = arith.constant 0 : index
    tpu.barrier barrier_id(%barrier3A)
    %run_scoped3A = arith.constant 0 : i32
    "tpu.region"() ({
      %run_scoped3A_158 = tpu.sem_alloc : memref<!tpu.dma_semaphore, #tpu.memory_space<semaphore_mem>>
      %dma_start3A_159 = arith.constant 0 : i32
      %dma_start3A_160 = arith.constant 0 : i32
      %dma_start3A_161 = tpu.memref_slice %arg3[%add3A, %run_scoped3A, %dma_start3A_159, %dma_start3A_160] : memref<32x4x40x64xi32, #tpu.memory_space<hbm>> -> memref<1x1x40x64xi32, #tpu.memory_space<hbm>>
      %dma_start3A_162 = tpu.memref_squeeze %dma_start3A_161 : memref<1x1x40x64xi32, #tpu.memory_space<hbm>> -> memref<40x64xi32, #tpu.memory_space<hbm>>
      %dma_start3A_163 = arith.constant 0 : i32
      %dma_start3A_164 = arith.constant 0 : i32
      %dma_start3A_165 = tpu.memref_slice %arg3[%add3A, %run_scoped3A, %dma_start3A_163, %dma_start3A_164] : memref<32x4x40x64xi32, #tpu.memory_space<hbm>> -> memref<1x1x40x64xi32, #tpu.memory_space<hbm>>
      %dma_start3A_166 = tpu.memref_squeeze %dma_start3A_165 : memref<1x1x40x64xi32, #tpu.memory_space<hbm>> -> memref<40x64xi32, #tpu.memory_space<hbm>>
      tpu.enqueue_dma source(%dma_start3A_166 : memref<40x64xi32, #tpu.memory_space<hbm>>) target(%arg6 : memref<40x64xi32, #tpu.memory_space<vmem>>) target_semaphore(%run_scoped3A_158 : memref<!tpu.dma_semaphore, #tpu.memory_space<semaphore_mem>>)
      %dma_wait3A_167 = arith.constant 0 : i32
      %dma_wait3A_168 = arith.constant 0 : i32
      %dma_wait3A_169 = tpu.memref_slice %arg3[%add3A, %run_scoped3A, %dma_wait3A_167, %dma_wait3A_168] : memref<32x4x40x64xi32, #tpu.memory_space<hbm>> -> memref<1x1x40x64xi32, #tpu.memory_space<hbm>>
      %dma_wait3A_170 = tpu.memref_squeeze %dma_wait3A_169 : memref<1x1x40x64xi32, #tpu.memory_space<hbm>> -> memref<40x64xi32, #tpu.memory_space<hbm>>
      %dma_wait3A_171 = arith.constant 0 : i32
      %dma_wait3A_172 = arith.constant 0 : i32
      %dma_wait3A_173 = tpu.memref_slice %arg3[%add3A, %run_scoped3A, %dma_wait3A_171, %dma_wait3A_172] : memref<32x4x40x64xi32, #tpu.memory_space<hbm>> -> memref<1x1x40x64xi32, #tpu.memory_space<hbm>>
      %dma_wait3A_174 = tpu.memref_squeeze %dma_wait3A_173 : memref<1x1x40x64xi32, #tpu.memory_space<hbm>> -> memref<40x64xi32, #tpu.memory_space<hbm>>
      tpu.wait_dma2 semaphore(%run_scoped3A_158 : memref<!tpu.dma_semaphore, #tpu.memory_space<semaphore_mem>>) src(%dma_wait3A_174 : memref<40x64xi32, #tpu.memory_space<hbm>>) dst(%arg6 : memref<40x64xi32, #tpu.memory_space<vmem>>)
      tpu.yield
    }) : () -> ()
    %run_scoped3A_3 = arith.constant 0 : i32
    "tpu.region"() ({
      %run_scoped3A_158 = tpu.sem_alloc : memref<!tpu.dma_semaphore, #tpu.memory_space<semaphore_mem>>
      %dma_start3A_159 = arith.constant 0 : i32
      %dma_start3A_160 = arith.constant 0 : i32
      %dma_start3A_161 = tpu.memref_slice %arg4[%add3A, %run_scoped3A_3, %dma_start3A_159, %dma_start3A_160] : memref<32x4x40x64xi32, #tpu.memory_space<hbm>> -> memref<1x1x40x64xi32, #tpu.memory_space<hbm>>
      %dma_start3A_162 = tpu.memref_squeeze %dma_start3A_161 : memref<1x1x40x64xi32, #tpu.memory_space<hbm>> -> memref<40x64xi32, #tpu.memory_space<hbm>>
      %dma_start3A_163 = arith.constant 0 : i32
      %dma_start3A_164 = arith.constant 0 : i32
      %dma_start3A_165 = tpu.memref_slice %arg4[%add3A, %run_scoped3A_3, %dma_start3A_163, %dma_start3A_164] : memref<32x4x40x64xi32, #tpu.memory_space<hbm>> -> memref<1x1x40x64xi32, #tpu.memory_space<hbm>>
      %dma_start3A_166 = tpu.memref_squeeze %dma_start3A_165 : memref<1x1x40x64xi32, #tpu.memory_space<hbm>> -> memref<40x64xi32, #tpu.memory_space<hbm>>
      tpu.enqueue_dma source(%dma_start3A_166 : memref<40x64xi32, #tpu.memory_space<hbm>>) target(%arg7 : memref<40x64xi32, #tpu.memory_space<vmem>>) target_semaphore(%run_scoped3A_158 : memref<!tpu.dma_semaphore, #tpu.memory_space<semaphore_mem>>)
      %dma_wait3A_167 = arith.constant 0 : i32
      %dma_wait3A_168 = arith.constant 0 : i32
      %dma_wait3A_169 = tpu.memref_slice %arg4[%add3A, %run_scoped3A_3, %dma_wait3A_167, %dma_wait3A_168] : memref<32x4x40x64xi32, #tpu.memory_space<hbm>> -> memref<1x1x40x64xi32, #tpu.memory_space<hbm>>
      %dma_wait3A_170 = tpu.memref_squeeze %dma_wait3A_169 : memref<1x1x40x64xi32, #tpu.memory_space<hbm>> -> memref<40x64xi32, #tpu.memory_space<hbm>>
      %dma_wait3A_171 = arith.constant 0 : i32
      %dma_wait3A_172 = arith.constant 0 : i32
      %dma_wait3A_173 = tpu.memref_slice %arg4[%add3A, %run_scoped3A_3, %dma_wait3A_171, %dma_wait3A_172] : memref<32x4x40x64xi32, #tpu.memory_space<hbm>> -> memref<1x1x40x64xi32, #tpu.memory_space<hbm>>
      %dma_wait3A_174 = tpu.memref_squeeze %dma_wait3A_173 : memref<1x1x40x64xi32, #tpu.memory_space<hbm>> -> memref<40x64xi32, #tpu.memory_space<hbm>>
      tpu.wait_dma2 semaphore(%run_scoped3A_158 : memref<!tpu.dma_semaphore, #tpu.memory_space<semaphore_mem>>) src(%dma_wait3A_174 : memref<40x64xi32, #tpu.memory_space<hbm>>) dst(%arg7 : memref<40x64xi32, #tpu.memory_space<vmem>>)
      tpu.yield
    }) : () -> ()
    %dma_start3A = arith.constant 0 : i32
    %dma_start3A_4 = arith.constant 0 : i32
    %dma_start3A_5 = tpu.memref_slice %arg6[%dma_start3A, %dma_start3A_4] : memref<40x64xi32, #tpu.memory_space<vmem>> -> memref<1x64xi32, #tpu.memory_space<vmem>>
    %dma_start3A_6 = tpu.memref_squeeze %dma_start3A_5 : memref<1x64xi32, #tpu.memory_space<vmem>> -> memref<64xi32, #tpu.memory_space<vmem>>
    %dma_start3A_7 = arith.constant 0 : i32
    %dma_start3A_8 = arith.constant 0 : i32
    %dma_start3A_9 = tpu.memref_slice %arg2[%dma_start3A_7, %dma_start3A_8] : memref<10240x128xf32, #tpu.memory_space<hbm>> -> memref<10240x128xf32, #tpu.memory_space<hbm>>
    tpu.enqueue_indirect_dma source(%dma_start3A_9 : memref<10240x128xf32, #tpu.memory_space<hbm>>) target(%arg8 : memref<64x128xf32, #tpu.memory_space<vmem>>) offsets(%dma_start3A_6 : memref<64xi32, #tpu.memory_space<vmem>>) semaphore(%arg12 : memref<!tpu.dma_semaphore, #tpu.memory_space<semaphore_mem>>)
    %dma_start3A_10 = arith.constant 1 : i32
    %dma_start3A_11 = arith.constant 0 : i32
    %dma_start3A_12 = tpu.memref_slice %arg6[%dma_start3A_10, %dma_start3A_11] : memref<40x64xi32, #tpu.memory_space<vmem>> -> memref<1x64xi32, #tpu.memory_space<vmem>>
    %dma_start3A_13 = tpu.memref_squeeze %dma_start3A_12 : memref<1x64xi32, #tpu.memory_space<vmem>> -> memref<64xi32, #tpu.memory_space<vmem>>
    %dma_start3A_14 = arith.constant 0 : i32
    %dma_start3A_15 = arith.constant 0 : i32
    %dma_start3A_16 = tpu.memref_slice %arg2[%dma_start3A_14, %dma_start3A_15] : memref<10240x128xf32, #tpu.memory_space<hbm>> -> memref<10240x128xf32, #tpu.memory_space<hbm>>
    tpu.enqueue_indirect_dma source(%dma_start3A_16 : memref<10240x128xf32, #tpu.memory_space<hbm>>) target(%arg9 : memref<64x128xf32, #tpu.memory_space<vmem>>) offsets(%dma_start3A_13 : memref<64xi32, #tpu.memory_space<vmem>>) semaphore(%arg13 : memref<!tpu.dma_semaphore, #tpu.memory_space<semaphore_mem>>)
    %scan3A = arith.constant 0 : i32
    %scan3A_17 = arith.constant 0 : i32
    %scan3A_18 = arith.constant 10 : i32
    %scan3A_19 = arith.addi %scan3A_17, %scan3A_18 : i32
    %scan3A_20 = arith.constant 1 : i32
    scf.for %scan3A_158 = %scan3A_17 to %scan3A_19 step %scan3A_20  : i32 {
      %mul3A_159 = arith.constant 4 : i32
      %mul3A_160 = arith.muli %mul3A_159, %scan3A_158 : i32
      %add3A_161 = arith.constant 0 : i32
      %add3A_162 = arith.addi %mul3A_160, %add3A_161 : i32
      %dma_wait3A_163 = arith.constant 0 : i32
      %dma_wait3A_164 = tpu.memref_slice %arg6[%add3A_162, %dma_wait3A_163] : memref<40x64xi32, #tpu.memory_space<vmem>> -> memref<1x64xi32, #tpu.memory_space<vmem>>
      %dma_wait3A_165 = tpu.memref_squeeze %dma_wait3A_164 : memref<1x64xi32, #tpu.memory_space<vmem>> -> memref<64xi32, #tpu.memory_space<vmem>>
      %dma_wait3A_166 = arith.constant 0 : i32
      %dma_wait3A_167 = arith.constant 0 : i32
      %dma_wait3A_168 = tpu.memref_slice %arg2[%dma_wait3A_166, %dma_wait3A_167] : memref<10240x128xf32, #tpu.memory_space<hbm>> -> memref<10240x128xf32, #tpu.memory_space<hbm>>
      tpu.wait_indirect_dma semaphore(%arg12 : memref<!tpu.dma_semaphore, #tpu.memory_space<semaphore_mem>>) src(%dma_wait3A_168 : memref<10240x128xf32, #tpu.memory_space<hbm>>) dst(%arg8 : memref<64x128xf32, #tpu.memory_space<vmem>>)
      %dma_start3A_169 = arith.constant 0 : i32
      %dma_start3A_170 = tpu.memref_slice %arg7[%add3A_162, %dma_start3A_169] : memref<40x64xi32, #tpu.memory_space<vmem>> -> memref<1x64xi32, #tpu.memory_space<vmem>>
      %dma_start3A_171 = tpu.memref_squeeze %dma_start3A_170 : memref<1x64xi32, #tpu.memory_space<vmem>> -> memref<64xi32, #tpu.memory_space<vmem>>
      %dma_start3A_172 = arith.constant 0 : i32
      %dma_start3A_173 = arith.constant 0 : i32
      %dma_start3A_174 = tpu.memref_slice %arg20[%dma_start3A_172, %dma_start3A_173] : memref<10240x128xf32, #tpu.memory_space<vmem_shared>> -> memref<10240x128xf32, #tpu.memory_space<vmem_shared>>
      tpu.enqueue_indirect_dma source(%arg8 : memref<64x128xf32, #tpu.memory_space<vmem>>) target(%dma_start3A_174 : memref<10240x128xf32, #tpu.memory_space<vmem_shared>>) offsets(%dma_start3A_171 : memref<64xi32, #tpu.memory_space<vmem>>) semaphore(%arg16 : memref<!tpu.dma_semaphore, #tpu.memory_space<semaphore_mem>>) {add = true}
      %add3A_175 = arith.constant 2 : i32
      %add3A_176 = arith.addi %add3A_162, %add3A_175 : i32
      %lt3A = arith.constant 40 : i32
      %lt3A_177 = arith.cmpi slt, %add3A_176, %lt3A : i32
      %convert_element_type3A = arith.extui %lt3A_177 : i1 to i32
      %cond3A = arith.constant 0 : i32
      %cond3A_178 = arith.cmpi ne, %convert_element_type3A, %cond3A : i32
      scf.if %cond3A_178 {
        %ge3A = arith.constant 2 : i32
        %ge3A_248 = arith.cmpi sge, %add3A_162, %ge3A : i32
        %convert_element_type3A_249 = arith.extui %ge3A_248 : i1 to i32
        %cond3A_250 = arith.constant 0 : i32
        %cond3A_251 = arith.cmpi ne, %convert_element_type3A_249, %cond3A_250 : i32
        scf.if %cond3A_251 {
          %dma_wait3A_260 = arith.constant 0 : i32
          %dma_wait3A_261 = arith.constant 0 : i32
          %dma_wait3A_262 = tpu.memref_slice %arg7[%dma_wait3A_260, %dma_wait3A_261] : memref<40x64xi32, #tpu.memory_space<vmem>> -> memref<1x64xi32, #tpu.memory_space<vmem>>
          %dma_wait3A_263 = tpu.memref_squeeze %dma_wait3A_262 : memref<1x64xi32, #tpu.memory_space<vmem>> -> memref<64xi32, #tpu.memory_space<vmem>>
          %dma_wait3A_264 = arith.constant 0 : i32
          %dma_wait3A_265 = arith.constant 0 : i32
          %dma_wait3A_266 = tpu.memref_slice %arg20[%dma_wait3A_264, %dma_wait3A_265] : memref<10240x128xf32, #tpu.memory_space<vmem_shared>> -> memref<10240x128xf32, #tpu.memory_space<vmem_shared>>
          tpu.wait_indirect_dma semaphore(%arg18 : memref<!tpu.dma_semaphore, #tpu.memory_space<semaphore_mem>>) src(%arg10 : memref<64x128xf32, #tpu.memory_space<vmem>>) dst(%dma_wait3A_266 : memref<10240x128xf32, #tpu.memory_space<vmem_shared>>)
        } else {
        }
        %add3A_252 = arith.constant 2 : i32
        %add3A_253 = arith.addi %add3A_162, %add3A_252 : i32
        %dma_start3A_254 = arith.constant 0 : i32
        %dma_start3A_255 = tpu.memref_slice %arg6[%add3A_253, %dma_start3A_254] : memref<40x64xi32, #tpu.memory_space<vmem>> -> memref<1x64xi32, #tpu.memory_space<vmem>>
        %dma_start3A_256 = tpu.memref_squeeze %dma_start3A_255 : memref<1x64xi32, #tpu.memory_space<vmem>> -> memref<64xi32, #tpu.memory_space<vmem>>
        %dma_start3A_257 = arith.constant 0 : i32
        %dma_start3A_258 = arith.constant 0 : i32
        %dma_start3A_259 = tpu.memref_slice %arg2[%dma_start3A_257, %dma_start3A_258] : memref<10240x128xf32, #tpu.memory_space<hbm>> -> memref<10240x128xf32, #tpu.memory_space<hbm>>
        tpu.enqueue_indirect_dma source(%dma_start3A_259 : memref<10240x128xf32, #tpu.memory_space<hbm>>) target(%arg10 : memref<64x128xf32, #tpu.memory_space<vmem>>) offsets(%dma_start3A_256 : memref<64xi32, #tpu.memory_space<vmem>>) semaphore(%arg14 : memref<!tpu.dma_semaphore, #tpu.memory_space<semaphore_mem>>)
      } else {
      }
      %mul3A_179 = arith.constant 4 : i32
      %mul3A_180 = arith.muli %mul3A_179, %scan3A_158 : i32
      %add3A_181 = arith.constant 1 : i32
      %add3A_182 = arith.addi %mul3A_180, %add3A_181 : i32
      %dma_wait3A_183 = arith.constant 0 : i32
      %dma_wait3A_184 = tpu.memref_slice %arg6[%add3A_182, %dma_wait3A_183] : memref<40x64xi32, #tpu.memory_space<vmem>> -> memref<1x64xi32, #tpu.memory_space<vmem>>
      %dma_wait3A_185 = tpu.memref_squeeze %dma_wait3A_184 : memref<1x64xi32, #tpu.memory_space<vmem>> -> memref<64xi32, #tpu.memory_space<vmem>>
      %dma_wait3A_186 = arith.constant 0 : i32
      %dma_wait3A_187 = arith.constant 0 : i32
      %dma_wait3A_188 = tpu.memref_slice %arg2[%dma_wait3A_186, %dma_wait3A_187] : memref<10240x128xf32, #tpu.memory_space<hbm>> -> memref<10240x128xf32, #tpu.memory_space<hbm>>
      tpu.wait_indirect_dma semaphore(%arg13 : memref<!tpu.dma_semaphore, #tpu.memory_space<semaphore_mem>>) src(%dma_wait3A_188 : memref<10240x128xf32, #tpu.memory_space<hbm>>) dst(%arg9 : memref<64x128xf32, #tpu.memory_space<vmem>>)
      %dma_start3A_189 = arith.constant 0 : i32
      %dma_start3A_190 = tpu.memref_slice %arg7[%add3A_182, %dma_start3A_189] : memref<40x64xi32, #tpu.memory_space<vmem>> -> memref<1x64xi32, #tpu.memory_space<vmem>>
      %dma_start3A_191 = tpu.memref_squeeze %dma_start3A_190 : memref<1x64xi32, #tpu.memory_space<vmem>> -> memref<64xi32, #tpu.memory_space<vmem>>
      %dma_start3A_192 = arith.constant 0 : i32
      %dma_start3A_193 = arith.constant 0 : i32
      %dma_start3A_194 = tpu.memref_slice %arg20[%dma_start3A_192, %dma_start3A_193] : memref<10240x128xf32, #tpu.memory_space<vmem_shared>> -> memref<10240x128xf32, #tpu.memory_space<vmem_shared>>
      tpu.enqueue_indirect_dma source(%arg9 : memref<64x128xf32, #tpu.memory_space<vmem>>) target(%dma_start3A_194 : memref<10240x128xf32, #tpu.memory_space<vmem_shared>>) offsets(%dma_start3A_191 : memref<64xi32, #tpu.memory_space<vmem>>) semaphore(%arg17 : memref<!tpu.dma_semaphore, #tpu.memory_space<semaphore_mem>>) {add = true}
      %add3A_195 = arith.constant 2 : i32
      %add3A_196 = arith.addi %add3A_182, %add3A_195 : i32
      %lt3A_197 = arith.constant 40 : i32
      %lt3A_198 = arith.cmpi slt, %add3A_196, %lt3A_197 : i32
      %convert_element_type3A_199 = arith.extui %lt3A_198 : i1 to i32
      %cond3A_200 = arith.constant 0 : i32
      %cond3A_201 = arith.cmpi ne, %convert_element_type3A_199, %cond3A_200 : i32
      scf.if %cond3A_201 {
        %ge3A = arith.constant 2 : i32
        %ge3A_248 = arith.cmpi sge, %add3A_182, %ge3A : i32
        %convert_element_type3A_249 = arith.extui %ge3A_248 : i1 to i32
        %cond3A_250 = arith.constant 0 : i32
        %cond3A_251 = arith.cmpi ne, %convert_element_type3A_249, %cond3A_250 : i32
        scf.if %cond3A_251 {
          %dma_wait3A_260 = arith.constant 0 : i32
          %dma_wait3A_261 = arith.constant 0 : i32
          %dma_wait3A_262 = tpu.memref_slice %arg7[%dma_wait3A_260, %dma_wait3A_261] : memref<40x64xi32, #tpu.memory_space<vmem>> -> memref<1x64xi32, #tpu.memory_space<vmem>>
          %dma_wait3A_263 = tpu.memref_squeeze %dma_wait3A_262 : memref<1x64xi32, #tpu.memory_space<vmem>> -> memref<64xi32, #tpu.memory_space<vmem>>
          %dma_wait3A_264 = arith.constant 0 : i32
          %dma_wait3A_265 = arith.constant 0 : i32
          %dma_wait3A_266 = tpu.memref_slice %arg20[%dma_wait3A_264, %dma_wait3A_265] : memref<10240x128xf32, #tpu.memory_space<vmem_shared>> -> memref<10240x128xf32, #tpu.memory_space<vmem_shared>>
          tpu.wait_indirect_dma semaphore(%arg19 : memref<!tpu.dma_semaphore, #tpu.memory_space<semaphore_mem>>) src(%arg11 : memref<64x128xf32, #tpu.memory_space<vmem>>) dst(%dma_wait3A_266 : memref<10240x128xf32, #tpu.memory_space<vmem_shared>>)
        } else {
        }
        %add3A_252 = arith.constant 2 : i32
        %add3A_253 = arith.addi %add3A_182, %add3A_252 : i32
        %dma_start3A_254 = arith.constant 0 : i32
        %dma_start3A_255 = tpu.memref_slice %arg6[%add3A_253, %dma_start3A_254] : memref<40x64xi32, #tpu.memory_space<vmem>> -> memref<1x64xi32, #tpu.memory_space<vmem>>
        %dma_start3A_256 = tpu.memref_squeeze %dma_start3A_255 : memref<1x64xi32, #tpu.memory_space<vmem>> -> memref<64xi32, #tpu.memory_space<vmem>>
        %dma_start3A_257 = arith.constant 0 : i32
        %dma_start3A_258 = arith.constant 0 : i32
        %dma_start3A_259 = tpu.memref_slice %arg2[%dma_start3A_257, %dma_start3A_258] : memref<10240x128xf32, #tpu.memory_space<hbm>> -> memref<10240x128xf32, #tpu.memory_space<hbm>>
        tpu.enqueue_indirect_dma source(%dma_start3A_259 : memref<10240x128xf32, #tpu.memory_space<hbm>>) target(%arg11 : memref<64x128xf32, #tpu.memory_space<vmem>>) offsets(%dma_start3A_256 : memref<64xi32, #tpu.memory_space<vmem>>) semaphore(%arg15 : memref<!tpu.dma_semaphore, #tpu.memory_space<semaphore_mem>>)
      } else {
      }
      %mul3A_202 = arith.constant 4 : i32
      %mul3A_203 = arith.muli %mul3A_202, %scan3A_158 : i32
      %add3A_204 = arith.constant 2 : i32
      %add3A_205 = arith.addi %mul3A_203, %add3A_204 : i32
      %dma_wait3A_206 = arith.constant 0 : i32
      %dma_wait3A_207 = tpu.memref_slice %arg6[%add3A_205, %dma_wait3A_206] : memref<40x64xi32, #tpu.memory_space<vmem>> -> memref<1x64xi32, #tpu.memory_space<vmem>>
      %dma_wait3A_208 = tpu.memref_squeeze %dma_wait3A_207 : memref<1x64xi32, #tpu.memory_space<vmem>> -> memref<64xi32, #tpu.memory_space<vmem>>
      %dma_wait3A_209 = arith.constant 0 : i32
      %dma_wait3A_210 = arith.constant 0 : i32
      %dma_wait3A_211 = tpu.memref_slice %arg2[%dma_wait3A_209, %dma_wait3A_210] : memref<10240x128xf32, #tpu.memory_space<hbm>> -> memref<10240x128xf32, #tpu.memory_space<hbm>>
      tpu.wait_indirect_dma semaphore(%arg14 : memref<!tpu.dma_semaphore, #tpu.memory_space<semaphore_mem>>) src(%dma_wait3A_211 : memref<10240x128xf32, #tpu.memory_space<hbm>>) dst(%arg10 : memref<64x128xf32, #tpu.memory_space<vmem>>)
      %dma_start3A_212 = arith.constant 0 : i32
      %dma_start3A_213 = tpu.memref_slice %arg7[%add3A_205, %dma_start3A_212] : memref<40x64xi32, #tpu.memory_space<vmem>> -> memref<1x64xi32, #tpu.memory_space<vmem>>
      %dma_start3A_214 = tpu.memref_squeeze %dma_start3A_213 : memref<1x64xi32, #tpu.memory_space<vmem>> -> memref<64xi32, #tpu.memory_space<vmem>>
      %dma_start3A_215 = arith.constant 0 : i32
      %dma_start3A_216 = arith.constant 0 : i32
      %dma_start3A_217 = tpu.memref_slice %arg20[%dma_start3A_215, %dma_start3A_216] : memref<10240x128xf32, #tpu.memory_space<vmem_shared>> -> memref<10240x128xf32, #tpu.memory_space<vmem_shared>>
      tpu.enqueue_indirect_dma source(%arg10 : memref<64x128xf32, #tpu.memory_space<vmem>>) target(%dma_start3A_217 : memref<10240x128xf32, #tpu.memory_space<vmem_shared>>) offsets(%dma_start3A_214 : memref<64xi32, #tpu.memory_space<vmem>>) semaphore(%arg18 : memref<!tpu.dma_semaphore, #tpu.memory_space<semaphore_mem>>) {add = true}
      %add3A_218 = arith.constant 2 : i32
      %add3A_219 = arith.addi %add3A_205, %add3A_218 : i32
      %lt3A_220 = arith.constant 40 : i32
      %lt3A_221 = arith.cmpi slt, %add3A_219, %lt3A_220 : i32
      %convert_element_type3A_222 = arith.extui %lt3A_221 : i1 to i32
      %cond3A_223 = arith.constant 0 : i32
      %cond3A_224 = arith.cmpi ne, %convert_element_type3A_222, %cond3A_223 : i32
      scf.if %cond3A_224 {
        %ge3A = arith.constant 2 : i32
        %ge3A_248 = arith.cmpi sge, %add3A_205, %ge3A : i32
        %convert_element_type3A_249 = arith.extui %ge3A_248 : i1 to i32
        %cond3A_250 = arith.constant 0 : i32
        %cond3A_251 = arith.cmpi ne, %convert_element_type3A_249, %cond3A_250 : i32
        scf.if %cond3A_251 {
          %dma_wait3A_260 = arith.constant 0 : i32
          %dma_wait3A_261 = arith.constant 0 : i32
          %dma_wait3A_262 = tpu.memref_slice %arg7[%dma_wait3A_260, %dma_wait3A_261] : memref<40x64xi32, #tpu.memory_space<vmem>> -> memref<1x64xi32, #tpu.memory_space<vmem>>
          %dma_wait3A_263 = tpu.memref_squeeze %dma_wait3A_262 : memref<1x64xi32, #tpu.memory_space<vmem>> -> memref<64xi32, #tpu.memory_space<vmem>>
          %dma_wait3A_264 = arith.constant 0 : i32
          %dma_wait3A_265 = arith.constant 0 : i32
          %dma_wait3A_266 = tpu.memref_slice %arg20[%dma_wait3A_264, %dma_wait3A_265] : memref<10240x128xf32, #tpu.memory_space<vmem_shared>> -> memref<10240x128xf32, #tpu.memory_space<vmem_shared>>
          tpu.wait_indirect_dma semaphore(%arg16 : memref<!tpu.dma_semaphore, #tpu.memory_space<semaphore_mem>>) src(%arg8 : memref<64x128xf32, #tpu.memory_space<vmem>>) dst(%dma_wait3A_266 : memref<10240x128xf32, #tpu.memory_space<vmem_shared>>)
        } else {
        }
        %add3A_252 = arith.constant 2 : i32
        %add3A_253 = arith.addi %add3A_205, %add3A_252 : i32
        %dma_start3A_254 = arith.constant 0 : i32
        %dma_start3A_255 = tpu.memref_slice %arg6[%add3A_253, %dma_start3A_254] : memref<40x64xi32, #tpu.memory_space<vmem>> -> memref<1x64xi32, #tpu.memory_space<vmem>>
        %dma_start3A_256 = tpu.memref_squeeze %dma_start3A_255 : memref<1x64xi32, #tpu.memory_space<vmem>> -> memref<64xi32, #tpu.memory_space<vmem>>
        %dma_start3A_257 = arith.constant 0 : i32
        %dma_start3A_258 = arith.constant 0 : i32
        %dma_start3A_259 = tpu.memref_slice %arg2[%dma_start3A_257, %dma_start3A_258] : memref<10240x128xf32, #tpu.memory_space<hbm>> -> memref<10240x128xf32, #tpu.memory_space<hbm>>
        tpu.enqueue_indirect_dma source(%dma_start3A_259 : memref<10240x128xf32, #tpu.memory_space<hbm>>) target(%arg8 : memref<64x128xf32, #tpu.memory_space<vmem>>) offsets(%dma_start3A_256 : memref<64xi32, #tpu.memory_space<vmem>>) semaphore(%arg12 : memref<!tpu.dma_semaphore, #tpu.memory_space<semaphore_mem>>)
      } else {
      }
      %mul3A_225 = arith.constant 4 : i32
      %mul3A_226 = arith.muli %mul3A_225, %scan3A_158 : i32
      %add3A_227 = arith.constant 3 : i32
      %add3A_228 = arith.addi %mul3A_226, %add3A_227 : i32
      %dma_wait3A_229 = arith.constant 0 : i32
      %dma_wait3A_230 = tpu.memref_slice %arg6[%add3A_228, %dma_wait3A_229] : memref<40x64xi32, #tpu.memory_space<vmem>> -> memref<1x64xi32, #tpu.memory_space<vmem>>
      %dma_wait3A_231 = tpu.memref_squeeze %dma_wait3A_230 : memref<1x64xi32, #tpu.memory_space<vmem>> -> memref<64xi32, #tpu.memory_space<vmem>>
      %dma_wait3A_232 = arith.constant 0 : i32
      %dma_wait3A_233 = arith.constant 0 : i32
      %dma_wait3A_234 = tpu.memref_slice %arg2[%dma_wait3A_232, %dma_wait3A_233] : memref<10240x128xf32, #tpu.memory_space<hbm>> -> memref<10240x128xf32, #tpu.memory_space<hbm>>
      tpu.wait_indirect_dma semaphore(%arg15 : memref<!tpu.dma_semaphore, #tpu.memory_space<semaphore_mem>>) src(%dma_wait3A_234 : memref<10240x128xf32, #tpu.memory_space<hbm>>) dst(%arg11 : memref<64x128xf32, #tpu.memory_space<vmem>>)
      %dma_start3A_235 = arith.constant 0 : i32
      %dma_start3A_236 = tpu.memref_slice %arg7[%add3A_228, %dma_start3A_235] : memref<40x64xi32, #tpu.memory_space<vmem>> -> memref<1x64xi32, #tpu.memory_space<vmem>>
      %dma_start3A_237 = tpu.memref_squeeze %dma_start3A_236 : memref<1x64xi32, #tpu.memory_space<vmem>> -> memref<64xi32, #tpu.memory_space<vmem>>
      %dma_start3A_238 = arith.constant 0 : i32
      %dma_start3A_239 = arith.constant 0 : i32
      %dma_start3A_240 = tpu.memref_slice %arg20[%dma_start3A_238, %dma_start3A_239] : memref<10240x128xf32, #tpu.memory_space<vmem_shared>> -> memref<10240x128xf32, #tpu.memory_space<vmem_shared>>
      tpu.enqueue_indirect_dma source(%arg11 : memref<64x128xf32, #tpu.memory_space<vmem>>) target(%dma_start3A_240 : memref<10240x128xf32, #tpu.memory_space<vmem_shared>>) offsets(%dma_start3A_237 : memref<64xi32, #tpu.memory_space<vmem>>) semaphore(%arg19 : memref<!tpu.dma_semaphore, #tpu.memory_space<semaphore_mem>>) {add = true}
      %add3A_241 = arith.constant 2 : i32
      %add3A_242 = arith.addi %add3A_228, %add3A_241 : i32
      %lt3A_243 = arith.constant 40 : i32
      %lt3A_244 = arith.cmpi slt, %add3A_242, %lt3A_243 : i32
      %convert_element_type3A_245 = arith.extui %lt3A_244 : i1 to i32
      %cond3A_246 = arith.constant 0 : i32
      %cond3A_247 = arith.cmpi ne, %convert_element_type3A_245, %cond3A_246 : i32
      scf.if %cond3A_247 {
        %ge3A = arith.constant 2 : i32
        %ge3A_248 = arith.cmpi sge, %add3A_228, %ge3A : i32
        %convert_element_type3A_249 = arith.extui %ge3A_248 : i1 to i32
        %cond3A_250 = arith.constant 0 : i32
        %cond3A_251 = arith.cmpi ne, %convert_element_type3A_249, %cond3A_250 : i32
        scf.if %cond3A_251 {
          %dma_wait3A_260 = arith.constant 0 : i32
          %dma_wait3A_261 = arith.constant 0 : i32
          %dma_wait3A_262 = tpu.memref_slice %arg7[%dma_wait3A_260, %dma_wait3A_261] : memref<40x64xi32, #tpu.memory_space<vmem>> -> memref<1x64xi32, #tpu.memory_space<vmem>>
          %dma_wait3A_263 = tpu.memref_squeeze %dma_wait3A_262 : memref<1x64xi32, #tpu.memory_space<vmem>> -> memref<64xi32, #tpu.memory_space<vmem>>
          %dma_wait3A_264 = arith.constant 0 : i32
          %dma_wait3A_265 = arith.constant 0 : i32
          %dma_wait3A_266 = tpu.memref_slice %arg20[%dma_wait3A_264, %dma_wait3A_265] : memref<10240x128xf32, #tpu.memory_space<vmem_shared>> -> memref<10240x128xf32, #tpu.memory_space<vmem_shared>>
          tpu.wait_indirect_dma semaphore(%arg17 : memref<!tpu.dma_semaphore, #tpu.memory_space<semaphore_mem>>) src(%arg9 : memref<64x128xf32, #tpu.memory_space<vmem>>) dst(%dma_wait3A_266 : memref<10240x128xf32, #tpu.memory_space<vmem_shared>>)
        } else {
        }
        %add3A_252 = arith.constant 2 : i32
        %add3A_253 = arith.addi %add3A_228, %add3A_252 : i32
        %dma_start3A_254 = arith.constant 0 : i32
        %dma_start3A_255 = tpu.memref_slice %arg6[%add3A_253, %dma_start3A_254] : memref<40x64xi32, #tpu.memory_space<vmem>> -> memref<1x64xi32, #tpu.memory_space<vmem>>
        %dma_start3A_256 = tpu.memref_squeeze %dma_start3A_255 : memref<1x64xi32, #tpu.memory_space<vmem>> -> memref<64xi32, #tpu.memory_space<vmem>>
        %dma_start3A_257 = arith.constant 0 : i32
        %dma_start3A_258 = arith.constant 0 : i32
        %dma_start3A_259 = tpu.memref_slice %arg2[%dma_start3A_257, %dma_start3A_258] : memref<10240x128xf32, #tpu.memory_space<hbm>> -> memref<10240x128xf32, #tpu.memory_space<hbm>>
        tpu.enqueue_indirect_dma source(%dma_start3A_259 : memref<10240x128xf32, #tpu.memory_space<hbm>>) target(%arg9 : memref<64x128xf32, #tpu.memory_space<vmem>>) offsets(%dma_start3A_256 : memref<64xi32, #tpu.memory_space<vmem>>) semaphore(%arg13 : memref<!tpu.dma_semaphore, #tpu.memory_space<semaphore_mem>>)
      } else {
      }
    }
    %scan3A_21 = arith.constant 10 : i32
    %dma_wait3A = arith.constant 0 : i32
    %dma_wait3A_22 = arith.constant 0 : i32
    %dma_wait3A_23 = tpu.memref_slice %arg7[%dma_wait3A, %dma_wait3A_22] : memref<40x64xi32, #tpu.memory_space<vmem>> -> memref<1x64xi32, #tpu.memory_space<vmem>>
    %dma_wait3A_24 = tpu.memref_squeeze %dma_wait3A_23 : memref<1x64xi32, #tpu.memory_space<vmem>> -> memref<64xi32, #tpu.memory_space<vmem>>
    %dma_wait3A_25 = arith.constant 0 : i32
    %dma_wait3A_26 = arith.constant 0 : i32
    %dma_wait3A_27 = tpu.memref_slice %arg20[%dma_wait3A_25, %dma_wait3A_26] : memref<10240x128xf32, #tpu.memory_space<vmem_shared>> -> memref<10240x128xf32, #tpu.memory_space<vmem_shared>>
    tpu.wait_indirect_dma semaphore(%arg16 : memref<!tpu.dma_semaphore, #tpu.memory_space<semaphore_mem>>) src(%arg8 : memref<64x128xf32, #tpu.memory_space<vmem>>) dst(%dma_wait3A_27 : memref<10240x128xf32, #tpu.memory_space<vmem_shared>>)
    %dma_wait3A_28 = arith.constant 0 : i32
    %dma_wait3A_29 = arith.constant 0 : i32
    %dma_wait3A_30 = tpu.memref_slice %arg7[%dma_wait3A_28, %dma_wait3A_29] : memref<40x64xi32, #tpu.memory_space<vmem>> -> memref<1x64xi32, #tpu.memory_space<vmem>>
    %dma_wait3A_31 = tpu.memref_squeeze %dma_wait3A_30 : memref<1x64xi32, #tpu.memory_space<vmem>> -> memref<64xi32, #tpu.memory_space<vmem>>
    %dma_wait3A_32 = arith.constant 0 : i32
    %dma_wait3A_33 = arith.constant 0 : i32
    %dma_wait3A_34 = tpu.memref_slice %arg20[%dma_wait3A_32, %dma_wait3A_33] : memref<10240x128xf32, #tpu.memory_space<vmem_shared>> -> memref<10240x128xf32, #tpu.memory_space<vmem_shared>>
    tpu.wait_indirect_dma semaphore(%arg17 : memref<!tpu.dma_semaphore, #tpu.memory_space<semaphore_mem>>) src(%arg9 : memref<64x128xf32, #tpu.memory_space<vmem>>) dst(%dma_wait3A_34 : memref<10240x128xf32, #tpu.memory_space<vmem_shared>>)
    %run_scoped3A_35 = arith.constant 1 : i32
    "tpu.region"() ({
      %run_scoped3A_158 = tpu.sem_alloc : memref<!tpu.dma_semaphore, #tpu.memory_space<semaphore_mem>>
      %dma_start3A_159 = arith.constant 0 : i32
      %dma_start3A_160 = arith.constant 0 : i32
      %dma_start3A_161 = tpu.memref_slice %arg3[%add3A, %run_scoped3A_35, %dma_start3A_159, %dma_start3A_160] : memref<32x4x40x64xi32, #tpu.memory_space<hbm>> -> memref<1x1x40x64xi32, #tpu.memory_space<hbm>>
      %dma_start3A_162 = tpu.memref_squeeze %dma_start3A_161 : memref<1x1x40x64xi32, #tpu.memory_space<hbm>> -> memref<40x64xi32, #tpu.memory_space<hbm>>
      %dma_start3A_163 = arith.constant 0 : i32
      %dma_start3A_164 = arith.constant 0 : i32
      %dma_start3A_165 = tpu.memref_slice %arg3[%add3A, %run_scoped3A_35, %dma_start3A_163, %dma_start3A_164] : memref<32x4x40x64xi32, #tpu.memory_space<hbm>> -> memref<1x1x40x64xi32, #tpu.memory_space<hbm>>
      %dma_start3A_166 = tpu.memref_squeeze %dma_start3A_165 : memref<1x1x40x64xi32, #tpu.memory_space<hbm>> -> memref<40x64xi32, #tpu.memory_space<hbm>>
      tpu.enqueue_dma source(%dma_start3A_166 : memref<40x64xi32, #tpu.memory_space<hbm>>) target(%arg6 : memref<40x64xi32, #tpu.memory_space<vmem>>) target_semaphore(%run_scoped3A_158 : memref<!tpu.dma_semaphore, #tpu.memory_space<semaphore_mem>>)
      %dma_wait3A_167 = arith.constant 0 : i32
      %dma_wait3A_168 = arith.constant 0 : i32
      %dma_wait3A_169 = tpu.memref_slice %arg3[%add3A, %run_scoped3A_35, %dma_wait3A_167, %dma_wait3A_168] : memref<32x4x40x64xi32, #tpu.memory_space<hbm>> -> memref<1x1x40x64xi32, #tpu.memory_space<hbm>>
      %dma_wait3A_170 = tpu.memref_squeeze %dma_wait3A_169 : memref<1x1x40x64xi32, #tpu.memory_space<hbm>> -> memref<40x64xi32, #tpu.memory_space<hbm>>
      %dma_wait3A_171 = arith.constant 0 : i32
      %dma_wait3A_172 = arith.constant 0 : i32
      %dma_wait3A_173 = tpu.memref_slice %arg3[%add3A, %run_scoped3A_35, %dma_wait3A_171, %dma_wait3A_172] : memref<32x4x40x64xi32, #tpu.memory_space<hbm>> -> memref<1x1x40x64xi32, #tpu.memory_space<hbm>>
      %dma_wait3A_174 = tpu.memref_squeeze %dma_wait3A_173 : memref<1x1x40x64xi32, #tpu.memory_space<hbm>> -> memref<40x64xi32, #tpu.memory_space<hbm>>
      tpu.wait_dma2 semaphore(%run_scoped3A_158 : memref<!tpu.dma_semaphore, #tpu.memory_space<semaphore_mem>>) src(%dma_wait3A_174 : memref<40x64xi32, #tpu.memory_space<hbm>>) dst(%arg6 : memref<40x64xi32, #tpu.memory_space<vmem>>)
      tpu.yield
    }) : () -> ()
    %run_scoped3A_36 = arith.constant 1 : i32
    "tpu.region"() ({
      %run_scoped3A_158 = tpu.sem_alloc : memref<!tpu.dma_semaphore, #tpu.memory_space<semaphore_mem>>
      %dma_start3A_159 = arith.constant 0 : i32
      %dma_start3A_160 = arith.constant 0 : i32
      %dma_start3A_161 = tpu.memref_slice %arg4[%add3A, %run_scoped3A_36, %dma_start3A_159, %dma_start3A_160] : memref<32x4x40x64xi32, #tpu.memory_space<hbm>> -> memref<1x1x40x64xi32, #tpu.memory_space<hbm>>
      %dma_start3A_162 = tpu.memref_squeeze %dma_start3A_161 : memref<1x1x40x64xi32, #tpu.memory_space<hbm>> -> memref<40x64xi32, #tpu.memory_space<hbm>>
      %dma_start3A_163 = arith.constant 0 : i32
      %dma_start3A_164 = arith.constant 0 : i32
      %dma_start3A_165 = tpu.memref_slice %arg4[%add3A, %run_scoped3A_36, %dma_start3A_163, %dma_start3A_164] : memref<32x4x40x64xi32, #tpu.memory_space<hbm>> -> memref<1x1x40x64xi32, #tpu.memory_space<hbm>>
      %dma_start3A_166 = tpu.memref_squeeze %dma_start3A_165 : memref<1x1x40x64xi32, #tpu.memory_space<hbm>> -> memref<40x64xi32, #tpu.memory_space<hbm>>
      tpu.enqueue_dma source(%dma_start3A_166 : memref<40x64xi32, #tpu.memory_space<hbm>>) target(%arg7 : memref<40x64xi32, #tpu.memory_space<vmem>>) target_semaphore(%run_scoped3A_158 : memref<!tpu.dma_semaphore, #tpu.memory_space<semaphore_mem>>)
      %dma_wait3A_167 = arith.constant 0 : i32
      %dma_wait3A_168 = arith.constant 0 : i32
      %dma_wait3A_169 = tpu.memref_slice %arg4[%add3A, %run_scoped3A_36, %dma_wait3A_167, %dma_wait3A_168] : memref<32x4x40x64xi32, #tpu.memory_space<hbm>> -> memref<1x1x40x64xi32, #tpu.memory_space<hbm>>
      %dma_wait3A_170 = tpu.memref_squeeze %dma_wait3A_169 : memref<1x1x40x64xi32, #tpu.memory_space<hbm>> -> memref<40x64xi32, #tpu.memory_space<hbm>>
      %dma_wait3A_171 = arith.constant 0 : i32
      %dma_wait3A_172 = arith.constant 0 : i32
      %dma_wait3A_173 = tpu.memref_slice %arg4[%add3A, %run_scoped3A_36, %dma_wait3A_171, %dma_wait3A_172] : memref<32x4x40x64xi32, #tpu.memory_space<hbm>> -> memref<1x1x40x64xi32, #tpu.memory_space<hbm>>
      %dma_wait3A_174 = tpu.memref_squeeze %dma_wait3A_173 : memref<1x1x40x64xi32, #tpu.memory_space<hbm>> -> memref<40x64xi32, #tpu.memory_space<hbm>>
      tpu.wait_dma2 semaphore(%run_scoped3A_158 : memref<!tpu.dma_semaphore, #tpu.memory_space<semaphore_mem>>) src(%dma_wait3A_174 : memref<40x64xi32, #tpu.memory_space<hbm>>) dst(%arg7 : memref<40x64xi32, #tpu.memory_space<vmem>>)
      tpu.yield
    }) : () -> ()
    %dma_start3A_37 = arith.constant 0 : i32
    %dma_start3A_38 = arith.constant 0 : i32
    %dma_start3A_39 = tpu.memref_slice %arg6[%dma_start3A_37, %dma_start3A_38] : memref<40x64xi32, #tpu.memory_space<vmem>> -> memref<1x64xi32, #tpu.memory_space<vmem>>
    %dma_start3A_40 = tpu.memref_squeeze %dma_start3A_39 : memref<1x64xi32, #tpu.memory_space<vmem>> -> memref<64xi32, #tpu.memory_space<vmem>>
    %dma_start3A_41 = arith.constant 0 : i32
    %dma_start3A_42 = arith.constant 0 : i32
    %dma_start3A_43 = tpu.memref_slice %arg2[%dma_start3A_41, %dma_start3A_42] : memref<10240x128xf32, #tpu.memory_space<hbm>> -> memref<10240x128xf32, #tpu.memory_space<hbm>>
    tpu.enqueue_indirect_dma source(%dma_start3A_43 : memref<10240x128xf32, #tpu.memory_space<hbm>>) target(%arg8 : memref<64x128xf32, #tpu.memory_space<vmem>>) offsets(%dma_start3A_40 : memref<64xi32, #tpu.memory_space<vmem>>) semaphore(%arg12 : memref<!tpu.dma_semaphore, #tpu.memory_space<semaphore_mem>>)
    %dma_start3A_44 = arith.constant 1 : i32
    %dma_start3A_45 = arith.constant 0 : i32
    %dma_start3A_46 = tpu.memref_slice %arg6[%dma_start3A_44, %dma_start3A_45] : memref<40x64xi32, #tpu.memory_space<vmem>> -> memref<1x64xi32, #tpu.memory_space<vmem>>
    %dma_start3A_47 = tpu.memref_squeeze %dma_start3A_46 : memref<1x64xi32, #tpu.memory_space<vmem>> -> memref<64xi32, #tpu.memory_space<vmem>>
    %dma_start3A_48 = arith.constant 0 : i32
    %dma_start3A_49 = arith.constant 0 : i32
    %dma_start3A_50 = tpu.memref_slice %arg2[%dma_start3A_48, %dma_start3A_49] : memref<10240x128xf32, #tpu.memory_space<hbm>> -> memref<10240x128xf32, #tpu.memory_space<hbm>>
    tpu.enqueue_indirect_dma source(%dma_start3A_50 : memref<10240x128xf32, #tpu.memory_space<hbm>>) target(%arg9 : memref<64x128xf32, #tpu.memory_space<vmem>>) offsets(%dma_start3A_47 : memref<64xi32, #tpu.memory_space<vmem>>) semaphore(%arg13 : memref<!tpu.dma_semaphore, #tpu.memory_space<semaphore_mem>>)
    %scan3A_51 = arith.constant 0 : i32
    %scan3A_52 = arith.constant 0 : i32
    %scan3A_53 = arith.constant 10 : i32
    %scan3A_54 = arith.addi %scan3A_52, %scan3A_53 : i32
    %scan3A_55 = arith.constant 1 : i32
    scf.for %scan3A_158 = %scan3A_52 to %scan3A_54 step %scan3A_55  : i32 {
      %mul3A_159 = arith.constant 4 : i32
      %mul3A_160 = arith.muli %mul3A_159, %scan3A_158 : i32
      %add3A_161 = arith.constant 0 : i32
      %add3A_162 = arith.addi %mul3A_160, %add3A_161 : i32
      %dma_wait3A_163 = arith.constant 0 : i32
      %dma_wait3A_164 = tpu.memref_slice %arg6[%add3A_162, %dma_wait3A_163] : memref<40x64xi32, #tpu.memory_space<vmem>> -> memref<1x64xi32, #tpu.memory_space<vmem>>
      %dma_wait3A_165 = tpu.memref_squeeze %dma_wait3A_164 : memref<1x64xi32, #tpu.memory_space<vmem>> -> memref<64xi32, #tpu.memory_space<vmem>>
      %dma_wait3A_166 = arith.constant 0 : i32
      %dma_wait3A_167 = arith.constant 0 : i32
      %dma_wait3A_168 = tpu.memref_slice %arg2[%dma_wait3A_166, %dma_wait3A_167] : memref<10240x128xf32, #tpu.memory_space<hbm>> -> memref<10240x128xf32, #tpu.memory_space<hbm>>
      tpu.wait_indirect_dma semaphore(%arg12 : memref<!tpu.dma_semaphore, #tpu.memory_space<semaphore_mem>>) src(%dma_wait3A_168 : memref<10240x128xf32, #tpu.memory_space<hbm>>) dst(%arg8 : memref<64x128xf32, #tpu.memory_space<vmem>>)
      %dma_start3A_169 = arith.constant 0 : i32
      %dma_start3A_170 = tpu.memref_slice %arg7[%add3A_162, %dma_start3A_169] : memref<40x64xi32, #tpu.memory_space<vmem>> -> memref<1x64xi32, #tpu.memory_space<vmem>>
      %dma_start3A_171 = tpu.memref_squeeze %dma_start3A_170 : memref<1x64xi32, #tpu.memory_space<vmem>> -> memref<64xi32, #tpu.memory_space<vmem>>
      %dma_start3A_172 = arith.constant 0 : i32
      %dma_start3A_173 = arith.constant 0 : i32
      %dma_start3A_174 = tpu.memref_slice %arg20[%dma_start3A_172, %dma_start3A_173] : memref<10240x128xf32, #tpu.memory_space<vmem_shared>> -> memref<10240x128xf32, #tpu.memory_space<vmem_shared>>
      tpu.enqueue_indirect_dma source(%arg8 : memref<64x128xf32, #tpu.memory_space<vmem>>) target(%dma_start3A_174 : memref<10240x128xf32, #tpu.memory_space<vmem_shared>>) offsets(%dma_start3A_171 : memref<64xi32, #tpu.memory_space<vmem>>) semaphore(%arg16 : memref<!tpu.dma_semaphore, #tpu.memory_space<semaphore_mem>>) {add = true}
      %add3A_175 = arith.constant 2 : i32
      %add3A_176 = arith.addi %add3A_162, %add3A_175 : i32
      %lt3A = arith.constant 40 : i32
      %lt3A_177 = arith.cmpi slt, %add3A_176, %lt3A : i32
      %convert_element_type3A = arith.extui %lt3A_177 : i1 to i32
      %cond3A = arith.constant 0 : i32
      %cond3A_178 = arith.cmpi ne, %convert_element_type3A, %cond3A : i32
      scf.if %cond3A_178 {
        %dma_wait3A_248 = arith.constant 0 : i32
        %dma_wait3A_249 = arith.constant 0 : i32
        %dma_wait3A_250 = tpu.memref_slice %arg7[%dma_wait3A_248, %dma_wait3A_249] : memref<40x64xi32, #tpu.memory_space<vmem>> -> memref<1x64xi32, #tpu.memory_space<vmem>>
        %dma_wait3A_251 = tpu.memref_squeeze %dma_wait3A_250 : memref<1x64xi32, #tpu.memory_space<vmem>> -> memref<64xi32, #tpu.memory_space<vmem>>
        %dma_wait3A_252 = arith.constant 0 : i32
        %dma_wait3A_253 = arith.constant 0 : i32
        %dma_wait3A_254 = tpu.memref_slice %arg20[%dma_wait3A_252, %dma_wait3A_253] : memref<10240x128xf32, #tpu.memory_space<vmem_shared>> -> memref<10240x128xf32, #tpu.memory_space<vmem_shared>>
        tpu.wait_indirect_dma semaphore(%arg18 : memref<!tpu.dma_semaphore, #tpu.memory_space<semaphore_mem>>) src(%arg10 : memref<64x128xf32, #tpu.memory_space<vmem>>) dst(%dma_wait3A_254 : memref<10240x128xf32, #tpu.memory_space<vmem_shared>>)
        %add3A_255 = arith.constant 2 : i32
        %add3A_256 = arith.addi %add3A_162, %add3A_255 : i32
        %dma_start3A_257 = arith.constant 0 : i32
        %dma_start3A_258 = tpu.memref_slice %arg6[%add3A_256, %dma_start3A_257] : memref<40x64xi32, #tpu.memory_space<vmem>> -> memref<1x64xi32, #tpu.memory_space<vmem>>
        %dma_start3A_259 = tpu.memref_squeeze %dma_start3A_258 : memref<1x64xi32, #tpu.memory_space<vmem>> -> memref<64xi32, #tpu.memory_space<vmem>>
        %dma_start3A_260 = arith.constant 0 : i32
        %dma_start3A_261 = arith.constant 0 : i32
        %dma_start3A_262 = tpu.memref_slice %arg2[%dma_start3A_260, %dma_start3A_261] : memref<10240x128xf32, #tpu.memory_space<hbm>> -> memref<10240x128xf32, #tpu.memory_space<hbm>>
        tpu.enqueue_indirect_dma source(%dma_start3A_262 : memref<10240x128xf32, #tpu.memory_space<hbm>>) target(%arg10 : memref<64x128xf32, #tpu.memory_space<vmem>>) offsets(%dma_start3A_259 : memref<64xi32, #tpu.memory_space<vmem>>) semaphore(%arg14 : memref<!tpu.dma_semaphore, #tpu.memory_space<semaphore_mem>>)
      } else {
      }
      %mul3A_179 = arith.constant 4 : i32
      %mul3A_180 = arith.muli %mul3A_179, %scan3A_158 : i32
      %add3A_181 = arith.constant 1 : i32
      %add3A_182 = arith.addi %mul3A_180, %add3A_181 : i32
      %dma_wait3A_183 = arith.constant 0 : i32
      %dma_wait3A_184 = tpu.memref_slice %arg6[%add3A_182, %dma_wait3A_183] : memref<40x64xi32, #tpu.memory_space<vmem>> -> memref<1x64xi32, #tpu.memory_space<vmem>>
      %dma_wait3A_185 = tpu.memref_squeeze %dma_wait3A_184 : memref<1x64xi32, #tpu.memory_space<vmem>> -> memref<64xi32, #tpu.memory_space<vmem>>
      %dma_wait3A_186 = arith.constant 0 : i32
      %dma_wait3A_187 = arith.constant 0 : i32
      %dma_wait3A_188 = tpu.memref_slice %arg2[%dma_wait3A_186, %dma_wait3A_187] : memref<10240x128xf32, #tpu.memory_space<hbm>> -> memref<10240x128xf32, #tpu.memory_space<hbm>>
      tpu.wait_indirect_dma semaphore(%arg13 : memref<!tpu.dma_semaphore, #tpu.memory_space<semaphore_mem>>) src(%dma_wait3A_188 : memref<10240x128xf32, #tpu.memory_space<hbm>>) dst(%arg9 : memref<64x128xf32, #tpu.memory_space<vmem>>)
      %dma_start3A_189 = arith.constant 0 : i32
      %dma_start3A_190 = tpu.memref_slice %arg7[%add3A_182, %dma_start3A_189] : memref<40x64xi32, #tpu.memory_space<vmem>> -> memref<1x64xi32, #tpu.memory_space<vmem>>
      %dma_start3A_191 = tpu.memref_squeeze %dma_start3A_190 : memref<1x64xi32, #tpu.memory_space<vmem>> -> memref<64xi32, #tpu.memory_space<vmem>>
      %dma_start3A_192 = arith.constant 0 : i32
      %dma_start3A_193 = arith.constant 0 : i32
      %dma_start3A_194 = tpu.memref_slice %arg20[%dma_start3A_192, %dma_start3A_193] : memref<10240x128xf32, #tpu.memory_space<vmem_shared>> -> memref<10240x128xf32, #tpu.memory_space<vmem_shared>>
      tpu.enqueue_indirect_dma source(%arg9 : memref<64x128xf32, #tpu.memory_space<vmem>>) target(%dma_start3A_194 : memref<10240x128xf32, #tpu.memory_space<vmem_shared>>) offsets(%dma_start3A_191 : memref<64xi32, #tpu.memory_space<vmem>>) semaphore(%arg17 : memref<!tpu.dma_semaphore, #tpu.memory_space<semaphore_mem>>) {add = true}
      %add3A_195 = arith.constant 2 : i32
      %add3A_196 = arith.addi %add3A_182, %add3A_195 : i32
      %lt3A_197 = arith.constant 40 : i32
      %lt3A_198 = arith.cmpi slt, %add3A_196, %lt3A_197 : i32
      %convert_element_type3A_199 = arith.extui %lt3A_198 : i1 to i32
      %cond3A_200 = arith.constant 0 : i32
      %cond3A_201 = arith.cmpi ne, %convert_element_type3A_199, %cond3A_200 : i32
      scf.if %cond3A_201 {
        %dma_wait3A_248 = arith.constant 0 : i32
        %dma_wait3A_249 = arith.constant 0 : i32
        %dma_wait3A_250 = tpu.memref_slice %arg7[%dma_wait3A_248, %dma_wait3A_249] : memref<40x64xi32, #tpu.memory_space<vmem>> -> memref<1x64xi32, #tpu.memory_space<vmem>>
        %dma_wait3A_251 = tpu.memref_squeeze %dma_wait3A_250 : memref<1x64xi32, #tpu.memory_space<vmem>> -> memref<64xi32, #tpu.memory_space<vmem>>
        %dma_wait3A_252 = arith.constant 0 : i32
        %dma_wait3A_253 = arith.constant 0 : i32
        %dma_wait3A_254 = tpu.memref_slice %arg20[%dma_wait3A_252, %dma_wait3A_253] : memref<10240x128xf32, #tpu.memory_space<vmem_shared>> -> memref<10240x128xf32, #tpu.memory_space<vmem_shared>>
        tpu.wait_indirect_dma semaphore(%arg19 : memref<!tpu.dma_semaphore, #tpu.memory_space<semaphore_mem>>) src(%arg11 : memref<64x128xf32, #tpu.memory_space<vmem>>) dst(%dma_wait3A_254 : memref<10240x128xf32, #tpu.memory_space<vmem_shared>>)
        %add3A_255 = arith.constant 2 : i32
        %add3A_256 = arith.addi %add3A_182, %add3A_255 : i32
        %dma_start3A_257 = arith.constant 0 : i32
        %dma_start3A_258 = tpu.memref_slice %arg6[%add3A_256, %dma_start3A_257] : memref<40x64xi32, #tpu.memory_space<vmem>> -> memref<1x64xi32, #tpu.memory_space<vmem>>
        %dma_start3A_259 = tpu.memref_squeeze %dma_start3A_258 : memref<1x64xi32, #tpu.memory_space<vmem>> -> memref<64xi32, #tpu.memory_space<vmem>>
        %dma_start3A_260 = arith.constant 0 : i32
        %dma_start3A_261 = arith.constant 0 : i32
        %dma_start3A_262 = tpu.memref_slice %arg2[%dma_start3A_260, %dma_start3A_261] : memref<10240x128xf32, #tpu.memory_space<hbm>> -> memref<10240x128xf32, #tpu.memory_space<hbm>>
        tpu.enqueue_indirect_dma source(%dma_start3A_262 : memref<10240x128xf32, #tpu.memory_space<hbm>>) target(%arg11 : memref<64x128xf32, #tpu.memory_space<vmem>>) offsets(%dma_start3A_259 : memref<64xi32, #tpu.memory_space<vmem>>) semaphore(%arg15 : memref<!tpu.dma_semaphore, #tpu.memory_space<semaphore_mem>>)
      } else {
      }
      %mul3A_202 = arith.constant 4 : i32
      %mul3A_203 = arith.muli %mul3A_202, %scan3A_158 : i32
      %add3A_204 = arith.constant 2 : i32
      %add3A_205 = arith.addi %mul3A_203, %add3A_204 : i32
      %dma_wait3A_206 = arith.constant 0 : i32
      %dma_wait3A_207 = tpu.memref_slice %arg6[%add3A_205, %dma_wait3A_206] : memref<40x64xi32, #tpu.memory_space<vmem>> -> memref<1x64xi32, #tpu.memory_space<vmem>>
      %dma_wait3A_208 = tpu.memref_squeeze %dma_wait3A_207 : memref<1x64xi32, #tpu.memory_space<vmem>> -> memref<64xi32, #tpu.memory_space<vmem>>
      %dma_wait3A_209 = arith.constant 0 : i32
      %dma_wait3A_210 = arith.constant 0 : i32
      %dma_wait3A_211 = tpu.memref_slice %arg2[%dma_wait3A_209, %dma_wait3A_210] : memref<10240x128xf32, #tpu.memory_space<hbm>> -> memref<10240x128xf32, #tpu.memory_space<hbm>>
      tpu.wait_indirect_dma semaphore(%arg14 : memref<!tpu.dma_semaphore, #tpu.memory_space<semaphore_mem>>) src(%dma_wait3A_211 : memref<10240x128xf32, #tpu.memory_space<hbm>>) dst(%arg10 : memref<64x128xf32, #tpu.memory_space<vmem>>)
      %dma_start3A_212 = arith.constant 0 : i32
      %dma_start3A_213 = tpu.memref_slice %arg7[%add3A_205, %dma_start3A_212] : memref<40x64xi32, #tpu.memory_space<vmem>> -> memref<1x64xi32, #tpu.memory_space<vmem>>
      %dma_start3A_214 = tpu.memref_squeeze %dma_start3A_213 : memref<1x64xi32, #tpu.memory_space<vmem>> -> memref<64xi32, #tpu.memory_space<vmem>>
      %dma_start3A_215 = arith.constant 0 : i32
      %dma_start3A_216 = arith.constant 0 : i32
      %dma_start3A_217 = tpu.memref_slice %arg20[%dma_start3A_215, %dma_start3A_216] : memref<10240x128xf32, #tpu.memory_space<vmem_shared>> -> memref<10240x128xf32, #tpu.memory_space<vmem_shared>>
      tpu.enqueue_indirect_dma source(%arg10 : memref<64x128xf32, #tpu.memory_space<vmem>>) target(%dma_start3A_217 : memref<10240x128xf32, #tpu.memory_space<vmem_shared>>) offsets(%dma_start3A_214 : memref<64xi32, #tpu.memory_space<vmem>>) semaphore(%arg18 : memref<!tpu.dma_semaphore, #tpu.memory_space<semaphore_mem>>) {add = true}
      %add3A_218 = arith.constant 2 : i32
      %add3A_219 = arith.addi %add3A_205, %add3A_218 : i32
      %lt3A_220 = arith.constant 40 : i32
      %lt3A_221 = arith.cmpi slt, %add3A_219, %lt3A_220 : i32
      %convert_element_type3A_222 = arith.extui %lt3A_221 : i1 to i32
      %cond3A_223 = arith.constant 0 : i32
      %cond3A_224 = arith.cmpi ne, %convert_element_type3A_222, %cond3A_223 : i32
      scf.if %cond3A_224 {
        %dma_wait3A_248 = arith.constant 0 : i32
        %dma_wait3A_249 = arith.constant 0 : i32
        %dma_wait3A_250 = tpu.memref_slice %arg7[%dma_wait3A_248, %dma_wait3A_249] : memref<40x64xi32, #tpu.memory_space<vmem>> -> memref<1x64xi32, #tpu.memory_space<vmem>>
        %dma_wait3A_251 = tpu.memref_squeeze %dma_wait3A_250 : memref<1x64xi32, #tpu.memory_space<vmem>> -> memref<64xi32, #tpu.memory_space<vmem>>
        %dma_wait3A_252 = arith.constant 0 : i32
        %dma_wait3A_253 = arith.constant 0 : i32
        %dma_wait3A_254 = tpu.memref_slice %arg20[%dma_wait3A_252, %dma_wait3A_253] : memref<10240x128xf32, #tpu.memory_space<vmem_shared>> -> memref<10240x128xf32, #tpu.memory_space<vmem_shared>>
        tpu.wait_indirect_dma semaphore(%arg16 : memref<!tpu.dma_semaphore, #tpu.memory_space<semaphore_mem>>) src(%arg8 : memref<64x128xf32, #tpu.memory_space<vmem>>) dst(%dma_wait3A_254 : memref<10240x128xf32, #tpu.memory_space<vmem_shared>>)
        %add3A_255 = arith.constant 2 : i32
        %add3A_256 = arith.addi %add3A_205, %add3A_255 : i32
        %dma_start3A_257 = arith.constant 0 : i32
        %dma_start3A_258 = tpu.memref_slice %arg6[%add3A_256, %dma_start3A_257] : memref<40x64xi32, #tpu.memory_space<vmem>> -> memref<1x64xi32, #tpu.memory_space<vmem>>
        %dma_start3A_259 = tpu.memref_squeeze %dma_start3A_258 : memref<1x64xi32, #tpu.memory_space<vmem>> -> memref<64xi32, #tpu.memory_space<vmem>>
        %dma_start3A_260 = arith.constant 0 : i32
        %dma_start3A_261 = arith.constant 0 : i32
        %dma_start3A_262 = tpu.memref_slice %arg2[%dma_start3A_260, %dma_start3A_261] : memref<10240x128xf32, #tpu.memory_space<hbm>> -> memref<10240x128xf32, #tpu.memory_space<hbm>>
        tpu.enqueue_indirect_dma source(%dma_start3A_262 : memref<10240x128xf32, #tpu.memory_space<hbm>>) target(%arg8 : memref<64x128xf32, #tpu.memory_space<vmem>>) offsets(%dma_start3A_259 : memref<64xi32, #tpu.memory_space<vmem>>) semaphore(%arg12 : memref<!tpu.dma_semaphore, #tpu.memory_space<semaphore_mem>>)
      } else {
      }
      %mul3A_225 = arith.constant 4 : i32
      %mul3A_226 = arith.muli %mul3A_225, %scan3A_158 : i32
      %add3A_227 = arith.constant 3 : i32
      %add3A_228 = arith.addi %mul3A_226, %add3A_227 : i32
      %dma_wait3A_229 = arith.constant 0 : i32
      %dma_wait3A_230 = tpu.memref_slice %arg6[%add3A_228, %dma_wait3A_229] : memref<40x64xi32, #tpu.memory_space<vmem>> -> memref<1x64xi32, #tpu.memory_space<vmem>>
      %dma_wait3A_231 = tpu.memref_squeeze %dma_wait3A_230 : memref<1x64xi32, #tpu.memory_space<vmem>> -> memref<64xi32, #tpu.memory_space<vmem>>
      %dma_wait3A_232 = arith.constant 0 : i32
      %dma_wait3A_233 = arith.constant 0 : i32
      %dma_wait3A_234 = tpu.memref_slice %arg2[%dma_wait3A_232, %dma_wait3A_233] : memref<10240x128xf32, #tpu.memory_space<hbm>> -> memref<10240x128xf32, #tpu.memory_space<hbm>>
      tpu.wait_indirect_dma semaphore(%arg15 : memref<!tpu.dma_semaphore, #tpu.memory_space<semaphore_mem>>) src(%dma_wait3A_234 : memref<10240x128xf32, #tpu.memory_space<hbm>>) dst(%arg11 : memref<64x128xf32, #tpu.memory_space<vmem>>)
      %dma_start3A_235 = arith.constant 0 : i32
      %dma_start3A_236 = tpu.memref_slice %arg7[%add3A_228, %dma_start3A_235] : memref<40x64xi32, #tpu.memory_space<vmem>> -> memref<1x64xi32, #tpu.memory_space<vmem>>
      %dma_start3A_237 = tpu.memref_squeeze %dma_start3A_236 : memref<1x64xi32, #tpu.memory_space<vmem>> -> memref<64xi32, #tpu.memory_space<vmem>>
      %dma_start3A_238 = arith.constant 0 : i32
      %dma_start3A_239 = arith.constant 0 : i32
      %dma_start3A_240 = tpu.memref_slice %arg20[%dma_start3A_238, %dma_start3A_239] : memref<10240x128xf32, #tpu.memory_space<vmem_shared>> -> memref<10240x128xf32, #tpu.memory_space<vmem_shared>>
      tpu.enqueue_indirect_dma source(%arg11 : memref<64x128xf32, #tpu.memory_space<vmem>>) target(%dma_start3A_240 : memref<10240x128xf32, #tpu.memory_space<vmem_shared>>) offsets(%dma_start3A_237 : memref<64xi32, #tpu.memory_space<vmem>>) semaphore(%arg19 : memref<!tpu.dma_semaphore, #tpu.memory_space<semaphore_mem>>) {add = true}
      %add3A_241 = arith.constant 2 : i32
      %add3A_242 = arith.addi %add3A_228, %add3A_241 : i32
      %lt3A_243 = arith.constant 40 : i32
      %lt3A_244 = arith.cmpi slt, %add3A_242, %lt3A_243 : i32
      %convert_element_type3A_245 = arith.extui %lt3A_244 : i1 to i32
      %cond3A_246 = arith.constant 0 : i32
      %cond3A_247 = arith.cmpi ne, %convert_element_type3A_245, %cond3A_246 : i32
      scf.if %cond3A_247 {
        %dma_wait3A_248 = arith.constant 0 : i32
        %dma_wait3A_249 = arith.constant 0 : i32
        %dma_wait3A_250 = tpu.memref_slice %arg7[%dma_wait3A_248, %dma_wait3A_249] : memref<40x64xi32, #tpu.memory_space<vmem>> -> memref<1x64xi32, #tpu.memory_space<vmem>>
        %dma_wait3A_251 = tpu.memref_squeeze %dma_wait3A_250 : memref<1x64xi32, #tpu.memory_space<vmem>> -> memref<64xi32, #tpu.memory_space<vmem>>
        %dma_wait3A_252 = arith.constant 0 : i32
        %dma_wait3A_253 = arith.constant 0 : i32
        %dma_wait3A_254 = tpu.memref_slice %arg20[%dma_wait3A_252, %dma_wait3A_253] : memref<10240x128xf32, #tpu.memory_space<vmem_shared>> -> memref<10240x128xf32, #tpu.memory_space<vmem_shared>>
        tpu.wait_indirect_dma semaphore(%arg17 : memref<!tpu.dma_semaphore, #tpu.memory_space<semaphore_mem>>) src(%arg9 : memref<64x128xf32, #tpu.memory_space<vmem>>) dst(%dma_wait3A_254 : memref<10240x128xf32, #tpu.memory_space<vmem_shared>>)
        %add3A_255 = arith.constant 2 : i32
        %add3A_256 = arith.addi %add3A_228, %add3A_255 : i32
        %dma_start3A_257 = arith.constant 0 : i32
        %dma_start3A_258 = tpu.memref_slice %arg6[%add3A_256, %dma_start3A_257] : memref<40x64xi32, #tpu.memory_space<vmem>> -> memref<1x64xi32, #tpu.memory_space<vmem>>
        %dma_start3A_259 = tpu.memref_squeeze %dma_start3A_258 : memref<1x64xi32, #tpu.memory_space<vmem>> -> memref<64xi32, #tpu.memory_space<vmem>>
        %dma_start3A_260 = arith.constant 0 : i32
        %dma_start3A_261 = arith.constant 0 : i32
        %dma_start3A_262 = tpu.memref_slice %arg2[%dma_start3A_260, %dma_start3A_261] : memref<10240x128xf32, #tpu.memory_space<hbm>> -> memref<10240x128xf32, #tpu.memory_space<hbm>>
        tpu.enqueue_indirect_dma source(%dma_start3A_262 : memref<10240x128xf32, #tpu.memory_space<hbm>>) target(%arg9 : memref<64x128xf32, #tpu.memory_space<vmem>>) offsets(%dma_start3A_259 : memref<64xi32, #tpu.memory_space<vmem>>) semaphore(%arg13 : memref<!tpu.dma_semaphore, #tpu.memory_space<semaphore_mem>>)
      } else {
      }
    }
    %scan3A_56 = arith.constant 10 : i32
    %dma_wait3A_57 = arith.constant 0 : i32
    %dma_wait3A_58 = arith.constant 0 : i32
    %dma_wait3A_59 = tpu.memref_slice %arg7[%dma_wait3A_57, %dma_wait3A_58] : memref<40x64xi32, #tpu.memory_space<vmem>> -> memref<1x64xi32, #tpu.memory_space<vmem>>
    %dma_wait3A_60 = tpu.memref_squeeze %dma_wait3A_59 : memref<1x64xi32, #tpu.memory_space<vmem>> -> memref<64xi32, #tpu.memory_space<vmem>>
    %dma_wait3A_61 = arith.constant 0 : i32
    %dma_wait3A_62 = arith.constant 0 : i32
    %dma_wait3A_63 = tpu.memref_slice %arg20[%dma_wait3A_61, %dma_wait3A_62] : memref<10240x128xf32, #tpu.memory_space<vmem_shared>> -> memref<10240x128xf32, #tpu.memory_space<vmem_shared>>
    tpu.wait_indirect_dma semaphore(%arg16 : memref<!tpu.dma_semaphore, #tpu.memory_space<semaphore_mem>>) src(%arg8 : memref<64x128xf32, #tpu.memory_space<vmem>>) dst(%dma_wait3A_63 : memref<10240x128xf32, #tpu.memory_space<vmem_shared>>)
    %dma_wait3A_64 = arith.constant 0 : i32
    %dma_wait3A_65 = arith.constant 0 : i32
    %dma_wait3A_66 = tpu.memref_slice %arg7[%dma_wait3A_64, %dma_wait3A_65] : memref<40x64xi32, #tpu.memory_space<vmem>> -> memref<1x64xi32, #tpu.memory_space<vmem>>
    %dma_wait3A_67 = tpu.memref_squeeze %dma_wait3A_66 : memref<1x64xi32, #tpu.memory_space<vmem>> -> memref<64xi32, #tpu.memory_space<vmem>>
    %dma_wait3A_68 = arith.constant 0 : i32
    %dma_wait3A_69 = arith.constant 0 : i32
    %dma_wait3A_70 = tpu.memref_slice %arg20[%dma_wait3A_68, %dma_wait3A_69] : memref<10240x128xf32, #tpu.memory_space<vmem_shared>> -> memref<10240x128xf32, #tpu.memory_space<vmem_shared>>
    tpu.wait_indirect_dma semaphore(%arg17 : memref<!tpu.dma_semaphore, #tpu.memory_space<semaphore_mem>>) src(%arg9 : memref<64x128xf32, #tpu.memory_space<vmem>>) dst(%dma_wait3A_70 : memref<10240x128xf32, #tpu.memory_space<vmem_shared>>)
    %run_scoped3A_71 = arith.constant 2 : i32
    "tpu.region"() ({
      %run_scoped3A_158 = tpu.sem_alloc : memref<!tpu.dma_semaphore, #tpu.memory_space<semaphore_mem>>
      %dma_start3A_159 = arith.constant 0 : i32
      %dma_start3A_160 = arith.constant 0 : i32
      %dma_start3A_161 = tpu.memref_slice %arg3[%add3A, %run_scoped3A_71, %dma_start3A_159, %dma_start3A_160] : memref<32x4x40x64xi32, #tpu.memory_space<hbm>> -> memref<1x1x40x64xi32, #tpu.memory_space<hbm>>
      %dma_start3A_162 = tpu.memref_squeeze %dma_start3A_161 : memref<1x1x40x64xi32, #tpu.memory_space<hbm>> -> memref<40x64xi32, #tpu.memory_space<hbm>>
      %dma_start3A_163 = arith.constant 0 : i32
      %dma_start3A_164 = arith.constant 0 : i32
      %dma_start3A_165 = tpu.memref_slice %arg3[%add3A, %run_scoped3A_71, %dma_start3A_163, %dma_start3A_164] : memref<32x4x40x64xi32, #tpu.memory_space<hbm>> -> memref<1x1x40x64xi32, #tpu.memory_space<hbm>>
      %dma_start3A_166 = tpu.memref_squeeze %dma_start3A_165 : memref<1x1x40x64xi32, #tpu.memory_space<hbm>> -> memref<40x64xi32, #tpu.memory_space<hbm>>
      tpu.enqueue_dma source(%dma_start3A_166 : memref<40x64xi32, #tpu.memory_space<hbm>>) target(%arg6 : memref<40x64xi32, #tpu.memory_space<vmem>>) target_semaphore(%run_scoped3A_158 : memref<!tpu.dma_semaphore, #tpu.memory_space<semaphore_mem>>)
      %dma_wait3A_167 = arith.constant 0 : i32
      %dma_wait3A_168 = arith.constant 0 : i32
      %dma_wait3A_169 = tpu.memref_slice %arg3[%add3A, %run_scoped3A_71, %dma_wait3A_167, %dma_wait3A_168] : memref<32x4x40x64xi32, #tpu.memory_space<hbm>> -> memref<1x1x40x64xi32, #tpu.memory_space<hbm>>
      %dma_wait3A_170 = tpu.memref_squeeze %dma_wait3A_169 : memref<1x1x40x64xi32, #tpu.memory_space<hbm>> -> memref<40x64xi32, #tpu.memory_space<hbm>>
      %dma_wait3A_171 = arith.constant 0 : i32
      %dma_wait3A_172 = arith.constant 0 : i32
      %dma_wait3A_173 = tpu.memref_slice %arg3[%add3A, %run_scoped3A_71, %dma_wait3A_171, %dma_wait3A_172] : memref<32x4x40x64xi32, #tpu.memory_space<hbm>> -> memref<1x1x40x64xi32, #tpu.memory_space<hbm>>
      %dma_wait3A_174 = tpu.memref_squeeze %dma_wait3A_173 : memref<1x1x40x64xi32, #tpu.memory_space<hbm>> -> memref<40x64xi32, #tpu.memory_space<hbm>>
      tpu.wait_dma2 semaphore(%run_scoped3A_158 : memref<!tpu.dma_semaphore, #tpu.memory_space<semaphore_mem>>) src(%dma_wait3A_174 : memref<40x64xi32, #tpu.memory_space<hbm>>) dst(%arg6 : memref<40x64xi32, #tpu.memory_space<vmem>>)
      tpu.yield
    }) : () -> ()
    %run_scoped3A_72 = arith.constant 2 : i32
    "tpu.region"() ({
      %run_scoped3A_158 = tpu.sem_alloc : memref<!tpu.dma_semaphore, #tpu.memory_space<semaphore_mem>>
      %dma_start3A_159 = arith.constant 0 : i32
      %dma_start3A_160 = arith.constant 0 : i32
      %dma_start3A_161 = tpu.memref_slice %arg4[%add3A, %run_scoped3A_72, %dma_start3A_159, %dma_start3A_160] : memref<32x4x40x64xi32, #tpu.memory_space<hbm>> -> memref<1x1x40x64xi32, #tpu.memory_space<hbm>>
      %dma_start3A_162 = tpu.memref_squeeze %dma_start3A_161 : memref<1x1x40x64xi32, #tpu.memory_space<hbm>> -> memref<40x64xi32, #tpu.memory_space<hbm>>
      %dma_start3A_163 = arith.constant 0 : i32
      %dma_start3A_164 = arith.constant 0 : i32
      %dma_start3A_165 = tpu.memref_slice %arg4[%add3A, %run_scoped3A_72, %dma_start3A_163, %dma_start3A_164] : memref<32x4x40x64xi32, #tpu.memory_space<hbm>> -> memref<1x1x40x64xi32, #tpu.memory_space<hbm>>
      %dma_start3A_166 = tpu.memref_squeeze %dma_start3A_165 : memref<1x1x40x64xi32, #tpu.memory_space<hbm>> -> memref<40x64xi32, #tpu.memory_space<hbm>>
      tpu.enqueue_dma source(%dma_start3A_166 : memref<40x64xi32, #tpu.memory_space<hbm>>) target(%arg7 : memref<40x64xi32, #tpu.memory_space<vmem>>) target_semaphore(%run_scoped3A_158 : memref<!tpu.dma_semaphore, #tpu.memory_space<semaphore_mem>>)
      %dma_wait3A_167 = arith.constant 0 : i32
      %dma_wait3A_168 = arith.constant 0 : i32
      %dma_wait3A_169 = tpu.memref_slice %arg4[%add3A, %run_scoped3A_72, %dma_wait3A_167, %dma_wait3A_168] : memref<32x4x40x64xi32, #tpu.memory_space<hbm>> -> memref<1x1x40x64xi32, #tpu.memory_space<hbm>>
      %dma_wait3A_170 = tpu.memref_squeeze %dma_wait3A_169 : memref<1x1x40x64xi32, #tpu.memory_space<hbm>> -> memref<40x64xi32, #tpu.memory_space<hbm>>
      %dma_wait3A_171 = arith.constant 0 : i32
      %dma_wait3A_172 = arith.constant 0 : i32
      %dma_wait3A_173 = tpu.memref_slice %arg4[%add3A, %run_scoped3A_72, %dma_wait3A_171, %dma_wait3A_172] : memref<32x4x40x64xi32, #tpu.memory_space<hbm>> -> memref<1x1x40x64xi32, #tpu.memory_space<hbm>>
      %dma_wait3A_174 = tpu.memref_squeeze %dma_wait3A_173 : memref<1x1x40x64xi32, #tpu.memory_space<hbm>> -> memref<40x64xi32, #tpu.memory_space<hbm>>
      tpu.wait_dma2 semaphore(%run_scoped3A_158 : memref<!tpu.dma_semaphore, #tpu.memory_space<semaphore_mem>>) src(%dma_wait3A_174 : memref<40x64xi32, #tpu.memory_space<hbm>>) dst(%arg7 : memref<40x64xi32, #tpu.memory_space<vmem>>)
      tpu.yield
    }) : () -> ()
    %dma_start3A_73 = arith.constant 0 : i32
    %dma_start3A_74 = arith.constant 0 : i32
    %dma_start3A_75 = tpu.memref_slice %arg6[%dma_start3A_73, %dma_start3A_74] : memref<40x64xi32, #tpu.memory_space<vmem>> -> memref<1x64xi32, #tpu.memory_space<vmem>>
    %dma_start3A_76 = tpu.memref_squeeze %dma_start3A_75 : memref<1x64xi32, #tpu.memory_space<vmem>> -> memref<64xi32, #tpu.memory_space<vmem>>
    %dma_start3A_77 = arith.constant 0 : i32
    %dma_start3A_78 = arith.constant 0 : i32
    %dma_start3A_79 = tpu.memref_slice %arg2[%dma_start3A_77, %dma_start3A_78] : memref<10240x128xf32, #tpu.memory_space<hbm>> -> memref<10240x128xf32, #tpu.memory_space<hbm>>
    tpu.enqueue_indirect_dma source(%dma_start3A_79 : memref<10240x128xf32, #tpu.memory_space<hbm>>) target(%arg8 : memref<64x128xf32, #tpu.memory_space<vmem>>) offsets(%dma_start3A_76 : memref<64xi32, #tpu.memory_space<vmem>>) semaphore(%arg12 : memref<!tpu.dma_semaphore, #tpu.memory_space<semaphore_mem>>)
    %dma_start3A_80 = arith.constant 1 : i32
    %dma_start3A_81 = arith.constant 0 : i32
    %dma_start3A_82 = tpu.memref_slice %arg6[%dma_start3A_80, %dma_start3A_81] : memref<40x64xi32, #tpu.memory_space<vmem>> -> memref<1x64xi32, #tpu.memory_space<vmem>>
    %dma_start3A_83 = tpu.memref_squeeze %dma_start3A_82 : memref<1x64xi32, #tpu.memory_space<vmem>> -> memref<64xi32, #tpu.memory_space<vmem>>
    %dma_start3A_84 = arith.constant 0 : i32
    %dma_start3A_85 = arith.constant 0 : i32
    %dma_start3A_86 = tpu.memref_slice %arg2[%dma_start3A_84, %dma_start3A_85] : memref<10240x128xf32, #tpu.memory_space<hbm>> -> memref<10240x128xf32, #tpu.memory_space<hbm>>
    tpu.enqueue_indirect_dma source(%dma_start3A_86 : memref<10240x128xf32, #tpu.memory_space<hbm>>) target(%arg9 : memref<64x128xf32, #tpu.memory_space<vmem>>) offsets(%dma_start3A_83 : memref<64xi32, #tpu.memory_space<vmem>>) semaphore(%arg13 : memref<!tpu.dma_semaphore, #tpu.memory_space<semaphore_mem>>)
    %scan3A_87 = arith.constant 0 : i32
    %scan3A_88 = arith.constant 0 : i32
    %scan3A_89 = arith.constant 10 : i32
    %scan3A_90 = arith.addi %scan3A_88, %scan3A_89 : i32
    %scan3A_91 = arith.constant 1 : i32
    scf.for %scan3A_158 = %scan3A_88 to %scan3A_90 step %scan3A_91  : i32 {
      %mul3A_159 = arith.constant 4 : i32
      %mul3A_160 = arith.muli %mul3A_159, %scan3A_158 : i32
      %add3A_161 = arith.constant 0 : i32
      %add3A_162 = arith.addi %mul3A_160, %add3A_161 : i32
      %dma_wait3A_163 = arith.constant 0 : i32
      %dma_wait3A_164 = tpu.memref_slice %arg6[%add3A_162, %dma_wait3A_163] : memref<40x64xi32, #tpu.memory_space<vmem>> -> memref<1x64xi32, #tpu.memory_space<vmem>>
      %dma_wait3A_165 = tpu.memref_squeeze %dma_wait3A_164 : memref<1x64xi32, #tpu.memory_space<vmem>> -> memref<64xi32, #tpu.memory_space<vmem>>
      %dma_wait3A_166 = arith.constant 0 : i32
      %dma_wait3A_167 = arith.constant 0 : i32
      %dma_wait3A_168 = tpu.memref_slice %arg2[%dma_wait3A_166, %dma_wait3A_167] : memref<10240x128xf32, #tpu.memory_space<hbm>> -> memref<10240x128xf32, #tpu.memory_space<hbm>>
      tpu.wait_indirect_dma semaphore(%arg12 : memref<!tpu.dma_semaphore, #tpu.memory_space<semaphore_mem>>) src(%dma_wait3A_168 : memref<10240x128xf32, #tpu.memory_space<hbm>>) dst(%arg8 : memref<64x128xf32, #tpu.memory_space<vmem>>)
      %dma_start3A_169 = arith.constant 0 : i32
      %dma_start3A_170 = tpu.memref_slice %arg7[%add3A_162, %dma_start3A_169] : memref<40x64xi32, #tpu.memory_space<vmem>> -> memref<1x64xi32, #tpu.memory_space<vmem>>
      %dma_start3A_171 = tpu.memref_squeeze %dma_start3A_170 : memref<1x64xi32, #tpu.memory_space<vmem>> -> memref<64xi32, #tpu.memory_space<vmem>>
      %dma_start3A_172 = arith.constant 0 : i32
      %dma_start3A_173 = arith.constant 0 : i32
      %dma_start3A_174 = tpu.memref_slice %arg20[%dma_start3A_172, %dma_start3A_173] : memref<10240x128xf32, #tpu.memory_space<vmem_shared>> -> memref<10240x128xf32, #tpu.memory_space<vmem_shared>>
      tpu.enqueue_indirect_dma source(%arg8 : memref<64x128xf32, #tpu.memory_space<vmem>>) target(%dma_start3A_174 : memref<10240x128xf32, #tpu.memory_space<vmem_shared>>) offsets(%dma_start3A_171 : memref<64xi32, #tpu.memory_space<vmem>>) semaphore(%arg16 : memref<!tpu.dma_semaphore, #tpu.memory_space<semaphore_mem>>) {add = true}
      %add3A_175 = arith.constant 2 : i32
      %add3A_176 = arith.addi %add3A_162, %add3A_175 : i32
      %lt3A = arith.constant 40 : i32
      %lt3A_177 = arith.cmpi slt, %add3A_176, %lt3A : i32
      %convert_element_type3A = arith.extui %lt3A_177 : i1 to i32
      %cond3A = arith.constant 0 : i32
      %cond3A_178 = arith.cmpi ne, %convert_element_type3A, %cond3A : i32
      scf.if %cond3A_178 {
        %dma_wait3A_248 = arith.constant 0 : i32
        %dma_wait3A_249 = arith.constant 0 : i32
        %dma_wait3A_250 = tpu.memref_slice %arg7[%dma_wait3A_248, %dma_wait3A_249] : memref<40x64xi32, #tpu.memory_space<vmem>> -> memref<1x64xi32, #tpu.memory_space<vmem>>
        %dma_wait3A_251 = tpu.memref_squeeze %dma_wait3A_250 : memref<1x64xi32, #tpu.memory_space<vmem>> -> memref<64xi32, #tpu.memory_space<vmem>>
        %dma_wait3A_252 = arith.constant 0 : i32
        %dma_wait3A_253 = arith.constant 0 : i32
        %dma_wait3A_254 = tpu.memref_slice %arg20[%dma_wait3A_252, %dma_wait3A_253] : memref<10240x128xf32, #tpu.memory_space<vmem_shared>> -> memref<10240x128xf32, #tpu.memory_space<vmem_shared>>
        tpu.wait_indirect_dma semaphore(%arg18 : memref<!tpu.dma_semaphore, #tpu.memory_space<semaphore_mem>>) src(%arg10 : memref<64x128xf32, #tpu.memory_space<vmem>>) dst(%dma_wait3A_254 : memref<10240x128xf32, #tpu.memory_space<vmem_shared>>)
        %add3A_255 = arith.constant 2 : i32
        %add3A_256 = arith.addi %add3A_162, %add3A_255 : i32
        %dma_start3A_257 = arith.constant 0 : i32
        %dma_start3A_258 = tpu.memref_slice %arg6[%add3A_256, %dma_start3A_257] : memref<40x64xi32, #tpu.memory_space<vmem>> -> memref<1x64xi32, #tpu.memory_space<vmem>>
        %dma_start3A_259 = tpu.memref_squeeze %dma_start3A_258 : memref<1x64xi32, #tpu.memory_space<vmem>> -> memref<64xi32, #tpu.memory_space<vmem>>
        %dma_start3A_260 = arith.constant 0 : i32
        %dma_start3A_261 = arith.constant 0 : i32
        %dma_start3A_262 = tpu.memref_slice %arg2[%dma_start3A_260, %dma_start3A_261] : memref<10240x128xf32, #tpu.memory_space<hbm>> -> memref<10240x128xf32, #tpu.memory_space<hbm>>
        tpu.enqueue_indirect_dma source(%dma_start3A_262 : memref<10240x128xf32, #tpu.memory_space<hbm>>) target(%arg10 : memref<64x128xf32, #tpu.memory_space<vmem>>) offsets(%dma_start3A_259 : memref<64xi32, #tpu.memory_space<vmem>>) semaphore(%arg14 : memref<!tpu.dma_semaphore, #tpu.memory_space<semaphore_mem>>)
      } else {
      }
      %mul3A_179 = arith.constant 4 : i32
      %mul3A_180 = arith.muli %mul3A_179, %scan3A_158 : i32
      %add3A_181 = arith.constant 1 : i32
      %add3A_182 = arith.addi %mul3A_180, %add3A_181 : i32
      %dma_wait3A_183 = arith.constant 0 : i32
      %dma_wait3A_184 = tpu.memref_slice %arg6[%add3A_182, %dma_wait3A_183] : memref<40x64xi32, #tpu.memory_space<vmem>> -> memref<1x64xi32, #tpu.memory_space<vmem>>
      %dma_wait3A_185 = tpu.memref_squeeze %dma_wait3A_184 : memref<1x64xi32, #tpu.memory_space<vmem>> -> memref<64xi32, #tpu.memory_space<vmem>>
      %dma_wait3A_186 = arith.constant 0 : i32
      %dma_wait3A_187 = arith.constant 0 : i32
      %dma_wait3A_188 = tpu.memref_slice %arg2[%dma_wait3A_186, %dma_wait3A_187] : memref<10240x128xf32, #tpu.memory_space<hbm>> -> memref<10240x128xf32, #tpu.memory_space<hbm>>
      tpu.wait_indirect_dma semaphore(%arg13 : memref<!tpu.dma_semaphore, #tpu.memory_space<semaphore_mem>>) src(%dma_wait3A_188 : memref<10240x128xf32, #tpu.memory_space<hbm>>) dst(%arg9 : memref<64x128xf32, #tpu.memory_space<vmem>>)
      %dma_start3A_189 = arith.constant 0 : i32
      %dma_start3A_190 = tpu.memref_slice %arg7[%add3A_182, %dma_start3A_189] : memref<40x64xi32, #tpu.memory_space<vmem>> -> memref<1x64xi32, #tpu.memory_space<vmem>>
      %dma_start3A_191 = tpu.memref_squeeze %dma_start3A_190 : memref<1x64xi32, #tpu.memory_space<vmem>> -> memref<64xi32, #tpu.memory_space<vmem>>
      %dma_start3A_192 = arith.constant 0 : i32
      %dma_start3A_193 = arith.constant 0 : i32
      %dma_start3A_194 = tpu.memref_slice %arg20[%dma_start3A_192, %dma_start3A_193] : memref<10240x128xf32, #tpu.memory_space<vmem_shared>> -> memref<10240x128xf32, #tpu.memory_space<vmem_shared>>
      tpu.enqueue_indirect_dma source(%arg9 : memref<64x128xf32, #tpu.memory_space<vmem>>) target(%dma_start3A_194 : memref<10240x128xf32, #tpu.memory_space<vmem_shared>>) offsets(%dma_start3A_191 : memref<64xi32, #tpu.memory_space<vmem>>) semaphore(%arg17 : memref<!tpu.dma_semaphore, #tpu.memory_space<semaphore_mem>>) {add = true}
      %add3A_195 = arith.constant 2 : i32
      %add3A_196 = arith.addi %add3A_182, %add3A_195 : i32
      %lt3A_197 = arith.constant 40 : i32
      %lt3A_198 = arith.cmpi slt, %add3A_196, %lt3A_197 : i32
      %convert_element_type3A_199 = arith.extui %lt3A_198 : i1 to i32
      %cond3A_200 = arith.constant 0 : i32
      %cond3A_201 = arith.cmpi ne, %convert_element_type3A_199, %cond3A_200 : i32
      scf.if %cond3A_201 {
        %dma_wait3A_248 = arith.constant 0 : i32
        %dma_wait3A_249 = arith.constant 0 : i32
        %dma_wait3A_250 = tpu.memref_slice %arg7[%dma_wait3A_248, %dma_wait3A_249] : memref<40x64xi32, #tpu.memory_space<vmem>> -> memref<1x64xi32, #tpu.memory_space<vmem>>
        %dma_wait3A_251 = tpu.memref_squeeze %dma_wait3A_250 : memref<1x64xi32, #tpu.memory_space<vmem>> -> memref<64xi32, #tpu.memory_space<vmem>>
        %dma_wait3A_252 = arith.constant 0 : i32
        %dma_wait3A_253 = arith.constant 0 : i32
        %dma_wait3A_254 = tpu.memref_slice %arg20[%dma_wait3A_252, %dma_wait3A_253] : memref<10240x128xf32, #tpu.memory_space<vmem_shared>> -> memref<10240x128xf32, #tpu.memory_space<vmem_shared>>
        tpu.wait_indirect_dma semaphore(%arg19 : memref<!tpu.dma_semaphore, #tpu.memory_space<semaphore_mem>>) src(%arg11 : memref<64x128xf32, #tpu.memory_space<vmem>>) dst(%dma_wait3A_254 : memref<10240x128xf32, #tpu.memory_space<vmem_shared>>)
        %add3A_255 = arith.constant 2 : i32
        %add3A_256 = arith.addi %add3A_182, %add3A_255 : i32
        %dma_start3A_257 = arith.constant 0 : i32
        %dma_start3A_258 = tpu.memref_slice %arg6[%add3A_256, %dma_start3A_257] : memref<40x64xi32, #tpu.memory_space<vmem>> -> memref<1x64xi32, #tpu.memory_space<vmem>>
        %dma_start3A_259 = tpu.memref_squeeze %dma_start3A_258 : memref<1x64xi32, #tpu.memory_space<vmem>> -> memref<64xi32, #tpu.memory_space<vmem>>
        %dma_start3A_260 = arith.constant 0 : i32
        %dma_start3A_261 = arith.constant 0 : i32
        %dma_start3A_262 = tpu.memref_slice %arg2[%dma_start3A_260, %dma_start3A_261] : memref<10240x128xf32, #tpu.memory_space<hbm>> -> memref<10240x128xf32, #tpu.memory_space<hbm>>
        tpu.enqueue_indirect_dma source(%dma_start3A_262 : memref<10240x128xf32, #tpu.memory_space<hbm>>) target(%arg11 : memref<64x128xf32, #tpu.memory_space<vmem>>) offsets(%dma_start3A_259 : memref<64xi32, #tpu.memory_space<vmem>>) semaphore(%arg15 : memref<!tpu.dma_semaphore, #tpu.memory_space<semaphore_mem>>)
      } else {
      }
      %mul3A_202 = arith.constant 4 : i32
      %mul3A_203 = arith.muli %mul3A_202, %scan3A_158 : i32
      %add3A_204 = arith.constant 2 : i32
      %add3A_205 = arith.addi %mul3A_203, %add3A_204 : i32
      %dma_wait3A_206 = arith.constant 0 : i32
      %dma_wait3A_207 = tpu.memref_slice %arg6[%add3A_205, %dma_wait3A_206] : memref<40x64xi32, #tpu.memory_space<vmem>> -> memref<1x64xi32, #tpu.memory_space<vmem>>
      %dma_wait3A_208 = tpu.memref_squeeze %dma_wait3A_207 : memref<1x64xi32, #tpu.memory_space<vmem>> -> memref<64xi32, #tpu.memory_space<vmem>>
      %dma_wait3A_209 = arith.constant 0 : i32
      %dma_wait3A_210 = arith.constant 0 : i32
      %dma_wait3A_211 = tpu.memref_slice %arg2[%dma_wait3A_209, %dma_wait3A_210] : memref<10240x128xf32, #tpu.memory_space<hbm>> -> memref<10240x128xf32, #tpu.memory_space<hbm>>
      tpu.wait_indirect_dma semaphore(%arg14 : memref<!tpu.dma_semaphore, #tpu.memory_space<semaphore_mem>>) src(%dma_wait3A_211 : memref<10240x128xf32, #tpu.memory_space<hbm>>) dst(%arg10 : memref<64x128xf32, #tpu.memory_space<vmem>>)
      %dma_start3A_212 = arith.constant 0 : i32
      %dma_start3A_213 = tpu.memref_slice %arg7[%add3A_205, %dma_start3A_212] : memref<40x64xi32, #tpu.memory_space<vmem>> -> memref<1x64xi32, #tpu.memory_space<vmem>>
      %dma_start3A_214 = tpu.memref_squeeze %dma_start3A_213 : memref<1x64xi32, #tpu.memory_space<vmem>> -> memref<64xi32, #tpu.memory_space<vmem>>
      %dma_start3A_215 = arith.constant 0 : i32
      %dma_start3A_216 = arith.constant 0 : i32
      %dma_start3A_217 = tpu.memref_slice %arg20[%dma_start3A_215, %dma_start3A_216] : memref<10240x128xf32, #tpu.memory_space<vmem_shared>> -> memref<10240x128xf32, #tpu.memory_space<vmem_shared>>
      tpu.enqueue_indirect_dma source(%arg10 : memref<64x128xf32, #tpu.memory_space<vmem>>) target(%dma_start3A_217 : memref<10240x128xf32, #tpu.memory_space<vmem_shared>>) offsets(%dma_start3A_214 : memref<64xi32, #tpu.memory_space<vmem>>) semaphore(%arg18 : memref<!tpu.dma_semaphore, #tpu.memory_space<semaphore_mem>>) {add = true}
      %add3A_218 = arith.constant 2 : i32
      %add3A_219 = arith.addi %add3A_205, %add3A_218 : i32
      %lt3A_220 = arith.constant 40 : i32
      %lt3A_221 = arith.cmpi slt, %add3A_219, %lt3A_220 : i32
      %convert_element_type3A_222 = arith.extui %lt3A_221 : i1 to i32
      %cond3A_223 = arith.constant 0 : i32
      %cond3A_224 = arith.cmpi ne, %convert_element_type3A_222, %cond3A_223 : i32
      scf.if %cond3A_224 {
        %dma_wait3A_248 = arith.constant 0 : i32
        %dma_wait3A_249 = arith.constant 0 : i32
        %dma_wait3A_250 = tpu.memref_slice %arg7[%dma_wait3A_248, %dma_wait3A_249] : memref<40x64xi32, #tpu.memory_space<vmem>> -> memref<1x64xi32, #tpu.memory_space<vmem>>
        %dma_wait3A_251 = tpu.memref_squeeze %dma_wait3A_250 : memref<1x64xi32, #tpu.memory_space<vmem>> -> memref<64xi32, #tpu.memory_space<vmem>>
        %dma_wait3A_252 = arith.constant 0 : i32
        %dma_wait3A_253 = arith.constant 0 : i32
        %dma_wait3A_254 = tpu.memref_slice %arg20[%dma_wait3A_252, %dma_wait3A_253] : memref<10240x128xf32, #tpu.memory_space<vmem_shared>> -> memref<10240x128xf32, #tpu.memory_space<vmem_shared>>
        tpu.wait_indirect_dma semaphore(%arg16 : memref<!tpu.dma_semaphore, #tpu.memory_space<semaphore_mem>>) src(%arg8 : memref<64x128xf32, #tpu.memory_space<vmem>>) dst(%dma_wait3A_254 : memref<10240x128xf32, #tpu.memory_space<vmem_shared>>)
        %add3A_255 = arith.constant 2 : i32
        %add3A_256 = arith.addi %add3A_205, %add3A_255 : i32
        %dma_start3A_257 = arith.constant 0 : i32
        %dma_start3A_258 = tpu.memref_slice %arg6[%add3A_256, %dma_start3A_257] : memref<40x64xi32, #tpu.memory_space<vmem>> -> memref<1x64xi32, #tpu.memory_space<vmem>>
        %dma_start3A_259 = tpu.memref_squeeze %dma_start3A_258 : memref<1x64xi32, #tpu.memory_space<vmem>> -> memref<64xi32, #tpu.memory_space<vmem>>
        %dma_start3A_260 = arith.constant 0 : i32
        %dma_start3A_261 = arith.constant 0 : i32
        %dma_start3A_262 = tpu.memref_slice %arg2[%dma_start3A_260, %dma_start3A_261] : memref<10240x128xf32, #tpu.memory_space<hbm>> -> memref<10240x128xf32, #tpu.memory_space<hbm>>
        tpu.enqueue_indirect_dma source(%dma_start3A_262 : memref<10240x128xf32, #tpu.memory_space<hbm>>) target(%arg8 : memref<64x128xf32, #tpu.memory_space<vmem>>) offsets(%dma_start3A_259 : memref<64xi32, #tpu.memory_space<vmem>>) semaphore(%arg12 : memref<!tpu.dma_semaphore, #tpu.memory_space<semaphore_mem>>)
      } else {
      }
      %mul3A_225 = arith.constant 4 : i32
      %mul3A_226 = arith.muli %mul3A_225, %scan3A_158 : i32
      %add3A_227 = arith.constant 3 : i32
      %add3A_228 = arith.addi %mul3A_226, %add3A_227 : i32
      %dma_wait3A_229 = arith.constant 0 : i32
      %dma_wait3A_230 = tpu.memref_slice %arg6[%add3A_228, %dma_wait3A_229] : memref<40x64xi32, #tpu.memory_space<vmem>> -> memref<1x64xi32, #tpu.memory_space<vmem>>
      %dma_wait3A_231 = tpu.memref_squeeze %dma_wait3A_230 : memref<1x64xi32, #tpu.memory_space<vmem>> -> memref<64xi32, #tpu.memory_space<vmem>>
      %dma_wait3A_232 = arith.constant 0 : i32
      %dma_wait3A_233 = arith.constant 0 : i32
      %dma_wait3A_234 = tpu.memref_slice %arg2[%dma_wait3A_232, %dma_wait3A_233] : memref<10240x128xf32, #tpu.memory_space<hbm>> -> memref<10240x128xf32, #tpu.memory_space<hbm>>
      tpu.wait_indirect_dma semaphore(%arg15 : memref<!tpu.dma_semaphore, #tpu.memory_space<semaphore_mem>>) src(%dma_wait3A_234 : memref<10240x128xf32, #tpu.memory_space<hbm>>) dst(%arg11 : memref<64x128xf32, #tpu.memory_space<vmem>>)
      %dma_start3A_235 = arith.constant 0 : i32
      %dma_start3A_236 = tpu.memref_slice %arg7[%add3A_228, %dma_start3A_235] : memref<40x64xi32, #tpu.memory_space<vmem>> -> memref<1x64xi32, #tpu.memory_space<vmem>>
      %dma_start3A_237 = tpu.memref_squeeze %dma_start3A_236 : memref<1x64xi32, #tpu.memory_space<vmem>> -> memref<64xi32, #tpu.memory_space<vmem>>
      %dma_start3A_238 = arith.constant 0 : i32
      %dma_start3A_239 = arith.constant 0 : i32
      %dma_start3A_240 = tpu.memref_slice %arg20[%dma_start3A_238, %dma_start3A_239] : memref<10240x128xf32, #tpu.memory_space<vmem_shared>> -> memref<10240x128xf32, #tpu.memory_space<vmem_shared>>
      tpu.enqueue_indirect_dma source(%arg11 : memref<64x128xf32, #tpu.memory_space<vmem>>) target(%dma_start3A_240 : memref<10240x128xf32, #tpu.memory_space<vmem_shared>>) offsets(%dma_start3A_237 : memref<64xi32, #tpu.memory_space<vmem>>) semaphore(%arg19 : memref<!tpu.dma_semaphore, #tpu.memory_space<semaphore_mem>>) {add = true}
      %add3A_241 = arith.constant 2 : i32
      %add3A_242 = arith.addi %add3A_228, %add3A_241 : i32
      %lt3A_243 = arith.constant 40 : i32
      %lt3A_244 = arith.cmpi slt, %add3A_242, %lt3A_243 : i32
      %convert_element_type3A_245 = arith.extui %lt3A_244 : i1 to i32
      %cond3A_246 = arith.constant 0 : i32
      %cond3A_247 = arith.cmpi ne, %convert_element_type3A_245, %cond3A_246 : i32
      scf.if %cond3A_247 {
        %dma_wait3A_248 = arith.constant 0 : i32
        %dma_wait3A_249 = arith.constant 0 : i32
        %dma_wait3A_250 = tpu.memref_slice %arg7[%dma_wait3A_248, %dma_wait3A_249] : memref<40x64xi32, #tpu.memory_space<vmem>> -> memref<1x64xi32, #tpu.memory_space<vmem>>
        %dma_wait3A_251 = tpu.memref_squeeze %dma_wait3A_250 : memref<1x64xi32, #tpu.memory_space<vmem>> -> memref<64xi32, #tpu.memory_space<vmem>>
        %dma_wait3A_252 = arith.constant 0 : i32
        %dma_wait3A_253 = arith.constant 0 : i32
        %dma_wait3A_254 = tpu.memref_slice %arg20[%dma_wait3A_252, %dma_wait3A_253] : memref<10240x128xf32, #tpu.memory_space<vmem_shared>> -> memref<10240x128xf32, #tpu.memory_space<vmem_shared>>
        tpu.wait_indirect_dma semaphore(%arg17 : memref<!tpu.dma_semaphore, #tpu.memory_space<semaphore_mem>>) src(%arg9 : memref<64x128xf32, #tpu.memory_space<vmem>>) dst(%dma_wait3A_254 : memref<10240x128xf32, #tpu.memory_space<vmem_shared>>)
        %add3A_255 = arith.constant 2 : i32
        %add3A_256 = arith.addi %add3A_228, %add3A_255 : i32
        %dma_start3A_257 = arith.constant 0 : i32
        %dma_start3A_258 = tpu.memref_slice %arg6[%add3A_256, %dma_start3A_257] : memref<40x64xi32, #tpu.memory_space<vmem>> -> memref<1x64xi32, #tpu.memory_space<vmem>>
        %dma_start3A_259 = tpu.memref_squeeze %dma_start3A_258 : memref<1x64xi32, #tpu.memory_space<vmem>> -> memref<64xi32, #tpu.memory_space<vmem>>
        %dma_start3A_260 = arith.constant 0 : i32
        %dma_start3A_261 = arith.constant 0 : i32
        %dma_start3A_262 = tpu.memref_slice %arg2[%dma_start3A_260, %dma_start3A_261] : memref<10240x128xf32, #tpu.memory_space<hbm>> -> memref<10240x128xf32, #tpu.memory_space<hbm>>
        tpu.enqueue_indirect_dma source(%dma_start3A_262 : memref<10240x128xf32, #tpu.memory_space<hbm>>) target(%arg9 : memref<64x128xf32, #tpu.memory_space<vmem>>) offsets(%dma_start3A_259 : memref<64xi32, #tpu.memory_space<vmem>>) semaphore(%arg13 : memref<!tpu.dma_semaphore, #tpu.memory_space<semaphore_mem>>)
      } else {
      }
    }
    %scan3A_92 = arith.constant 10 : i32
    %dma_wait3A_93 = arith.constant 0 : i32
    %dma_wait3A_94 = arith.constant 0 : i32
    %dma_wait3A_95 = tpu.memref_slice %arg7[%dma_wait3A_93, %dma_wait3A_94] : memref<40x64xi32, #tpu.memory_space<vmem>> -> memref<1x64xi32, #tpu.memory_space<vmem>>
    %dma_wait3A_96 = tpu.memref_squeeze %dma_wait3A_95 : memref<1x64xi32, #tpu.memory_space<vmem>> -> memref<64xi32, #tpu.memory_space<vmem>>
    %dma_wait3A_97 = arith.constant 0 : i32
    %dma_wait3A_98 = arith.constant 0 : i32
    %dma_wait3A_99 = tpu.memref_slice %arg20[%dma_wait3A_97, %dma_wait3A_98] : memref<10240x128xf32, #tpu.memory_space<vmem_shared>> -> memref<10240x128xf32, #tpu.memory_space<vmem_shared>>
    tpu.wait_indirect_dma semaphore(%arg16 : memref<!tpu.dma_semaphore, #tpu.memory_space<semaphore_mem>>) src(%arg8 : memref<64x128xf32, #tpu.memory_space<vmem>>) dst(%dma_wait3A_99 : memref<10240x128xf32, #tpu.memory_space<vmem_shared>>)
    %dma_wait3A_100 = arith.constant 0 : i32
    %dma_wait3A_101 = arith.constant 0 : i32
    %dma_wait3A_102 = tpu.memref_slice %arg7[%dma_wait3A_100, %dma_wait3A_101] : memref<40x64xi32, #tpu.memory_space<vmem>> -> memref<1x64xi32, #tpu.memory_space<vmem>>
    %dma_wait3A_103 = tpu.memref_squeeze %dma_wait3A_102 : memref<1x64xi32, #tpu.memory_space<vmem>> -> memref<64xi32, #tpu.memory_space<vmem>>
    %dma_wait3A_104 = arith.constant 0 : i32
    %dma_wait3A_105 = arith.constant 0 : i32
    %dma_wait3A_106 = tpu.memref_slice %arg20[%dma_wait3A_104, %dma_wait3A_105] : memref<10240x128xf32, #tpu.memory_space<vmem_shared>> -> memref<10240x128xf32, #tpu.memory_space<vmem_shared>>
    tpu.wait_indirect_dma semaphore(%arg17 : memref<!tpu.dma_semaphore, #tpu.memory_space<semaphore_mem>>) src(%arg9 : memref<64x128xf32, #tpu.memory_space<vmem>>) dst(%dma_wait3A_106 : memref<10240x128xf32, #tpu.memory_space<vmem_shared>>)
    %run_scoped3A_107 = arith.constant 3 : i32
    "tpu.region"() ({
      %run_scoped3A_158 = tpu.sem_alloc : memref<!tpu.dma_semaphore, #tpu.memory_space<semaphore_mem>>
      %dma_start3A_159 = arith.constant 0 : i32
      %dma_start3A_160 = arith.constant 0 : i32
      %dma_start3A_161 = tpu.memref_slice %arg3[%add3A, %run_scoped3A_107, %dma_start3A_159, %dma_start3A_160] : memref<32x4x40x64xi32, #tpu.memory_space<hbm>> -> memref<1x1x40x64xi32, #tpu.memory_space<hbm>>
      %dma_start3A_162 = tpu.memref_squeeze %dma_start3A_161 : memref<1x1x40x64xi32, #tpu.memory_space<hbm>> -> memref<40x64xi32, #tpu.memory_space<hbm>>
      %dma_start3A_163 = arith.constant 0 : i32
      %dma_start3A_164 = arith.constant 0 : i32
      %dma_start3A_165 = tpu.memref_slice %arg3[%add3A, %run_scoped3A_107, %dma_start3A_163, %dma_start3A_164] : memref<32x4x40x64xi32, #tpu.memory_space<hbm>> -> memref<1x1x40x64xi32, #tpu.memory_space<hbm>>
      %dma_start3A_166 = tpu.memref_squeeze %dma_start3A_165 : memref<1x1x40x64xi32, #tpu.memory_space<hbm>> -> memref<40x64xi32, #tpu.memory_space<hbm>>
      tpu.enqueue_dma source(%dma_start3A_166 : memref<40x64xi32, #tpu.memory_space<hbm>>) target(%arg6 : memref<40x64xi32, #tpu.memory_space<vmem>>) target_semaphore(%run_scoped3A_158 : memref<!tpu.dma_semaphore, #tpu.memory_space<semaphore_mem>>)
      %dma_wait3A_167 = arith.constant 0 : i32
      %dma_wait3A_168 = arith.constant 0 : i32
      %dma_wait3A_169 = tpu.memref_slice %arg3[%add3A, %run_scoped3A_107, %dma_wait3A_167, %dma_wait3A_168] : memref<32x4x40x64xi32, #tpu.memory_space<hbm>> -> memref<1x1x40x64xi32, #tpu.memory_space<hbm>>
      %dma_wait3A_170 = tpu.memref_squeeze %dma_wait3A_169 : memref<1x1x40x64xi32, #tpu.memory_space<hbm>> -> memref<40x64xi32, #tpu.memory_space<hbm>>
      %dma_wait3A_171 = arith.constant 0 : i32
      %dma_wait3A_172 = arith.constant 0 : i32
      %dma_wait3A_173 = tpu.memref_slice %arg3[%add3A, %run_scoped3A_107, %dma_wait3A_171, %dma_wait3A_172] : memref<32x4x40x64xi32, #tpu.memory_space<hbm>> -> memref<1x1x40x64xi32, #tpu.memory_space<hbm>>
      %dma_wait3A_174 = tpu.memref_squeeze %dma_wait3A_173 : memref<1x1x40x64xi32, #tpu.memory_space<hbm>> -> memref<40x64xi32, #tpu.memory_space<hbm>>
      tpu.wait_dma2 semaphore(%run_scoped3A_158 : memref<!tpu.dma_semaphore, #tpu.memory_space<semaphore_mem>>) src(%dma_wait3A_174 : memref<40x64xi32, #tpu.memory_space<hbm>>) dst(%arg6 : memref<40x64xi32, #tpu.memory_space<vmem>>)
      tpu.yield
    }) : () -> ()
    %run_scoped3A_108 = arith.constant 3 : i32
    "tpu.region"() ({
      %run_scoped3A_158 = tpu.sem_alloc : memref<!tpu.dma_semaphore, #tpu.memory_space<semaphore_mem>>
      %dma_start3A_159 = arith.constant 0 : i32
      %dma_start3A_160 = arith.constant 0 : i32
      %dma_start3A_161 = tpu.memref_slice %arg4[%add3A, %run_scoped3A_108, %dma_start3A_159, %dma_start3A_160] : memref<32x4x40x64xi32, #tpu.memory_space<hbm>> -> memref<1x1x40x64xi32, #tpu.memory_space<hbm>>
      %dma_start3A_162 = tpu.memref_squeeze %dma_start3A_161 : memref<1x1x40x64xi32, #tpu.memory_space<hbm>> -> memref<40x64xi32, #tpu.memory_space<hbm>>
      %dma_start3A_163 = arith.constant 0 : i32
      %dma_start3A_164 = arith.constant 0 : i32
      %dma_start3A_165 = tpu.memref_slice %arg4[%add3A, %run_scoped3A_108, %dma_start3A_163, %dma_start3A_164] : memref<32x4x40x64xi32, #tpu.memory_space<hbm>> -> memref<1x1x40x64xi32, #tpu.memory_space<hbm>>
      %dma_start3A_166 = tpu.memref_squeeze %dma_start3A_165 : memref<1x1x40x64xi32, #tpu.memory_space<hbm>> -> memref<40x64xi32, #tpu.memory_space<hbm>>
      tpu.enqueue_dma source(%dma_start3A_166 : memref<40x64xi32, #tpu.memory_space<hbm>>) target(%arg7 : memref<40x64xi32, #tpu.memory_space<vmem>>) target_semaphore(%run_scoped3A_158 : memref<!tpu.dma_semaphore, #tpu.memory_space<semaphore_mem>>)
      %dma_wait3A_167 = arith.constant 0 : i32
      %dma_wait3A_168 = arith.constant 0 : i32
      %dma_wait3A_169 = tpu.memref_slice %arg4[%add3A, %run_scoped3A_108, %dma_wait3A_167, %dma_wait3A_168] : memref<32x4x40x64xi32, #tpu.memory_space<hbm>> -> memref<1x1x40x64xi32, #tpu.memory_space<hbm>>
      %dma_wait3A_170 = tpu.memref_squeeze %dma_wait3A_169 : memref<1x1x40x64xi32, #tpu.memory_space<hbm>> -> memref<40x64xi32, #tpu.memory_space<hbm>>
      %dma_wait3A_171 = arith.constant 0 : i32
      %dma_wait3A_172 = arith.constant 0 : i32
      %dma_wait3A_173 = tpu.memref_slice %arg4[%add3A, %run_scoped3A_108, %dma_wait3A_171, %dma_wait3A_172] : memref<32x4x40x64xi32, #tpu.memory_space<hbm>> -> memref<1x1x40x64xi32, #tpu.memory_space<hbm>>
      %dma_wait3A_174 = tpu.memref_squeeze %dma_wait3A_173 : memref<1x1x40x64xi32, #tpu.memory_space<hbm>> -> memref<40x64xi32, #tpu.memory_space<hbm>>
      tpu.wait_dma2 semaphore(%run_scoped3A_158 : memref<!tpu.dma_semaphore, #tpu.memory_space<semaphore_mem>>) src(%dma_wait3A_174 : memref<40x64xi32, #tpu.memory_space<hbm>>) dst(%arg7 : memref<40x64xi32, #tpu.memory_space<vmem>>)
      tpu.yield
    }) : () -> ()
    %dma_start3A_109 = arith.constant 0 : i32
    %dma_start3A_110 = arith.constant 0 : i32
    %dma_start3A_111 = tpu.memref_slice %arg6[%dma_start3A_109, %dma_start3A_110] : memref<40x64xi32, #tpu.memory_space<vmem>> -> memref<1x64xi32, #tpu.memory_space<vmem>>
    %dma_start3A_112 = tpu.memref_squeeze %dma_start3A_111 : memref<1x64xi32, #tpu.memory_space<vmem>> -> memref<64xi32, #tpu.memory_space<vmem>>
    %dma_start3A_113 = arith.constant 0 : i32
    %dma_start3A_114 = arith.constant 0 : i32
    %dma_start3A_115 = tpu.memref_slice %arg2[%dma_start3A_113, %dma_start3A_114] : memref<10240x128xf32, #tpu.memory_space<hbm>> -> memref<10240x128xf32, #tpu.memory_space<hbm>>
    tpu.enqueue_indirect_dma source(%dma_start3A_115 : memref<10240x128xf32, #tpu.memory_space<hbm>>) target(%arg8 : memref<64x128xf32, #tpu.memory_space<vmem>>) offsets(%dma_start3A_112 : memref<64xi32, #tpu.memory_space<vmem>>) semaphore(%arg12 : memref<!tpu.dma_semaphore, #tpu.memory_space<semaphore_mem>>)
    %dma_start3A_116 = arith.constant 1 : i32
    %dma_start3A_117 = arith.constant 0 : i32
    %dma_start3A_118 = tpu.memref_slice %arg6[%dma_start3A_116, %dma_start3A_117] : memref<40x64xi32, #tpu.memory_space<vmem>> -> memref<1x64xi32, #tpu.memory_space<vmem>>
    %dma_start3A_119 = tpu.memref_squeeze %dma_start3A_118 : memref<1x64xi32, #tpu.memory_space<vmem>> -> memref<64xi32, #tpu.memory_space<vmem>>
    %dma_start3A_120 = arith.constant 0 : i32
    %dma_start3A_121 = arith.constant 0 : i32
    %dma_start3A_122 = tpu.memref_slice %arg2[%dma_start3A_120, %dma_start3A_121] : memref<10240x128xf32, #tpu.memory_space<hbm>> -> memref<10240x128xf32, #tpu.memory_space<hbm>>
    tpu.enqueue_indirect_dma source(%dma_start3A_122 : memref<10240x128xf32, #tpu.memory_space<hbm>>) target(%arg9 : memref<64x128xf32, #tpu.memory_space<vmem>>) offsets(%dma_start3A_119 : memref<64xi32, #tpu.memory_space<vmem>>) semaphore(%arg13 : memref<!tpu.dma_semaphore, #tpu.memory_space<semaphore_mem>>)
    %scan3A_123 = arith.constant 0 : i32
    %scan3A_124 = arith.constant 0 : i32
    %scan3A_125 = arith.constant 10 : i32
    %scan3A_126 = arith.addi %scan3A_124, %scan3A_125 : i32
    %scan3A_127 = arith.constant 1 : i32
    scf.for %scan3A_158 = %scan3A_124 to %scan3A_126 step %scan3A_127  : i32 {
      %mul3A_159 = arith.constant 4 : i32
      %mul3A_160 = arith.muli %mul3A_159, %scan3A_158 : i32
      %add3A_161 = arith.constant 0 : i32
      %add3A_162 = arith.addi %mul3A_160, %add3A_161 : i32
      %dma_wait3A_163 = arith.constant 0 : i32
      %dma_wait3A_164 = tpu.memref_slice %arg6[%add3A_162, %dma_wait3A_163] : memref<40x64xi32, #tpu.memory_space<vmem>> -> memref<1x64xi32, #tpu.memory_space<vmem>>
      %dma_wait3A_165 = tpu.memref_squeeze %dma_wait3A_164 : memref<1x64xi32, #tpu.memory_space<vmem>> -> memref<64xi32, #tpu.memory_space<vmem>>
      %dma_wait3A_166 = arith.constant 0 : i32
      %dma_wait3A_167 = arith.constant 0 : i32
      %dma_wait3A_168 = tpu.memref_slice %arg2[%dma_wait3A_166, %dma_wait3A_167] : memref<10240x128xf32, #tpu.memory_space<hbm>> -> memref<10240x128xf32, #tpu.memory_space<hbm>>
      tpu.wait_indirect_dma semaphore(%arg12 : memref<!tpu.dma_semaphore, #tpu.memory_space<semaphore_mem>>) src(%dma_wait3A_168 : memref<10240x128xf32, #tpu.memory_space<hbm>>) dst(%arg8 : memref<64x128xf32, #tpu.memory_space<vmem>>)
      %dma_start3A_169 = arith.constant 0 : i32
      %dma_start3A_170 = tpu.memref_slice %arg7[%add3A_162, %dma_start3A_169] : memref<40x64xi32, #tpu.memory_space<vmem>> -> memref<1x64xi32, #tpu.memory_space<vmem>>
      %dma_start3A_171 = tpu.memref_squeeze %dma_start3A_170 : memref<1x64xi32, #tpu.memory_space<vmem>> -> memref<64xi32, #tpu.memory_space<vmem>>
      %dma_start3A_172 = arith.constant 0 : i32
      %dma_start3A_173 = arith.constant 0 : i32
      %dma_start3A_174 = tpu.memref_slice %arg20[%dma_start3A_172, %dma_start3A_173] : memref<10240x128xf32, #tpu.memory_space<vmem_shared>> -> memref<10240x128xf32, #tpu.memory_space<vmem_shared>>
      tpu.enqueue_indirect_dma source(%arg8 : memref<64x128xf32, #tpu.memory_space<vmem>>) target(%dma_start3A_174 : memref<10240x128xf32, #tpu.memory_space<vmem_shared>>) offsets(%dma_start3A_171 : memref<64xi32, #tpu.memory_space<vmem>>) semaphore(%arg16 : memref<!tpu.dma_semaphore, #tpu.memory_space<semaphore_mem>>) {add = true}
      %add3A_175 = arith.constant 2 : i32
      %add3A_176 = arith.addi %add3A_162, %add3A_175 : i32
      %lt3A = arith.constant 40 : i32
      %lt3A_177 = arith.cmpi slt, %add3A_176, %lt3A : i32
      %convert_element_type3A = arith.extui %lt3A_177 : i1 to i32
      %cond3A = arith.constant 0 : i32
      %cond3A_178 = arith.cmpi ne, %convert_element_type3A, %cond3A : i32
      scf.if %cond3A_178 {
        %dma_wait3A_248 = arith.constant 0 : i32
        %dma_wait3A_249 = arith.constant 0 : i32
        %dma_wait3A_250 = tpu.memref_slice %arg7[%dma_wait3A_248, %dma_wait3A_249] : memref<40x64xi32, #tpu.memory_space<vmem>> -> memref<1x64xi32, #tpu.memory_space<vmem>>
        %dma_wait3A_251 = tpu.memref_squeeze %dma_wait3A_250 : memref<1x64xi32, #tpu.memory_space<vmem>> -> memref<64xi32, #tpu.memory_space<vmem>>
        %dma_wait3A_252 = arith.constant 0 : i32
        %dma_wait3A_253 = arith.constant 0 : i32
        %dma_wait3A_254 = tpu.memref_slice %arg20[%dma_wait3A_252, %dma_wait3A_253] : memref<10240x128xf32, #tpu.memory_space<vmem_shared>> -> memref<10240x128xf32, #tpu.memory_space<vmem_shared>>
        tpu.wait_indirect_dma semaphore(%arg18 : memref<!tpu.dma_semaphore, #tpu.memory_space<semaphore_mem>>) src(%arg10 : memref<64x128xf32, #tpu.memory_space<vmem>>) dst(%dma_wait3A_254 : memref<10240x128xf32, #tpu.memory_space<vmem_shared>>)
        %add3A_255 = arith.constant 2 : i32
        %add3A_256 = arith.addi %add3A_162, %add3A_255 : i32
        %dma_start3A_257 = arith.constant 0 : i32
        %dma_start3A_258 = tpu.memref_slice %arg6[%add3A_256, %dma_start3A_257] : memref<40x64xi32, #tpu.memory_space<vmem>> -> memref<1x64xi32, #tpu.memory_space<vmem>>
        %dma_start3A_259 = tpu.memref_squeeze %dma_start3A_258 : memref<1x64xi32, #tpu.memory_space<vmem>> -> memref<64xi32, #tpu.memory_space<vmem>>
        %dma_start3A_260 = arith.constant 0 : i32
        %dma_start3A_261 = arith.constant 0 : i32
        %dma_start3A_262 = tpu.memref_slice %arg2[%dma_start3A_260, %dma_start3A_261] : memref<10240x128xf32, #tpu.memory_space<hbm>> -> memref<10240x128xf32, #tpu.memory_space<hbm>>
        tpu.enqueue_indirect_dma source(%dma_start3A_262 : memref<10240x128xf32, #tpu.memory_space<hbm>>) target(%arg10 : memref<64x128xf32, #tpu.memory_space<vmem>>) offsets(%dma_start3A_259 : memref<64xi32, #tpu.memory_space<vmem>>) semaphore(%arg14 : memref<!tpu.dma_semaphore, #tpu.memory_space<semaphore_mem>>)
      } else {
      }
      %mul3A_179 = arith.constant 4 : i32
      %mul3A_180 = arith.muli %mul3A_179, %scan3A_158 : i32
      %add3A_181 = arith.constant 1 : i32
      %add3A_182 = arith.addi %mul3A_180, %add3A_181 : i32
      %dma_wait3A_183 = arith.constant 0 : i32
      %dma_wait3A_184 = tpu.memref_slice %arg6[%add3A_182, %dma_wait3A_183] : memref<40x64xi32, #tpu.memory_space<vmem>> -> memref<1x64xi32, #tpu.memory_space<vmem>>
      %dma_wait3A_185 = tpu.memref_squeeze %dma_wait3A_184 : memref<1x64xi32, #tpu.memory_space<vmem>> -> memref<64xi32, #tpu.memory_space<vmem>>
      %dma_wait3A_186 = arith.constant 0 : i32
      %dma_wait3A_187 = arith.constant 0 : i32
      %dma_wait3A_188 = tpu.memref_slice %arg2[%dma_wait3A_186, %dma_wait3A_187] : memref<10240x128xf32, #tpu.memory_space<hbm>> -> memref<10240x128xf32, #tpu.memory_space<hbm>>
      tpu.wait_indirect_dma semaphore(%arg13 : memref<!tpu.dma_semaphore, #tpu.memory_space<semaphore_mem>>) src(%dma_wait3A_188 : memref<10240x128xf32, #tpu.memory_space<hbm>>) dst(%arg9 : memref<64x128xf32, #tpu.memory_space<vmem>>)
      %dma_start3A_189 = arith.constant 0 : i32
      %dma_start3A_190 = tpu.memref_slice %arg7[%add3A_182, %dma_start3A_189] : memref<40x64xi32, #tpu.memory_space<vmem>> -> memref<1x64xi32, #tpu.memory_space<vmem>>
      %dma_start3A_191 = tpu.memref_squeeze %dma_start3A_190 : memref<1x64xi32, #tpu.memory_space<vmem>> -> memref<64xi32, #tpu.memory_space<vmem>>
      %dma_start3A_192 = arith.constant 0 : i32
      %dma_start3A_193 = arith.constant 0 : i32
      %dma_start3A_194 = tpu.memref_slice %arg20[%dma_start3A_192, %dma_start3A_193] : memref<10240x128xf32, #tpu.memory_space<vmem_shared>> -> memref<10240x128xf32, #tpu.memory_space<vmem_shared>>
      tpu.enqueue_indirect_dma source(%arg9 : memref<64x128xf32, #tpu.memory_space<vmem>>) target(%dma_start3A_194 : memref<10240x128xf32, #tpu.memory_space<vmem_shared>>) offsets(%dma_start3A_191 : memref<64xi32, #tpu.memory_space<vmem>>) semaphore(%arg17 : memref<!tpu.dma_semaphore, #tpu.memory_space<semaphore_mem>>) {add = true}
      %add3A_195 = arith.constant 2 : i32
      %add3A_196 = arith.addi %add3A_182, %add3A_195 : i32
      %lt3A_197 = arith.constant 40 : i32
      %lt3A_198 = arith.cmpi slt, %add3A_196, %lt3A_197 : i32
      %convert_element_type3A_199 = arith.extui %lt3A_198 : i1 to i32
      %cond3A_200 = arith.constant 0 : i32
      %cond3A_201 = arith.cmpi ne, %convert_element_type3A_199, %cond3A_200 : i32
      scf.if %cond3A_201 {
        %dma_wait3A_248 = arith.constant 0 : i32
        %dma_wait3A_249 = arith.constant 0 : i32
        %dma_wait3A_250 = tpu.memref_slice %arg7[%dma_wait3A_248, %dma_wait3A_249] : memref<40x64xi32, #tpu.memory_space<vmem>> -> memref<1x64xi32, #tpu.memory_space<vmem>>
        %dma_wait3A_251 = tpu.memref_squeeze %dma_wait3A_250 : memref<1x64xi32, #tpu.memory_space<vmem>> -> memref<64xi32, #tpu.memory_space<vmem>>
        %dma_wait3A_252 = arith.constant 0 : i32
        %dma_wait3A_253 = arith.constant 0 : i32
        %dma_wait3A_254 = tpu.memref_slice %arg20[%dma_wait3A_252, %dma_wait3A_253] : memref<10240x128xf32, #tpu.memory_space<vmem_shared>> -> memref<10240x128xf32, #tpu.memory_space<vmem_shared>>
        tpu.wait_indirect_dma semaphore(%arg19 : memref<!tpu.dma_semaphore, #tpu.memory_space<semaphore_mem>>) src(%arg11 : memref<64x128xf32, #tpu.memory_space<vmem>>) dst(%dma_wait3A_254 : memref<10240x128xf32, #tpu.memory_space<vmem_shared>>)
        %add3A_255 = arith.constant 2 : i32
        %add3A_256 = arith.addi %add3A_182, %add3A_255 : i32
        %dma_start3A_257 = arith.constant 0 : i32
        %dma_start3A_258 = tpu.memref_slice %arg6[%add3A_256, %dma_start3A_257] : memref<40x64xi32, #tpu.memory_space<vmem>> -> memref<1x64xi32, #tpu.memory_space<vmem>>
        %dma_start3A_259 = tpu.memref_squeeze %dma_start3A_258 : memref<1x64xi32, #tpu.memory_space<vmem>> -> memref<64xi32, #tpu.memory_space<vmem>>
        %dma_start3A_260 = arith.constant 0 : i32
        %dma_start3A_261 = arith.constant 0 : i32
        %dma_start3A_262 = tpu.memref_slice %arg2[%dma_start3A_260, %dma_start3A_261] : memref<10240x128xf32, #tpu.memory_space<hbm>> -> memref<10240x128xf32, #tpu.memory_space<hbm>>
        tpu.enqueue_indirect_dma source(%dma_start3A_262 : memref<10240x128xf32, #tpu.memory_space<hbm>>) target(%arg11 : memref<64x128xf32, #tpu.memory_space<vmem>>) offsets(%dma_start3A_259 : memref<64xi32, #tpu.memory_space<vmem>>) semaphore(%arg15 : memref<!tpu.dma_semaphore, #tpu.memory_space<semaphore_mem>>)
      } else {
      }
      %mul3A_202 = arith.constant 4 : i32
      %mul3A_203 = arith.muli %mul3A_202, %scan3A_158 : i32
      %add3A_204 = arith.constant 2 : i32
      %add3A_205 = arith.addi %mul3A_203, %add3A_204 : i32
      %dma_wait3A_206 = arith.constant 0 : i32
      %dma_wait3A_207 = tpu.memref_slice %arg6[%add3A_205, %dma_wait3A_206] : memref<40x64xi32, #tpu.memory_space<vmem>> -> memref<1x64xi32, #tpu.memory_space<vmem>>
      %dma_wait3A_208 = tpu.memref_squeeze %dma_wait3A_207 : memref<1x64xi32, #tpu.memory_space<vmem>> -> memref<64xi32, #tpu.memory_space<vmem>>
      %dma_wait3A_209 = arith.constant 0 : i32
      %dma_wait3A_210 = arith.constant 0 : i32
      %dma_wait3A_211 = tpu.memref_slice %arg2[%dma_wait3A_209, %dma_wait3A_210] : memref<10240x128xf32, #tpu.memory_space<hbm>> -> memref<10240x128xf32, #tpu.memory_space<hbm>>
      tpu.wait_indirect_dma semaphore(%arg14 : memref<!tpu.dma_semaphore, #tpu.memory_space<semaphore_mem>>) src(%dma_wait3A_211 : memref<10240x128xf32, #tpu.memory_space<hbm>>) dst(%arg10 : memref<64x128xf32, #tpu.memory_space<vmem>>)
      %dma_start3A_212 = arith.constant 0 : i32
      %dma_start3A_213 = tpu.memref_slice %arg7[%add3A_205, %dma_start3A_212] : memref<40x64xi32, #tpu.memory_space<vmem>> -> memref<1x64xi32, #tpu.memory_space<vmem>>
      %dma_start3A_214 = tpu.memref_squeeze %dma_start3A_213 : memref<1x64xi32, #tpu.memory_space<vmem>> -> memref<64xi32, #tpu.memory_space<vmem>>
      %dma_start3A_215 = arith.constant 0 : i32
      %dma_start3A_216 = arith.constant 0 : i32
      %dma_start3A_217 = tpu.memref_slice %arg20[%dma_start3A_215, %dma_start3A_216] : memref<10240x128xf32, #tpu.memory_space<vmem_shared>> -> memref<10240x128xf32, #tpu.memory_space<vmem_shared>>
      tpu.enqueue_indirect_dma source(%arg10 : memref<64x128xf32, #tpu.memory_space<vmem>>) target(%dma_start3A_217 : memref<10240x128xf32, #tpu.memory_space<vmem_shared>>) offsets(%dma_start3A_214 : memref<64xi32, #tpu.memory_space<vmem>>) semaphore(%arg18 : memref<!tpu.dma_semaphore, #tpu.memory_space<semaphore_mem>>) {add = true}
      %add3A_218 = arith.constant 2 : i32
      %add3A_219 = arith.addi %add3A_205, %add3A_218 : i32
      %lt3A_220 = arith.constant 40 : i32
      %lt3A_221 = arith.cmpi slt, %add3A_219, %lt3A_220 : i32
      %convert_element_type3A_222 = arith.extui %lt3A_221 : i1 to i32
      %cond3A_223 = arith.constant 0 : i32
      %cond3A_224 = arith.cmpi ne, %convert_element_type3A_222, %cond3A_223 : i32
      scf.if %cond3A_224 {
        %dma_wait3A_248 = arith.constant 0 : i32
        %dma_wait3A_249 = arith.constant 0 : i32
        %dma_wait3A_250 = tpu.memref_slice %arg7[%dma_wait3A_248, %dma_wait3A_249] : memref<40x64xi32, #tpu.memory_space<vmem>> -> memref<1x64xi32, #tpu.memory_space<vmem>>
        %dma_wait3A_251 = tpu.memref_squeeze %dma_wait3A_250 : memref<1x64xi32, #tpu.memory_space<vmem>> -> memref<64xi32, #tpu.memory_space<vmem>>
        %dma_wait3A_252 = arith.constant 0 : i32
        %dma_wait3A_253 = arith.constant 0 : i32
        %dma_wait3A_254 = tpu.memref_slice %arg20[%dma_wait3A_252, %dma_wait3A_253] : memref<10240x128xf32, #tpu.memory_space<vmem_shared>> -> memref<10240x128xf32, #tpu.memory_space<vmem_shared>>
        tpu.wait_indirect_dma semaphore(%arg16 : memref<!tpu.dma_semaphore, #tpu.memory_space<semaphore_mem>>) src(%arg8 : memref<64x128xf32, #tpu.memory_space<vmem>>) dst(%dma_wait3A_254 : memref<10240x128xf32, #tpu.memory_space<vmem_shared>>)
        %add3A_255 = arith.constant 2 : i32
        %add3A_256 = arith.addi %add3A_205, %add3A_255 : i32
        %dma_start3A_257 = arith.constant 0 : i32
        %dma_start3A_258 = tpu.memref_slice %arg6[%add3A_256, %dma_start3A_257] : memref<40x64xi32, #tpu.memory_space<vmem>> -> memref<1x64xi32, #tpu.memory_space<vmem>>
        %dma_start3A_259 = tpu.memref_squeeze %dma_start3A_258 : memref<1x64xi32, #tpu.memory_space<vmem>> -> memref<64xi32, #tpu.memory_space<vmem>>
        %dma_start3A_260 = arith.constant 0 : i32
        %dma_start3A_261 = arith.constant 0 : i32
        %dma_start3A_262 = tpu.memref_slice %arg2[%dma_start3A_260, %dma_start3A_261] : memref<10240x128xf32, #tpu.memory_space<hbm>> -> memref<10240x128xf32, #tpu.memory_space<hbm>>
        tpu.enqueue_indirect_dma source(%dma_start3A_262 : memref<10240x128xf32, #tpu.memory_space<hbm>>) target(%arg8 : memref<64x128xf32, #tpu.memory_space<vmem>>) offsets(%dma_start3A_259 : memref<64xi32, #tpu.memory_space<vmem>>) semaphore(%arg12 : memref<!tpu.dma_semaphore, #tpu.memory_space<semaphore_mem>>)
      } else {
      }
      %mul3A_225 = arith.constant 4 : i32
      %mul3A_226 = arith.muli %mul3A_225, %scan3A_158 : i32
      %add3A_227 = arith.constant 3 : i32
      %add3A_228 = arith.addi %mul3A_226, %add3A_227 : i32
      %dma_wait3A_229 = arith.constant 0 : i32
      %dma_wait3A_230 = tpu.memref_slice %arg6[%add3A_228, %dma_wait3A_229] : memref<40x64xi32, #tpu.memory_space<vmem>> -> memref<1x64xi32, #tpu.memory_space<vmem>>
      %dma_wait3A_231 = tpu.memref_squeeze %dma_wait3A_230 : memref<1x64xi32, #tpu.memory_space<vmem>> -> memref<64xi32, #tpu.memory_space<vmem>>
      %dma_wait3A_232 = arith.constant 0 : i32
      %dma_wait3A_233 = arith.constant 0 : i32
      %dma_wait3A_234 = tpu.memref_slice %arg2[%dma_wait3A_232, %dma_wait3A_233] : memref<10240x128xf32, #tpu.memory_space<hbm>> -> memref<10240x128xf32, #tpu.memory_space<hbm>>
      tpu.wait_indirect_dma semaphore(%arg15 : memref<!tpu.dma_semaphore, #tpu.memory_space<semaphore_mem>>) src(%dma_wait3A_234 : memref<10240x128xf32, #tpu.memory_space<hbm>>) dst(%arg11 : memref<64x128xf32, #tpu.memory_space<vmem>>)
      %dma_start3A_235 = arith.constant 0 : i32
      %dma_start3A_236 = tpu.memref_slice %arg7[%add3A_228, %dma_start3A_235] : memref<40x64xi32, #tpu.memory_space<vmem>> -> memref<1x64xi32, #tpu.memory_space<vmem>>
      %dma_start3A_237 = tpu.memref_squeeze %dma_start3A_236 : memref<1x64xi32, #tpu.memory_space<vmem>> -> memref<64xi32, #tpu.memory_space<vmem>>
      %dma_start3A_238 = arith.constant 0 : i32
      %dma_start3A_239 = arith.constant 0 : i32
      %dma_start3A_240 = tpu.memref_slice %arg20[%dma_start3A_238, %dma_start3A_239] : memref<10240x128xf32, #tpu.memory_space<vmem_shared>> -> memref<10240x128xf32, #tpu.memory_space<vmem_shared>>
      tpu.enqueue_indirect_dma source(%arg11 : memref<64x128xf32, #tpu.memory_space<vmem>>) target(%dma_start3A_240 : memref<10240x128xf32, #tpu.memory_space<vmem_shared>>) offsets(%dma_start3A_237 : memref<64xi32, #tpu.memory_space<vmem>>) semaphore(%arg19 : memref<!tpu.dma_semaphore, #tpu.memory_space<semaphore_mem>>) {add = true}
      %add3A_241 = arith.constant 2 : i32
      %add3A_242 = arith.addi %add3A_228, %add3A_241 : i32
      %lt3A_243 = arith.constant 40 : i32
      %lt3A_244 = arith.cmpi slt, %add3A_242, %lt3A_243 : i32
      %convert_element_type3A_245 = arith.extui %lt3A_244 : i1 to i32
      %cond3A_246 = arith.constant 0 : i32
      %cond3A_247 = arith.cmpi ne, %convert_element_type3A_245, %cond3A_246 : i32
      scf.if %cond3A_247 {
        %dma_wait3A_248 = arith.constant 0 : i32
        %dma_wait3A_249 = arith.constant 0 : i32
        %dma_wait3A_250 = tpu.memref_slice %arg7[%dma_wait3A_248, %dma_wait3A_249] : memref<40x64xi32, #tpu.memory_space<vmem>> -> memref<1x64xi32, #tpu.memory_space<vmem>>
        %dma_wait3A_251 = tpu.memref_squeeze %dma_wait3A_250 : memref<1x64xi32, #tpu.memory_space<vmem>> -> memref<64xi32, #tpu.memory_space<vmem>>
        %dma_wait3A_252 = arith.constant 0 : i32
        %dma_wait3A_253 = arith.constant 0 : i32
        %dma_wait3A_254 = tpu.memref_slice %arg20[%dma_wait3A_252, %dma_wait3A_253] : memref<10240x128xf32, #tpu.memory_space<vmem_shared>> -> memref<10240x128xf32, #tpu.memory_space<vmem_shared>>
        tpu.wait_indirect_dma semaphore(%arg17 : memref<!tpu.dma_semaphore, #tpu.memory_space<semaphore_mem>>) src(%arg9 : memref<64x128xf32, #tpu.memory_space<vmem>>) dst(%dma_wait3A_254 : memref<10240x128xf32, #tpu.memory_space<vmem_shared>>)
        %add3A_255 = arith.constant 2 : i32
        %add3A_256 = arith.addi %add3A_228, %add3A_255 : i32
        %dma_start3A_257 = arith.constant 0 : i32
        %dma_start3A_258 = tpu.memref_slice %arg6[%add3A_256, %dma_start3A_257] : memref<40x64xi32, #tpu.memory_space<vmem>> -> memref<1x64xi32, #tpu.memory_space<vmem>>
        %dma_start3A_259 = tpu.memref_squeeze %dma_start3A_258 : memref<1x64xi32, #tpu.memory_space<vmem>> -> memref<64xi32, #tpu.memory_space<vmem>>
        %dma_start3A_260 = arith.constant 0 : i32
        %dma_start3A_261 = arith.constant 0 : i32
        %dma_start3A_262 = tpu.memref_slice %arg2[%dma_start3A_260, %dma_start3A_261] : memref<10240x128xf32, #tpu.memory_space<hbm>> -> memref<10240x128xf32, #tpu.memory_space<hbm>>
        tpu.enqueue_indirect_dma source(%dma_start3A_262 : memref<10240x128xf32, #tpu.memory_space<hbm>>) target(%arg9 : memref<64x128xf32, #tpu.memory_space<vmem>>) offsets(%dma_start3A_259 : memref<64xi32, #tpu.memory_space<vmem>>) semaphore(%arg13 : memref<!tpu.dma_semaphore, #tpu.memory_space<semaphore_mem>>)
      } else {
      }
    }
    %scan3A_128 = arith.constant 10 : i32
    %dma_wait3A_129 = arith.constant 0 : i32
    %dma_wait3A_130 = arith.constant 0 : i32
    %dma_wait3A_131 = tpu.memref_slice %arg7[%dma_wait3A_129, %dma_wait3A_130] : memref<40x64xi32, #tpu.memory_space<vmem>> -> memref<1x64xi32, #tpu.memory_space<vmem>>
    %dma_wait3A_132 = tpu.memref_squeeze %dma_wait3A_131 : memref<1x64xi32, #tpu.memory_space<vmem>> -> memref<64xi32, #tpu.memory_space<vmem>>
    %dma_wait3A_133 = arith.constant 0 : i32
    %dma_wait3A_134 = arith.constant 0 : i32
    %dma_wait3A_135 = tpu.memref_slice %arg20[%dma_wait3A_133, %dma_wait3A_134] : memref<10240x128xf32, #tpu.memory_space<vmem_shared>> -> memref<10240x128xf32, #tpu.memory_space<vmem_shared>>
    tpu.wait_indirect_dma semaphore(%arg16 : memref<!tpu.dma_semaphore, #tpu.memory_space<semaphore_mem>>) src(%arg8 : memref<64x128xf32, #tpu.memory_space<vmem>>) dst(%dma_wait3A_135 : memref<10240x128xf32, #tpu.memory_space<vmem_shared>>)
    %dma_wait3A_136 = arith.constant 0 : i32
    %dma_wait3A_137 = arith.constant 0 : i32
    %dma_wait3A_138 = tpu.memref_slice %arg7[%dma_wait3A_136, %dma_wait3A_137] : memref<40x64xi32, #tpu.memory_space<vmem>> -> memref<1x64xi32, #tpu.memory_space<vmem>>
    %dma_wait3A_139 = tpu.memref_squeeze %dma_wait3A_138 : memref<1x64xi32, #tpu.memory_space<vmem>> -> memref<64xi32, #tpu.memory_space<vmem>>
    %dma_wait3A_140 = arith.constant 0 : i32
    %dma_wait3A_141 = arith.constant 0 : i32
    %dma_wait3A_142 = tpu.memref_slice %arg20[%dma_wait3A_140, %dma_wait3A_141] : memref<10240x128xf32, #tpu.memory_space<vmem_shared>> -> memref<10240x128xf32, #tpu.memory_space<vmem_shared>>
    tpu.wait_indirect_dma semaphore(%arg17 : memref<!tpu.dma_semaphore, #tpu.memory_space<semaphore_mem>>) src(%arg9 : memref<64x128xf32, #tpu.memory_space<vmem>>) dst(%dma_wait3A_142 : memref<10240x128xf32, #tpu.memory_space<vmem_shared>>)
    %dma_wait3A_143 = arith.constant 0 : i32
    %dma_wait3A_144 = arith.constant 0 : i32
    %dma_wait3A_145 = tpu.memref_slice %arg7[%dma_wait3A_143, %dma_wait3A_144] : memref<40x64xi32, #tpu.memory_space<vmem>> -> memref<1x64xi32, #tpu.memory_space<vmem>>
    %dma_wait3A_146 = tpu.memref_squeeze %dma_wait3A_145 : memref<1x64xi32, #tpu.memory_space<vmem>> -> memref<64xi32, #tpu.memory_space<vmem>>
    %dma_wait3A_147 = arith.constant 0 : i32
    %dma_wait3A_148 = arith.constant 0 : i32
    %dma_wait3A_149 = tpu.memref_slice %arg20[%dma_wait3A_147, %dma_wait3A_148] : memref<10240x128xf32, #tpu.memory_space<vmem_shared>> -> memref<10240x128xf32, #tpu.memory_space<vmem_shared>>
    tpu.wait_indirect_dma semaphore(%arg18 : memref<!tpu.dma_semaphore, #tpu.memory_space<semaphore_mem>>) src(%arg10 : memref<64x128xf32, #tpu.memory_space<vmem>>) dst(%dma_wait3A_149 : memref<10240x128xf32, #tpu.memory_space<vmem_shared>>)
    %dma_wait3A_150 = arith.constant 0 : i32
    %dma_wait3A_151 = arith.constant 0 : i32
    %dma_wait3A_152 = tpu.memref_slice %arg7[%dma_wait3A_150, %dma_wait3A_151] : memref<40x64xi32, #tpu.memory_space<vmem>> -> memref<1x64xi32, #tpu.memory_space<vmem>>
    %dma_wait3A_153 = tpu.memref_squeeze %dma_wait3A_152 : memref<1x64xi32, #tpu.memory_space<vmem>> -> memref<64xi32, #tpu.memory_space<vmem>>
    %dma_wait3A_154 = arith.constant 0 : i32
    %dma_wait3A_155 = arith.constant 0 : i32
    %dma_wait3A_156 = tpu.memref_slice %arg20[%dma_wait3A_154, %dma_wait3A_155] : memref<10240x128xf32, #tpu.memory_space<vmem_shared>> -> memref<10240x128xf32, #tpu.memory_space<vmem_shared>>
    tpu.wait_indirect_dma semaphore(%arg19 : memref<!tpu.dma_semaphore, #tpu.memory_space<semaphore_mem>>) src(%arg11 : memref<64x128xf32, #tpu.memory_space<vmem>>) dst(%dma_wait3A_156 : memref<10240x128xf32, #tpu.memory_space<vmem_shared>>)
    %barrier3A_157 = arith.constant 0 : index
    tpu.barrier barrier_id(%barrier3A_157)
    "tpu.region"() ({
      %run_scoped3A_158 = tpu.sem_alloc : memref<!tpu.dma_semaphore, #tpu.memory_space<semaphore_mem>>
      %dma_start3A_159 = arith.constant 0 : i32
      %dma_start3A_160 = tpu.memref_slice %arg5[%arg0, %mul3A_2, %dma_start3A_159] : memref<2x10240x128xf32, #tpu.memory_space<hbm>> -> memref<1x640x128xf32, #tpu.memory_space<hbm>>
      %dma_start3A_161 = tpu.memref_squeeze %dma_start3A_160 : memref<1x640x128xf32, #tpu.memory_space<hbm>> -> memref<640x128xf32, #tpu.memory_space<hbm>>
      %dma_start3A_162 = arith.constant 0 : i32
      %dma_start3A_163 = tpu.memref_slice %arg20[%mul3A_2, %dma_start3A_162] : memref<10240x128xf32, #tpu.memory_space<vmem_shared>> -> memref<640x128xf32, #tpu.memory_space<vmem_shared>>
      tpu.enqueue_dma source(%dma_start3A_163 : memref<640x128xf32, #tpu.memory_space<vmem_shared>>) target(%dma_start3A_161 : memref<640x128xf32, #tpu.memory_space<hbm>>) target_semaphore(%run_scoped3A_158 : memref<!tpu.dma_semaphore, #tpu.memory_space<semaphore_mem>>)
      %dma_wait3A_164 = arith.constant 0 : i32
      %dma_wait3A_165 = tpu.memref_slice %arg5[%arg0, %mul3A_2, %dma_wait3A_164] : memref<2x10240x128xf32, #tpu.memory_space<hbm>> -> memref<1x640x128xf32, #tpu.memory_space<hbm>>
      %dma_wait3A_166 = tpu.memref_squeeze %dma_wait3A_165 : memref<1x640x128xf32, #tpu.memory_space<hbm>> -> memref<640x128xf32, #tpu.memory_space<hbm>>
      %dma_wait3A_167 = arith.constant 0 : i32
      %dma_wait3A_168 = tpu.memref_slice %arg20[%mul3A_2, %dma_wait3A_167] : memref<10240x128xf32, #tpu.memory_space<vmem_shared>> -> memref<640x128xf32, #tpu.memory_space<vmem_shared>>
      tpu.wait_dma2 semaphore(%run_scoped3A_158 : memref<!tpu.dma_semaphore, #tpu.memory_space<semaphore_mem>>) src(%dma_wait3A_168 : memref<640x128xf32, #tpu.memory_space<vmem_shared>>) dst(%dma_wait3A_166 : memref<640x128xf32, #tpu.memory_space<hbm>>)
      tpu.yield
    }) : () -> ()
    return
  }
}

#map = affine_map<(d0, d1) -> (0, 0)>
#map1 = affine_map<(d0, d1) -> (0, 0, 0, 0)>
#map2 = affine_map<(d0, d1) -> (0, 0, 0)>
module attributes {stable_mosaic.version = 14 : i64} {
  func.func @k(%arg0: i32, %arg1: i32, %arg2: memref<10240x128xf32, #tpu.memory_space<hbm>>, %arg3: memref<32x4x40x64xi32, #tpu.memory_space<hbm>>, %arg4: memref<32x4x40x64xi32, #tpu.memory_space<hbm>>, %arg5: memref<2x10240x128xf32, #tpu.memory_space<hbm>>, %arg6: memref<40x64xi32, #tpu.memory_space<vmem>>, %arg7: memref<40x64xi32, #tpu.memory_space<vmem>>, %arg8: memref<64x128xf32, #tpu.memory_space<vmem>>, %arg9: memref<64x128xf32, #tpu.memory_space<vmem>>, %arg10: memref<64x128xf32, #tpu.memory_space<vmem>>, %arg11: memref<64x128xf32, #tpu.memory_space<vmem>>, %arg12: memref<!tpu.dma_semaphore, #tpu.memory_space<semaphore_mem>>, %arg13: memref<!tpu.dma_semaphore, #tpu.memory_space<semaphore_mem>>, %arg14: memref<!tpu.dma_semaphore, #tpu.memory_space<semaphore_mem>>, %arg15: memref<!tpu.dma_semaphore, #tpu.memory_space<semaphore_mem>>, %arg16: memref<!tpu.dma_semaphore, #tpu.memory_space<semaphore_mem>>, %arg17: memref<!tpu.dma_semaphore, #tpu.memory_space<semaphore_mem>>, %arg18: memref<!tpu.dma_semaphore, #tpu.memory_space<semaphore_mem>>, %arg19: memref<!tpu.dma_semaphore, #tpu.memory_space<semaphore_mem>>, %arg20: memref<10240x128xf32, #tpu.memory_space<vmem_shared>>) attributes {dimension_semantics = [#tpu.dimension_semantics<core_parallel>, #tpu.dimension_semantics<subcore_parallel>], iteration_bounds = array<i64: 2, 16>, scalar_prefetch = 0 : i64, scratch_operands = 15 : i64, tpu.core_type = #tpu.core_type<sc_vector_subcore>, window_params = [{transform_indices = #map}, {transform_indices = #map1}, {transform_indices = #map1}, {transform_indices = #map2}]} {
    %mul3A = arith.constant 16 : i32
    %mul3A_0 = arith.muli %arg0, %mul3A : i32
    %add3A = arith.addi %mul3A_0, %arg1 : i32
    %mul3A_1 = arith.constant 640 : i32
    %mul3A_2 = arith.muli %arg1, %mul3A_1 : i32
    "tpu.region"() ({
      %run_scoped3A_158 = tpu.sem_alloc : memref<!tpu.dma_semaphore, #tpu.memory_space<semaphore_mem>>
      %dma_start3A_159 = arith.constant 0 : i32
      %dma_start3A_160 = tpu.memref_slice %arg20[%mul3A_2, %dma_start3A_159] : memref<10240x128xf32, #tpu.memory_space<vmem_shared>> -> memref<640x128xf32, #tpu.memory_space<vmem_shared>>
      %dma_start3A_161 = arith.constant 0 : i32
      %dma_start3A_162 = tpu.memref_slice %arg2[%mul3A_2, %dma_start3A_161] : memref<10240x128xf32, #tpu.memory_space<hbm>> -> memref<640x128xf32, #tpu.memory_space<hbm>>
      tpu.enqueue_dma source(%dma_start3A_162 : memref<640x128xf32, #tpu.memory_space<hbm>>) target(%dma_start3A_160 : memref<640x128xf32, #tpu.memory_space<vmem_shared>>) target_semaphore(%run_scoped3A_158 : memref<!tpu.dma_semaphore, #tpu.memory_space<semaphore_mem>>)
      %dma_wait3A_163 = arith.constant 0 : i32
      %dma_wait3A_164 = tpu.memref_slice %arg20[%mul3A_2, %dma_wait3A_163] : memref<10240x128xf32, #tpu.memory_space<vmem_shared>> -> memref<640x128xf32, #tpu.memory_space<vmem_shared>>
      %dma_wait3A_165 = arith.constant 0 : i32
      %dma_wait3A_166 = tpu.memref_slice %arg2[%mul3A_2, %dma_wait3A_165] : memref<10240x128xf32, #tpu.memory_space<hbm>> -> memref<640x128xf32, #tpu.memory_space<hbm>>
      tpu.wait_dma2 semaphore(%run_scoped3A_158 : memref<!tpu.dma_semaphore, #tpu.memory_space<semaphore_mem>>) src(%dma_wait3A_166 : memref<640x128xf32, #tpu.memory_space<hbm>>) dst(%dma_wait3A_164 : memref<640x128xf32, #tpu.memory_space<vmem_shared>>)
      tpu.yield
    }) : () -> ()
    %barrier3A = arith.constant 0 : index
    tpu.barrier barrier_id(%barrier3A)
    %run_scoped3A = arith.constant 0 : i32
    "tpu.region"() ({
      %run_scoped3A_158 = tpu.sem_alloc : memref<!tpu.dma_semaphore, #tpu.memory_space<semaphore_mem>>
      %dma_start3A_159 = arith.constant 0 : i32
      %dma_start3A_160 = arith.constant 0 : i32
      %dma_start3A_161 = tpu.memref_slice %arg3[%add3A, %run_scoped3A, %dma_start3A_159, %dma_start3A_160] : memref<32x4x40x64xi32, #tpu.memory_space<hbm>> -> memref<1x1x40x64xi32, #tpu.memory_space<hbm>>
      %dma_start3A_162 = tpu.memref_squeeze %dma_start3A_161 : memref<1x1x40x64xi32, #tpu.memory_space<hbm>> -> memref<40x64xi32, #tpu.memory_space<hbm>>
      %dma_start3A_163 = arith.constant 0 : i32
      %dma_start3A_164 = arith.constant 0 : i32
      %dma_start3A_165 = tpu.memref_slice %arg3[%add3A, %run_scoped3A, %dma_start3A_163, %dma_start3A_164] : memref<32x4x40x64xi32, #tpu.memory_space<hbm>> -> memref<1x1x40x64xi32, #tpu.memory_space<hbm>>
      %dma_start3A_166 = tpu.memref_squeeze %dma_start3A_165 : memref<1x1x40x64xi32, #tpu.memory_space<hbm>> -> memref<40x64xi32, #tpu.memory_space<hbm>>
      tpu.enqueue_dma source(%dma_start3A_166 : memref<40x64xi32, #tpu.memory_space<hbm>>) target(%arg6 : memref<40x64xi32, #tpu.memory_space<vmem>>) target_semaphore(%run_scoped3A_158 : memref<!tpu.dma_semaphore, #tpu.memory_space<semaphore_mem>>)
      %dma_wait3A_167 = arith.constant 0 : i32
      %dma_wait3A_168 = arith.constant 0 : i32
      %dma_wait3A_169 = tpu.memref_slice %arg3[%add3A, %run_scoped3A, %dma_wait3A_167, %dma_wait3A_168] : memref<32x4x40x64xi32, #tpu.memory_space<hbm>> -> memref<1x1x40x64xi32, #tpu.memory_space<hbm>>
      %dma_wait3A_170 = tpu.memref_squeeze %dma_wait3A_169 : memref<1x1x40x64xi32, #tpu.memory_space<hbm>> -> memref<40x64xi32, #tpu.memory_space<hbm>>
      %dma_wait3A_171 = arith.constant 0 : i32
      %dma_wait3A_172 = arith.constant 0 : i32
      %dma_wait3A_173 = tpu.memref_slice %arg3[%add3A, %run_scoped3A, %dma_wait3A_171, %dma_wait3A_172] : memref<32x4x40x64xi32, #tpu.memory_space<hbm>> -> memref<1x1x40x64xi32, #tpu.memory_space<hbm>>
      %dma_wait3A_174 = tpu.memref_squeeze %dma_wait3A_173 : memref<1x1x40x64xi32, #tpu.memory_space<hbm>> -> memref<40x64xi32, #tpu.memory_space<hbm>>
      tpu.wait_dma2 semaphore(%run_scoped3A_158 : memref<!tpu.dma_semaphore, #tpu.memory_space<semaphore_mem>>) src(%dma_wait3A_174 : memref<40x64xi32, #tpu.memory_space<hbm>>) dst(%arg6 : memref<40x64xi32, #tpu.memory_space<vmem>>)
      tpu.yield
    }) : () -> ()
    %run_scoped3A_3 = arith.constant 0 : i32
    "tpu.region"() ({
      %run_scoped3A_158 = tpu.sem_alloc : memref<!tpu.dma_semaphore, #tpu.memory_space<semaphore_mem>>
      %dma_start3A_159 = arith.constant 0 : i32
      %dma_start3A_160 = arith.constant 0 : i32
      %dma_start3A_161 = tpu.memref_slice %arg4[%add3A, %run_scoped3A_3, %dma_start3A_159, %dma_start3A_160] : memref<32x4x40x64xi32, #tpu.memory_space<hbm>> -> memref<1x1x40x64xi32, #tpu.memory_space<hbm>>
      %dma_start3A_162 = tpu.memref_squeeze %dma_start3A_161 : memref<1x1x40x64xi32, #tpu.memory_space<hbm>> -> memref<40x64xi32, #tpu.memory_space<hbm>>
      %dma_start3A_163 = arith.constant 0 : i32
      %dma_start3A_164 = arith.constant 0 : i32
      %dma_start3A_165 = tpu.memref_slice %arg4[%add3A, %run_scoped3A_3, %dma_start3A_163, %dma_start3A_164] : memref<32x4x40x64xi32, #tpu.memory_space<hbm>> -> memref<1x1x40x64xi32, #tpu.memory_space<hbm>>
      %dma_start3A_166 = tpu.memref_squeeze %dma_start3A_165 : memref<1x1x40x64xi32, #tpu.memory_space<hbm>> -> memref<40x64xi32, #tpu.memory_space<hbm>>
      tpu.enqueue_dma source(%dma_start3A_166 : memref<40x64xi32, #tpu.memory_space<hbm>>) target(%arg7 : memref<40x64xi32, #tpu.memory_space<vmem>>) target_semaphore(%run_scoped3A_158 : memref<!tpu.dma_semaphore, #tpu.memory_space<semaphore_mem>>)
      %dma_wait3A_167 = arith.constant 0 : i32
      %dma_wait3A_168 = arith.constant 0 : i32
      %dma_wait3A_169 = tpu.memref_slice %arg4[%add3A, %run_scoped3A_3, %dma_wait3A_167, %dma_wait3A_168] : memref<32x4x40x64xi32, #tpu.memory_space<hbm>> -> memref<1x1x40x64xi32, #tpu.memory_space<hbm>>
      %dma_wait3A_170 = tpu.memref_squeeze %dma_wait3A_169 : memref<1x1x40x64xi32, #tpu.memory_space<hbm>> -> memref<40x64xi32, #tpu.memory_space<hbm>>
      %dma_wait3A_171 = arith.constant 0 : i32
      %dma_wait3A_172 = arith.constant 0 : i32
      %dma_wait3A_173 = tpu.memref_slice %arg4[%add3A, %run_scoped3A_3, %dma_wait3A_171, %dma_wait3A_172] : memref<32x4x40x64xi32, #tpu.memory_space<hbm>> -> memref<1x1x40x64xi32, #tpu.memory_space<hbm>>
      %dma_wait3A_174 = tpu.memref_squeeze %dma_wait3A_173 : memref<1x1x40x64xi32, #tpu.memory_space<hbm>> -> memref<40x64xi32, #tpu.memory_space<hbm>>
      tpu.wait_dma2 semaphore(%run_scoped3A_158 : memref<!tpu.dma_semaphore, #tpu.memory_space<semaphore_mem>>) src(%dma_wait3A_174 : memref<40x64xi32, #tpu.memory_space<hbm>>) dst(%arg7 : memref<40x64xi32, #tpu.memory_space<vmem>>)
      tpu.yield
    }) : () -> ()
    %dma_start3A = arith.constant 0 : i32
    %dma_start3A_4 = arith.constant 0 : i32
    %dma_start3A_5 = tpu.memref_slice %arg6[%dma_start3A, %dma_start3A_4] : memref<40x64xi32, #tpu.memory_space<vmem>> -> memref<1x64xi32, #tpu.memory_space<vmem>>
    %dma_start3A_6 = tpu.memref_squeeze %dma_start3A_5 : memref<1x64xi32, #tpu.memory_space<vmem>> -> memref<64xi32, #tpu.memory_space<vmem>>
    %dma_start3A_7 = arith.constant 0 : i32
    %dma_start3A_8 = arith.constant 0 : i32
    %dma_start3A_9 = tpu.memref_slice %arg2[%dma_start3A_7, %dma_start3A_8] : memref<10240x128xf32, #tpu.memory_space<hbm>> -> memref<10240x128xf32, #tpu.memory_space<hbm>>
    tpu.enqueue_indirect_dma source(%dma_start3A_9 : memref<10240x128xf32, #tpu.memory_space<hbm>>) target(%arg8 : memref<64x128xf32, #tpu.memory_space<vmem>>) offsets(%dma_start3A_6 : memref<64xi32, #tpu.memory_space<vmem>>) semaphore(%arg12 : memref<!tpu.dma_semaphore, #tpu.memory_space<semaphore_mem>>)
    %dma_start3A_10 = arith.constant 1 : i32
    %dma_start3A_11 = arith.constant 0 : i32
    %dma_start3A_12 = tpu.memref_slice %arg6[%dma_start3A_10, %dma_start3A_11] : memref<40x64xi32, #tpu.memory_space<vmem>> -> memref<1x64xi32, #tpu.memory_space<vmem>>
    %dma_start3A_13 = tpu.memref_squeeze %dma_start3A_12 : memref<1x64xi32, #tpu.memory_space<vmem>> -> memref<64xi32, #tpu.memory_space<vmem>>
    %dma_start3A_14 = arith.constant 0 : i32
    %dma_start3A_15 = arith.constant 0 : i32
    %dma_start3A_16 = tpu.memref_slice %arg2[%dma_start3A_14, %dma_start3A_15] : memref<10240x128xf32, #tpu.memory_space<hbm>> -> memref<10240x128xf32, #tpu.memory_space<hbm>>
    tpu.enqueue_indirect_dma source(%dma_start3A_16 : memref<10240x128xf32, #tpu.memory_space<hbm>>) target(%arg9 : memref<64x128xf32, #tpu.memory_space<vmem>>) offsets(%dma_start3A_13 : memref<64xi32, #tpu.memory_space<vmem>>) semaphore(%arg13 : memref<!tpu.dma_semaphore, #tpu.memory_space<semaphore_mem>>)
    %scan3A = arith.constant 0 : i32
    %scan3A_17 = arith.constant 0 : i32
    %scan3A_18 = arith.constant 10 : i32
    %scan3A_19 = arith.addi %scan3A_17, %scan3A_18 : i32
    %scan3A_20 = arith.constant 1 : i32
    scf.for %scan3A_158 = %scan3A_17 to %scan3A_19 step %scan3A_20  : i32 {
      %mul3A_159 = arith.constant 4 : i32
      %mul3A_160 = arith.muli %mul3A_159, %scan3A_158 : i32
      %add3A_161 = arith.constant 0 : i32
      %add3A_162 = arith.addi %mul3A_160, %add3A_161 : i32
      %dma_wait3A_163 = arith.constant 0 : i32
      %dma_wait3A_164 = tpu.memref_slice %arg6[%add3A_162, %dma_wait3A_163] : memref<40x64xi32, #tpu.memory_space<vmem>> -> memref<1x64xi32, #tpu.memory_space<vmem>>
      %dma_wait3A_165 = tpu.memref_squeeze %dma_wait3A_164 : memref<1x64xi32, #tpu.memory_space<vmem>> -> memref<64xi32, #tpu.memory_space<vmem>>
      %dma_wait3A_166 = arith.constant 0 : i32
      %dma_wait3A_167 = arith.constant 0 : i32
      %dma_wait3A_168 = tpu.memref_slice %arg2[%dma_wait3A_166, %dma_wait3A_167] : memref<10240x128xf32, #tpu.memory_space<hbm>> -> memref<10240x128xf32, #tpu.memory_space<hbm>>
      tpu.wait_indirect_dma semaphore(%arg12 : memref<!tpu.dma_semaphore, #tpu.memory_space<semaphore_mem>>) src(%dma_wait3A_168 : memref<10240x128xf32, #tpu.memory_space<hbm>>) dst(%arg8 : memref<64x128xf32, #tpu.memory_space<vmem>>)
      %dma_start3A_169 = arith.constant 0 : i32
      %dma_start3A_170 = tpu.memref_slice %arg7[%add3A_162, %dma_start3A_169] : memref<40x64xi32, #tpu.memory_space<vmem>> -> memref<1x64xi32, #tpu.memory_space<vmem>>
      %dma_start3A_171 = tpu.memref_squeeze %dma_start3A_170 : memref<1x64xi32, #tpu.memory_space<vmem>> -> memref<64xi32, #tpu.memory_space<vmem>>
      %dma_start3A_172 = arith.constant 0 : i32
      %dma_start3A_173 = arith.constant 0 : i32
      %dma_start3A_174 = tpu.memref_slice %arg20[%dma_start3A_172, %dma_start3A_173] : memref<10240x128xf32, #tpu.memory_space<vmem_shared>> -> memref<10240x128xf32, #tpu.memory_space<vmem_shared>>
      tpu.enqueue_indirect_dma source(%arg8 : memref<64x128xf32, #tpu.memory_space<vmem>>) target(%dma_start3A_174 : memref<10240x128xf32, #tpu.memory_space<vmem_shared>>) offsets(%dma_start3A_171 : memref<64xi32, #tpu.memory_space<vmem>>) semaphore(%arg16 : memref<!tpu.dma_semaphore, #tpu.memory_space<semaphore_mem>>) {add = true}
      %add3A_175 = arith.constant 2 : i32
      %add3A_176 = arith.addi %add3A_162, %add3A_175 : i32
      %lt3A = arith.constant 40 : i32
      %lt3A_177 = arith.cmpi slt, %add3A_176, %lt3A : i32
      %convert_element_type3A = arith.extui %lt3A_177 : i1 to i32
      %cond3A = arith.constant 0 : i32
      %cond3A_178 = arith.cmpi ne, %convert_element_type3A, %cond3A : i32
      scf.if %cond3A_178 {
        %ge3A = arith.constant 2 : i32
        %ge3A_248 = arith.cmpi sge, %add3A_162, %ge3A : i32
        %convert_element_type3A_249 = arith.extui %ge3A_248 : i1 to i32
        %cond3A_250 = arith.constant 0 : i32
        %cond3A_251 = arith.cmpi ne, %convert_element_type3A_249, %cond3A_250 : i32
        scf.if %cond3A_251 {
          %dma_wait3A_260 = arith.constant 0 : i32
          %dma_wait3A_261 = arith.constant 0 : i32
          %dma_wait3A_262 = tpu.memref_slice %arg7[%dma_wait3A_260, %dma_wait3A_261] : memref<40x64xi32, #tpu.memory_space<vmem>> -> memref<1x64xi32, #tpu.memory_space<vmem>>
          %dma_wait3A_263 = tpu.memref_squeeze %dma_wait3A_262 : memref<1x64xi32, #tpu.memory_space<vmem>> -> memref<64xi32, #tpu.memory_space<vmem>>
          %dma_wait3A_264 = arith.constant 0 : i32
          %dma_wait3A_265 = arith.constant 0 : i32
          %dma_wait3A_266 = tpu.memref_slice %arg20[%dma_wait3A_264, %dma_wait3A_265] : memref<10240x128xf32, #tpu.memory_space<vmem_shared>> -> memref<10240x128xf32, #tpu.memory_space<vmem_shared>>
          tpu.wait_indirect_dma semaphore(%arg18 : memref<!tpu.dma_semaphore, #tpu.memory_space<semaphore_mem>>) src(%arg10 : memref<64x128xf32, #tpu.memory_space<vmem>>) dst(%dma_wait3A_266 : memref<10240x128xf32, #tpu.memory_space<vmem_shared>>)
        } else {
        }
        %add3A_252 = arith.constant 2 : i32
        %add3A_253 = arith.addi %add3A_162, %add3A_252 : i32
        %dma_start3A_254 = arith.constant 0 : i32
        %dma_start3A_255 = tpu.memref_slice %arg6[%add3A_253, %dma_start3A_254] : memref<40x64xi32, #tpu.memory_space<vmem>> -> memref<1x64xi32, #tpu.memory_space<vmem>>
        %dma_start3A_256 = tpu.memref_squeeze %dma_start3A_255 : memref<1x64xi32, #tpu.memory_space<vmem>> -> memref<64xi32, #tpu.memory_space<vmem>>
        %dma_start3A_257 = arith.constant 0 : i32
        %dma_start3A_258 = arith.constant 0 : i32
        %dma_start3A_259 = tpu.memref_slice %arg2[%dma_start3A_257, %dma_start3A_258] : memref<10240x128xf32, #tpu.memory_space<hbm>> -> memref<10240x128xf32, #tpu.memory_space<hbm>>
        tpu.enqueue_indirect_dma source(%dma_start3A_259 : memref<10240x128xf32, #tpu.memory_space<hbm>>) target(%arg10 : memref<64x128xf32, #tpu.memory_space<vmem>>) offsets(%dma_start3A_256 : memref<64xi32, #tpu.memory_space<vmem>>) semaphore(%arg14 : memref<!tpu.dma_semaphore, #tpu.memory_space<semaphore_mem>>)
      } else {
      }
      %mul3A_179 = arith.constant 4 : i32
      %mul3A_180 = arith.muli %mul3A_179, %scan3A_158 : i32
      %add3A_181 = arith.constant 1 : i32
      %add3A_182 = arith.addi %mul3A_180, %add3A_181 : i32
      %dma_wait3A_183 = arith.constant 0 : i32
      %dma_wait3A_184 = tpu.memref_slice %arg6[%add3A_182, %dma_wait3A_183] : memref<40x64xi32, #tpu.memory_space<vmem>> -> memref<1x64xi32, #tpu.memory_space<vmem>>
      %dma_wait3A_185 = tpu.memref_squeeze %dma_wait3A_184 : memref<1x64xi32, #tpu.memory_space<vmem>> -> memref<64xi32, #tpu.memory_space<vmem>>
      %dma_wait3A_186 = arith.constant 0 : i32
      %dma_wait3A_187 = arith.constant 0 : i32
      %dma_wait3A_188 = tpu.memref_slice %arg2[%dma_wait3A_186, %dma_wait3A_187] : memref<10240x128xf32, #tpu.memory_space<hbm>> -> memref<10240x128xf32, #tpu.memory_space<hbm>>
      tpu.wait_indirect_dma semaphore(%arg13 : memref<!tpu.dma_semaphore, #tpu.memory_space<semaphore_mem>>) src(%dma_wait3A_188 : memref<10240x128xf32, #tpu.memory_space<hbm>>) dst(%arg9 : memref<64x128xf32, #tpu.memory_space<vmem>>)
      %dma_start3A_189 = arith.constant 0 : i32
      %dma_start3A_190 = tpu.memref_slice %arg7[%add3A_182, %dma_start3A_189] : memref<40x64xi32, #tpu.memory_space<vmem>> -> memref<1x64xi32, #tpu.memory_space<vmem>>
      %dma_start3A_191 = tpu.memref_squeeze %dma_start3A_190 : memref<1x64xi32, #tpu.memory_space<vmem>> -> memref<64xi32, #tpu.memory_space<vmem>>
      %dma_start3A_192 = arith.constant 0 : i32
      %dma_start3A_193 = arith.constant 0 : i32
      %dma_start3A_194 = tpu.memref_slice %arg20[%dma_start3A_192, %dma_start3A_193] : memref<10240x128xf32, #tpu.memory_space<vmem_shared>> -> memref<10240x128xf32, #tpu.memory_space<vmem_shared>>
      tpu.enqueue_indirect_dma source(%arg9 : memref<64x128xf32, #tpu.memory_space<vmem>>) target(%dma_start3A_194 : memref<10240x128xf32, #tpu.memory_space<vmem_shared>>) offsets(%dma_start3A_191 : memref<64xi32, #tpu.memory_space<vmem>>) semaphore(%arg17 : memref<!tpu.dma_semaphore, #tpu.memory_space<semaphore_mem>>) {add = true}
      %add3A_195 = arith.constant 2 : i32
      %add3A_196 = arith.addi %add3A_182, %add3A_195 : i32
      %lt3A_197 = arith.constant 40 : i32
      %lt3A_198 = arith.cmpi slt, %add3A_196, %lt3A_197 : i32
      %convert_element_type3A_199 = arith.extui %lt3A_198 : i1 to i32
      %cond3A_200 = arith.constant 0 : i32
      %cond3A_201 = arith.cmpi ne, %convert_element_type3A_199, %cond3A_200 : i32
      scf.if %cond3A_201 {
        %ge3A = arith.constant 2 : i32
        %ge3A_248 = arith.cmpi sge, %add3A_182, %ge3A : i32
        %convert_element_type3A_249 = arith.extui %ge3A_248 : i1 to i32
        %cond3A_250 = arith.constant 0 : i32
        %cond3A_251 = arith.cmpi ne, %convert_element_type3A_249, %cond3A_250 : i32
        scf.if %cond3A_251 {
          %dma_wait3A_260 = arith.constant 0 : i32
          %dma_wait3A_261 = arith.constant 0 : i32
          %dma_wait3A_262 = tpu.memref_slice %arg7[%dma_wait3A_260, %dma_wait3A_261] : memref<40x64xi32, #tpu.memory_space<vmem>> -> memref<1x64xi32, #tpu.memory_space<vmem>>
          %dma_wait3A_263 = tpu.memref_squeeze %dma_wait3A_262 : memref<1x64xi32, #tpu.memory_space<vmem>> -> memref<64xi32, #tpu.memory_space<vmem>>
          %dma_wait3A_264 = arith.constant 0 : i32
          %dma_wait3A_265 = arith.constant 0 : i32
          %dma_wait3A_266 = tpu.memref_slice %arg20[%dma_wait3A_264, %dma_wait3A_265] : memref<10240x128xf32, #tpu.memory_space<vmem_shared>> -> memref<10240x128xf32, #tpu.memory_space<vmem_shared>>
          tpu.wait_indirect_dma semaphore(%arg19 : memref<!tpu.dma_semaphore, #tpu.memory_space<semaphore_mem>>) src(%arg11 : memref<64x128xf32, #tpu.memory_space<vmem>>) dst(%dma_wait3A_266 : memref<10240x128xf32, #tpu.memory_space<vmem_shared>>)
        } else {
        }
        %add3A_252 = arith.constant 2 : i32
        %add3A_253 = arith.addi %add3A_182, %add3A_252 : i32
        %dma_start3A_254 = arith.constant 0 : i32
        %dma_start3A_255 = tpu.memref_slice %arg6[%add3A_253, %dma_start3A_254] : memref<40x64xi32, #tpu.memory_space<vmem>> -> memref<1x64xi32, #tpu.memory_space<vmem>>
        %dma_start3A_256 = tpu.memref_squeeze %dma_start3A_255 : memref<1x64xi32, #tpu.memory_space<vmem>> -> memref<64xi32, #tpu.memory_space<vmem>>
        %dma_start3A_257 = arith.constant 0 : i32
        %dma_start3A_258 = arith.constant 0 : i32
        %dma_start3A_259 = tpu.memref_slice %arg2[%dma_start3A_257, %dma_start3A_258] : memref<10240x128xf32, #tpu.memory_space<hbm>> -> memref<10240x128xf32, #tpu.memory_space<hbm>>
        tpu.enqueue_indirect_dma source(%dma_start3A_259 : memref<10240x128xf32, #tpu.memory_space<hbm>>) target(%arg11 : memref<64x128xf32, #tpu.memory_space<vmem>>) offsets(%dma_start3A_256 : memref<64xi32, #tpu.memory_space<vmem>>) semaphore(%arg15 : memref<!tpu.dma_semaphore, #tpu.memory_space<semaphore_mem>>)
      } else {
      }
      %mul3A_202 = arith.constant 4 : i32
      %mul3A_203 = arith.muli %mul3A_202, %scan3A_158 : i32
      %add3A_204 = arith.constant 2 : i32
      %add3A_205 = arith.addi %mul3A_203, %add3A_204 : i32
      %dma_wait3A_206 = arith.constant 0 : i32
      %dma_wait3A_207 = tpu.memref_slice %arg6[%add3A_205, %dma_wait3A_206] : memref<40x64xi32, #tpu.memory_space<vmem>> -> memref<1x64xi32, #tpu.memory_space<vmem>>
      %dma_wait3A_208 = tpu.memref_squeeze %dma_wait3A_207 : memref<1x64xi32, #tpu.memory_space<vmem>> -> memref<64xi32, #tpu.memory_space<vmem>>
      %dma_wait3A_209 = arith.constant 0 : i32
      %dma_wait3A_210 = arith.constant 0 : i32
      %dma_wait3A_211 = tpu.memref_slice %arg2[%dma_wait3A_209, %dma_wait3A_210] : memref<10240x128xf32, #tpu.memory_space<hbm>> -> memref<10240x128xf32, #tpu.memory_space<hbm>>
      tpu.wait_indirect_dma semaphore(%arg14 : memref<!tpu.dma_semaphore, #tpu.memory_space<semaphore_mem>>) src(%dma_wait3A_211 : memref<10240x128xf32, #tpu.memory_space<hbm>>) dst(%arg10 : memref<64x128xf32, #tpu.memory_space<vmem>>)
      %dma_start3A_212 = arith.constant 0 : i32
      %dma_start3A_213 = tpu.memref_slice %arg7[%add3A_205, %dma_start3A_212] : memref<40x64xi32, #tpu.memory_space<vmem>> -> memref<1x64xi32, #tpu.memory_space<vmem>>
      %dma_start3A_214 = tpu.memref_squeeze %dma_start3A_213 : memref<1x64xi32, #tpu.memory_space<vmem>> -> memref<64xi32, #tpu.memory_space<vmem>>
      %dma_start3A_215 = arith.constant 0 : i32
      %dma_start3A_216 = arith.constant 0 : i32
      %dma_start3A_217 = tpu.memref_slice %arg20[%dma_start3A_215, %dma_start3A_216] : memref<10240x128xf32, #tpu.memory_space<vmem_shared>> -> memref<10240x128xf32, #tpu.memory_space<vmem_shared>>
      tpu.enqueue_indirect_dma source(%arg10 : memref<64x128xf32, #tpu.memory_space<vmem>>) target(%dma_start3A_217 : memref<10240x128xf32, #tpu.memory_space<vmem_shared>>) offsets(%dma_start3A_214 : memref<64xi32, #tpu.memory_space<vmem>>) semaphore(%arg18 : memref<!tpu.dma_semaphore, #tpu.memory_space<semaphore_mem>>) {add = true}
      %add3A_218 = arith.constant 2 : i32
      %add3A_219 = arith.addi %add3A_205, %add3A_218 : i32
      %lt3A_220 = arith.constant 40 : i32
      %lt3A_221 = arith.cmpi slt, %add3A_219, %lt3A_220 : i32
      %convert_element_type3A_222 = arith.extui %lt3A_221 : i1 to i32
      %cond3A_223 = arith.constant 0 : i32
      %cond3A_224 = arith.cmpi ne, %convert_element_type3A_222, %cond3A_223 : i32
      scf.if %cond3A_224 {
        %ge3A = arith.constant 2 : i32
        %ge3A_248 = arith.cmpi sge, %add3A_205, %ge3A : i32
        %convert_element_type3A_249 = arith.extui %ge3A_248 : i1 to i32
        %cond3A_250 = arith.constant 0 : i32
        %cond3A_251 = arith.cmpi ne, %convert_element_type3A_249, %cond3A_250 : i32
        scf.if %cond3A_251 {
          %dma_wait3A_260 = arith.constant 0 : i32
          %dma_wait3A_261 = arith.constant 0 : i32
          %dma_wait3A_262 = tpu.memref_slice %arg7[%dma_wait3A_260, %dma_wait3A_261] : memref<40x64xi32, #tpu.memory_space<vmem>> -> memref<1x64xi32, #tpu.memory_space<vmem>>
          %dma_wait3A_263 = tpu.memref_squeeze %dma_wait3A_262 : memref<1x64xi32, #tpu.memory_space<vmem>> -> memref<64xi32, #tpu.memory_space<vmem>>
          %dma_wait3A_264 = arith.constant 0 : i32
          %dma_wait3A_265 = arith.constant 0 : i32
          %dma_wait3A_266 = tpu.memref_slice %arg20[%dma_wait3A_264, %dma_wait3A_265] : memref<10240x128xf32, #tpu.memory_space<vmem_shared>> -> memref<10240x128xf32, #tpu.memory_space<vmem_shared>>
          tpu.wait_indirect_dma semaphore(%arg16 : memref<!tpu.dma_semaphore, #tpu.memory_space<semaphore_mem>>) src(%arg8 : memref<64x128xf32, #tpu.memory_space<vmem>>) dst(%dma_wait3A_266 : memref<10240x128xf32, #tpu.memory_space<vmem_shared>>)
        } else {
        }
        %add3A_252 = arith.constant 2 : i32
        %add3A_253 = arith.addi %add3A_205, %add3A_252 : i32
        %dma_start3A_254 = arith.constant 0 : i32
        %dma_start3A_255 = tpu.memref_slice %arg6[%add3A_253, %dma_start3A_254] : memref<40x64xi32, #tpu.memory_space<vmem>> -> memref<1x64xi32, #tpu.memory_space<vmem>>
        %dma_start3A_256 = tpu.memref_squeeze %dma_start3A_255 : memref<1x64xi32, #tpu.memory_space<vmem>> -> memref<64xi32, #tpu.memory_space<vmem>>
        %dma_start3A_257 = arith.constant 0 : i32
        %dma_start3A_258 = arith.constant 0 : i32
        %dma_start3A_259 = tpu.memref_slice %arg2[%dma_start3A_257, %dma_start3A_258] : memref<10240x128xf32, #tpu.memory_space<hbm>> -> memref<10240x128xf32, #tpu.memory_space<hbm>>
        tpu.enqueue_indirect_dma source(%dma_start3A_259 : memref<10240x128xf32, #tpu.memory_space<hbm>>) target(%arg8 : memref<64x128xf32, #tpu.memory_space<vmem>>) offsets(%dma_start3A_256 : memref<64xi32, #tpu.memory_space<vmem>>) semaphore(%arg12 : memref<!tpu.dma_semaphore, #tpu.memory_space<semaphore_mem>>)
      } else {
      }
      %mul3A_225 = arith.constant 4 : i32
      %mul3A_226 = arith.muli %mul3A_225, %scan3A_158 : i32
      %add3A_227 = arith.constant 3 : i32
      %add3A_228 = arith.addi %mul3A_226, %add3A_227 : i32
      %dma_wait3A_229 = arith.constant 0 : i32
      %dma_wait3A_230 = tpu.memref_slice %arg6[%add3A_228, %dma_wait3A_229] : memref<40x64xi32, #tpu.memory_space<vmem>> -> memref<1x64xi32, #tpu.memory_space<vmem>>
      %dma_wait3A_231 = tpu.memref_squeeze %dma_wait3A_230 : memref<1x64xi32, #tpu.memory_space<vmem>> -> memref<64xi32, #tpu.memory_space<vmem>>
      %dma_wait3A_232 = arith.constant 0 : i32
      %dma_wait3A_233 = arith.constant 0 : i32
      %dma_wait3A_234 = tpu.memref_slice %arg2[%dma_wait3A_232, %dma_wait3A_233] : memref<10240x128xf32, #tpu.memory_space<hbm>> -> memref<10240x128xf32, #tpu.memory_space<hbm>>
      tpu.wait_indirect_dma semaphore(%arg15 : memref<!tpu.dma_semaphore, #tpu.memory_space<semaphore_mem>>) src(%dma_wait3A_234 : memref<10240x128xf32, #tpu.memory_space<hbm>>) dst(%arg11 : memref<64x128xf32, #tpu.memory_space<vmem>>)
      %dma_start3A_235 = arith.constant 0 : i32
      %dma_start3A_236 = tpu.memref_slice %arg7[%add3A_228, %dma_start3A_235] : memref<40x64xi32, #tpu.memory_space<vmem>> -> memref<1x64xi32, #tpu.memory_space<vmem>>
      %dma_start3A_237 = tpu.memref_squeeze %dma_start3A_236 : memref<1x64xi32, #tpu.memory_space<vmem>> -> memref<64xi32, #tpu.memory_space<vmem>>
      %dma_start3A_238 = arith.constant 0 : i32
      %dma_start3A_239 = arith.constant 0 : i32
      %dma_start3A_240 = tpu.memref_slice %arg20[%dma_start3A_238, %dma_start3A_239] : memref<10240x128xf32, #tpu.memory_space<vmem_shared>> -> memref<10240x128xf32, #tpu.memory_space<vmem_shared>>
      tpu.enqueue_indirect_dma source(%arg11 : memref<64x128xf32, #tpu.memory_space<vmem>>) target(%dma_start3A_240 : memref<10240x128xf32, #tpu.memory_space<vmem_shared>>) offsets(%dma_start3A_237 : memref<64xi32, #tpu.memory_space<vmem>>) semaphore(%arg19 : memref<!tpu.dma_semaphore, #tpu.memory_space<semaphore_mem>>) {add = true}
      %add3A_241 = arith.constant 2 : i32
      %add3A_242 = arith.addi %add3A_228, %add3A_241 : i32
      %lt3A_243 = arith.constant 40 : i32
      %lt3A_244 = arith.cmpi slt, %add3A_242, %lt3A_243 : i32
      %convert_element_type3A_245 = arith.extui %lt3A_244 : i1 to i32
      %cond3A_246 = arith.constant 0 : i32
      %cond3A_247 = arith.cmpi ne, %convert_element_type3A_245, %cond3A_246 : i32
      scf.if %cond3A_247 {
        %ge3A = arith.constant 2 : i32
        %ge3A_248 = arith.cmpi sge, %add3A_228, %ge3A : i32
        %convert_element_type3A_249 = arith.extui %ge3A_248 : i1 to i32
        %cond3A_250 = arith.constant 0 : i32
        %cond3A_251 = arith.cmpi ne, %convert_element_type3A_249, %cond3A_250 : i32
        scf.if %cond3A_251 {
          %dma_wait3A_260 = arith.constant 0 : i32
          %dma_wait3A_261 = arith.constant 0 : i32
          %dma_wait3A_262 = tpu.memref_slice %arg7[%dma_wait3A_260, %dma_wait3A_261] : memref<40x64xi32, #tpu.memory_space<vmem>> -> memref<1x64xi32, #tpu.memory_space<vmem>>
          %dma_wait3A_263 = tpu.memref_squeeze %dma_wait3A_262 : memref<1x64xi32, #tpu.memory_space<vmem>> -> memref<64xi32, #tpu.memory_space<vmem>>
          %dma_wait3A_264 = arith.constant 0 : i32
          %dma_wait3A_265 = arith.constant 0 : i32
          %dma_wait3A_266 = tpu.memref_slice %arg20[%dma_wait3A_264, %dma_wait3A_265] : memref<10240x128xf32, #tpu.memory_space<vmem_shared>> -> memref<10240x128xf32, #tpu.memory_space<vmem_shared>>
          tpu.wait_indirect_dma semaphore(%arg17 : memref<!tpu.dma_semaphore, #tpu.memory_space<semaphore_mem>>) src(%arg9 : memref<64x128xf32, #tpu.memory_space<vmem>>) dst(%dma_wait3A_266 : memref<10240x128xf32, #tpu.memory_space<vmem_shared>>)
        } else {
        }
        %add3A_252 = arith.constant 2 : i32
        %add3A_253 = arith.addi %add3A_228, %add3A_252 : i32
        %dma_start3A_254 = arith.constant 0 : i32
        %dma_start3A_255 = tpu.memref_slice %arg6[%add3A_253, %dma_start3A_254] : memref<40x64xi32, #tpu.memory_space<vmem>> -> memref<1x64xi32, #tpu.memory_space<vmem>>
        %dma_start3A_256 = tpu.memref_squeeze %dma_start3A_255 : memref<1x64xi32, #tpu.memory_space<vmem>> -> memref<64xi32, #tpu.memory_space<vmem>>
        %dma_start3A_257 = arith.constant 0 : i32
        %dma_start3A_258 = arith.constant 0 : i32
        %dma_start3A_259 = tpu.memref_slice %arg2[%dma_start3A_257, %dma_start3A_258] : memref<10240x128xf32, #tpu.memory_space<hbm>> -> memref<10240x128xf32, #tpu.memory_space<hbm>>
        tpu.enqueue_indirect_dma source(%dma_start3A_259 : memref<10240x128xf32, #tpu.memory_space<hbm>>) target(%arg9 : memref<64x128xf32, #tpu.memory_space<vmem>>) offsets(%dma_start3A_256 : memref<64xi32, #tpu.memory_space<vmem>>) semaphore(%arg13 : memref<!tpu.dma_semaphore, #tpu.memory_space<semaphore_mem>>)
      } else {
      }
    }
    %scan3A_21 = arith.constant 10 : i32
    %dma_wait3A = arith.constant 0 : i32
    %dma_wait3A_22 = arith.constant 0 : i32
    %dma_wait3A_23 = tpu.memref_slice %arg7[%dma_wait3A, %dma_wait3A_22] : memref<40x64xi32, #tpu.memory_space<vmem>> -> memref<1x64xi32, #tpu.memory_space<vmem>>
    %dma_wait3A_24 = tpu.memref_squeeze %dma_wait3A_23 : memref<1x64xi32, #tpu.memory_space<vmem>> -> memref<64xi32, #tpu.memory_space<vmem>>
    %dma_wait3A_25 = arith.constant 0 : i32
    %dma_wait3A_26 = arith.constant 0 : i32
    %dma_wait3A_27 = tpu.memref_slice %arg20[%dma_wait3A_25, %dma_wait3A_26] : memref<10240x128xf32, #tpu.memory_space<vmem_shared>> -> memref<10240x128xf32, #tpu.memory_space<vmem_shared>>
    tpu.wait_indirect_dma semaphore(%arg16 : memref<!tpu.dma_semaphore, #tpu.memory_space<semaphore_mem>>) src(%arg8 : memref<64x128xf32, #tpu.memory_space<vmem>>) dst(%dma_wait3A_27 : memref<10240x128xf32, #tpu.memory_space<vmem_shared>>)
    %dma_wait3A_28 = arith.constant 0 : i32
    %dma_wait3A_29 = arith.constant 0 : i32
    %dma_wait3A_30 = tpu.memref_slice %arg7[%dma_wait3A_28, %dma_wait3A_29] : memref<40x64xi32, #tpu.memory_space<vmem>> -> memref<1x64xi32, #tpu.memory_space<vmem>>
    %dma_wait3A_31 = tpu.memref_squeeze %dma_wait3A_30 : memref<1x64xi32, #tpu.memory_space<vmem>> -> memref<64xi32, #tpu.memory_space<vmem>>
    %dma_wait3A_32 = arith.constant 0 : i32
    %dma_wait3A_33 = arith.constant 0 : i32
    %dma_wait3A_34 = tpu.memref_slice %arg20[%dma_wait3A_32, %dma_wait3A_33] : memref<10240x128xf32, #tpu.memory_space<vmem_shared>> -> memref<10240x128xf32, #tpu.memory_space<vmem_shared>>
    tpu.wait_indirect_dma semaphore(%arg17 : memref<!tpu.dma_semaphore, #tpu.memory_space<semaphore_mem>>) src(%arg9 : memref<64x128xf32, #tpu.memory_space<vmem>>) dst(%dma_wait3A_34 : memref<10240x128xf32, #tpu.memory_space<vmem_shared>>)
    %run_scoped3A_35 = arith.constant 1 : i32
    "tpu.region"() ({
      %run_scoped3A_158 = tpu.sem_alloc : memref<!tpu.dma_semaphore, #tpu.memory_space<semaphore_mem>>
      %dma_start3A_159 = arith.constant 0 : i32
      %dma_start3A_160 = arith.constant 0 : i32
      %dma_start3A_161 = tpu.memref_slice %arg3[%add3A, %run_scoped3A_35, %dma_start3A_159, %dma_start3A_160] : memref<32x4x40x64xi32, #tpu.memory_space<hbm>> -> memref<1x1x40x64xi32, #tpu.memory_space<hbm>>
      %dma_start3A_162 = tpu.memref_squeeze %dma_start3A_161 : memref<1x1x40x64xi32, #tpu.memory_space<hbm>> -> memref<40x64xi32, #tpu.memory_space<hbm>>
      %dma_start3A_163 = arith.constant 0 : i32
      %dma_start3A_164 = arith.constant 0 : i32
      %dma_start3A_165 = tpu.memref_slice %arg3[%add3A, %run_scoped3A_35, %dma_start3A_163, %dma_start3A_164] : memref<32x4x40x64xi32, #tpu.memory_space<hbm>> -> memref<1x1x40x64xi32, #tpu.memory_space<hbm>>
      %dma_start3A_166 = tpu.memref_squeeze %dma_start3A_165 : memref<1x1x40x64xi32, #tpu.memory_space<hbm>> -> memref<40x64xi32, #tpu.memory_space<hbm>>
      tpu.enqueue_dma source(%dma_start3A_166 : memref<40x64xi32, #tpu.memory_space<hbm>>) target(%arg6 : memref<40x64xi32, #tpu.memory_space<vmem>>) target_semaphore(%run_scoped3A_158 : memref<!tpu.dma_semaphore, #tpu.memory_space<semaphore_mem>>)
      %dma_wait3A_167 = arith.constant 0 : i32
      %dma_wait3A_168 = arith.constant 0 : i32
      %dma_wait3A_169 = tpu.memref_slice %arg3[%add3A, %run_scoped3A_35, %dma_wait3A_167, %dma_wait3A_168] : memref<32x4x40x64xi32, #tpu.memory_space<hbm>> -> memref<1x1x40x64xi32, #tpu.memory_space<hbm>>
      %dma_wait3A_170 = tpu.memref_squeeze %dma_wait3A_169 : memref<1x1x40x64xi32, #tpu.memory_space<hbm>> -> memref<40x64xi32, #tpu.memory_space<hbm>>
      %dma_wait3A_171 = arith.constant 0 : i32
      %dma_wait3A_172 = arith.constant 0 : i32
      %dma_wait3A_173 = tpu.memref_slice %arg3[%add3A, %run_scoped3A_35, %dma_wait3A_171, %dma_wait3A_172] : memref<32x4x40x64xi32, #tpu.memory_space<hbm>> -> memref<1x1x40x64xi32, #tpu.memory_space<hbm>>
      %dma_wait3A_174 = tpu.memref_squeeze %dma_wait3A_173 : memref<1x1x40x64xi32, #tpu.memory_space<hbm>> -> memref<40x64xi32, #tpu.memory_space<hbm>>
      tpu.wait_dma2 semaphore(%run_scoped3A_158 : memref<!tpu.dma_semaphore, #tpu.memory_space<semaphore_mem>>) src(%dma_wait3A_174 : memref<40x64xi32, #tpu.memory_space<hbm>>) dst(%arg6 : memref<40x64xi32, #tpu.memory_space<vmem>>)
      tpu.yield
    }) : () -> ()
    %run_scoped3A_36 = arith.constant 1 : i32
    "tpu.region"() ({
      %run_scoped3A_158 = tpu.sem_alloc : memref<!tpu.dma_semaphore, #tpu.memory_space<semaphore_mem>>
      %dma_start3A_159 = arith.constant 0 : i32
      %dma_start3A_160 = arith.constant 0 : i32
      %dma_start3A_161 = tpu.memref_slice %arg4[%add3A, %run_scoped3A_36, %dma_start3A_159, %dma_start3A_160] : memref<32x4x40x64xi32, #tpu.memory_space<hbm>> -> memref<1x1x40x64xi32, #tpu.memory_space<hbm>>
      %dma_start3A_162 = tpu.memref_squeeze %dma_start3A_161 : memref<1x1x40x64xi32, #tpu.memory_space<hbm>> -> memref<40x64xi32, #tpu.memory_space<hbm>>
      %dma_start3A_163 = arith.constant 0 : i32
      %dma_start3A_164 = arith.constant 0 : i32
      %dma_start3A_165 = tpu.memref_slice %arg4[%add3A, %run_scoped3A_36, %dma_start3A_163, %dma_start3A_164] : memref<32x4x40x64xi32, #tpu.memory_space<hbm>> -> memref<1x1x40x64xi32, #tpu.memory_space<hbm>>
      %dma_start3A_166 = tpu.memref_squeeze %dma_start3A_165 : memref<1x1x40x64xi32, #tpu.memory_space<hbm>> -> memref<40x64xi32, #tpu.memory_space<hbm>>
      tpu.enqueue_dma source(%dma_start3A_166 : memref<40x64xi32, #tpu.memory_space<hbm>>) target(%arg7 : memref<40x64xi32, #tpu.memory_space<vmem>>) target_semaphore(%run_scoped3A_158 : memref<!tpu.dma_semaphore, #tpu.memory_space<semaphore_mem>>)
      %dma_wait3A_167 = arith.constant 0 : i32
      %dma_wait3A_168 = arith.constant 0 : i32
      %dma_wait3A_169 = tpu.memref_slice %arg4[%add3A, %run_scoped3A_36, %dma_wait3A_167, %dma_wait3A_168] : memref<32x4x40x64xi32, #tpu.memory_space<hbm>> -> memref<1x1x40x64xi32, #tpu.memory_space<hbm>>
      %dma_wait3A_170 = tpu.memref_squeeze %dma_wait3A_169 : memref<1x1x40x64xi32, #tpu.memory_space<hbm>> -> memref<40x64xi32, #tpu.memory_space<hbm>>
      %dma_wait3A_171 = arith.constant 0 : i32
      %dma_wait3A_172 = arith.constant 0 : i32
      %dma_wait3A_173 = tpu.memref_slice %arg4[%add3A, %run_scoped3A_36, %dma_wait3A_171, %dma_wait3A_172] : memref<32x4x40x64xi32, #tpu.memory_space<hbm>> -> memref<1x1x40x64xi32, #tpu.memory_space<hbm>>
      %dma_wait3A_174 = tpu.memref_squeeze %dma_wait3A_173 : memref<1x1x40x64xi32, #tpu.memory_space<hbm>> -> memref<40x64xi32, #tpu.memory_space<hbm>>
      tpu.wait_dma2 semaphore(%run_scoped3A_158 : memref<!tpu.dma_semaphore, #tpu.memory_space<semaphore_mem>>) src(%dma_wait3A_174 : memref<40x64xi32, #tpu.memory_space<hbm>>) dst(%arg7 : memref<40x64xi32, #tpu.memory_space<vmem>>)
      tpu.yield
    }) : () -> ()
    %dma_start3A_37 = arith.constant 0 : i32
    %dma_start3A_38 = arith.constant 0 : i32
    %dma_start3A_39 = tpu.memref_slice %arg6[%dma_start3A_37, %dma_start3A_38] : memref<40x64xi32, #tpu.memory_space<vmem>> -> memref<1x64xi32, #tpu.memory_space<vmem>>
    %dma_start3A_40 = tpu.memref_squeeze %dma_start3A_39 : memref<1x64xi32, #tpu.memory_space<vmem>> -> memref<64xi32, #tpu.memory_space<vmem>>
    %dma_start3A_41 = arith.constant 0 : i32
    %dma_start3A_42 = arith.constant 0 : i32
    %dma_start3A_43 = tpu.memref_slice %arg2[%dma_start3A_41, %dma_start3A_42] : memref<10240x128xf32, #tpu.memory_space<hbm>> -> memref<10240x128xf32, #tpu.memory_space<hbm>>
    tpu.enqueue_indirect_dma source(%dma_start3A_43 : memref<10240x128xf32, #tpu.memory_space<hbm>>) target(%arg8 : memref<64x128xf32, #tpu.memory_space<vmem>>) offsets(%dma_start3A_40 : memref<64xi32, #tpu.memory_space<vmem>>) semaphore(%arg12 : memref<!tpu.dma_semaphore, #tpu.memory_space<semaphore_mem>>)
    %dma_start3A_44 = arith.constant 1 : i32
    %dma_start3A_45 = arith.constant 0 : i32
    %dma_start3A_46 = tpu.memref_slice %arg6[%dma_start3A_44, %dma_start3A_45] : memref<40x64xi32, #tpu.memory_space<vmem>> -> memref<1x64xi32, #tpu.memory_space<vmem>>
    %dma_start3A_47 = tpu.memref_squeeze %dma_start3A_46 : memref<1x64xi32, #tpu.memory_space<vmem>> -> memref<64xi32, #tpu.memory_space<vmem>>
    %dma_start3A_48 = arith.constant 0 : i32
    %dma_start3A_49 = arith.constant 0 : i32
    %dma_start3A_50 = tpu.memref_slice %arg2[%dma_start3A_48, %dma_start3A_49] : memref<10240x128xf32, #tpu.memory_space<hbm>> -> memref<10240x128xf32, #tpu.memory_space<hbm>>
    tpu.enqueue_indirect_dma source(%dma_start3A_50 : memref<10240x128xf32, #tpu.memory_space<hbm>>) target(%arg9 : memref<64x128xf32, #tpu.memory_space<vmem>>) offsets(%dma_start3A_47 : memref<64xi32, #tpu.memory_space<vmem>>) semaphore(%arg13 : memref<!tpu.dma_semaphore, #tpu.memory_space<semaphore_mem>>)
    %scan3A_51 = arith.constant 0 : i32
    %scan3A_52 = arith.constant 0 : i32
    %scan3A_53 = arith.constant 10 : i32
    %scan3A_54 = arith.addi %scan3A_52, %scan3A_53 : i32
    %scan3A_55 = arith.constant 1 : i32
    scf.for %scan3A_158 = %scan3A_52 to %scan3A_54 step %scan3A_55  : i32 {
      %mul3A_159 = arith.constant 4 : i32
      %mul3A_160 = arith.muli %mul3A_159, %scan3A_158 : i32
      %add3A_161 = arith.constant 0 : i32
      %add3A_162 = arith.addi %mul3A_160, %add3A_161 : i32
      %dma_wait3A_163 = arith.constant 0 : i32
      %dma_wait3A_164 = tpu.memref_slice %arg6[%add3A_162, %dma_wait3A_163] : memref<40x64xi32, #tpu.memory_space<vmem>> -> memref<1x64xi32, #tpu.memory_space<vmem>>
      %dma_wait3A_165 = tpu.memref_squeeze %dma_wait3A_164 : memref<1x64xi32, #tpu.memory_space<vmem>> -> memref<64xi32, #tpu.memory_space<vmem>>
      %dma_wait3A_166 = arith.constant 0 : i32
      %dma_wait3A_167 = arith.constant 0 : i32
      %dma_wait3A_168 = tpu.memref_slice %arg2[%dma_wait3A_166, %dma_wait3A_167] : memref<10240x128xf32, #tpu.memory_space<hbm>> -> memref<10240x128xf32, #tpu.memory_space<hbm>>
      tpu.wait_indirect_dma semaphore(%arg12 : memref<!tpu.dma_semaphore, #tpu.memory_space<semaphore_mem>>) src(%dma_wait3A_168 : memref<10240x128xf32, #tpu.memory_space<hbm>>) dst(%arg8 : memref<64x128xf32, #tpu.memory_space<vmem>>)
      %dma_start3A_169 = arith.constant 0 : i32
      %dma_start3A_170 = tpu.memref_slice %arg7[%add3A_162, %dma_start3A_169] : memref<40x64xi32, #tpu.memory_space<vmem>> -> memref<1x64xi32, #tpu.memory_space<vmem>>
      %dma_start3A_171 = tpu.memref_squeeze %dma_start3A_170 : memref<1x64xi32, #tpu.memory_space<vmem>> -> memref<64xi32, #tpu.memory_space<vmem>>
      %dma_start3A_172 = arith.constant 0 : i32
      %dma_start3A_173 = arith.constant 0 : i32
      %dma_start3A_174 = tpu.memref_slice %arg20[%dma_start3A_172, %dma_start3A_173] : memref<10240x128xf32, #tpu.memory_space<vmem_shared>> -> memref<10240x128xf32, #tpu.memory_space<vmem_shared>>
      tpu.enqueue_indirect_dma source(%arg8 : memref<64x128xf32, #tpu.memory_space<vmem>>) target(%dma_start3A_174 : memref<10240x128xf32, #tpu.memory_space<vmem_shared>>) offsets(%dma_start3A_171 : memref<64xi32, #tpu.memory_space<vmem>>) semaphore(%arg16 : memref<!tpu.dma_semaphore, #tpu.memory_space<semaphore_mem>>) {add = true}
      %add3A_175 = arith.constant 2 : i32
      %add3A_176 = arith.addi %add3A_162, %add3A_175 : i32
      %lt3A = arith.constant 40 : i32
      %lt3A_177 = arith.cmpi slt, %add3A_176, %lt3A : i32
      %convert_element_type3A = arith.extui %lt3A_177 : i1 to i32
      %cond3A = arith.constant 0 : i32
      %cond3A_178 = arith.cmpi ne, %convert_element_type3A, %cond3A : i32
      scf.if %cond3A_178 {
        %dma_wait3A_248 = arith.constant 0 : i32
        %dma_wait3A_249 = arith.constant 0 : i32
        %dma_wait3A_250 = tpu.memref_slice %arg7[%dma_wait3A_248, %dma_wait3A_249] : memref<40x64xi32, #tpu.memory_space<vmem>> -> memref<1x64xi32, #tpu.memory_space<vmem>>
        %dma_wait3A_251 = tpu.memref_squeeze %dma_wait3A_250 : memref<1x64xi32, #tpu.memory_space<vmem>> -> memref<64xi32, #tpu.memory_space<vmem>>
        %dma_wait3A_252 = arith.constant 0 : i32
        %dma_wait3A_253 = arith.constant 0 : i32
        %dma_wait3A_254 = tpu.memref_slice %arg20[%dma_wait3A_252, %dma_wait3A_253] : memref<10240x128xf32, #tpu.memory_space<vmem_shared>> -> memref<10240x128xf32, #tpu.memory_space<vmem_shared>>
        tpu.wait_indirect_dma semaphore(%arg18 : memref<!tpu.dma_semaphore, #tpu.memory_space<semaphore_mem>>) src(%arg10 : memref<64x128xf32, #tpu.memory_space<vmem>>) dst(%dma_wait3A_254 : memref<10240x128xf32, #tpu.memory_space<vmem_shared>>)
        %add3A_255 = arith.constant 2 : i32
        %add3A_256 = arith.addi %add3A_162, %add3A_255 : i32
        %dma_start3A_257 = arith.constant 0 : i32
        %dma_start3A_258 = tpu.memref_slice %arg6[%add3A_256, %dma_start3A_257] : memref<40x64xi32, #tpu.memory_space<vmem>> -> memref<1x64xi32, #tpu.memory_space<vmem>>
        %dma_start3A_259 = tpu.memref_squeeze %dma_start3A_258 : memref<1x64xi32, #tpu.memory_space<vmem>> -> memref<64xi32, #tpu.memory_space<vmem>>
        %dma_start3A_260 = arith.constant 0 : i32
        %dma_start3A_261 = arith.constant 0 : i32
        %dma_start3A_262 = tpu.memref_slice %arg2[%dma_start3A_260, %dma_start3A_261] : memref<10240x128xf32, #tpu.memory_space<hbm>> -> memref<10240x128xf32, #tpu.memory_space<hbm>>
        tpu.enqueue_indirect_dma source(%dma_start3A_262 : memref<10240x128xf32, #tpu.memory_space<hbm>>) target(%arg10 : memref<64x128xf32, #tpu.memory_space<vmem>>) offsets(%dma_start3A_259 : memref<64xi32, #tpu.memory_space<vmem>>) semaphore(%arg14 : memref<!tpu.dma_semaphore, #tpu.memory_space<semaphore_mem>>)
      } else {
      }
      %mul3A_179 = arith.constant 4 : i32
      %mul3A_180 = arith.muli %mul3A_179, %scan3A_158 : i32
      %add3A_181 = arith.constant 1 : i32
      %add3A_182 = arith.addi %mul3A_180, %add3A_181 : i32
      %dma_wait3A_183 = arith.constant 0 : i32
      %dma_wait3A_184 = tpu.memref_slice %arg6[%add3A_182, %dma_wait3A_183] : memref<40x64xi32, #tpu.memory_space<vmem>> -> memref<1x64xi32, #tpu.memory_space<vmem>>
      %dma_wait3A_185 = tpu.memref_squeeze %dma_wait3A_184 : memref<1x64xi32, #tpu.memory_space<vmem>> -> memref<64xi32, #tpu.memory_space<vmem>>
      %dma_wait3A_186 = arith.constant 0 : i32
      %dma_wait3A_187 = arith.constant 0 : i32
      %dma_wait3A_188 = tpu.memref_slice %arg2[%dma_wait3A_186, %dma_wait3A_187] : memref<10240x128xf32, #tpu.memory_space<hbm>> -> memref<10240x128xf32, #tpu.memory_space<hbm>>
      tpu.wait_indirect_dma semaphore(%arg13 : memref<!tpu.dma_semaphore, #tpu.memory_space<semaphore_mem>>) src(%dma_wait3A_188 : memref<10240x128xf32, #tpu.memory_space<hbm>>) dst(%arg9 : memref<64x128xf32, #tpu.memory_space<vmem>>)
      %dma_start3A_189 = arith.constant 0 : i32
      %dma_start3A_190 = tpu.memref_slice %arg7[%add3A_182, %dma_start3A_189] : memref<40x64xi32, #tpu.memory_space<vmem>> -> memref<1x64xi32, #tpu.memory_space<vmem>>
      %dma_start3A_191 = tpu.memref_squeeze %dma_start3A_190 : memref<1x64xi32, #tpu.memory_space<vmem>> -> memref<64xi32, #tpu.memory_space<vmem>>
      %dma_start3A_192 = arith.constant 0 : i32
      %dma_start3A_193 = arith.constant 0 : i32
      %dma_start3A_194 = tpu.memref_slice %arg20[%dma_start3A_192, %dma_start3A_193] : memref<10240x128xf32, #tpu.memory_space<vmem_shared>> -> memref<10240x128xf32, #tpu.memory_space<vmem_shared>>
      tpu.enqueue_indirect_dma source(%arg9 : memref<64x128xf32, #tpu.memory_space<vmem>>) target(%dma_start3A_194 : memref<10240x128xf32, #tpu.memory_space<vmem_shared>>) offsets(%dma_start3A_191 : memref<64xi32, #tpu.memory_space<vmem>>) semaphore(%arg17 : memref<!tpu.dma_semaphore, #tpu.memory_space<semaphore_mem>>) {add = true}
      %add3A_195 = arith.constant 2 : i32
      %add3A_196 = arith.addi %add3A_182, %add3A_195 : i32
      %lt3A_197 = arith.constant 40 : i32
      %lt3A_198 = arith.cmpi slt, %add3A_196, %lt3A_197 : i32
      %convert_element_type3A_199 = arith.extui %lt3A_198 : i1 to i32
      %cond3A_200 = arith.constant 0 : i32
      %cond3A_201 = arith.cmpi ne, %convert_element_type3A_199, %cond3A_200 : i32
      scf.if %cond3A_201 {
        %dma_wait3A_248 = arith.constant 0 : i32
        %dma_wait3A_249 = arith.constant 0 : i32
        %dma_wait3A_250 = tpu.memref_slice %arg7[%dma_wait3A_248, %dma_wait3A_249] : memref<40x64xi32, #tpu.memory_space<vmem>> -> memref<1x64xi32, #tpu.memory_space<vmem>>
        %dma_wait3A_251 = tpu.memref_squeeze %dma_wait3A_250 : memref<1x64xi32, #tpu.memory_space<vmem>> -> memref<64xi32, #tpu.memory_space<vmem>>
        %dma_wait3A_252 = arith.constant 0 : i32
        %dma_wait3A_253 = arith.constant 0 : i32
        %dma_wait3A_254 = tpu.memref_slice %arg20[%dma_wait3A_252, %dma_wait3A_253] : memref<10240x128xf32, #tpu.memory_space<vmem_shared>> -> memref<10240x128xf32, #tpu.memory_space<vmem_shared>>
        tpu.wait_indirect_dma semaphore(%arg19 : memref<!tpu.dma_semaphore, #tpu.memory_space<semaphore_mem>>) src(%arg11 : memref<64x128xf32, #tpu.memory_space<vmem>>) dst(%dma_wait3A_254 : memref<10240x128xf32, #tpu.memory_space<vmem_shared>>)
        %add3A_255 = arith.constant 2 : i32
        %add3A_256 = arith.addi %add3A_182, %add3A_255 : i32
        %dma_start3A_257 = arith.constant 0 : i32
        %dma_start3A_258 = tpu.memref_slice %arg6[%add3A_256, %dma_start3A_257] : memref<40x64xi32, #tpu.memory_space<vmem>> -> memref<1x64xi32, #tpu.memory_space<vmem>>
        %dma_start3A_259 = tpu.memref_squeeze %dma_start3A_258 : memref<1x64xi32, #tpu.memory_space<vmem>> -> memref<64xi32, #tpu.memory_space<vmem>>
        %dma_start3A_260 = arith.constant 0 : i32
        %dma_start3A_261 = arith.constant 0 : i32
        %dma_start3A_262 = tpu.memref_slice %arg2[%dma_start3A_260, %dma_start3A_261] : memref<10240x128xf32, #tpu.memory_space<hbm>> -> memref<10240x128xf32, #tpu.memory_space<hbm>>
        tpu.enqueue_indirect_dma source(%dma_start3A_262 : memref<10240x128xf32, #tpu.memory_space<hbm>>) target(%arg11 : memref<64x128xf32, #tpu.memory_space<vmem>>) offsets(%dma_start3A_259 : memref<64xi32, #tpu.memory_space<vmem>>) semaphore(%arg15 : memref<!tpu.dma_semaphore, #tpu.memory_space<semaphore_mem>>)
      } else {
      }
      %mul3A_202 = arith.constant 4 : i32
      %mul3A_203 = arith.muli %mul3A_202, %scan3A_158 : i32
      %add3A_204 = arith.constant 2 : i32
      %add3A_205 = arith.addi %mul3A_203, %add3A_204 : i32
      %dma_wait3A_206 = arith.constant 0 : i32
      %dma_wait3A_207 = tpu.memref_slice %arg6[%add3A_205, %dma_wait3A_206] : memref<40x64xi32, #tpu.memory_space<vmem>> -> memref<1x64xi32, #tpu.memory_space<vmem>>
      %dma_wait3A_208 = tpu.memref_squeeze %dma_wait3A_207 : memref<1x64xi32, #tpu.memory_space<vmem>> -> memref<64xi32, #tpu.memory_space<vmem>>
      %dma_wait3A_209 = arith.constant 0 : i32
      %dma_wait3A_210 = arith.constant 0 : i32
      %dma_wait3A_211 = tpu.memref_slice %arg2[%dma_wait3A_209, %dma_wait3A_210] : memref<10240x128xf32, #tpu.memory_space<hbm>> -> memref<10240x128xf32, #tpu.memory_space<hbm>>
      tpu.wait_indirect_dma semaphore(%arg14 : memref<!tpu.dma_semaphore, #tpu.memory_space<semaphore_mem>>) src(%dma_wait3A_211 : memref<10240x128xf32, #tpu.memory_space<hbm>>) dst(%arg10 : memref<64x128xf32, #tpu.memory_space<vmem>>)
      %dma_start3A_212 = arith.constant 0 : i32
      %dma_start3A_213 = tpu.memref_slice %arg7[%add3A_205, %dma_start3A_212] : memref<40x64xi32, #tpu.memory_space<vmem>> -> memref<1x64xi32, #tpu.memory_space<vmem>>
      %dma_start3A_214 = tpu.memref_squeeze %dma_start3A_213 : memref<1x64xi32, #tpu.memory_space<vmem>> -> memref<64xi32, #tpu.memory_space<vmem>>
      %dma_start3A_215 = arith.constant 0 : i32
      %dma_start3A_216 = arith.constant 0 : i32
      %dma_start3A_217 = tpu.memref_slice %arg20[%dma_start3A_215, %dma_start3A_216] : memref<10240x128xf32, #tpu.memory_space<vmem_shared>> -> memref<10240x128xf32, #tpu.memory_space<vmem_shared>>
      tpu.enqueue_indirect_dma source(%arg10 : memref<64x128xf32, #tpu.memory_space<vmem>>) target(%dma_start3A_217 : memref<10240x128xf32, #tpu.memory_space<vmem_shared>>) offsets(%dma_start3A_214 : memref<64xi32, #tpu.memory_space<vmem>>) semaphore(%arg18 : memref<!tpu.dma_semaphore, #tpu.memory_space<semaphore_mem>>) {add = true}
      %add3A_218 = arith.constant 2 : i32
      %add3A_219 = arith.addi %add3A_205, %add3A_218 : i32
      %lt3A_220 = arith.constant 40 : i32
      %lt3A_221 = arith.cmpi slt, %add3A_219, %lt3A_220 : i32
      %convert_element_type3A_222 = arith.extui %lt3A_221 : i1 to i32
      %cond3A_223 = arith.constant 0 : i32
      %cond3A_224 = arith.cmpi ne, %convert_element_type3A_222, %cond3A_223 : i32
      scf.if %cond3A_224 {
        %dma_wait3A_248 = arith.constant 0 : i32
        %dma_wait3A_249 = arith.constant 0 : i32
        %dma_wait3A_250 = tpu.memref_slice %arg7[%dma_wait3A_248, %dma_wait3A_249] : memref<40x64xi32, #tpu.memory_space<vmem>> -> memref<1x64xi32, #tpu.memory_space<vmem>>
        %dma_wait3A_251 = tpu.memref_squeeze %dma_wait3A_250 : memref<1x64xi32, #tpu.memory_space<vmem>> -> memref<64xi32, #tpu.memory_space<vmem>>
        %dma_wait3A_252 = arith.constant 0 : i32
        %dma_wait3A_253 = arith.constant 0 : i32
        %dma_wait3A_254 = tpu.memref_slice %arg20[%dma_wait3A_252, %dma_wait3A_253] : memref<10240x128xf32, #tpu.memory_space<vmem_shared>> -> memref<10240x128xf32, #tpu.memory_space<vmem_shared>>
        tpu.wait_indirect_dma semaphore(%arg16 : memref<!tpu.dma_semaphore, #tpu.memory_space<semaphore_mem>>) src(%arg8 : memref<64x128xf32, #tpu.memory_space<vmem>>) dst(%dma_wait3A_254 : memref<10240x128xf32, #tpu.memory_space<vmem_shared>>)
        %add3A_255 = arith.constant 2 : i32
        %add3A_256 = arith.addi %add3A_205, %add3A_255 : i32
        %dma_start3A_257 = arith.constant 0 : i32
        %dma_start3A_258 = tpu.memref_slice %arg6[%add3A_256, %dma_start3A_257] : memref<40x64xi32, #tpu.memory_space<vmem>> -> memref<1x64xi32, #tpu.memory_space<vmem>>
        %dma_start3A_259 = tpu.memref_squeeze %dma_start3A_258 : memref<1x64xi32, #tpu.memory_space<vmem>> -> memref<64xi32, #tpu.memory_space<vmem>>
        %dma_start3A_260 = arith.constant 0 : i32
        %dma_start3A_261 = arith.constant 0 : i32
        %dma_start3A_262 = tpu.memref_slice %arg2[%dma_start3A_260, %dma_start3A_261] : memref<10240x128xf32, #tpu.memory_space<hbm>> -> memref<10240x128xf32, #tpu.memory_space<hbm>>
        tpu.enqueue_indirect_dma source(%dma_start3A_262 : memref<10240x128xf32, #tpu.memory_space<hbm>>) target(%arg8 : memref<64x128xf32, #tpu.memory_space<vmem>>) offsets(%dma_start3A_259 : memref<64xi32, #tpu.memory_space<vmem>>) semaphore(%arg12 : memref<!tpu.dma_semaphore, #tpu.memory_space<semaphore_mem>>)
      } else {
      }
      %mul3A_225 = arith.constant 4 : i32
      %mul3A_226 = arith.muli %mul3A_225, %scan3A_158 : i32
      %add3A_227 = arith.constant 3 : i32
      %add3A_228 = arith.addi %mul3A_226, %add3A_227 : i32
      %dma_wait3A_229 = arith.constant 0 : i32
      %dma_wait3A_230 = tpu.memref_slice %arg6[%add3A_228, %dma_wait3A_229] : memref<40x64xi32, #tpu.memory_space<vmem>> -> memref<1x64xi32, #tpu.memory_space<vmem>>
      %dma_wait3A_231 = tpu.memref_squeeze %dma_wait3A_230 : memref<1x64xi32, #tpu.memory_space<vmem>> -> memref<64xi32, #tpu.memory_space<vmem>>
      %dma_wait3A_232 = arith.constant 0 : i32
      %dma_wait3A_233 = arith.constant 0 : i32
      %dma_wait3A_234 = tpu.memref_slice %arg2[%dma_wait3A_232, %dma_wait3A_233] : memref<10240x128xf32, #tpu.memory_space<hbm>> -> memref<10240x128xf32, #tpu.memory_space<hbm>>
      tpu.wait_indirect_dma semaphore(%arg15 : memref<!tpu.dma_semaphore, #tpu.memory_space<semaphore_mem>>) src(%dma_wait3A_234 : memref<10240x128xf32, #tpu.memory_space<hbm>>) dst(%arg11 : memref<64x128xf32, #tpu.memory_space<vmem>>)
      %dma_start3A_235 = arith.constant 0 : i32
      %dma_start3A_236 = tpu.memref_slice %arg7[%add3A_228, %dma_start3A_235] : memref<40x64xi32, #tpu.memory_space<vmem>> -> memref<1x64xi32, #tpu.memory_space<vmem>>
      %dma_start3A_237 = tpu.memref_squeeze %dma_start3A_236 : memref<1x64xi32, #tpu.memory_space<vmem>> -> memref<64xi32, #tpu.memory_space<vmem>>
      %dma_start3A_238 = arith.constant 0 : i32
      %dma_start3A_239 = arith.constant 0 : i32
      %dma_start3A_240 = tpu.memref_slice %arg20[%dma_start3A_238, %dma_start3A_239] : memref<10240x128xf32, #tpu.memory_space<vmem_shared>> -> memref<10240x128xf32, #tpu.memory_space<vmem_shared>>
      tpu.enqueue_indirect_dma source(%arg11 : memref<64x128xf32, #tpu.memory_space<vmem>>) target(%dma_start3A_240 : memref<10240x128xf32, #tpu.memory_space<vmem_shared>>) offsets(%dma_start3A_237 : memref<64xi32, #tpu.memory_space<vmem>>) semaphore(%arg19 : memref<!tpu.dma_semaphore, #tpu.memory_space<semaphore_mem>>) {add = true}
      %add3A_241 = arith.constant 2 : i32
      %add3A_242 = arith.addi %add3A_228, %add3A_241 : i32
      %lt3A_243 = arith.constant 40 : i32
      %lt3A_244 = arith.cmpi slt, %add3A_242, %lt3A_243 : i32
      %convert_element_type3A_245 = arith.extui %lt3A_244 : i1 to i32
      %cond3A_246 = arith.constant 0 : i32
      %cond3A_247 = arith.cmpi ne, %convert_element_type3A_245, %cond3A_246 : i32
      scf.if %cond3A_247 {
        %dma_wait3A_248 = arith.constant 0 : i32
        %dma_wait3A_249 = arith.constant 0 : i32
        %dma_wait3A_250 = tpu.memref_slice %arg7[%dma_wait3A_248, %dma_wait3A_249] : memref<40x64xi32, #tpu.memory_space<vmem>> -> memref<1x64xi32, #tpu.memory_space<vmem>>
        %dma_wait3A_251 = tpu.memref_squeeze %dma_wait3A_250 : memref<1x64xi32, #tpu.memory_space<vmem>> -> memref<64xi32, #tpu.memory_space<vmem>>
        %dma_wait3A_252 = arith.constant 0 : i32
        %dma_wait3A_253 = arith.constant 0 : i32
        %dma_wait3A_254 = tpu.memref_slice %arg20[%dma_wait3A_252, %dma_wait3A_253] : memref<10240x128xf32, #tpu.memory_space<vmem_shared>> -> memref<10240x128xf32, #tpu.memory_space<vmem_shared>>
        tpu.wait_indirect_dma semaphore(%arg17 : memref<!tpu.dma_semaphore, #tpu.memory_space<semaphore_mem>>) src(%arg9 : memref<64x128xf32, #tpu.memory_space<vmem>>) dst(%dma_wait3A_254 : memref<10240x128xf32, #tpu.memory_space<vmem_shared>>)
        %add3A_255 = arith.constant 2 : i32
        %add3A_256 = arith.addi %add3A_228, %add3A_255 : i32
        %dma_start3A_257 = arith.constant 0 : i32
        %dma_start3A_258 = tpu.memref_slice %arg6[%add3A_256, %dma_start3A_257] : memref<40x64xi32, #tpu.memory_space<vmem>> -> memref<1x64xi32, #tpu.memory_space<vmem>>
        %dma_start3A_259 = tpu.memref_squeeze %dma_start3A_258 : memref<1x64xi32, #tpu.memory_space<vmem>> -> memref<64xi32, #tpu.memory_space<vmem>>
        %dma_start3A_260 = arith.constant 0 : i32
        %dma_start3A_261 = arith.constant 0 : i32
        %dma_start3A_262 = tpu.memref_slice %arg2[%dma_start3A_260, %dma_start3A_261] : memref<10240x128xf32, #tpu.memory_space<hbm>> -> memref<10240x128xf32, #tpu.memory_space<hbm>>
        tpu.enqueue_indirect_dma source(%dma_start3A_262 : memref<10240x128xf32, #tpu.memory_space<hbm>>) target(%arg9 : memref<64x128xf32, #tpu.memory_space<vmem>>) offsets(%dma_start3A_259 : memref<64xi32, #tpu.memory_space<vmem>>) semaphore(%arg13 : memref<!tpu.dma_semaphore, #tpu.memory_space<semaphore_mem>>)
      } else {
      }
    }
    %scan3A_56 = arith.constant 10 : i32
    %dma_wait3A_57 = arith.constant 0 : i32
    %dma_wait3A_58 = arith.constant 0 : i32
    %dma_wait3A_59 = tpu.memref_slice %arg7[%dma_wait3A_57, %dma_wait3A_58] : memref<40x64xi32, #tpu.memory_space<vmem>> -> memref<1x64xi32, #tpu.memory_space<vmem>>
    %dma_wait3A_60 = tpu.memref_squeeze %dma_wait3A_59 : memref<1x64xi32, #tpu.memory_space<vmem>> -> memref<64xi32, #tpu.memory_space<vmem>>
    %dma_wait3A_61 = arith.constant 0 : i32
    %dma_wait3A_62 = arith.constant 0 : i32
    %dma_wait3A_63 = tpu.memref_slice %arg20[%dma_wait3A_61, %dma_wait3A_62] : memref<10240x128xf32, #tpu.memory_space<vmem_shared>> -> memref<10240x128xf32, #tpu.memory_space<vmem_shared>>
    tpu.wait_indirect_dma semaphore(%arg16 : memref<!tpu.dma_semaphore, #tpu.memory_space<semaphore_mem>>) src(%arg8 : memref<64x128xf32, #tpu.memory_space<vmem>>) dst(%dma_wait3A_63 : memref<10240x128xf32, #tpu.memory_space<vmem_shared>>)
    %dma_wait3A_64 = arith.constant 0 : i32
    %dma_wait3A_65 = arith.constant 0 : i32
    %dma_wait3A_66 = tpu.memref_slice %arg7[%dma_wait3A_64, %dma_wait3A_65] : memref<40x64xi32, #tpu.memory_space<vmem>> -> memref<1x64xi32, #tpu.memory_space<vmem>>
    %dma_wait3A_67 = tpu.memref_squeeze %dma_wait3A_66 : memref<1x64xi32, #tpu.memory_space<vmem>> -> memref<64xi32, #tpu.memory_space<vmem>>
    %dma_wait3A_68 = arith.constant 0 : i32
    %dma_wait3A_69 = arith.constant 0 : i32
    %dma_wait3A_70 = tpu.memref_slice %arg20[%dma_wait3A_68, %dma_wait3A_69] : memref<10240x128xf32, #tpu.memory_space<vmem_shared>> -> memref<10240x128xf32, #tpu.memory_space<vmem_shared>>
    tpu.wait_indirect_dma semaphore(%arg17 : memref<!tpu.dma_semaphore, #tpu.memory_space<semaphore_mem>>) src(%arg9 : memref<64x128xf32, #tpu.memory_space<vmem>>) dst(%dma_wait3A_70 : memref<10240x128xf32, #tpu.memory_space<vmem_shared>>)
    %run_scoped3A_71 = arith.constant 2 : i32
    "tpu.region"() ({
      %run_scoped3A_158 = tpu.sem_alloc : memref<!tpu.dma_semaphore, #tpu.memory_space<semaphore_mem>>
      %dma_start3A_159 = arith.constant 0 : i32
      %dma_start3A_160 = arith.constant 0 : i32
      %dma_start3A_161 = tpu.memref_slice %arg3[%add3A, %run_scoped3A_71, %dma_start3A_159, %dma_start3A_160] : memref<32x4x40x64xi32, #tpu.memory_space<hbm>> -> memref<1x1x40x64xi32, #tpu.memory_space<hbm>>
      %dma_start3A_162 = tpu.memref_squeeze %dma_start3A_161 : memref<1x1x40x64xi32, #tpu.memory_space<hbm>> -> memref<40x64xi32, #tpu.memory_space<hbm>>
      %dma_start3A_163 = arith.constant 0 : i32
      %dma_start3A_164 = arith.constant 0 : i32
      %dma_start3A_165 = tpu.memref_slice %arg3[%add3A, %run_scoped3A_71, %dma_start3A_163, %dma_start3A_164] : memref<32x4x40x64xi32, #tpu.memory_space<hbm>> -> memref<1x1x40x64xi32, #tpu.memory_space<hbm>>
      %dma_start3A_166 = tpu.memref_squeeze %dma_start3A_165 : memref<1x1x40x64xi32, #tpu.memory_space<hbm>> -> memref<40x64xi32, #tpu.memory_space<hbm>>
      tpu.enqueue_dma source(%dma_start3A_166 : memref<40x64xi32, #tpu.memory_space<hbm>>) target(%arg6 : memref<40x64xi32, #tpu.memory_space<vmem>>) target_semaphore(%run_scoped3A_158 : memref<!tpu.dma_semaphore, #tpu.memory_space<semaphore_mem>>)
      %dma_wait3A_167 = arith.constant 0 : i32
      %dma_wait3A_168 = arith.constant 0 : i32
      %dma_wait3A_169 = tpu.memref_slice %arg3[%add3A, %run_scoped3A_71, %dma_wait3A_167, %dma_wait3A_168] : memref<32x4x40x64xi32, #tpu.memory_space<hbm>> -> memref<1x1x40x64xi32, #tpu.memory_space<hbm>>
      %dma_wait3A_170 = tpu.memref_squeeze %dma_wait3A_169 : memref<1x1x40x64xi32, #tpu.memory_space<hbm>> -> memref<40x64xi32, #tpu.memory_space<hbm>>
      %dma_wait3A_171 = arith.constant 0 : i32
      %dma_wait3A_172 = arith.constant 0 : i32
      %dma_wait3A_173 = tpu.memref_slice %arg3[%add3A, %run_scoped3A_71, %dma_wait3A_171, %dma_wait3A_172] : memref<32x4x40x64xi32, #tpu.memory_space<hbm>> -> memref<1x1x40x64xi32, #tpu.memory_space<hbm>>
      %dma_wait3A_174 = tpu.memref_squeeze %dma_wait3A_173 : memref<1x1x40x64xi32, #tpu.memory_space<hbm>> -> memref<40x64xi32, #tpu.memory_space<hbm>>
      tpu.wait_dma2 semaphore(%run_scoped3A_158 : memref<!tpu.dma_semaphore, #tpu.memory_space<semaphore_mem>>) src(%dma_wait3A_174 : memref<40x64xi32, #tpu.memory_space<hbm>>) dst(%arg6 : memref<40x64xi32, #tpu.memory_space<vmem>>)
      tpu.yield
    }) : () -> ()
    %run_scoped3A_72 = arith.constant 2 : i32
    "tpu.region"() ({
      %run_scoped3A_158 = tpu.sem_alloc : memref<!tpu.dma_semaphore, #tpu.memory_space<semaphore_mem>>
      %dma_start3A_159 = arith.constant 0 : i32
      %dma_start3A_160 = arith.constant 0 : i32
      %dma_start3A_161 = tpu.memref_slice %arg4[%add3A, %run_scoped3A_72, %dma_start3A_159, %dma_start3A_160] : memref<32x4x40x64xi32, #tpu.memory_space<hbm>> -> memref<1x1x40x64xi32, #tpu.memory_space<hbm>>
      %dma_start3A_162 = tpu.memref_squeeze %dma_start3A_161 : memref<1x1x40x64xi32, #tpu.memory_space<hbm>> -> memref<40x64xi32, #tpu.memory_space<hbm>>
      %dma_start3A_163 = arith.constant 0 : i32
      %dma_start3A_164 = arith.constant 0 : i32
      %dma_start3A_165 = tpu.memref_slice %arg4[%add3A, %run_scoped3A_72, %dma_start3A_163, %dma_start3A_164] : memref<32x4x40x64xi32, #tpu.memory_space<hbm>> -> memref<1x1x40x64xi32, #tpu.memory_space<hbm>>
      %dma_start3A_166 = tpu.memref_squeeze %dma_start3A_165 : memref<1x1x40x64xi32, #tpu.memory_space<hbm>> -> memref<40x64xi32, #tpu.memory_space<hbm>>
      tpu.enqueue_dma source(%dma_start3A_166 : memref<40x64xi32, #tpu.memory_space<hbm>>) target(%arg7 : memref<40x64xi32, #tpu.memory_space<vmem>>) target_semaphore(%run_scoped3A_158 : memref<!tpu.dma_semaphore, #tpu.memory_space<semaphore_mem>>)
      %dma_wait3A_167 = arith.constant 0 : i32
      %dma_wait3A_168 = arith.constant 0 : i32
      %dma_wait3A_169 = tpu.memref_slice %arg4[%add3A, %run_scoped3A_72, %dma_wait3A_167, %dma_wait3A_168] : memref<32x4x40x64xi32, #tpu.memory_space<hbm>> -> memref<1x1x40x64xi32, #tpu.memory_space<hbm>>
      %dma_wait3A_170 = tpu.memref_squeeze %dma_wait3A_169 : memref<1x1x40x64xi32, #tpu.memory_space<hbm>> -> memref<40x64xi32, #tpu.memory_space<hbm>>
      %dma_wait3A_171 = arith.constant 0 : i32
      %dma_wait3A_172 = arith.constant 0 : i32
      %dma_wait3A_173 = tpu.memref_slice %arg4[%add3A, %run_scoped3A_72, %dma_wait3A_171, %dma_wait3A_172] : memref<32x4x40x64xi32, #tpu.memory_space<hbm>> -> memref<1x1x40x64xi32, #tpu.memory_space<hbm>>
      %dma_wait3A_174 = tpu.memref_squeeze %dma_wait3A_173 : memref<1x1x40x64xi32, #tpu.memory_space<hbm>> -> memref<40x64xi32, #tpu.memory_space<hbm>>
      tpu.wait_dma2 semaphore(%run_scoped3A_158 : memref<!tpu.dma_semaphore, #tpu.memory_space<semaphore_mem>>) src(%dma_wait3A_174 : memref<40x64xi32, #tpu.memory_space<hbm>>) dst(%arg7 : memref<40x64xi32, #tpu.memory_space<vmem>>)
      tpu.yield
    }) : () -> ()
    %dma_start3A_73 = arith.constant 0 : i32
    %dma_start3A_74 = arith.constant 0 : i32
    %dma_start3A_75 = tpu.memref_slice %arg6[%dma_start3A_73, %dma_start3A_74] : memref<40x64xi32, #tpu.memory_space<vmem>> -> memref<1x64xi32, #tpu.memory_space<vmem>>
    %dma_start3A_76 = tpu.memref_squeeze %dma_start3A_75 : memref<1x64xi32, #tpu.memory_space<vmem>> -> memref<64xi32, #tpu.memory_space<vmem>>
    %dma_start3A_77 = arith.constant 0 : i32
    %dma_start3A_78 = arith.constant 0 : i32
    %dma_start3A_79 = tpu.memref_slice %arg2[%dma_start3A_77, %dma_start3A_78] : memref<10240x128xf32, #tpu.memory_space<hbm>> -> memref<10240x128xf32, #tpu.memory_space<hbm>>
    tpu.enqueue_indirect_dma source(%dma_start3A_79 : memref<10240x128xf32, #tpu.memory_space<hbm>>) target(%arg8 : memref<64x128xf32, #tpu.memory_space<vmem>>) offsets(%dma_start3A_76 : memref<64xi32, #tpu.memory_space<vmem>>) semaphore(%arg12 : memref<!tpu.dma_semaphore, #tpu.memory_space<semaphore_mem>>)
    %dma_start3A_80 = arith.constant 1 : i32
    %dma_start3A_81 = arith.constant 0 : i32
    %dma_start3A_82 = tpu.memref_slice %arg6[%dma_start3A_80, %dma_start3A_81] : memref<40x64xi32, #tpu.memory_space<vmem>> -> memref<1x64xi32, #tpu.memory_space<vmem>>
    %dma_start3A_83 = tpu.memref_squeeze %dma_start3A_82 : memref<1x64xi32, #tpu.memory_space<vmem>> -> memref<64xi32, #tpu.memory_space<vmem>>
    %dma_start3A_84 = arith.constant 0 : i32
    %dma_start3A_85 = arith.constant 0 : i32
    %dma_start3A_86 = tpu.memref_slice %arg2[%dma_start3A_84, %dma_start3A_85] : memref<10240x128xf32, #tpu.memory_space<hbm>> -> memref<10240x128xf32, #tpu.memory_space<hbm>>
    tpu.enqueue_indirect_dma source(%dma_start3A_86 : memref<10240x128xf32, #tpu.memory_space<hbm>>) target(%arg9 : memref<64x128xf32, #tpu.memory_space<vmem>>) offsets(%dma_start3A_83 : memref<64xi32, #tpu.memory_space<vmem>>) semaphore(%arg13 : memref<!tpu.dma_semaphore, #tpu.memory_space<semaphore_mem>>)
    %scan3A_87 = arith.constant 0 : i32
    %scan3A_88 = arith.constant 0 : i32
    %scan3A_89 = arith.constant 10 : i32
    %scan3A_90 = arith.addi %scan3A_88, %scan3A_89 : i32
    %scan3A_91 = arith.constant 1 : i32
    scf.for %scan3A_158 = %scan3A_88 to %scan3A_90 step %scan3A_91  : i32 {
      %mul3A_159 = arith.constant 4 : i32
      %mul3A_160 = arith.muli %mul3A_159, %scan3A_158 : i32
      %add3A_161 = arith.constant 0 : i32
      %add3A_162 = arith.addi %mul3A_160, %add3A_161 : i32
      %dma_wait3A_163 = arith.constant 0 : i32
      %dma_wait3A_164 = tpu.memref_slice %arg6[%add3A_162, %dma_wait3A_163] : memref<40x64xi32, #tpu.memory_space<vmem>> -> memref<1x64xi32, #tpu.memory_space<vmem>>
      %dma_wait3A_165 = tpu.memref_squeeze %dma_wait3A_164 : memref<1x64xi32, #tpu.memory_space<vmem>> -> memref<64xi32, #tpu.memory_space<vmem>>
      %dma_wait3A_166 = arith.constant 0 : i32
      %dma_wait3A_167 = arith.constant 0 : i32
      %dma_wait3A_168 = tpu.memref_slice %arg2[%dma_wait3A_166, %dma_wait3A_167] : memref<10240x128xf32, #tpu.memory_space<hbm>> -> memref<10240x128xf32, #tpu.memory_space<hbm>>
      tpu.wait_indirect_dma semaphore(%arg12 : memref<!tpu.dma_semaphore, #tpu.memory_space<semaphore_mem>>) src(%dma_wait3A_168 : memref<10240x128xf32, #tpu.memory_space<hbm>>) dst(%arg8 : memref<64x128xf32, #tpu.memory_space<vmem>>)
      %dma_start3A_169 = arith.constant 0 : i32
      %dma_start3A_170 = tpu.memref_slice %arg7[%add3A_162, %dma_start3A_169] : memref<40x64xi32, #tpu.memory_space<vmem>> -> memref<1x64xi32, #tpu.memory_space<vmem>>
      %dma_start3A_171 = tpu.memref_squeeze %dma_start3A_170 : memref<1x64xi32, #tpu.memory_space<vmem>> -> memref<64xi32, #tpu.memory_space<vmem>>
      %dma_start3A_172 = arith.constant 0 : i32
      %dma_start3A_173 = arith.constant 0 : i32
      %dma_start3A_174 = tpu.memref_slice %arg20[%dma_start3A_172, %dma_start3A_173] : memref<10240x128xf32, #tpu.memory_space<vmem_shared>> -> memref<10240x128xf32, #tpu.memory_space<vmem_shared>>
      tpu.enqueue_indirect_dma source(%arg8 : memref<64x128xf32, #tpu.memory_space<vmem>>) target(%dma_start3A_174 : memref<10240x128xf32, #tpu.memory_space<vmem_shared>>) offsets(%dma_start3A_171 : memref<64xi32, #tpu.memory_space<vmem>>) semaphore(%arg16 : memref<!tpu.dma_semaphore, #tpu.memory_space<semaphore_mem>>) {add = true}
      %add3A_175 = arith.constant 2 : i32
      %add3A_176 = arith.addi %add3A_162, %add3A_175 : i32
      %lt3A = arith.constant 40 : i32
      %lt3A_177 = arith.cmpi slt, %add3A_176, %lt3A : i32
      %convert_element_type3A = arith.extui %lt3A_177 : i1 to i32
      %cond3A = arith.constant 0 : i32
      %cond3A_178 = arith.cmpi ne, %convert_element_type3A, %cond3A : i32
      scf.if %cond3A_178 {
        %dma_wait3A_248 = arith.constant 0 : i32
        %dma_wait3A_249 = arith.constant 0 : i32
        %dma_wait3A_250 = tpu.memref_slice %arg7[%dma_wait3A_248, %dma_wait3A_249] : memref<40x64xi32, #tpu.memory_space<vmem>> -> memref<1x64xi32, #tpu.memory_space<vmem>>
        %dma_wait3A_251 = tpu.memref_squeeze %dma_wait3A_250 : memref<1x64xi32, #tpu.memory_space<vmem>> -> memref<64xi32, #tpu.memory_space<vmem>>
        %dma_wait3A_252 = arith.constant 0 : i32
        %dma_wait3A_253 = arith.constant 0 : i32
        %dma_wait3A_254 = tpu.memref_slice %arg20[%dma_wait3A_252, %dma_wait3A_253] : memref<10240x128xf32, #tpu.memory_space<vmem_shared>> -> memref<10240x128xf32, #tpu.memory_space<vmem_shared>>
        tpu.wait_indirect_dma semaphore(%arg18 : memref<!tpu.dma_semaphore, #tpu.memory_space<semaphore_mem>>) src(%arg10 : memref<64x128xf32, #tpu.memory_space<vmem>>) dst(%dma_wait3A_254 : memref<10240x128xf32, #tpu.memory_space<vmem_shared>>)
        %add3A_255 = arith.constant 2 : i32
        %add3A_256 = arith.addi %add3A_162, %add3A_255 : i32
        %dma_start3A_257 = arith.constant 0 : i32
        %dma_start3A_258 = tpu.memref_slice %arg6[%add3A_256, %dma_start3A_257] : memref<40x64xi32, #tpu.memory_space<vmem>> -> memref<1x64xi32, #tpu.memory_space<vmem>>
        %dma_start3A_259 = tpu.memref_squeeze %dma_start3A_258 : memref<1x64xi32, #tpu.memory_space<vmem>> -> memref<64xi32, #tpu.memory_space<vmem>>
        %dma_start3A_260 = arith.constant 0 : i32
        %dma_start3A_261 = arith.constant 0 : i32
        %dma_start3A_262 = tpu.memref_slice %arg2[%dma_start3A_260, %dma_start3A_261] : memref<10240x128xf32, #tpu.memory_space<hbm>> -> memref<10240x128xf32, #tpu.memory_space<hbm>>
        tpu.enqueue_indirect_dma source(%dma_start3A_262 : memref<10240x128xf32, #tpu.memory_space<hbm>>) target(%arg10 : memref<64x128xf32, #tpu.memory_space<vmem>>) offsets(%dma_start3A_259 : memref<64xi32, #tpu.memory_space<vmem>>) semaphore(%arg14 : memref<!tpu.dma_semaphore, #tpu.memory_space<semaphore_mem>>)
      } else {
      }
      %mul3A_179 = arith.constant 4 : i32
      %mul3A_180 = arith.muli %mul3A_179, %scan3A_158 : i32
      %add3A_181 = arith.constant 1 : i32
      %add3A_182 = arith.addi %mul3A_180, %add3A_181 : i32
      %dma_wait3A_183 = arith.constant 0 : i32
      %dma_wait3A_184 = tpu.memref_slice %arg6[%add3A_182, %dma_wait3A_183] : memref<40x64xi32, #tpu.memory_space<vmem>> -> memref<1x64xi32, #tpu.memory_space<vmem>>
      %dma_wait3A_185 = tpu.memref_squeeze %dma_wait3A_184 : memref<1x64xi32, #tpu.memory_space<vmem>> -> memref<64xi32, #tpu.memory_space<vmem>>
      %dma_wait3A_186 = arith.constant 0 : i32
      %dma_wait3A_187 = arith.constant 0 : i32
      %dma_wait3A_188 = tpu.memref_slice %arg2[%dma_wait3A_186, %dma_wait3A_187] : memref<10240x128xf32, #tpu.memory_space<hbm>> -> memref<10240x128xf32, #tpu.memory_space<hbm>>
      tpu.wait_indirect_dma semaphore(%arg13 : memref<!tpu.dma_semaphore, #tpu.memory_space<semaphore_mem>>) src(%dma_wait3A_188 : memref<10240x128xf32, #tpu.memory_space<hbm>>) dst(%arg9 : memref<64x128xf32, #tpu.memory_space<vmem>>)
      %dma_start3A_189 = arith.constant 0 : i32
      %dma_start3A_190 = tpu.memref_slice %arg7[%add3A_182, %dma_start3A_189] : memref<40x64xi32, #tpu.memory_space<vmem>> -> memref<1x64xi32, #tpu.memory_space<vmem>>
      %dma_start3A_191 = tpu.memref_squeeze %dma_start3A_190 : memref<1x64xi32, #tpu.memory_space<vmem>> -> memref<64xi32, #tpu.memory_space<vmem>>
      %dma_start3A_192 = arith.constant 0 : i32
      %dma_start3A_193 = arith.constant 0 : i32
      %dma_start3A_194 = tpu.memref_slice %arg20[%dma_start3A_192, %dma_start3A_193] : memref<10240x128xf32, #tpu.memory_space<vmem_shared>> -> memref<10240x128xf32, #tpu.memory_space<vmem_shared>>
      tpu.enqueue_indirect_dma source(%arg9 : memref<64x128xf32, #tpu.memory_space<vmem>>) target(%dma_start3A_194 : memref<10240x128xf32, #tpu.memory_space<vmem_shared>>) offsets(%dma_start3A_191 : memref<64xi32, #tpu.memory_space<vmem>>) semaphore(%arg17 : memref<!tpu.dma_semaphore, #tpu.memory_space<semaphore_mem>>) {add = true}
      %add3A_195 = arith.constant 2 : i32
      %add3A_196 = arith.addi %add3A_182, %add3A_195 : i32
      %lt3A_197 = arith.constant 40 : i32
      %lt3A_198 = arith.cmpi slt, %add3A_196, %lt3A_197 : i32
      %convert_element_type3A_199 = arith.extui %lt3A_198 : i1 to i32
      %cond3A_200 = arith.constant 0 : i32
      %cond3A_201 = arith.cmpi ne, %convert_element_type3A_199, %cond3A_200 : i32
      scf.if %cond3A_201 {
        %dma_wait3A_248 = arith.constant 0 : i32
        %dma_wait3A_249 = arith.constant 0 : i32
        %dma_wait3A_250 = tpu.memref_slice %arg7[%dma_wait3A_248, %dma_wait3A_249] : memref<40x64xi32, #tpu.memory_space<vmem>> -> memref<1x64xi32, #tpu.memory_space<vmem>>
        %dma_wait3A_251 = tpu.memref_squeeze %dma_wait3A_250 : memref<1x64xi32, #tpu.memory_space<vmem>> -> memref<64xi32, #tpu.memory_space<vmem>>
        %dma_wait3A_252 = arith.constant 0 : i32
        %dma_wait3A_253 = arith.constant 0 : i32
        %dma_wait3A_254 = tpu.memref_slice %arg20[%dma_wait3A_252, %dma_wait3A_253] : memref<10240x128xf32, #tpu.memory_space<vmem_shared>> -> memref<10240x128xf32, #tpu.memory_space<vmem_shared>>
        tpu.wait_indirect_dma semaphore(%arg19 : memref<!tpu.dma_semaphore, #tpu.memory_space<semaphore_mem>>) src(%arg11 : memref<64x128xf32, #tpu.memory_space<vmem>>) dst(%dma_wait3A_254 : memref<10240x128xf32, #tpu.memory_space<vmem_shared>>)
        %add3A_255 = arith.constant 2 : i32
        %add3A_256 = arith.addi %add3A_182, %add3A_255 : i32
        %dma_start3A_257 = arith.constant 0 : i32
        %dma_start3A_258 = tpu.memref_slice %arg6[%add3A_256, %dma_start3A_257] : memref<40x64xi32, #tpu.memory_space<vmem>> -> memref<1x64xi32, #tpu.memory_space<vmem>>
        %dma_start3A_259 = tpu.memref_squeeze %dma_start3A_258 : memref<1x64xi32, #tpu.memory_space<vmem>> -> memref<64xi32, #tpu.memory_space<vmem>>
        %dma_start3A_260 = arith.constant 0 : i32
        %dma_start3A_261 = arith.constant 0 : i32
        %dma_start3A_262 = tpu.memref_slice %arg2[%dma_start3A_260, %dma_start3A_261] : memref<10240x128xf32, #tpu.memory_space<hbm>> -> memref<10240x128xf32, #tpu.memory_space<hbm>>
        tpu.enqueue_indirect_dma source(%dma_start3A_262 : memref<10240x128xf32, #tpu.memory_space<hbm>>) target(%arg11 : memref<64x128xf32, #tpu.memory_space<vmem>>) offsets(%dma_start3A_259 : memref<64xi32, #tpu.memory_space<vmem>>) semaphore(%arg15 : memref<!tpu.dma_semaphore, #tpu.memory_space<semaphore_mem>>)
      } else {
      }
      %mul3A_202 = arith.constant 4 : i32
      %mul3A_203 = arith.muli %mul3A_202, %scan3A_158 : i32
      %add3A_204 = arith.constant 2 : i32
      %add3A_205 = arith.addi %mul3A_203, %add3A_204 : i32
      %dma_wait3A_206 = arith.constant 0 : i32
      %dma_wait3A_207 = tpu.memref_slice %arg6[%add3A_205, %dma_wait3A_206] : memref<40x64xi32, #tpu.memory_space<vmem>> -> memref<1x64xi32, #tpu.memory_space<vmem>>
      %dma_wait3A_208 = tpu.memref_squeeze %dma_wait3A_207 : memref<1x64xi32, #tpu.memory_space<vmem>> -> memref<64xi32, #tpu.memory_space<vmem>>
      %dma_wait3A_209 = arith.constant 0 : i32
      %dma_wait3A_210 = arith.constant 0 : i32
      %dma_wait3A_211 = tpu.memref_slice %arg2[%dma_wait3A_209, %dma_wait3A_210] : memref<10240x128xf32, #tpu.memory_space<hbm>> -> memref<10240x128xf32, #tpu.memory_space<hbm>>
      tpu.wait_indirect_dma semaphore(%arg14 : memref<!tpu.dma_semaphore, #tpu.memory_space<semaphore_mem>>) src(%dma_wait3A_211 : memref<10240x128xf32, #tpu.memory_space<hbm>>) dst(%arg10 : memref<64x128xf32, #tpu.memory_space<vmem>>)
      %dma_start3A_212 = arith.constant 0 : i32
      %dma_start3A_213 = tpu.memref_slice %arg7[%add3A_205, %dma_start3A_212] : memref<40x64xi32, #tpu.memory_space<vmem>> -> memref<1x64xi32, #tpu.memory_space<vmem>>
      %dma_start3A_214 = tpu.memref_squeeze %dma_start3A_213 : memref<1x64xi32, #tpu.memory_space<vmem>> -> memref<64xi32, #tpu.memory_space<vmem>>
      %dma_start3A_215 = arith.constant 0 : i32
      %dma_start3A_216 = arith.constant 0 : i32
      %dma_start3A_217 = tpu.memref_slice %arg20[%dma_start3A_215, %dma_start3A_216] : memref<10240x128xf32, #tpu.memory_space<vmem_shared>> -> memref<10240x128xf32, #tpu.memory_space<vmem_shared>>
      tpu.enqueue_indirect_dma source(%arg10 : memref<64x128xf32, #tpu.memory_space<vmem>>) target(%dma_start3A_217 : memref<10240x128xf32, #tpu.memory_space<vmem_shared>>) offsets(%dma_start3A_214 : memref<64xi32, #tpu.memory_space<vmem>>) semaphore(%arg18 : memref<!tpu.dma_semaphore, #tpu.memory_space<semaphore_mem>>) {add = true}
      %add3A_218 = arith.constant 2 : i32
      %add3A_219 = arith.addi %add3A_205, %add3A_218 : i32
      %lt3A_220 = arith.constant 40 : i32
      %lt3A_221 = arith.cmpi slt, %add3A_219, %lt3A_220 : i32
      %convert_element_type3A_222 = arith.extui %lt3A_221 : i1 to i32
      %cond3A_223 = arith.constant 0 : i32
      %cond3A_224 = arith.cmpi ne, %convert_element_type3A_222, %cond3A_223 : i32
      scf.if %cond3A_224 {
        %dma_wait3A_248 = arith.constant 0 : i32
        %dma_wait3A_249 = arith.constant 0 : i32
        %dma_wait3A_250 = tpu.memref_slice %arg7[%dma_wait3A_248, %dma_wait3A_249] : memref<40x64xi32, #tpu.memory_space<vmem>> -> memref<1x64xi32, #tpu.memory_space<vmem>>
        %dma_wait3A_251 = tpu.memref_squeeze %dma_wait3A_250 : memref<1x64xi32, #tpu.memory_space<vmem>> -> memref<64xi32, #tpu.memory_space<vmem>>
        %dma_wait3A_252 = arith.constant 0 : i32
        %dma_wait3A_253 = arith.constant 0 : i32
        %dma_wait3A_254 = tpu.memref_slice %arg20[%dma_wait3A_252, %dma_wait3A_253] : memref<10240x128xf32, #tpu.memory_space<vmem_shared>> -> memref<10240x128xf32, #tpu.memory_space<vmem_shared>>
        tpu.wait_indirect_dma semaphore(%arg16 : memref<!tpu.dma_semaphore, #tpu.memory_space<semaphore_mem>>) src(%arg8 : memref<64x128xf32, #tpu.memory_space<vmem>>) dst(%dma_wait3A_254 : memref<10240x128xf32, #tpu.memory_space<vmem_shared>>)
        %add3A_255 = arith.constant 2 : i32
        %add3A_256 = arith.addi %add3A_205, %add3A_255 : i32
        %dma_start3A_257 = arith.constant 0 : i32
        %dma_start3A_258 = tpu.memref_slice %arg6[%add3A_256, %dma_start3A_257] : memref<40x64xi32, #tpu.memory_space<vmem>> -> memref<1x64xi32, #tpu.memory_space<vmem>>
        %dma_start3A_259 = tpu.memref_squeeze %dma_start3A_258 : memref<1x64xi32, #tpu.memory_space<vmem>> -> memref<64xi32, #tpu.memory_space<vmem>>
        %dma_start3A_260 = arith.constant 0 : i32
        %dma_start3A_261 = arith.constant 0 : i32
        %dma_start3A_262 = tpu.memref_slice %arg2[%dma_start3A_260, %dma_start3A_261] : memref<10240x128xf32, #tpu.memory_space<hbm>> -> memref<10240x128xf32, #tpu.memory_space<hbm>>
        tpu.enqueue_indirect_dma source(%dma_start3A_262 : memref<10240x128xf32, #tpu.memory_space<hbm>>) target(%arg8 : memref<64x128xf32, #tpu.memory_space<vmem>>) offsets(%dma_start3A_259 : memref<64xi32, #tpu.memory_space<vmem>>) semaphore(%arg12 : memref<!tpu.dma_semaphore, #tpu.memory_space<semaphore_mem>>)
      } else {
      }
      %mul3A_225 = arith.constant 4 : i32
      %mul3A_226 = arith.muli %mul3A_225, %scan3A_158 : i32
      %add3A_227 = arith.constant 3 : i32
      %add3A_228 = arith.addi %mul3A_226, %add3A_227 : i32
      %dma_wait3A_229 = arith.constant 0 : i32
      %dma_wait3A_230 = tpu.memref_slice %arg6[%add3A_228, %dma_wait3A_229] : memref<40x64xi32, #tpu.memory_space<vmem>> -> memref<1x64xi32, #tpu.memory_space<vmem>>
      %dma_wait3A_231 = tpu.memref_squeeze %dma_wait3A_230 : memref<1x64xi32, #tpu.memory_space<vmem>> -> memref<64xi32, #tpu.memory_space<vmem>>
      %dma_wait3A_232 = arith.constant 0 : i32
      %dma_wait3A_233 = arith.constant 0 : i32
      %dma_wait3A_234 = tpu.memref_slice %arg2[%dma_wait3A_232, %dma_wait3A_233] : memref<10240x128xf32, #tpu.memory_space<hbm>> -> memref<10240x128xf32, #tpu.memory_space<hbm>>
      tpu.wait_indirect_dma semaphore(%arg15 : memref<!tpu.dma_semaphore, #tpu.memory_space<semaphore_mem>>) src(%dma_wait3A_234 : memref<10240x128xf32, #tpu.memory_space<hbm>>) dst(%arg11 : memref<64x128xf32, #tpu.memory_space<vmem>>)
      %dma_start3A_235 = arith.constant 0 : i32
      %dma_start3A_236 = tpu.memref_slice %arg7[%add3A_228, %dma_start3A_235] : memref<40x64xi32, #tpu.memory_space<vmem>> -> memref<1x64xi32, #tpu.memory_space<vmem>>
      %dma_start3A_237 = tpu.memref_squeeze %dma_start3A_236 : memref<1x64xi32, #tpu.memory_space<vmem>> -> memref<64xi32, #tpu.memory_space<vmem>>
      %dma_start3A_238 = arith.constant 0 : i32
      %dma_start3A_239 = arith.constant 0 : i32
      %dma_start3A_240 = tpu.memref_slice %arg20[%dma_start3A_238, %dma_start3A_239] : memref<10240x128xf32, #tpu.memory_space<vmem_shared>> -> memref<10240x128xf32, #tpu.memory_space<vmem_shared>>
      tpu.enqueue_indirect_dma source(%arg11 : memref<64x128xf32, #tpu.memory_space<vmem>>) target(%dma_start3A_240 : memref<10240x128xf32, #tpu.memory_space<vmem_shared>>) offsets(%dma_start3A_237 : memref<64xi32, #tpu.memory_space<vmem>>) semaphore(%arg19 : memref<!tpu.dma_semaphore, #tpu.memory_space<semaphore_mem>>) {add = true}
      %add3A_241 = arith.constant 2 : i32
      %add3A_242 = arith.addi %add3A_228, %add3A_241 : i32
      %lt3A_243 = arith.constant 40 : i32
      %lt3A_244 = arith.cmpi slt, %add3A_242, %lt3A_243 : i32
      %convert_element_type3A_245 = arith.extui %lt3A_244 : i1 to i32
      %cond3A_246 = arith.constant 0 : i32
      %cond3A_247 = arith.cmpi ne, %convert_element_type3A_245, %cond3A_246 : i32
      scf.if %cond3A_247 {
        %dma_wait3A_248 = arith.constant 0 : i32
        %dma_wait3A_249 = arith.constant 0 : i32
        %dma_wait3A_250 = tpu.memref_slice %arg7[%dma_wait3A_248, %dma_wait3A_249] : memref<40x64xi32, #tpu.memory_space<vmem>> -> memref<1x64xi32, #tpu.memory_space<vmem>>
        %dma_wait3A_251 = tpu.memref_squeeze %dma_wait3A_250 : memref<1x64xi32, #tpu.memory_space<vmem>> -> memref<64xi32, #tpu.memory_space<vmem>>
        %dma_wait3A_252 = arith.constant 0 : i32
        %dma_wait3A_253 = arith.constant 0 : i32
        %dma_wait3A_254 = tpu.memref_slice %arg20[%dma_wait3A_252, %dma_wait3A_253] : memref<10240x128xf32, #tpu.memory_space<vmem_shared>> -> memref<10240x128xf32, #tpu.memory_space<vmem_shared>>
        tpu.wait_indirect_dma semaphore(%arg17 : memref<!tpu.dma_semaphore, #tpu.memory_space<semaphore_mem>>) src(%arg9 : memref<64x128xf32, #tpu.memory_space<vmem>>) dst(%dma_wait3A_254 : memref<10240x128xf32, #tpu.memory_space<vmem_shared>>)
        %add3A_255 = arith.constant 2 : i32
        %add3A_256 = arith.addi %add3A_228, %add3A_255 : i32
        %dma_start3A_257 = arith.constant 0 : i32
        %dma_start3A_258 = tpu.memref_slice %arg6[%add3A_256, %dma_start3A_257] : memref<40x64xi32, #tpu.memory_space<vmem>> -> memref<1x64xi32, #tpu.memory_space<vmem>>
        %dma_start3A_259 = tpu.memref_squeeze %dma_start3A_258 : memref<1x64xi32, #tpu.memory_space<vmem>> -> memref<64xi32, #tpu.memory_space<vmem>>
        %dma_start3A_260 = arith.constant 0 : i32
        %dma_start3A_261 = arith.constant 0 : i32
        %dma_start3A_262 = tpu.memref_slice %arg2[%dma_start3A_260, %dma_start3A_261] : memref<10240x128xf32, #tpu.memory_space<hbm>> -> memref<10240x128xf32, #tpu.memory_space<hbm>>
        tpu.enqueue_indirect_dma source(%dma_start3A_262 : memref<10240x128xf32, #tpu.memory_space<hbm>>) target(%arg9 : memref<64x128xf32, #tpu.memory_space<vmem>>) offsets(%dma_start3A_259 : memref<64xi32, #tpu.memory_space<vmem>>) semaphore(%arg13 : memref<!tpu.dma_semaphore, #tpu.memory_space<semaphore_mem>>)
      } else {
      }
    }
    %scan3A_92 = arith.constant 10 : i32
    %dma_wait3A_93 = arith.constant 0 : i32
    %dma_wait3A_94 = arith.constant 0 : i32
    %dma_wait3A_95 = tpu.memref_slice %arg7[%dma_wait3A_93, %dma_wait3A_94] : memref<40x64xi32, #tpu.memory_space<vmem>> -> memref<1x64xi32, #tpu.memory_space<vmem>>
    %dma_wait3A_96 = tpu.memref_squeeze %dma_wait3A_95 : memref<1x64xi32, #tpu.memory_space<vmem>> -> memref<64xi32, #tpu.memory_space<vmem>>
    %dma_wait3A_97 = arith.constant 0 : i32
    %dma_wait3A_98 = arith.constant 0 : i32
    %dma_wait3A_99 = tpu.memref_slice %arg20[%dma_wait3A_97, %dma_wait3A_98] : memref<10240x128xf32, #tpu.memory_space<vmem_shared>> -> memref<10240x128xf32, #tpu.memory_space<vmem_shared>>
    tpu.wait_indirect_dma semaphore(%arg16 : memref<!tpu.dma_semaphore, #tpu.memory_space<semaphore_mem>>) src(%arg8 : memref<64x128xf32, #tpu.memory_space<vmem>>) dst(%dma_wait3A_99 : memref<10240x128xf32, #tpu.memory_space<vmem_shared>>)
    %dma_wait3A_100 = arith.constant 0 : i32
    %dma_wait3A_101 = arith.constant 0 : i32
    %dma_wait3A_102 = tpu.memref_slice %arg7[%dma_wait3A_100, %dma_wait3A_101] : memref<40x64xi32, #tpu.memory_space<vmem>> -> memref<1x64xi32, #tpu.memory_space<vmem>>
    %dma_wait3A_103 = tpu.memref_squeeze %dma_wait3A_102 : memref<1x64xi32, #tpu.memory_space<vmem>> -> memref<64xi32, #tpu.memory_space<vmem>>
    %dma_wait3A_104 = arith.constant 0 : i32
    %dma_wait3A_105 = arith.constant 0 : i32
    %dma_wait3A_106 = tpu.memref_slice %arg20[%dma_wait3A_104, %dma_wait3A_105] : memref<10240x128xf32, #tpu.memory_space<vmem_shared>> -> memref<10240x128xf32, #tpu.memory_space<vmem_shared>>
    tpu.wait_indirect_dma semaphore(%arg17 : memref<!tpu.dma_semaphore, #tpu.memory_space<semaphore_mem>>) src(%arg9 : memref<64x128xf32, #tpu.memory_space<vmem>>) dst(%dma_wait3A_106 : memref<10240x128xf32, #tpu.memory_space<vmem_shared>>)
    %run_scoped3A_107 = arith.constant 3 : i32
    "tpu.region"() ({
      %run_scoped3A_158 = tpu.sem_alloc : memref<!tpu.dma_semaphore, #tpu.memory_space<semaphore_mem>>
      %dma_start3A_159 = arith.constant 0 : i32
      %dma_start3A_160 = arith.constant 0 : i32
      %dma_start3A_161 = tpu.memref_slice %arg3[%add3A, %run_scoped3A_107, %dma_start3A_159, %dma_start3A_160] : memref<32x4x40x64xi32, #tpu.memory_space<hbm>> -> memref<1x1x40x64xi32, #tpu.memory_space<hbm>>
      %dma_start3A_162 = tpu.memref_squeeze %dma_start3A_161 : memref<1x1x40x64xi32, #tpu.memory_space<hbm>> -> memref<40x64xi32, #tpu.memory_space<hbm>>
      %dma_start3A_163 = arith.constant 0 : i32
      %dma_start3A_164 = arith.constant 0 : i32
      %dma_start3A_165 = tpu.memref_slice %arg3[%add3A, %run_scoped3A_107, %dma_start3A_163, %dma_start3A_164] : memref<32x4x40x64xi32, #tpu.memory_space<hbm>> -> memref<1x1x40x64xi32, #tpu.memory_space<hbm>>
      %dma_start3A_166 = tpu.memref_squeeze %dma_start3A_165 : memref<1x1x40x64xi32, #tpu.memory_space<hbm>> -> memref<40x64xi32, #tpu.memory_space<hbm>>
      tpu.enqueue_dma source(%dma_start3A_166 : memref<40x64xi32, #tpu.memory_space<hbm>>) target(%arg6 : memref<40x64xi32, #tpu.memory_space<vmem>>) target_semaphore(%run_scoped3A_158 : memref<!tpu.dma_semaphore, #tpu.memory_space<semaphore_mem>>)
      %dma_wait3A_167 = arith.constant 0 : i32
      %dma_wait3A_168 = arith.constant 0 : i32
      %dma_wait3A_169 = tpu.memref_slice %arg3[%add3A, %run_scoped3A_107, %dma_wait3A_167, %dma_wait3A_168] : memref<32x4x40x64xi32, #tpu.memory_space<hbm>> -> memref<1x1x40x64xi32, #tpu.memory_space<hbm>>
      %dma_wait3A_170 = tpu.memref_squeeze %dma_wait3A_169 : memref<1x1x40x64xi32, #tpu.memory_space<hbm>> -> memref<40x64xi32, #tpu.memory_space<hbm>>
      %dma_wait3A_171 = arith.constant 0 : i32
      %dma_wait3A_172 = arith.constant 0 : i32
      %dma_wait3A_173 = tpu.memref_slice %arg3[%add3A, %run_scoped3A_107, %dma_wait3A_171, %dma_wait3A_172] : memref<32x4x40x64xi32, #tpu.memory_space<hbm>> -> memref<1x1x40x64xi32, #tpu.memory_space<hbm>>
      %dma_wait3A_174 = tpu.memref_squeeze %dma_wait3A_173 : memref<1x1x40x64xi32, #tpu.memory_space<hbm>> -> memref<40x64xi32, #tpu.memory_space<hbm>>
      tpu.wait_dma2 semaphore(%run_scoped3A_158 : memref<!tpu.dma_semaphore, #tpu.memory_space<semaphore_mem>>) src(%dma_wait3A_174 : memref<40x64xi32, #tpu.memory_space<hbm>>) dst(%arg6 : memref<40x64xi32, #tpu.memory_space<vmem>>)
      tpu.yield
    }) : () -> ()
    %run_scoped3A_108 = arith.constant 3 : i32
    "tpu.region"() ({
      %run_scoped3A_158 = tpu.sem_alloc : memref<!tpu.dma_semaphore, #tpu.memory_space<semaphore_mem>>
      %dma_start3A_159 = arith.constant 0 : i32
      %dma_start3A_160 = arith.constant 0 : i32
      %dma_start3A_161 = tpu.memref_slice %arg4[%add3A, %run_scoped3A_108, %dma_start3A_159, %dma_start3A_160] : memref<32x4x40x64xi32, #tpu.memory_space<hbm>> -> memref<1x1x40x64xi32, #tpu.memory_space<hbm>>
      %dma_start3A_162 = tpu.memref_squeeze %dma_start3A_161 : memref<1x1x40x64xi32, #tpu.memory_space<hbm>> -> memref<40x64xi32, #tpu.memory_space<hbm>>
      %dma_start3A_163 = arith.constant 0 : i32
      %dma_start3A_164 = arith.constant 0 : i32
      %dma_start3A_165 = tpu.memref_slice %arg4[%add3A, %run_scoped3A_108, %dma_start3A_163, %dma_start3A_164] : memref<32x4x40x64xi32, #tpu.memory_space<hbm>> -> memref<1x1x40x64xi32, #tpu.memory_space<hbm>>
      %dma_start3A_166 = tpu.memref_squeeze %dma_start3A_165 : memref<1x1x40x64xi32, #tpu.memory_space<hbm>> -> memref<40x64xi32, #tpu.memory_space<hbm>>
      tpu.enqueue_dma source(%dma_start3A_166 : memref<40x64xi32, #tpu.memory_space<hbm>>) target(%arg7 : memref<40x64xi32, #tpu.memory_space<vmem>>) target_semaphore(%run_scoped3A_158 : memref<!tpu.dma_semaphore, #tpu.memory_space<semaphore_mem>>)
      %dma_wait3A_167 = arith.constant 0 : i32
      %dma_wait3A_168 = arith.constant 0 : i32
      %dma_wait3A_169 = tpu.memref_slice %arg4[%add3A, %run_scoped3A_108, %dma_wait3A_167, %dma_wait3A_168] : memref<32x4x40x64xi32, #tpu.memory_space<hbm>> -> memref<1x1x40x64xi32, #tpu.memory_space<hbm>>
      %dma_wait3A_170 = tpu.memref_squeeze %dma_wait3A_169 : memref<1x1x40x64xi32, #tpu.memory_space<hbm>> -> memref<40x64xi32, #tpu.memory_space<hbm>>
      %dma_wait3A_171 = arith.constant 0 : i32
      %dma_wait3A_172 = arith.constant 0 : i32
      %dma_wait3A_173 = tpu.memref_slice %arg4[%add3A, %run_scoped3A_108, %dma_wait3A_171, %dma_wait3A_172] : memref<32x4x40x64xi32, #tpu.memory_space<hbm>> -> memref<1x1x40x64xi32, #tpu.memory_space<hbm>>
      %dma_wait3A_174 = tpu.memref_squeeze %dma_wait3A_173 : memref<1x1x40x64xi32, #tpu.memory_space<hbm>> -> memref<40x64xi32, #tpu.memory_space<hbm>>
      tpu.wait_dma2 semaphore(%run_scoped3A_158 : memref<!tpu.dma_semaphore, #tpu.memory_space<semaphore_mem>>) src(%dma_wait3A_174 : memref<40x64xi32, #tpu.memory_space<hbm>>) dst(%arg7 : memref<40x64xi32, #tpu.memory_space<vmem>>)
      tpu.yield
    }) : () -> ()
    %dma_start3A_109 = arith.constant 0 : i32
    %dma_start3A_110 = arith.constant 0 : i32
    %dma_start3A_111 = tpu.memref_slice %arg6[%dma_start3A_109, %dma_start3A_110] : memref<40x64xi32, #tpu.memory_space<vmem>> -> memref<1x64xi32, #tpu.memory_space<vmem>>
    %dma_start3A_112 = tpu.memref_squeeze %dma_start3A_111 : memref<1x64xi32, #tpu.memory_space<vmem>> -> memref<64xi32, #tpu.memory_space<vmem>>
    %dma_start3A_113 = arith.constant 0 : i32
    %dma_start3A_114 = arith.constant 0 : i32
    %dma_start3A_115 = tpu.memref_slice %arg2[%dma_start3A_113, %dma_start3A_114] : memref<10240x128xf32, #tpu.memory_space<hbm>> -> memref<10240x128xf32, #tpu.memory_space<hbm>>
    tpu.enqueue_indirect_dma source(%dma_start3A_115 : memref<10240x128xf32, #tpu.memory_space<hbm>>) target(%arg8 : memref<64x128xf32, #tpu.memory_space<vmem>>) offsets(%dma_start3A_112 : memref<64xi32, #tpu.memory_space<vmem>>) semaphore(%arg12 : memref<!tpu.dma_semaphore, #tpu.memory_space<semaphore_mem>>)
    %dma_start3A_116 = arith.constant 1 : i32
    %dma_start3A_117 = arith.constant 0 : i32
    %dma_start3A_118 = tpu.memref_slice %arg6[%dma_start3A_116, %dma_start3A_117] : memref<40x64xi32, #tpu.memory_space<vmem>> -> memref<1x64xi32, #tpu.memory_space<vmem>>
    %dma_start3A_119 = tpu.memref_squeeze %dma_start3A_118 : memref<1x64xi32, #tpu.memory_space<vmem>> -> memref<64xi32, #tpu.memory_space<vmem>>
    %dma_start3A_120 = arith.constant 0 : i32
    %dma_start3A_121 = arith.constant 0 : i32
    %dma_start3A_122 = tpu.memref_slice %arg2[%dma_start3A_120, %dma_start3A_121] : memref<10240x128xf32, #tpu.memory_space<hbm>> -> memref<10240x128xf32, #tpu.memory_space<hbm>>
    tpu.enqueue_indirect_dma source(%dma_start3A_122 : memref<10240x128xf32, #tpu.memory_space<hbm>>) target(%arg9 : memref<64x128xf32, #tpu.memory_space<vmem>>) offsets(%dma_start3A_119 : memref<64xi32, #tpu.memory_space<vmem>>) semaphore(%arg13 : memref<!tpu.dma_semaphore, #tpu.memory_space<semaphore_mem>>)
    %scan3A_123 = arith.constant 0 : i32
    %scan3A_124 = arith.constant 0 : i32
    %scan3A_125 = arith.constant 10 : i32
    %scan3A_126 = arith.addi %scan3A_124, %scan3A_125 : i32
    %scan3A_127 = arith.constant 1 : i32
    scf.for %scan3A_158 = %scan3A_124 to %scan3A_126 step %scan3A_127  : i32 {
      %mul3A_159 = arith.constant 4 : i32
      %mul3A_160 = arith.muli %mul3A_159, %scan3A_158 : i32
      %add3A_161 = arith.constant 0 : i32
      %add3A_162 = arith.addi %mul3A_160, %add3A_161 : i32
      %dma_wait3A_163 = arith.constant 0 : i32
      %dma_wait3A_164 = tpu.memref_slice %arg6[%add3A_162, %dma_wait3A_163] : memref<40x64xi32, #tpu.memory_space<vmem>> -> memref<1x64xi32, #tpu.memory_space<vmem>>
      %dma_wait3A_165 = tpu.memref_squeeze %dma_wait3A_164 : memref<1x64xi32, #tpu.memory_space<vmem>> -> memref<64xi32, #tpu.memory_space<vmem>>
      %dma_wait3A_166 = arith.constant 0 : i32
      %dma_wait3A_167 = arith.constant 0 : i32
      %dma_wait3A_168 = tpu.memref_slice %arg2[%dma_wait3A_166, %dma_wait3A_167] : memref<10240x128xf32, #tpu.memory_space<hbm>> -> memref<10240x128xf32, #tpu.memory_space<hbm>>
      tpu.wait_indirect_dma semaphore(%arg12 : memref<!tpu.dma_semaphore, #tpu.memory_space<semaphore_mem>>) src(%dma_wait3A_168 : memref<10240x128xf32, #tpu.memory_space<hbm>>) dst(%arg8 : memref<64x128xf32, #tpu.memory_space<vmem>>)
      %dma_start3A_169 = arith.constant 0 : i32
      %dma_start3A_170 = tpu.memref_slice %arg7[%add3A_162, %dma_start3A_169] : memref<40x64xi32, #tpu.memory_space<vmem>> -> memref<1x64xi32, #tpu.memory_space<vmem>>
      %dma_start3A_171 = tpu.memref_squeeze %dma_start3A_170 : memref<1x64xi32, #tpu.memory_space<vmem>> -> memref<64xi32, #tpu.memory_space<vmem>>
      %dma_start3A_172 = arith.constant 0 : i32
      %dma_start3A_173 = arith.constant 0 : i32
      %dma_start3A_174 = tpu.memref_slice %arg20[%dma_start3A_172, %dma_start3A_173] : memref<10240x128xf32, #tpu.memory_space<vmem_shared>> -> memref<10240x128xf32, #tpu.memory_space<vmem_shared>>
      tpu.enqueue_indirect_dma source(%arg8 : memref<64x128xf32, #tpu.memory_space<vmem>>) target(%dma_start3A_174 : memref<10240x128xf32, #tpu.memory_space<vmem_shared>>) offsets(%dma_start3A_171 : memref<64xi32, #tpu.memory_space<vmem>>) semaphore(%arg16 : memref<!tpu.dma_semaphore, #tpu.memory_space<semaphore_mem>>) {add = true}
      %add3A_175 = arith.constant 2 : i32
      %add3A_176 = arith.addi %add3A_162, %add3A_175 : i32
      %lt3A = arith.constant 40 : i32
      %lt3A_177 = arith.cmpi slt, %add3A_176, %lt3A : i32
      %convert_element_type3A = arith.extui %lt3A_177 : i1 to i32
      %cond3A = arith.constant 0 : i32
      %cond3A_178 = arith.cmpi ne, %convert_element_type3A, %cond3A : i32
      scf.if %cond3A_178 {
        %dma_wait3A_248 = arith.constant 0 : i32
        %dma_wait3A_249 = arith.constant 0 : i32
        %dma_wait3A_250 = tpu.memref_slice %arg7[%dma_wait3A_248, %dma_wait3A_249] : memref<40x64xi32, #tpu.memory_space<vmem>> -> memref<1x64xi32, #tpu.memory_space<vmem>>
        %dma_wait3A_251 = tpu.memref_squeeze %dma_wait3A_250 : memref<1x64xi32, #tpu.memory_space<vmem>> -> memref<64xi32, #tpu.memory_space<vmem>>
        %dma_wait3A_252 = arith.constant 0 : i32
        %dma_wait3A_253 = arith.constant 0 : i32
        %dma_wait3A_254 = tpu.memref_slice %arg20[%dma_wait3A_252, %dma_wait3A_253] : memref<10240x128xf32, #tpu.memory_space<vmem_shared>> -> memref<10240x128xf32, #tpu.memory_space<vmem_shared>>
        tpu.wait_indirect_dma semaphore(%arg18 : memref<!tpu.dma_semaphore, #tpu.memory_space<semaphore_mem>>) src(%arg10 : memref<64x128xf32, #tpu.memory_space<vmem>>) dst(%dma_wait3A_254 : memref<10240x128xf32, #tpu.memory_space<vmem_shared>>)
        %add3A_255 = arith.constant 2 : i32
        %add3A_256 = arith.addi %add3A_162, %add3A_255 : i32
        %dma_start3A_257 = arith.constant 0 : i32
        %dma_start3A_258 = tpu.memref_slice %arg6[%add3A_256, %dma_start3A_257] : memref<40x64xi32, #tpu.memory_space<vmem>> -> memref<1x64xi32, #tpu.memory_space<vmem>>
        %dma_start3A_259 = tpu.memref_squeeze %dma_start3A_258 : memref<1x64xi32, #tpu.memory_space<vmem>> -> memref<64xi32, #tpu.memory_space<vmem>>
        %dma_start3A_260 = arith.constant 0 : i32
        %dma_start3A_261 = arith.constant 0 : i32
        %dma_start3A_262 = tpu.memref_slice %arg2[%dma_start3A_260, %dma_start3A_261] : memref<10240x128xf32, #tpu.memory_space<hbm>> -> memref<10240x128xf32, #tpu.memory_space<hbm>>
        tpu.enqueue_indirect_dma source(%dma_start3A_262 : memref<10240x128xf32, #tpu.memory_space<hbm>>) target(%arg10 : memref<64x128xf32, #tpu.memory_space<vmem>>) offsets(%dma_start3A_259 : memref<64xi32, #tpu.memory_space<vmem>>) semaphore(%arg14 : memref<!tpu.dma_semaphore, #tpu.memory_space<semaphore_mem>>)
      } else {
      }
      %mul3A_179 = arith.constant 4 : i32
      %mul3A_180 = arith.muli %mul3A_179, %scan3A_158 : i32
      %add3A_181 = arith.constant 1 : i32
      %add3A_182 = arith.addi %mul3A_180, %add3A_181 : i32
      %dma_wait3A_183 = arith.constant 0 : i32
      %dma_wait3A_184 = tpu.memref_slice %arg6[%add3A_182, %dma_wait3A_183] : memref<40x64xi32, #tpu.memory_space<vmem>> -> memref<1x64xi32, #tpu.memory_space<vmem>>
      %dma_wait3A_185 = tpu.memref_squeeze %dma_wait3A_184 : memref<1x64xi32, #tpu.memory_space<vmem>> -> memref<64xi32, #tpu.memory_space<vmem>>
      %dma_wait3A_186 = arith.constant 0 : i32
      %dma_wait3A_187 = arith.constant 0 : i32
      %dma_wait3A_188 = tpu.memref_slice %arg2[%dma_wait3A_186, %dma_wait3A_187] : memref<10240x128xf32, #tpu.memory_space<hbm>> -> memref<10240x128xf32, #tpu.memory_space<hbm>>
      tpu.wait_indirect_dma semaphore(%arg13 : memref<!tpu.dma_semaphore, #tpu.memory_space<semaphore_mem>>) src(%dma_wait3A_188 : memref<10240x128xf32, #tpu.memory_space<hbm>>) dst(%arg9 : memref<64x128xf32, #tpu.memory_space<vmem>>)
      %dma_start3A_189 = arith.constant 0 : i32
      %dma_start3A_190 = tpu.memref_slice %arg7[%add3A_182, %dma_start3A_189] : memref<40x64xi32, #tpu.memory_space<vmem>> -> memref<1x64xi32, #tpu.memory_space<vmem>>
      %dma_start3A_191 = tpu.memref_squeeze %dma_start3A_190 : memref<1x64xi32, #tpu.memory_space<vmem>> -> memref<64xi32, #tpu.memory_space<vmem>>
      %dma_start3A_192 = arith.constant 0 : i32
      %dma_start3A_193 = arith.constant 0 : i32
      %dma_start3A_194 = tpu.memref_slice %arg20[%dma_start3A_192, %dma_start3A_193] : memref<10240x128xf32, #tpu.memory_space<vmem_shared>> -> memref<10240x128xf32, #tpu.memory_space<vmem_shared>>
      tpu.enqueue_indirect_dma source(%arg9 : memref<64x128xf32, #tpu.memory_space<vmem>>) target(%dma_start3A_194 : memref<10240x128xf32, #tpu.memory_space<vmem_shared>>) offsets(%dma_start3A_191 : memref<64xi32, #tpu.memory_space<vmem>>) semaphore(%arg17 : memref<!tpu.dma_semaphore, #tpu.memory_space<semaphore_mem>>) {add = true}
      %add3A_195 = arith.constant 2 : i32
      %add3A_196 = arith.addi %add3A_182, %add3A_195 : i32
      %lt3A_197 = arith.constant 40 : i32
      %lt3A_198 = arith.cmpi slt, %add3A_196, %lt3A_197 : i32
      %convert_element_type3A_199 = arith.extui %lt3A_198 : i1 to i32
      %cond3A_200 = arith.constant 0 : i32
      %cond3A_201 = arith.cmpi ne, %convert_element_type3A_199, %cond3A_200 : i32
      scf.if %cond3A_201 {
        %dma_wait3A_248 = arith.constant 0 : i32
        %dma_wait3A_249 = arith.constant 0 : i32
        %dma_wait3A_250 = tpu.memref_slice %arg7[%dma_wait3A_248, %dma_wait3A_249] : memref<40x64xi32, #tpu.memory_space<vmem>> -> memref<1x64xi32, #tpu.memory_space<vmem>>
        %dma_wait3A_251 = tpu.memref_squeeze %dma_wait3A_250 : memref<1x64xi32, #tpu.memory_space<vmem>> -> memref<64xi32, #tpu.memory_space<vmem>>
        %dma_wait3A_252 = arith.constant 0 : i32
        %dma_wait3A_253 = arith.constant 0 : i32
        %dma_wait3A_254 = tpu.memref_slice %arg20[%dma_wait3A_252, %dma_wait3A_253] : memref<10240x128xf32, #tpu.memory_space<vmem_shared>> -> memref<10240x128xf32, #tpu.memory_space<vmem_shared>>
        tpu.wait_indirect_dma semaphore(%arg19 : memref<!tpu.dma_semaphore, #tpu.memory_space<semaphore_mem>>) src(%arg11 : memref<64x128xf32, #tpu.memory_space<vmem>>) dst(%dma_wait3A_254 : memref<10240x128xf32, #tpu.memory_space<vmem_shared>>)
        %add3A_255 = arith.constant 2 : i32
        %add3A_256 = arith.addi %add3A_182, %add3A_255 : i32
        %dma_start3A_257 = arith.constant 0 : i32
        %dma_start3A_258 = tpu.memref_slice %arg6[%add3A_256, %dma_start3A_257] : memref<40x64xi32, #tpu.memory_space<vmem>> -> memref<1x64xi32, #tpu.memory_space<vmem>>
        %dma_start3A_259 = tpu.memref_squeeze %dma_start3A_258 : memref<1x64xi32, #tpu.memory_space<vmem>> -> memref<64xi32, #tpu.memory_space<vmem>>
        %dma_start3A_260 = arith.constant 0 : i32
        %dma_start3A_261 = arith.constant 0 : i32
        %dma_start3A_262 = tpu.memref_slice %arg2[%dma_start3A_260, %dma_start3A_261] : memref<10240x128xf32, #tpu.memory_space<hbm>> -> memref<10240x128xf32, #tpu.memory_space<hbm>>
        tpu.enqueue_indirect_dma source(%dma_start3A_262 : memref<10240x128xf32, #tpu.memory_space<hbm>>) target(%arg11 : memref<64x128xf32, #tpu.memory_space<vmem>>) offsets(%dma_start3A_259 : memref<64xi32, #tpu.memory_space<vmem>>) semaphore(%arg15 : memref<!tpu.dma_semaphore, #tpu.memory_space<semaphore_mem>>)
      } else {
      }
      %mul3A_202 = arith.constant 4 : i32
      %mul3A_203 = arith.muli %mul3A_202, %scan3A_158 : i32
      %add3A_204 = arith.constant 2 : i32
      %add3A_205 = arith.addi %mul3A_203, %add3A_204 : i32
      %dma_wait3A_206 = arith.constant 0 : i32
      %dma_wait3A_207 = tpu.memref_slice %arg6[%add3A_205, %dma_wait3A_206] : memref<40x64xi32, #tpu.memory_space<vmem>> -> memref<1x64xi32, #tpu.memory_space<vmem>>
      %dma_wait3A_208 = tpu.memref_squeeze %dma_wait3A_207 : memref<1x64xi32, #tpu.memory_space<vmem>> -> memref<64xi32, #tpu.memory_space<vmem>>
      %dma_wait3A_209 = arith.constant 0 : i32
      %dma_wait3A_210 = arith.constant 0 : i32
      %dma_wait3A_211 = tpu.memref_slice %arg2[%dma_wait3A_209, %dma_wait3A_210] : memref<10240x128xf32, #tpu.memory_space<hbm>> -> memref<10240x128xf32, #tpu.memory_space<hbm>>
      tpu.wait_indirect_dma semaphore(%arg14 : memref<!tpu.dma_semaphore, #tpu.memory_space<semaphore_mem>>) src(%dma_wait3A_211 : memref<10240x128xf32, #tpu.memory_space<hbm>>) dst(%arg10 : memref<64x128xf32, #tpu.memory_space<vmem>>)
      %dma_start3A_212 = arith.constant 0 : i32
      %dma_start3A_213 = tpu.memref_slice %arg7[%add3A_205, %dma_start3A_212] : memref<40x64xi32, #tpu.memory_space<vmem>> -> memref<1x64xi32, #tpu.memory_space<vmem>>
      %dma_start3A_214 = tpu.memref_squeeze %dma_start3A_213 : memref<1x64xi32, #tpu.memory_space<vmem>> -> memref<64xi32, #tpu.memory_space<vmem>>
      %dma_start3A_215 = arith.constant 0 : i32
      %dma_start3A_216 = arith.constant 0 : i32
      %dma_start3A_217 = tpu.memref_slice %arg20[%dma_start3A_215, %dma_start3A_216] : memref<10240x128xf32, #tpu.memory_space<vmem_shared>> -> memref<10240x128xf32, #tpu.memory_space<vmem_shared>>
      tpu.enqueue_indirect_dma source(%arg10 : memref<64x128xf32, #tpu.memory_space<vmem>>) target(%dma_start3A_217 : memref<10240x128xf32, #tpu.memory_space<vmem_shared>>) offsets(%dma_start3A_214 : memref<64xi32, #tpu.memory_space<vmem>>) semaphore(%arg18 : memref<!tpu.dma_semaphore, #tpu.memory_space<semaphore_mem>>) {add = true}
      %add3A_218 = arith.constant 2 : i32
      %add3A_219 = arith.addi %add3A_205, %add3A_218 : i32
      %lt3A_220 = arith.constant 40 : i32
      %lt3A_221 = arith.cmpi slt, %add3A_219, %lt3A_220 : i32
      %convert_element_type3A_222 = arith.extui %lt3A_221 : i1 to i32
      %cond3A_223 = arith.constant 0 : i32
      %cond3A_224 = arith.cmpi ne, %convert_element_type3A_222, %cond3A_223 : i32
      scf.if %cond3A_224 {
        %dma_wait3A_248 = arith.constant 0 : i32
        %dma_wait3A_249 = arith.constant 0 : i32
        %dma_wait3A_250 = tpu.memref_slice %arg7[%dma_wait3A_248, %dma_wait3A_249] : memref<40x64xi32, #tpu.memory_space<vmem>> -> memref<1x64xi32, #tpu.memory_space<vmem>>
        %dma_wait3A_251 = tpu.memref_squeeze %dma_wait3A_250 : memref<1x64xi32, #tpu.memory_space<vmem>> -> memref<64xi32, #tpu.memory_space<vmem>>
        %dma_wait3A_252 = arith.constant 0 : i32
        %dma_wait3A_253 = arith.constant 0 : i32
        %dma_wait3A_254 = tpu.memref_slice %arg20[%dma_wait3A_252, %dma_wait3A_253] : memref<10240x128xf32, #tpu.memory_space<vmem_shared>> -> memref<10240x128xf32, #tpu.memory_space<vmem_shared>>
        tpu.wait_indirect_dma semaphore(%arg16 : memref<!tpu.dma_semaphore, #tpu.memory_space<semaphore_mem>>) src(%arg8 : memref<64x128xf32, #tpu.memory_space<vmem>>) dst(%dma_wait3A_254 : memref<10240x128xf32, #tpu.memory_space<vmem_shared>>)
        %add3A_255 = arith.constant 2 : i32
        %add3A_256 = arith.addi %add3A_205, %add3A_255 : i32
        %dma_start3A_257 = arith.constant 0 : i32
        %dma_start3A_258 = tpu.memref_slice %arg6[%add3A_256, %dma_start3A_257] : memref<40x64xi32, #tpu.memory_space<vmem>> -> memref<1x64xi32, #tpu.memory_space<vmem>>
        %dma_start3A_259 = tpu.memref_squeeze %dma_start3A_258 : memref<1x64xi32, #tpu.memory_space<vmem>> -> memref<64xi32, #tpu.memory_space<vmem>>
        %dma_start3A_260 = arith.constant 0 : i32
        %dma_start3A_261 = arith.constant 0 : i32
        %dma_start3A_262 = tpu.memref_slice %arg2[%dma_start3A_260, %dma_start3A_261] : memref<10240x128xf32, #tpu.memory_space<hbm>> -> memref<10240x128xf32, #tpu.memory_space<hbm>>
        tpu.enqueue_indirect_dma source(%dma_start3A_262 : memref<10240x128xf32, #tpu.memory_space<hbm>>) target(%arg8 : memref<64x128xf32, #tpu.memory_space<vmem>>) offsets(%dma_start3A_259 : memref<64xi32, #tpu.memory_space<vmem>>) semaphore(%arg12 : memref<!tpu.dma_semaphore, #tpu.memory_space<semaphore_mem>>)
      } else {
      }
      %mul3A_225 = arith.constant 4 : i32
      %mul3A_226 = arith.muli %mul3A_225, %scan3A_158 : i32
      %add3A_227 = arith.constant 3 : i32
      %add3A_228 = arith.addi %mul3A_226, %add3A_227 : i32
      %dma_wait3A_229 = arith.constant 0 : i32
      %dma_wait3A_230 = tpu.memref_slice %arg6[%add3A_228, %dma_wait3A_229] : memref<40x64xi32, #tpu.memory_space<vmem>> -> memref<1x64xi32, #tpu.memory_space<vmem>>
      %dma_wait3A_231 = tpu.memref_squeeze %dma_wait3A_230 : memref<1x64xi32, #tpu.memory_space<vmem>> -> memref<64xi32, #tpu.memory_space<vmem>>
      %dma_wait3A_232 = arith.constant 0 : i32
      %dma_wait3A_233 = arith.constant 0 : i32
      %dma_wait3A_234 = tpu.memref_slice %arg2[%dma_wait3A_232, %dma_wait3A_233] : memref<10240x128xf32, #tpu.memory_space<hbm>> -> memref<10240x128xf32, #tpu.memory_space<hbm>>
      tpu.wait_indirect_dma semaphore(%arg15 : memref<!tpu.dma_semaphore, #tpu.memory_space<semaphore_mem>>) src(%dma_wait3A_234 : memref<10240x128xf32, #tpu.memory_space<hbm>>) dst(%arg11 : memref<64x128xf32, #tpu.memory_space<vmem>>)
      %dma_start3A_235 = arith.constant 0 : i32
      %dma_start3A_236 = tpu.memref_slice %arg7[%add3A_228, %dma_start3A_235] : memref<40x64xi32, #tpu.memory_space<vmem>> -> memref<1x64xi32, #tpu.memory_space<vmem>>
      %dma_start3A_237 = tpu.memref_squeeze %dma_start3A_236 : memref<1x64xi32, #tpu.memory_space<vmem>> -> memref<64xi32, #tpu.memory_space<vmem>>
      %dma_start3A_238 = arith.constant 0 : i32
      %dma_start3A_239 = arith.constant 0 : i32
      %dma_start3A_240 = tpu.memref_slice %arg20[%dma_start3A_238, %dma_start3A_239] : memref<10240x128xf32, #tpu.memory_space<vmem_shared>> -> memref<10240x128xf32, #tpu.memory_space<vmem_shared>>
      tpu.enqueue_indirect_dma source(%arg11 : memref<64x128xf32, #tpu.memory_space<vmem>>) target(%dma_start3A_240 : memref<10240x128xf32, #tpu.memory_space<vmem_shared>>) offsets(%dma_start3A_237 : memref<64xi32, #tpu.memory_space<vmem>>) semaphore(%arg19 : memref<!tpu.dma_semaphore, #tpu.memory_space<semaphore_mem>>) {add = true}
      %add3A_241 = arith.constant 2 : i32
      %add3A_242 = arith.addi %add3A_228, %add3A_241 : i32
      %lt3A_243 = arith.constant 40 : i32
      %lt3A_244 = arith.cmpi slt, %add3A_242, %lt3A_243 : i32
      %convert_element_type3A_245 = arith.extui %lt3A_244 : i1 to i32
      %cond3A_246 = arith.constant 0 : i32
      %cond3A_247 = arith.cmpi ne, %convert_element_type3A_245, %cond3A_246 : i32
      scf.if %cond3A_247 {
        %dma_wait3A_248 = arith.constant 0 : i32
        %dma_wait3A_249 = arith.constant 0 : i32
        %dma_wait3A_250 = tpu.memref_slice %arg7[%dma_wait3A_248, %dma_wait3A_249] : memref<40x64xi32, #tpu.memory_space<vmem>> -> memref<1x64xi32, #tpu.memory_space<vmem>>
        %dma_wait3A_251 = tpu.memref_squeeze %dma_wait3A_250 : memref<1x64xi32, #tpu.memory_space<vmem>> -> memref<64xi32, #tpu.memory_space<vmem>>
        %dma_wait3A_252 = arith.constant 0 : i32
        %dma_wait3A_253 = arith.constant 0 : i32
        %dma_wait3A_254 = tpu.memref_slice %arg20[%dma_wait3A_252, %dma_wait3A_253] : memref<10240x128xf32, #tpu.memory_space<vmem_shared>> -> memref<10240x128xf32, #tpu.memory_space<vmem_shared>>
        tpu.wait_indirect_dma semaphore(%arg17 : memref<!tpu.dma_semaphore, #tpu.memory_space<semaphore_mem>>) src(%arg9 : memref<64x128xf32, #tpu.memory_space<vmem>>) dst(%dma_wait3A_254 : memref<10240x128xf32, #tpu.memory_space<vmem_shared>>)
        %add3A_255 = arith.constant 2 : i32
        %add3A_256 = arith.addi %add3A_228, %add3A_255 : i32
        %dma_start3A_257 = arith.constant 0 : i32
        %dma_start3A_258 = tpu.memref_slice %arg6[%add3A_256, %dma_start3A_257] : memref<40x64xi32, #tpu.memory_space<vmem>> -> memref<1x64xi32, #tpu.memory_space<vmem>>
        %dma_start3A_259 = tpu.memref_squeeze %dma_start3A_258 : memref<1x64xi32, #tpu.memory_space<vmem>> -> memref<64xi32, #tpu.memory_space<vmem>>
        %dma_start3A_260 = arith.constant 0 : i32
        %dma_start3A_261 = arith.constant 0 : i32
        %dma_start3A_262 = tpu.memref_slice %arg2[%dma_start3A_260, %dma_start3A_261] : memref<10240x128xf32, #tpu.memory_space<hbm>> -> memref<10240x128xf32, #tpu.memory_space<hbm>>
        tpu.enqueue_indirect_dma source(%dma_start3A_262 : memref<10240x128xf32, #tpu.memory_space<hbm>>) target(%arg9 : memref<64x128xf32, #tpu.memory_space<vmem>>) offsets(%dma_start3A_259 : memref<64xi32, #tpu.memory_space<vmem>>) semaphore(%arg13 : memref<!tpu.dma_semaphore, #tpu.memory_space<semaphore_mem>>)
      } else {
      }
    }
    %scan3A_128 = arith.constant 10 : i32
    %dma_wait3A_129 = arith.constant 0 : i32
    %dma_wait3A_130 = arith.constant 0 : i32
    %dma_wait3A_131 = tpu.memref_slice %arg7[%dma_wait3A_129, %dma_wait3A_130] : memref<40x64xi32, #tpu.memory_space<vmem>> -> memref<1x64xi32, #tpu.memory_space<vmem>>
    %dma_wait3A_132 = tpu.memref_squeeze %dma_wait3A_131 : memref<1x64xi32, #tpu.memory_space<vmem>> -> memref<64xi32, #tpu.memory_space<vmem>>
    %dma_wait3A_133 = arith.constant 0 : i32
    %dma_wait3A_134 = arith.constant 0 : i32
    %dma_wait3A_135 = tpu.memref_slice %arg20[%dma_wait3A_133, %dma_wait3A_134] : memref<10240x128xf32, #tpu.memory_space<vmem_shared>> -> memref<10240x128xf32, #tpu.memory_space<vmem_shared>>
    tpu.wait_indirect_dma semaphore(%arg16 : memref<!tpu.dma_semaphore, #tpu.memory_space<semaphore_mem>>) src(%arg8 : memref<64x128xf32, #tpu.memory_space<vmem>>) dst(%dma_wait3A_135 : memref<10240x128xf32, #tpu.memory_space<vmem_shared>>)
    %dma_wait3A_136 = arith.constant 0 : i32
    %dma_wait3A_137 = arith.constant 0 : i32
    %dma_wait3A_138 = tpu.memref_slice %arg7[%dma_wait3A_136, %dma_wait3A_137] : memref<40x64xi32, #tpu.memory_space<vmem>> -> memref<1x64xi32, #tpu.memory_space<vmem>>
    %dma_wait3A_139 = tpu.memref_squeeze %dma_wait3A_138 : memref<1x64xi32, #tpu.memory_space<vmem>> -> memref<64xi32, #tpu.memory_space<vmem>>
    %dma_wait3A_140 = arith.constant 0 : i32
    %dma_wait3A_141 = arith.constant 0 : i32
    %dma_wait3A_142 = tpu.memref_slice %arg20[%dma_wait3A_140, %dma_wait3A_141] : memref<10240x128xf32, #tpu.memory_space<vmem_shared>> -> memref<10240x128xf32, #tpu.memory_space<vmem_shared>>
    tpu.wait_indirect_dma semaphore(%arg17 : memref<!tpu.dma_semaphore, #tpu.memory_space<semaphore_mem>>) src(%arg9 : memref<64x128xf32, #tpu.memory_space<vmem>>) dst(%dma_wait3A_142 : memref<10240x128xf32, #tpu.memory_space<vmem_shared>>)
    %dma_wait3A_143 = arith.constant 0 : i32
    %dma_wait3A_144 = arith.constant 0 : i32
    %dma_wait3A_145 = tpu.memref_slice %arg7[%dma_wait3A_143, %dma_wait3A_144] : memref<40x64xi32, #tpu.memory_space<vmem>> -> memref<1x64xi32, #tpu.memory_space<vmem>>
    %dma_wait3A_146 = tpu.memref_squeeze %dma_wait3A_145 : memref<1x64xi32, #tpu.memory_space<vmem>> -> memref<64xi32, #tpu.memory_space<vmem>>
    %dma_wait3A_147 = arith.constant 0 : i32
    %dma_wait3A_148 = arith.constant 0 : i32
    %dma_wait3A_149 = tpu.memref_slice %arg20[%dma_wait3A_147, %dma_wait3A_148] : memref<10240x128xf32, #tpu.memory_space<vmem_shared>> -> memref<10240x128xf32, #tpu.memory_space<vmem_shared>>
    tpu.wait_indirect_dma semaphore(%arg18 : memref<!tpu.dma_semaphore, #tpu.memory_space<semaphore_mem>>) src(%arg10 : memref<64x128xf32, #tpu.memory_space<vmem>>) dst(%dma_wait3A_149 : memref<10240x128xf32, #tpu.memory_space<vmem_shared>>)
    %dma_wait3A_150 = arith.constant 0 : i32
    %dma_wait3A_151 = arith.constant 0 : i32
    %dma_wait3A_152 = tpu.memref_slice %arg7[%dma_wait3A_150, %dma_wait3A_151] : memref<40x64xi32, #tpu.memory_space<vmem>> -> memref<1x64xi32, #tpu.memory_space<vmem>>
    %dma_wait3A_153 = tpu.memref_squeeze %dma_wait3A_152 : memref<1x64xi32, #tpu.memory_space<vmem>> -> memref<64xi32, #tpu.memory_space<vmem>>
    %dma_wait3A_154 = arith.constant 0 : i32
    %dma_wait3A_155 = arith.constant 0 : i32
    %dma_wait3A_156 = tpu.memref_slice %arg20[%dma_wait3A_154, %dma_wait3A_155] : memref<10240x128xf32, #tpu.memory_space<vmem_shared>> -> memref<10240x128xf32, #tpu.memory_space<vmem_shared>>
    tpu.wait_indirect_dma semaphore(%arg19 : memref<!tpu.dma_semaphore, #tpu.memory_space<semaphore_mem>>) src(%arg11 : memref<64x128xf32, #tpu.memory_space<vmem>>) dst(%dma_wait3A_156 : memref<10240x128xf32, #tpu.memory_space<vmem_shared>>)
    %barrier3A_157 = arith.constant 0 : index
    tpu.barrier barrier_id(%barrier3A_157)
    "tpu.region"() ({
      %run_scoped3A_158 = tpu.sem_alloc : memref<!tpu.dma_semaphore, #tpu.memory_space<semaphore_mem>>
      %dma_start3A_159 = arith.constant 0 : i32
      %dma_start3A_160 = tpu.memref_slice %arg5[%arg0, %mul3A_2, %dma_start3A_159] : memref<2x10240x128xf32, #tpu.memory_space<hbm>> -> memref<1x640x128xf32, #tpu.memory_space<hbm>>
      %dma_start3A_161 = tpu.memref_squeeze %dma_start3A_160 : memref<1x640x128xf32, #tpu.memory_space<hbm>> -> memref<640x128xf32, #tpu.memory_space<hbm>>
      %dma_start3A_162 = arith.constant 0 : i32
      %dma_start3A_163 = tpu.memref_slice %arg20[%mul3A_2, %dma_start3A_162] : memref<10240x128xf32, #tpu.memory_space<vmem_shared>> -> memref<640x128xf32, #tpu.memory_space<vmem_shared>>
      tpu.enqueue_dma source(%dma_start3A_163 : memref<640x128xf32, #tpu.memory_space<vmem_shared>>) target(%dma_start3A_161 : memref<640x128xf32, #tpu.memory_space<hbm>>) target_semaphore(%run_scoped3A_158 : memref<!tpu.dma_semaphore, #tpu.memory_space<semaphore_mem>>)
      %dma_wait3A_164 = arith.constant 0 : i32
      %dma_wait3A_165 = tpu.memref_slice %arg5[%arg0, %mul3A_2, %dma_wait3A_164] : memref<2x10240x128xf32, #tpu.memory_space<hbm>> -> memref<1x640x128xf32, #tpu.memory_space<hbm>>
      %dma_wait3A_166 = tpu.memref_squeeze %dma_wait3A_165 : memref<1x640x128xf32, #tpu.memory_space<hbm>> -> memref<640x128xf32, #tpu.memory_space<hbm>>
      %dma_wait3A_167 = arith.constant 0 : i32
      %dma_wait3A_168 = tpu.memref_slice %arg20[%mul3A_2, %dma_wait3A_167] : memref<10240x128xf32, #tpu.memory_space<vmem_shared>> -> memref<640x128xf32, #tpu.memory_space<vmem_shared>>
      tpu.wait_dma2 semaphore(%run_scoped3A_158 : memref<!tpu.dma_semaphore, #tpu.memory_space<semaphore_mem>>) src(%dma_wait3A_168 : memref<640x128xf32, #tpu.memory_space<vmem_shared>>) dst(%dma_wait3A_166 : memref<640x128xf32, #tpu.memory_space<hbm>>)
      tpu.yield
    }) : () -> ()
    return
  }
}

module attributes {stable_mosaic.version = 14 : i64} {
  func.func @body(%arg0: i32, %arg1: memref<1024x128xf32, #tpu.memory_space<vmem>>, %arg2: memref<128x128xf32, #tpu.memory_space<vmem>>, %arg3: memref<1024x1xf32, #tpu.memory_space<vmem>>, %arg4: memref<1024x1xf32, #tpu.memory_space<vmem>>, %arg5: memref<1024x128xf32, #tpu.memory_space<vmem>>, %arg6: memref<1024x1xf32, #tpu.memory_space<vmem>>) attributes {dimension_semantics = [#tpu.dimension_semantics<arbitrary>], iteration_bounds = array<i64: 10>, scalar_prefetch = 0 : i64, scratch_operands = 0 : i64, tpu.core_type = #tpu.core_type<tc>, window_params = [{transform_indices = @transform_0, window_bounds = array<i64: 1024, 128>}, {pipeline_mode = #tpu.pipeline_mode<synchronous>, transform_indices = @transform_1, window_bounds = array<i64: 128, 128>}, {transform_indices = @transform_2, window_bounds = array<i64: 1024, 1>}, {transform_indices = @transform_3, window_bounds = array<i64: 1024, 1>}, {transform_indices = @transform_4, window_bounds = array<i64: 1024, 128>}, {transform_indices = @transform_5, window_bounds = array<i64: 1024, 1>}]} {
    %get3A = arith.constant 0 : index
    %get3A_0 = arith.constant 0 : index
    %get3A_1 = vector.load %arg3[%get3A, %get3A_0] : memref<1024x1xf32, #tpu.memory_space<vmem>>, vector<1024x1xf32>
    %get3A_2 = arith.constant 0 : index
    %get3A_3 = arith.constant 0 : index
    %get3A_4 = vector.load %arg4[%get3A_2, %get3A_3] : memref<1024x1xf32, #tpu.memory_space<vmem>>, vector<1024x1xf32>
    %add3A = arith.addf %get3A_1, %get3A_4 : vector<1024x1xf32>
    %add3A_5 = arith.constant 1.000000e+00 : f32
    %add3A_6 = vector.broadcast %add3A_5 : f32 to vector<1024x1xf32>
    %add3A_7 = arith.addf %add3A, %add3A_6 : vector<1024x1xf32>
    %rsqrt3A = math.rsqrt %add3A_7 : vector<1024x1xf32>
    %get3A_8 = arith.constant 0 : index
    %get3A_9 = arith.constant 0 : index
    %get3A_10 = vector.load %arg1[%get3A_8, %get3A_9] : memref<1024x128xf32, #tpu.memory_space<vmem>>, vector<1024x128xf32>
    %get3A_11 = arith.constant 0 : index
    %get3A_12 = arith.constant 0 : index
    %get3A_13 = vector.load %arg2[%get3A_11, %get3A_12] : memref<128x128xf32, #tpu.memory_space<vmem>>, vector<128x128xf32>
    %dot_general3A = arith.constant dense<0.000000e+00> : vector<1024x128xf32>
    %dot_general3A_14 = tpu.matmul %get3A_10, %get3A_13, %dot_general3A {dimension_numbers = #tpu.dot_dimension_numbers<[1], [0], [0], [1], [0, 0, 1, 1], [], []>, transpose_lhs_hint = false} : vector<1024x128xf32>, vector<128x128xf32>, vector<1024x128xf32> -> vector<1024x128xf32>
    %mul3A = vector.broadcast %rsqrt3A : vector<1024x1xf32> to vector<1024x128xf32>
    %mul3A_15 = arith.mulf %dot_general3A_14, %mul3A : vector<1024x128xf32>
    %swap3A = arith.constant 0 : index
    %swap3A_16 = arith.constant 0 : index
    %swap3A_17 = vector.load %arg5[%swap3A, %swap3A_16] : memref<1024x128xf32, #tpu.memory_space<vmem>>, vector<1024x128xf32>
    tpu.vector_store %arg5[%swap3A, %swap3A_16], %mul3A_15 {strides = array<i32>} : memref<1024x128xf32, #tpu.memory_space<vmem>>, vector<1024x128xf32>,
    %swap3A_18 = arith.constant 0 : index
    %swap3A_19 = arith.constant 0 : index
    %swap3A_20 = vector.load %arg6[%swap3A_18, %swap3A_19] : memref<1024x1xf32, #tpu.memory_space<vmem>>, vector<1024x1xf32>
    tpu.vector_store %arg6[%swap3A_18, %swap3A_19], %rsqrt3A {strides = array<i32>} : memref<1024x1xf32, #tpu.memory_space<vmem>>, vector<1024x1xf32>,
    return
  }
  func.func @transform_0(%arg0: i32) -> (i32, i32) {
    %c0_i32 = arith.constant 0 : i32
    %c0_i32_0 = arith.constant 0 : i32
    return %arg0, %c0_i32 : i32, i32
  }
  func.func @transform_1(%arg0: i32) -> (i32, i32) {
    %c0_i32 = arith.constant 0 : i32
    %c0_i32_0 = arith.constant 0 : i32
    %c0_i32_1 = arith.constant 0 : i32
    return %c0_i32, %c0_i32_0 : i32, i32
  }
  func.func @transform_2(%arg0: i32) -> (i32, i32) {
    %c0_i32 = arith.constant 0 : i32
    %c0_i32_0 = arith.constant 0 : i32
    return %arg0, %c0_i32 : i32, i32
  }
  func.func @transform_3(%arg0: i32) -> (i32, i32) {
    %c0_i32 = arith.constant 0 : i32
    %c0_i32_0 = arith.constant 0 : i32
    return %arg0, %c0_i32 : i32, i32
  }
  func.func @transform_4(%arg0: i32) -> (i32, i32) {
    %c0_i32 = arith.constant 0 : i32
    %c0_i32_0 = arith.constant 0 : i32
    return %arg0, %c0_i32 : i32, i32
  }
  func.func @transform_5(%arg0: i32) -> (i32, i32) {
    %c0_i32 = arith.constant 0 : i32
    %c0_i32_0 = arith.constant 0 : i32
    return %arg0, %c0_i32 : i32, i32
  }
}

module attributes {stable_mosaic.version = 14 : i64} {
  func.func @body(%arg0: i32, %arg1: memref<1024x128xf32, #tpu.memory_space<vmem>>, %arg2: memref<1024x128xf32, #tpu.memory_space<vmem>>, %arg3: memref<1024x128xf32, #tpu.memory_space<vmem>>, %arg4: memref<1024x1xf32, #tpu.memory_space<vmem>>, %arg5: memref<1x128xf32, #tpu.memory_space<vmem>>, %arg6: memref<128x128xf32, #tpu.memory_space<vmem>>, %arg7: memref<1024x128xf32, #tpu.memory_space<vmem>>) attributes {dimension_semantics = [#tpu.dimension_semantics<arbitrary>], iteration_bounds = array<i64: 10>, scalar_prefetch = 0 : i64, scratch_operands = 0 : i64, tpu.core_type = #tpu.core_type<tc>, window_params = [{transform_indices = @transform_0, window_bounds = array<i64: 1024, 128>}, {transform_indices = @transform_1, window_bounds = array<i64: 1024, 128>}, {transform_indices = @transform_2, window_bounds = array<i64: 1024, 128>}, {transform_indices = @transform_3, window_bounds = array<i64: 1024, 1>}, {pipeline_mode = #tpu.pipeline_mode<synchronous>, transform_indices = @transform_4, window_bounds = array<i64: 1, 128>}, {pipeline_mode = #tpu.pipeline_mode<synchronous>, transform_indices = @transform_5, window_bounds = array<i64: 128, 128>}, {transform_indices = @transform_6, window_bounds = array<i64: 1024, 128>}]} {
    %get3A = arith.constant 0 : index
    %get3A_0 = arith.constant 0 : index
    %get3A_1 = vector.load %arg4[%get3A, %get3A_0] : memref<1024x1xf32, #tpu.memory_space<vmem>>, vector<1024x1xf32>
    %get3A_2 = arith.constant 0 : index
    %get3A_3 = arith.constant 0 : index
    %get3A_4 = vector.load %arg1[%get3A_2, %get3A_3] : memref<1024x128xf32, #tpu.memory_space<vmem>>, vector<1024x128xf32>
    %get3A_5 = arith.constant 0 : index
    %get3A_6 = arith.constant 0 : index
    %get3A_7 = vector.load %arg2[%get3A_5, %get3A_6] : memref<1024x128xf32, #tpu.memory_space<vmem>>, vector<1024x128xf32>
    %add3A = arith.addf %get3A_4, %get3A_7 : vector<1024x128xf32>
    %get3A_8 = arith.constant 0 : index
    %get3A_9 = arith.constant 0 : index
    %get3A_10 = vector.load %arg3[%get3A_8, %get3A_9] : memref<1024x128xf32, #tpu.memory_space<vmem>>, vector<1024x128xf32>
    %sub3A = arith.subf %add3A, %get3A_10 : vector<1024x128xf32>
    %mul3A = vector.broadcast %get3A_1 : vector<1024x1xf32> to vector<1024x128xf32>
    %mul3A_11 = arith.mulf %mul3A, %sub3A : vector<1024x128xf32>
    %get3A_12 = arith.constant 0 : index
    %get3A_13 = arith.constant 0 : index
    %get3A_14 = vector.load %arg5[%get3A_12, %get3A_13] : memref<1x128xf32, #tpu.memory_space<vmem>>, vector<1x128xf32>
    %add3A_15 = vector.broadcast %get3A_14 : vector<1x128xf32> to vector<1024x128xf32>
    %add3A_16 = arith.addf %mul3A_11, %add3A_15 : vector<1024x128xf32>
    %max3A = arith.constant 0.000000e+00 : f32
    %max3A_17 = vector.broadcast %max3A : f32 to vector<1024x128xf32>
    %max3A_18 = arith.maximumf %add3A_16, %max3A_17 : vector<1024x128xf32>
    %get3A_19 = arith.constant 0 : index
    %get3A_20 = arith.constant 0 : index
    %get3A_21 = vector.load %arg6[%get3A_19, %get3A_20] : memref<128x128xf32, #tpu.memory_space<vmem>>, vector<128x128xf32>
    %dot_general3A = arith.constant dense<0.000000e+00> : vector<1024x128xf32>
    %dot_general3A_22 = tpu.matmul %max3A_18, %get3A_21, %dot_general3A {dimension_numbers = #tpu.dot_dimension_numbers<[1], [0], [0], [1], [0, 0, 1, 1], [], []>, transpose_lhs_hint = false} : vector<1024x128xf32>, vector<128x128xf32>, vector<1024x128xf32> -> vector<1024x128xf32>
    %mul3A_23 = vector.broadcast %get3A_1 : vector<1024x1xf32> to vector<1024x128xf32>
    %mul3A_24 = arith.mulf %mul3A_23, %dot_general3A_22 : vector<1024x128xf32>
    %swap3A = arith.constant 0 : index
    %swap3A_25 = arith.constant 0 : index
    %swap3A_26 = vector.load %arg7[%swap3A, %swap3A_25] : memref<1024x128xf32, #tpu.memory_space<vmem>>, vector<1024x128xf32>
    tpu.vector_store %arg7[%swap3A, %swap3A_25], %mul3A_24 {strides = array<i32>} : memref<1024x128xf32, #tpu.memory_space<vmem>>, vector<1024x128xf32>,
    return
  }
  func.func @transform_0(%arg0: i32) -> (i32, i32) {
    %c0_i32 = arith.constant 0 : i32
    %c0_i32_0 = arith.constant 0 : i32
    return %arg0, %c0_i32 : i32, i32
  }
  func.func @transform_1(%arg0: i32) -> (i32, i32) {
    %c0_i32 = arith.constant 0 : i32
    %c0_i32_0 = arith.constant 0 : i32
    return %arg0, %c0_i32 : i32, i32
  }
  func.func @transform_2(%arg0: i32) -> (i32, i32) {
    %c0_i32 = arith.constant 0 : i32
    %c0_i32_0 = arith.constant 0 : i32
    return %arg0, %c0_i32 : i32, i32
  }
  func.func @transform_3(%arg0: i32) -> (i32, i32) {
    %c0_i32 = arith.constant 0 : i32
    %c0_i32_0 = arith.constant 0 : i32
    return %arg0, %c0_i32 : i32, i32
  }
  func.func @transform_4(%arg0: i32) -> (i32, i32) {
    %c0_i32 = arith.constant 0 : i32
    %c0_i32_0 = arith.constant 0 : i32
    %c0_i32_1 = arith.constant 0 : i32
    return %c0_i32, %c0_i32_0 : i32, i32
  }
  func.func @transform_5(%arg0: i32) -> (i32, i32) {
    %c0_i32 = arith.constant 0 : i32
    %c0_i32_0 = arith.constant 0 : i32
    %c0_i32_1 = arith.constant 0 : i32
    return %c0_i32, %c0_i32_0 : i32, i32
  }
  func.func @transform_6(%arg0: i32) -> (i32, i32) {
    %c0_i32 = arith.constant 0 : i32
    %c0_i32_0 = arith.constant 0 : i32
    return %arg0, %c0_i32 : i32, i32
  }
}

module attributes {stable_mosaic.version = 14 : i64} {
  func.func @body(%arg0: i32, %arg1: memref<1024x128xf32, #tpu.memory_space<vmem>>, %arg2: memref<1024x128xf32, #tpu.memory_space<vmem>>, %arg3: memref<1024x128xf32, #tpu.memory_space<vmem>>, %arg4: memref<1024x1xf32, #tpu.memory_space<vmem>>, %arg5: memref<1x128xf32, #tpu.memory_space<vmem>>, %arg6: memref<1024x128xf32, #tpu.memory_space<vmem>>) attributes {dimension_semantics = [#tpu.dimension_semantics<arbitrary>], iteration_bounds = array<i64: 10>, scalar_prefetch = 0 : i64, scratch_operands = 0 : i64, tpu.core_type = #tpu.core_type<tc>, window_params = [{transform_indices = @transform_0, window_bounds = array<i64: 1024, 128>}, {transform_indices = @transform_1, window_bounds = array<i64: 1024, 128>}, {transform_indices = @transform_2, window_bounds = array<i64: 1024, 128>}, {transform_indices = @transform_3, window_bounds = array<i64: 1024, 1>}, {pipeline_mode = #tpu.pipeline_mode<synchronous>, transform_indices = @transform_4, window_bounds = array<i64: 1, 128>}, {transform_indices = @transform_5, window_bounds = array<i64: 1024, 128>}]} {
    %get3A = arith.constant 0 : index
    %get3A_0 = arith.constant 0 : index
    %get3A_1 = vector.load %arg4[%get3A, %get3A_0] : memref<1024x1xf32, #tpu.memory_space<vmem>>, vector<1024x1xf32>
    %get3A_2 = arith.constant 0 : index
    %get3A_3 = arith.constant 0 : index
    %get3A_4 = vector.load %arg1[%get3A_2, %get3A_3] : memref<1024x128xf32, #tpu.memory_space<vmem>>, vector<1024x128xf32>
    %get3A_5 = arith.constant 0 : index
    %get3A_6 = arith.constant 0 : index
    %get3A_7 = vector.load %arg2[%get3A_5, %get3A_6] : memref<1024x128xf32, #tpu.memory_space<vmem>>, vector<1024x128xf32>
    %add3A = arith.addf %get3A_4, %get3A_7 : vector<1024x128xf32>
    %get3A_8 = arith.constant 0 : index
    %get3A_9 = arith.constant 0 : index
    %get3A_10 = vector.load %arg3[%get3A_8, %get3A_9] : memref<1024x128xf32, #tpu.memory_space<vmem>>, vector<1024x128xf32>
    %sub3A = arith.subf %add3A, %get3A_10 : vector<1024x128xf32>
    %mul3A = vector.broadcast %get3A_1 : vector<1024x1xf32> to vector<1024x128xf32>
    %mul3A_11 = arith.mulf %mul3A, %sub3A : vector<1024x128xf32>
    %get3A_12 = arith.constant 0 : index
    %get3A_13 = arith.constant 0 : index
    %get3A_14 = vector.load %arg5[%get3A_12, %get3A_13] : memref<1x128xf32, #tpu.memory_space<vmem>>, vector<1x128xf32>
    %add3A_15 = vector.broadcast %get3A_14 : vector<1x128xf32> to vector<1024x128xf32>
    %add3A_16 = arith.addf %mul3A_11, %add3A_15 : vector<1024x128xf32>
    %max3A = arith.constant 0.000000e+00 : f32
    %max3A_17 = vector.broadcast %max3A : f32 to vector<1024x128xf32>
    %max3A_18 = arith.maximumf %add3A_16, %max3A_17 : vector<1024x128xf32>
    %swap3A = arith.constant 0 : index
    %swap3A_19 = arith.constant 0 : index
    %swap3A_20 = vector.load %arg6[%swap3A, %swap3A_19] : memref<1024x128xf32, #tpu.memory_space<vmem>>, vector<1024x128xf32>
    tpu.vector_store %arg6[%swap3A, %swap3A_19], %max3A_18 {strides = array<i32>} : memref<1024x128xf32, #tpu.memory_space<vmem>>, vector<1024x128xf32>,
    return
  }
  func.func @transform_0(%arg0: i32) -> (i32, i32) {
    %c0_i32 = arith.constant 0 : i32
    %c0_i32_0 = arith.constant 0 : i32
    return %arg0, %c0_i32 : i32, i32
  }
  func.func @transform_1(%arg0: i32) -> (i32, i32) {
    %c0_i32 = arith.constant 0 : i32
    %c0_i32_0 = arith.constant 0 : i32
    return %arg0, %c0_i32 : i32, i32
  }
  func.func @transform_2(%arg0: i32) -> (i32, i32) {
    %c0_i32 = arith.constant 0 : i32
    %c0_i32_0 = arith.constant 0 : i32
    return %arg0, %c0_i32 : i32, i32
  }
  func.func @transform_3(%arg0: i32) -> (i32, i32) {
    %c0_i32 = arith.constant 0 : i32
    %c0_i32_0 = arith.constant 0 : i32
    return %arg0, %c0_i32 : i32, i32
  }
  func.func @transform_4(%arg0: i32) -> (i32, i32) {
    %c0_i32 = arith.constant 0 : i32
    %c0_i32_0 = arith.constant 0 : i32
    %c0_i32_1 = arith.constant 0 : i32
    return %c0_i32, %c0_i32_0 : i32, i32
  }
  func.func @transform_5(%arg0: i32) -> (i32, i32) {
    %c0_i32 = arith.constant 0 : i32
    %c0_i32_0 = arith.constant 0 : i32
    return %arg0, %c0_i32 : i32, i32
  }
}

</mosaic_0001>

<sc_bundles>
// kernel: kernel.11.cloned.1.call-start
scs
__scs_entry_jumppad:
0x0: {  	(pc) =	sbr.rel $0x88, $3  }
0x1: {  	(tag) =	ssettag $0x0;
	lr =	simm.s32 $0x1  }
0x2: {  	[smem:$0x3F9D] =	sst lr;
	_ =	strace $0xD0000000  }
0x3: {  	_ = 	snop  }
0x4: {  	_ = 	snop  }
0x5: {  	_ = 	snop  }
0x6: {  	_ = 	snop  }
0x7: {  	_ = 	snop  }
__scs_overlays_trampoline_lowered:
0x8: {  	[smem:$0x3FAC] =	sst s0  }
0x9: {  	[smem:$0x3FAD] =	sst s1  }
0xa: {  	[smem:$0x3FAE] =	sst s2  }
0xb: {  	[smem:$0x3FAF] =	sst s3  }
0xc: {  	[smem:$0x3FB0] =	sst s4  }
0xd: {  	[smem:$0x3FB1] =	sst s5  }
0xe: {  	[smem:$0x3FB2] =	sst s6  }
0xf: {  	[smem:$0x3FB3] =	sst s7  }
0x10: {  	[smem:$0x3FB4] =	sst s8  }
0x11: {  	[smem:$0x3FB5] =	sst s9;
	s0 =	simm.s32 @!p0 $0x0  }
0x12: {  	s1 =	sld [smem:$0x3F9B];
	s0 =	simm.s32 @p0 $0x1  }
0x13: {  	[smem:$0x3FB6] =	sst s0;
	s0 =	simm.s32 @!p1 $0x0  }
0x14: {  	s2 =	sld [smem:$0x3F9A];
	s0 =	simm.s32 @p1 $0x1  }
0x15: {  	[smem:$0x3FB7] =	sst s0;
	s0 =	simm.s32 @!p2 $0x0  }
0x16: {  	s3 =	sld [smem:$0x3FDB];
	s0 =	simm.s32 @p2 $0x1  }
0x17: {  	s4 =	simm.s32 $0x1BF5;
	[smem:$0x3FB9] =	sst s0  }
0x18: {  	s0 =	sld [smem:$0x3F9C];
	_ =	swait.ge [sflag:s4], $0x0  }
0x19: {  	s7 =	sld [smem:$0x3F9D]  }
0x1a: {  	s8 =	sadd.s32 $0xFFFFE003, lr  }
0x1b: {  	s9 =	sadd.s32 $0xFFFFFEF7, lr;
	s5 =	simm.s32 $0xFFFFFFFF;
	p2 =	slt.u32 s8, $0xFFFFF086  }
0x1c: {  	p1 =	slt.u32 s9, $0xF7A;
	s5 =	simm.s32 @!p2 $0x0  }
0x1d: {  	s5 =	simm.s32 @p1 $0x1;
	p0 =	seq.s32 s7, s2  }
0x1e: {  	s7 =	smul.u32 @!p0 $0xF7A, s2;
	p2 =	seq.s32 @!p0 s5, $0x0  }
0x1f: {  	s9 =	smul.u32 $0xF7A, s1;
	s8 =	simm.s32 @!p0 $0x1BF5;
	p2 =	por !p2, p0  }
0x20: {  	[sflag:s8] =	ssyncset.s32 @!p0 $0xFFFFF086;
	s6 =	sadd.s32 @!p0 s3, s7;
	s7 =	simm.s32 @!p0 $0x108  }
0x21: {  	s3 =	sadd.s32 s3, s9;
	s6 =	sadd.s32 @!p0 $0x88, s6;
	s7 =	simm.s32 @p2 $0x1082  }
0x22: {  	[simem:s7], [sflag:s8] =	dma.local @!p0 [hbm:s6], $0xF7A  }
0x23: {  	s9 =	sor.u32 $0xD0000000, s2;
	s6 =	simm.s32 $0x108;
	_ =	swait.ge @!p0 [sflag:s8], $0x0  }
0x24: {  	s3 =	sadd.s32 $0x88, s3;
	s6 =	simm.s32 @!p1 $0x1082;
	[sflag:s4] =	ssyncset.s32 $0xFFFFF086  }
0x25: {  	[simem:s6], [sflag:s4] =	dma.local [hbm:s3], $0xF7A  }
0x26: {  	[smem:$0x3F9D] =	sst s1;
	(tag) =	ssettag s2;
	_ =	strace s9  }
0x27: {  	s1 =	sld [smem:$0x3FAD]  }
0x28: {  	s2 =	sld [smem:$0x3FAE]  }
0x29: {  	s4 =	sld [smem:$0x3FB0]  }
0x2a: {  	p0 =	seq.s32 s5, $0x0;
	s5 =	sld [smem:$0x3FB1]  }
0x2b: {  	s6 =	sld [smem:$0x3FB2]  }
0x2c: {  	s7 =	sld [smem:$0x3FB3]  }
0x2d: {  	s3 =	simm.s32 $0x108;
	s8 =	sld [smem:$0x3FB4]  }
0x2e: {  	s3 =	simm.s32 @!p0 $0x1082;
	s9 =	sld [smem:$0x3FB5]  }
0x2f: {  	lr =	sadd.s32 s0, s3;
	s0 =	sld [smem:$0x3FAC]  }
0x30: {  	s3 =	sld [smem:$0x3FAF]  }
0x31: {  	[smem:$0x3FB8] =	sst s10  }
0x32: {  	s10 =	sld [smem:$0x3FB6];
	_ =	sdelay $0x3  }
0x33: {  	p0 =	seq.s32 s10, $0x1;
	s10 =	sld [smem:$0x3FB8];
	_ =	sdelay $0x3  }
0x34: {  	[smem:$0x3FB8] =	sst s10  }
0x35: {  	s10 =	sld [smem:$0x3FB7];
	_ =	sdelay $0x3  }
0x36: {  	p1 =	seq.s32 s10, $0x1;
	s10 =	sld [smem:$0x3FB8];
	_ =	sdelay $0x3  }
0x37: {  	[smem:$0x3FB8] =	sst s10  }
0x38: {  	s10 =	sld [smem:$0x3FB9]  }
0x39: {  	_ = 	snop;
	(pc) =	sbr.ind lr, $3  }
0x3a: {  	_ = 	snop  }
0x3b: {  	_ = 	snop  }
0x3c: {  	p2 =	seq.s32 s10, $0x1;
	s10 =	sld [smem:$0x3FB8]  }
0x3d: {  	_ =	shalt  }
0x3e: {  	_ =	shalt  }
0x3f: {  	_ =	shalt  }
0x40: {  	_ =	shalt  }
0x41: {  	_ =	shalt  }
0x42: {  	_ =	shalt  }
0x43: {  	_ =	shalt  }
0x44: {  	_ =	shalt  }
0x45: {  	_ =	shalt  }
0x46: {  	_ =	shalt  }
0x47: {  	_ =	shalt  }
0x48: {  	_ =	shalt  }
0x49: {  	_ =	shalt  }
0x4a: {  	_ =	shalt  }
0x4b: {  	_ =	shalt  }
0x4c: {  	_ =	shalt  }
0x4d: {  	_ =	shalt  }
0x4e: {  	_ =	shalt  }
0x4f: {  	_ =	shalt  }
0x50: {  	_ =	shalt  }
0x51: {  	_ =	shalt  }
0x52: {  	_ =	shalt  }
0x53: {  	_ =	shalt  }
0x54: {  	_ =	shalt  }
0x55: {  	_ =	shalt  }
0x56: {  	_ =	shalt  }
0x57: {  	_ =	shalt  }
0x58: {  	_ =	shalt  }
0x59: {  	_ =	shalt  }
0x5a: {  	_ =	shalt  }
0x5b: {  	_ =	shalt  }
0x5c: {  	_ =	shalt  }
0x5d: {  	_ =	shalt  }
0x5e: {  	_ =	shalt  }
0x5f: {  	_ =	shalt  }
0x60: {  	_ =	shalt  }
0x61: {  	_ =	shalt  }
0x62: {  	_ =	shalt  }
0x63: {  	_ =	shalt  }
0x64: {  	_ =	shalt  }
0x65: {  	_ =	shalt  }
0x66: {  	_ =	shalt  }
0x67: {  	_ =	shalt  }
0x68: {  	_ =	shalt  }
0x69: {  	_ =	shalt  }
0x6a: {  	_ =	shalt  }
0x6b: {  	_ =	shalt  }
0x6c: {  	_ =	shalt  }
0x6d: {  	_ =	shalt  }
0x6e: {  	_ =	shalt  }
0x6f: {  	_ =	shalt  }
0x70: {  	_ =	shalt  }
0x71: {  	_ =	shalt  }
0x72: {  	_ =	shalt  }
0x73: {  	_ =	shalt  }
0x74: {  	_ =	shalt  }
0x75: {  	_ =	shalt  }
0x76: {  	_ =	shalt  }
0x77: {  	_ =	shalt  }
0x78: {  	_ =	shalt  }
0x79: {  	_ =	shalt  }
0x7a: {  	_ =	shalt  }
0x7b: {  	_ =	shalt  }
0x7c: {  	_ =	shalt  }
0x7d: {  	_ =	shalt  }
0x7e: {  	_ =	shalt  }
0x7f: {  	_ =	shalt  }
0x80: {  	_ =	shalt  }
0x81: {  	_ =	shalt  }
0x82: {  	_ =	shalt  }
0x83: {  	_ =	shalt  }
0x84: {  	_ =	shalt  }
0x85: {  	_ =	shalt  }
0x86: {  	_ =	shalt  }
0x87: {  	_ =	shalt  }
.Lfunc_end0:
.L_simem_size_0:
called_computation.1_lowered:
.L_overlay_start_0:
0x88: {  	s2 =	sld [smem:$0x3FD9]  }
0x89: {  	s3 =	sld [smem:$0x3FFE];
	_ =	sdelay $0x1  }
0x8a: {  	s1 =	srdreg.scid  }
0x8b: {  	s0 =	sand.u32 $0x1, s1  }
0x8c: {  	s17 =	sshll.u32 s0, $0xA;
	s2 =	sadd.s32 s3, s2  }
0x8d: {  	s2 =	sadd.s32 s2, s17  }
0x8e: {  	[smem:$0x3FC4] =	sst s2  }
0x8f: {  	_ = 	snop  }
0x90: {  	s2 =	sld [smem:$0x3FD0];
	(tm) =	ssettm $0x1  }
0x91: {  	s18 =	sld [smem:$0x3FFB];
	_ =	sdelay $0x3  }
0x92: {  	_ =	strace s18  }
0x93: {  	s3 =	sld [smem:$0x3FFC];
	_ =	sdelay $0x3  }
0x94: {  	_ =	strace s3  }
0x95: {  	s3 =	sld [smem:$0x3FFD];
	_ =	sdelay $0x3  }
0x96: {  	_ =	strace s3  }
0x97: {  	_ =	strace $0x8FFFFFFF  }
0x98: {  	s19 =	sld [smem:$0x3FDB];
	_ =	sdelay $0x1  }
0x99: {  	s4 =	simm.s32 $_scs_section_size  }
0x9a: {  	s5 =	simm.s32 $_size__tile_overlayer_lowered;
	s6 =	simm.s32 $_tile_overlayer_lowered  }
0x9b: {  	s22 =	simm.s32 $0x1BFF;
	s21 =	sshll.u32 s6, $0x1;
	s3 =	sadd.s32 s4, s19  }
0x9c: {  	s7 =	simm.s32 $0x0;
	s20 =	sshll.u32 s5, $0x1;
	s5 =	sadd.s32 s21, s3  }
0x9d: {  	[timem:s7], [sflag:s22] =	dma.local [hbm:s5], s20  }
0x9e: {  	_ =	swait.ge [sflag:s22], s20  }
0x9f: {  	s4 =	ssub.s32 $0x0, s20;
	[sflag:s22] =	ssyncset.done $0x0  }
0xa0: {  	[sflag:s22] =	ssyncadd.s32 s4;
	_ =	sdelay $0x1  }
0xa1: {  	s23 =	simm.s32 $0x1B8B  }
0xa2: {  	_ =	swait.ge [sflag:s23], $0x1  }
0xa3: {  	[sflag:s23] =	ssyncset.done $0x0  }
0xa4: {  	s25 =	simm.s32 $0x1B8E;
	s24 =	sld [smem:$0x3FFE];
	[sflag:s23] =	ssyncadd.s32 $0xFFFFFFFF  }
0xa5: {  	s26 =	simm.s32 $execute0_lowered;
	[smem:$0x3FD2] =	sst s25  }
0xa6: {  	s5 =	sshll.u32 s26, $0x1;
	_ =	strace $0x80000049;
	[dreg:$0x1] =	wrdreg $0xFFFFFFFF  }
0xa7: {  	s28 =	simm.s32 $_size_execute0_lowered;
	s3 =	sadd.s32 s3, s5;
	[dreg:$0x0] =	wrdreg $0x0  }
0xa8: {  	s5 =	sshll.u32 s28, $0x1;
	[dreg:$0x2] =	wrdreg s3  }
0xa9: {  	[dreg:$0x3] =	wrdreg s5  }
0xaa: {  	[dreg:$0x4] =	wrdreg $0xC0  }
0xab: {  	_ =	task [dreg:s7], $0x5FFFF  }
0xac: {  	[dreg:$0x1] =	wrdreg $0xFFFFFFFF  }
0xad: {  	[dreg:$0x0] =	wrdreg $0x60  }
0xae: {  	[dreg:$0x2] =	wrdreg s24  }
0xaf: {  	[dreg:$0x3] =	wrdreg s2  }
0xb0: {  	[dreg:$0x4] =	wrdreg $0xA8000  }
0xb1: {  	[dreg:$0x5] =	wrdreg $0x9  }
0xb2: {  	_ =	task.clear_ibuf [dreg:s7], $0x6FFFF;
	_ =	strace $0x90000049  }
0xb3: {  	s29 =	simm.s32 $0x9;
	_ =	strace $0x8000004B  }
0xb4: {  	_ =	swait.ge [sflag:s29], $0x1  }
0xb5: {  	[sflag:s29] =	ssyncadd.s32 $0xFFFFFFFF  }
0xb6: {  	_ =	strace $0x9000004B  }
0xb7: {  	_ =	sfence  }
0xb8: {  	s30 =	sld [smem:$0x0];
	_ =	sdelay $0x2  }
0xb9: {  	s31 =	sshll.u32 s1, $0xD;
	s1 =	sshrl.u32 s1, $0x2  }
0xba: {  	s3 =	sand.u32 $0x4000, s31;
	s1 =	sadd.s32 s1, s30  }
0xbb: {  	s0 =	sor.u32 s3, s0;
	s1 =	sshll.u32 s1, $0x11  }
0xbc: {  	s0 =	sor.u32 s1, s0  }
0xbd: {  	s0 =	sadd.s32 $0x8F2B, s0  }
0xbe: {  	[sflag:s0] =	ssyncadd.remote.s32 $0x1  }
0xbf: {  	_ =	sfence.sel $0xFFFF  }
0xc0: {  	[dreg:$0x0] =	wrdreg $0xFFFFFFFF;
	(pc) =	sbr.abs _section_cstart, $3  }
0xc1: {  	[dreg:$0x1] =	wrdreg $0xFFFFFFFF  }
0xc2: {  	_ =	task.clear_ibuf [dreg:s7], $0x2FFFF;
	_ =	strace $0x9FFFFFFF  }
0xc3: {  	(tm) =	ssettm $0x7FFFFFFF  }
tec
execute0_lowered:
.L_overlay_start_1:
0x0: {  	(tag) =	ssettag $0x1  }
0x1: {  	s0 =	rddreg [dreg:$0x0]  }
0x2: {  	s1 =	rddreg [dreg:$0x1]  }
0x3: {  	s2 =	rddreg [dreg:$0x2]  }
0x4: {  	s4 =	srdreg.scid;
	s3 =	stileid.u32;
	s7 =	simm.s32 $0x0  }
0x5: {  	s28 =	simm.s32 $0x2;
	s31 =	simm.s32 $0x8800;
	s30 =	simm.s32 $0x4  }
0x6: {  	s29 =	simm.s32 $0x6;
	s12 =	simm.s32 $0x2780;
	s13 =	simm.s32 $0x0  }
0x7: {  	s5 =	sand.u32 $0x1, s4;
	s6 =	smul.u32 $0x14000, s3;
	[smem:$0x7FF] =	sst s7  }
0x8: {  	s4 =	sadd.s32 $0x21C00, s0;
	s8 =	sadd.s32 $0xDC00, s0;
	s9 =	smul.u32 $0x50000, s3  }
0x9: {  	s17 =	sshll.u32 s3, $0x6;
	s14 =	smul.u32 $0x140000, s5;
	s10 =	sshll.u32 s5, $0x4  }
0xa: {  	_ =	strace $0x8000004A;
	s5 =	ssub.s32 $0x2, s5;
	s15 =	sor.u32 s3, s10  }
0xb: {  	s16 =	sshrl.u32 s5, $0x1;
	s9 =	sshrl.u32 s9, $0x2;
	s10 =	simm.s32 $0x1380  }
0xc: {  	s7 =	sadd.s32 s6, s14;
	s5 =	ssub.s32 s5, s16;
	s6 =	sshrl.u32 s6, $0x3  }
0xd: {  	s9 =	sadd.s32 s9, s2;
	s7 =	sshrl.u32 s7, $0x3;
	s6 =	sadd.s32 s4, s6  }
0xe: {  	s26 =	smax.u32 s5, $0x1;
	s5 =	simm.s32 $0x8;
	s0 =	sadd.s32 s7, s0  }
0xf: {  	s7 =	smul.u32 $0x5000, s15;
	[dreg:$0x4] =	wrdreg s6;
	s6 =	sor.u32 $0x1C09, s17  }
0x10: {  	[dreg:$0xe] =	wrdreg s26;
	s17 =	sshrl.u32 s9, $0x3;
	s26 =	simm.s32 $0x6800  }
0x11: {  	s9 =	simm.s32 $0x2680;
	s0 =	sadd.s32 $0x71C00, s0;
	s7 =	sshrl.u32 s7, $0x3  }
0x12: {  	[dreg:$0xd] =	wrdreg s0;
	s0 =	simm.s32 $0x3;
	s18 =	sadd.s32 s1, s7  }
0x13: {  	s19 =	sadd.s32 $0x280, s7;
	s20 =	sadd.s32 s8, s7;
	[dreg:$0x5] =	wrdreg s18  }
0x14: {  	s11 =	sadd.s32 $0x500, s7;
	[dreg:$0x6] =	wrdreg s20;
	s21 =	sadd.s32 s1, s19  }
0x15: {  	s7 =	sadd.s32 $0x780, s7;
	s22 =	sadd.s32 s8, s19;
	[dreg:$0x7] =	wrdreg s21  }
0x16: {  	s23 =	sadd.s32 s1, s11;
	s24 =	sadd.s32 s8, s11;
	[dreg:$0x8] =	wrdreg s22  }
0x17: {  	s1 =	sadd.s32 s1, s7;
	s25 =	sadd.s32 s8, s7;
	[dreg:$0x9] =	wrdreg s23  }
0x18: {  	s18 =	simm.s32 $0x9;
	s19 =	simm.s32 $0x1400;
	[dreg:$0xa] =	wrdreg s24  }
0x19: {  	s20 =	simm.s32 $0x40;
	s7 =	simm.s32 $0x2600;
	[dreg:$0xb] =	wrdreg s1  }
0x1a: {  	s8 =	simm.s32 $0x1300;
	s11 =	simm.s32 $0x2700;
	[dreg:$0xc] =	wrdreg s25  }
0x1b: {  	s21 =	simm.s32 $0x2800;
	s22 =	simm.s32 $0x80;
	s23 =	simm.s32 $0x4800  }
0x1c: {  	s24 =	simm.s32 $0x1;
	s25 =	simm.s32 $0x5;
	s1 =	simm.s32 $0x7  }
.LBB2_1:
0x1d: {  	s3 =	rddreg [dreg:$0x4]  }
0x1e: {  	[spmem:s17], [sflag:s6] =	dma.local [hbm:s3], $0x2800  }
0x1f: {  	_ =	swait.ge [sflag:s18], $0x2800  }
0x20: {  	[sflag:s18] =	ssyncset.done $0x0  }
0x21: {  	[sflag:s18] =	ssyncadd.s32 $0xFFFFD800  }
0x22: {  	[bflag:$0x0] =	sbarrier.arrive $0xFFFF  }
0x23: {  	s16 =	simm.s32 $0x0;
	s14 =	rddreg [dreg:$0x5]  }
0x24: {  	[tilespmem:s16], [sflag:$0x9] =	stream.linear.gather [hbm4b:s14+s16], $0x1400, $0x38;
	[tilespmem:$0x1E800] =	vst v63  }
0x25: {  	_ =	swait.ge [sflag:s18], $0x1400  }
0x26: {  	[sflag:s18] =	ssyncset.done $0x0  }
0x27: {  	s15 =	rddreg [dreg:$0x6];
	[sflag:s18] =	ssyncadd.s32 $0xFFFFEC00  }
0x28: {  	[tilespmem:s19], [sflag:$0x9] =	stream.linear.gather [hbm4b:s15+s16], $0x1400, $0x38;
	[tilespmem:$0x1E800] =	vst v63  }
0x29: {  	_ =	swait.ge [sflag:s18], $0x1400  }
0x2a: {  	[sflag:s18] =	ssyncset.done $0x0  }
0x2b: {  	[sflag:s18] =	ssyncadd.s32 $0xFFFFEC00  }
0x2c: {  	[tilespmem:s21], [sflag:$0x1] =	stream.indirect.gather [hbm4b:s4+s20], $0x80, s16, s20, $0xb8;
	[tilespmem:$0x1E800] =	vst v63  }
0x2d: {  	_ = 	snop  }
0x2e: {  	[tilespmem:s23], [sflag:$0x2] =	stream.indirect.gather [hbm4b:s4+s20], $0x80, s22, s20, $0xb8;
	[tilespmem:$0x1E800] =	vst v63  }
0x2f: {  	_ =	swait.ge [sflag:s24], $0x2000  }
0x30: {  	[sflag:s24] =	ssyncset.done $0x0  }
0x31: {  	[sflag:s24] =	ssyncadd.s32 $0xFFFFE000  }
0x32: {  	[spmem:s2] =	stream.indirect.scatter.add.f32 [tilespmem:s21], [sflag:$0x5], $0x80, s19, s20, $0xb8;
	[tilespmem:$0x1E800] =	vst v63  }
0x33: {  	s16 =	simm.s32 $0x100  }
0x34: {  	[tilespmem:s26], [sflag:$0x3] =	stream.indirect.gather [hbm4b:s4+s20], $0x80, s16, s20, $0xb8;
	[tilespmem:$0x1E800] =	vst v63  }
0x35: {  	_ =	swait.ge [sflag:s28], $0x2000  }
0x36: {  	[sflag:s28] =	ssyncset.done $0x0  }
0x37: {  	s14 =	simm.s32 $0x1480;
	[sflag:s28] =	ssyncadd.s32 $0xFFFFE000  }
0x38: {  	[spmem:s2] =	stream.indirect.scatter.add.f32 [tilespmem:s23], [sflag:$0x6], $0x80, s14, s20, $0xb8;
	[tilespmem:$0x1E800] =	vst v63  }
0x39: {  	s15 =	simm.s32 $0x180  }
0x3a: {  	[tilespmem:s31], [sflag:$0x4] =	stream.indirect.gather [hbm4b:s4+s20], $0x80, s15, s20, $0xb8;
	[tilespmem:$0x1E800] =	vst v63  }
0x3b: {  	_ =	swait.ge [sflag:s0], $0x2000  }
0x3c: {  	[sflag:s0] =	ssyncset.done $0x0  }
0x3d: {  	s16 =	simm.s32 $0x1500;
	[sflag:s0] =	ssyncadd.s32 $0xFFFFE000  }
0x3e: {  	[spmem:s2] =	stream.indirect.scatter.add.f32 [tilespmem:s26], [sflag:$0x7], $0x80, s16, s20, $0xb8;
	[tilespmem:$0x1E800] =	vst v63  }
0x3f: {  	_ =	swait.ge [sflag:s25], $0x2000  }
0x40: {  	[sflag:s25] =	ssyncset.done $0x0  }
0x41: {  	s14 =	simm.s32 $0x200;
	[sflag:s25] =	ssyncadd.s32 $0xFFFFE000  }
0x42: {  	[tilespmem:s21], [sflag:$0x1] =	stream.indirect.gather [hbm4b:s4+s20], $0x80, s14, s20, $0xb8;
	[tilespmem:$0x1E800] =	vst v63  }
0x43: {  	_ =	swait.ge [sflag:s30], $0x2000  }
0x44: {  	[sflag:s30] =	ssyncset.done $0x0  }
0x45: {  	s15 =	simm.s32 $0x1580;
	[sflag:s30] =	ssyncadd.s32 $0xFFFFE000  }
0x46: {  	[spmem:s2] =	stream.indirect.scatter.add.f32 [tilespmem:s31], [sflag:$0x8], $0x80, s15, s20, $0xb8;
	[tilespmem:$0x1E800] =	vst v63  }
0x47: {  	_ =	swait.ge [sflag:s29], $0x2000  }
0x48: {  	[sflag:s29] =	ssyncset.done $0x0  }
0x49: {  	s16 =	simm.s32 $0x280;
	s14 =	simm.s32 $0x0;
	[sflag:s29] =	ssyncadd.s32 $0xFFFFE000  }
0x4a: {  	[tilespmem:s23], [sflag:$0x2] =	stream.indirect.gather [hbm4b:s4+s20], $0x80, s16, s20, $0xb8;
	[tilespmem:$0x1E800] =	vst v63  }
.LBB2_2:
0x4b: {  	_ =	swait.ge [sflag:s24], $0x2000  }
0x4c: {  	s15 =	sshra.s32 s14, $0x2;
	[sflag:s24] =	ssyncset.done $0x0  }
0x4d: {  	s16 =	sadd.s32 $0x1600, s15;
	[sflag:s24] =	ssyncadd.s32 $0xFFFFE000  }
0x4e: {  	[spmem:s2] =	stream.indirect.scatter.add.f32 [tilespmem:s21], [sflag:$0x5], $0x80, s16, s20, $0xb8;
	[tilespmem:$0x1E800] =	vst v63  }
0x4f: {  	_ =	swait.ge [sflag:s1], $0x2000  }
0x50: {  	[sflag:s1] =	ssyncset.done $0x0  }
0x51: {  	s3 =	sadd.s32 $0x300, s15;
	[sflag:s1] =	ssyncadd.s32 $0xFFFFE000  }
0x52: {  	[tilespmem:s26], [sflag:$0x3] =	stream.indirect.gather [hbm4b:s4+s20], $0x80, s3, s20, $0xb8;
	[tilespmem:$0x1E800] =	vst v63  }
0x53: {  	_ =	swait.ge [sflag:s28], $0x2000  }
0x54: {  	[sflag:s28] =	ssyncset.done $0x0  }
0x55: {  	s3 =	sadd.s32 $0x1680, s15;
	[sflag:s28] =	ssyncadd.s32 $0xFFFFE000  }
0x56: {  	[spmem:s2] =	stream.indirect.scatter.add.f32 [tilespmem:s23], [sflag:$0x6], $0x80, s3, s20, $0xb8;
	[tilespmem:$0x1E800] =	vst v63  }
0x57: {  	_ =	swait.ge [sflag:s5], $0x2000  }
0x58: {  	[sflag:s5] =	ssyncset.done $0x0  }
0x59: {  	p0 =	seq.s32 s14, $0x4000;
	s3 =	sadd.s32 $0x380, s15;
	[sflag:s5] =	ssyncadd.s32 $0xFFFFE000  }
0x5a: {  	[tilespmem:s31], [sflag:$0x4] =	stream.indirect.gather [hbm4b:s4+s20], $0x80, s3, s20, $0xb8;
	[tilespmem:$0x1E800] =	vst v63  }
.Ltmp0:
0x5b: {  	_ = 	snop;
	(pc) =	sbr.rel @p0 .LBB2_4-.Ltmp0, $4  }
0x5c: {  	_ =	swait.ge [sflag:s0], $0x2000  }
0x5d: {  	[sflag:s0] =	ssyncset.done $0x0  }
0x5e: {  	s16 =	sadd.s32 $0x1780, s15;
	s3 =	sadd.s32 $0x1700, s15;
	[sflag:s0] =	ssyncadd.s32 $0xFFFFE000  }
0x5f: {  	[spmem:s2] =	stream.indirect.scatter.add.f32 [tilespmem:s26], [sflag:$0x7], $0x80, s3, s20, $0xb8;
	[tilespmem:$0x1E800] =	vst v63  }
0x60: {  	_ =	swait.ge [sflag:s25], $0x2000  }
0x61: {  	[sflag:s25] =	ssyncset.done $0x0  }
0x62: {  	s3 =	sadd.s32 $0x400, s15;
	[sflag:s25] =	ssyncadd.s32 $0xFFFFE000  }
0x63: {  	[tilespmem:s21], [sflag:$0x1] =	stream.indirect.gather [hbm4b:s4+s20], $0x80, s3, s20, $0xb8;
	[tilespmem:$0x1E800] =	vst v63  }
0x64: {  	_ =	swait.ge [sflag:s30], $0x2000  }
0x65: {  	[sflag:s30] =	ssyncset.done $0x0  }
0x66: {  	[sflag:s30] =	ssyncadd.s32 $0xFFFFE000  }
0x67: {  	[spmem:s2] =	stream.indirect.scatter.add.f32 [tilespmem:s31], [sflag:$0x8], $0x80, s16, s20, $0xb8;
	[tilespmem:$0x1E800] =	vst v63  }
.Ltmp1:
0x68: {  	_ = 	snop;
	(pc) =	sbr.rel .LBB2_2-.Ltmp1, $4  }
0x69: {  	_ =	swait.ge [sflag:s29], $0x2000  }
0x6a: {  	[sflag:s29] =	ssyncset.done $0x0  }
0x6b: {  	s14 =	sadd.s32 $0x800, s14;
	s16 =	sadd.s32 $0x480, s15;
	[sflag:s29] =	ssyncadd.s32 $0xFFFFE000  }
0x6c: {  	[tilespmem:s23], [sflag:$0x2] =	stream.indirect.gather [hbm4b:s4+s20], $0x80, s16, s20, $0xb8;
	[tilespmem:$0x1E800] =	vst v63  }
.LBB2_4:
0x6d: {  	_ =	swait.ge [sflag:s30], $0x2000  }
0x6e: {  	[sflag:s30] =	ssyncset.done $0x0  }
0x6f: {  	[sflag:s30] =	ssyncadd.s32 $0xFFFFE000  }
0x70: {  	[spmem:s2] =	stream.indirect.scatter.add.f32 [tilespmem:s31], [sflag:$0x8], $0x80, s16, s20, $0xb8;
	[tilespmem:$0x1E800] =	vst v63  }
0x71: {  	_ =	swait.ge [sflag:s25], $0x2000  }
0x72: {  	[sflag:s25] =	ssyncset.done $0x0  }
0x73: {  	[sflag:s25] =	ssyncadd.s32 $0xFFFFE000  }
0x74: {  	_ =	swait.ge [sflag:s29], $0x2000  }
0x75: {  	[sflag:s29] =	ssyncset.done $0x0  }
0x76: {  	s3 =	simm.s32 $0x0;
	s14 =	rddreg [dreg:$0x7];
	[sflag:s29] =	ssyncadd.s32 $0xFFFFE000  }
0x77: {  	[tilespmem:s3], [sflag:$0x9] =	stream.linear.gather [hbm4b:s14+s3], $0x1400, $0x38;
	[tilespmem:$0x1E800] =	vst v63  }
0x78: {  	_ =	swait.ge [sflag:s18], $0x1400  }
0x79: {  	[sflag:s18] =	ssyncset.done $0x0  }
0x7a: {  	s15 =	rddreg [dreg:$0x8];
	[sflag:s18] =	ssyncadd.s32 $0xFFFFEC00  }
0x7b: {  	[tilespmem:s19], [sflag:$0x9] =	stream.linear.gather [hbm4b:s15+s3], $0x1400, $0x38;
	[tilespmem:$0x1E800] =	vst v63  }
0x7c: {  	_ =	swait.ge [sflag:s18], $0x1400  }
0x7d: {  	[sflag:s18] =	ssyncset.done $0x0  }
0x7e: {  	[sflag:s18] =	ssyncadd.s32 $0xFFFFEC00  }
0x7f: {  	[tilespmem:s21], [sflag:$0x1] =	stream.indirect.gather [hbm4b:s4+s20], $0x80, s3, s20, $0xb8;
	[tilespmem:$0x1E800] =	vst v63  }
0x80: {  	_ = 	snop  }
0x81: {  	[tilespmem:s23], [sflag:$0x2] =	stream.indirect.gather [hbm4b:s4+s20], $0x80, s22, s20, $0xb8;
	[tilespmem:$0x1E800] =	vst v63  }
0x82: {  	_ =	swait.ge [sflag:s24], $0x2000  }
0x83: {  	[sflag:s24] =	ssyncset.done $0x0  }
0x84: {  	s16 =	simm.s32 $0x1400;
	[sflag:s24] =	ssyncadd.s32 $0xFFFFE000  }
0x85: {  	[spmem:s2] =	stream.indirect.scatter.add.f32 [tilespmem:s21], [sflag:$0x5], $0x80, s16, s20, $0xb8;
	[tilespmem:$0x1E800] =	vst v63  }
0x86: {  	_ =	swait.ge [sflag:s1], $0x2000  }
0x87: {  	[sflag:s1] =	ssyncset.done $0x0  }
0x88: {  	s14 =	simm.s32 $0x100;
	[sflag:s1] =	ssyncadd.s32 $0xFFFFE000  }
0x89: {  	[tilespmem:s26], [sflag:$0x3] =	stream.indirect.gather [hbm4b:s4+s20], $0x80, s14, s20, $0xb8;
	[tilespmem:$0x1E800] =	vst v63  }
0x8a: {  	_ =	swait.ge [sflag:s28], $0x2000  }
0x8b: {  	[sflag:s28] =	ssyncset.done $0x0  }
0x8c: {  	s15 =	simm.s32 $0x1480;
	[sflag:s28] =	ssyncadd.s32 $0xFFFFE000  }
0x8d: {  	[spmem:s2] =	stream.indirect.scatter.add.f32 [tilespmem:s23], [sflag:$0x6], $0x80, s15, s20, $0xb8;
	[tilespmem:$0x1E800] =	vst v63  }
0x8e: {  	_ =	swait.ge [sflag:s5], $0x2000  }
0x8f: {  	[sflag:s5] =	ssyncset.done $0x0  }
0x90: {  	s16 =	simm.s32 $0x180;
	[sflag:s5] =	ssyncadd.s32 $0xFFFFE000  }
0x91: {  	[tilespmem:s31], [sflag:$0x4] =	stream.indirect.gather [hbm4b:s4+s20], $0x80, s16, s20, $0xb8;
	[tilespmem:$0x1E800] =	vst v63  }
0x92: {  	_ =	swait.ge [sflag:s0], $0x2000  }
0x93: {  	[sflag:s0] =	ssyncset.done $0x0  }
0x94: {  	s14 =	simm.s32 $0x1500;
	[sflag:s0] =	ssyncadd.s32 $0xFFFFE000  }
0x95: {  	[spmem:s2] =	stream.indirect.scatter.add.f32 [tilespmem:s26], [sflag:$0x7], $0x80, s14, s20, $0xb8;
	[tilespmem:$0x1E800] =	vst v63  }
0x96: {  	_ =	swait.ge [sflag:s25], $0x2000  }
0x97: {  	[sflag:s25] =	ssyncset.done $0x0  }
0x98: {  	s15 =	simm.s32 $0x200;
	[sflag:s25] =	ssyncadd.s32 $0xFFFFE000  }
0x99: {  	[tilespmem:s21], [sflag:$0x1] =	stream.indirect.gather [hbm4b:s4+s20], $0x80, s15, s20, $0xb8;
	[tilespmem:$0x1E800] =	vst v63  }
0x9a: {  	_ =	swait.ge [sflag:s30], $0x2000  }
0x9b: {  	[sflag:s30] =	ssyncset.done $0x0  }
0x9c: {  	s16 =	simm.s32 $0x1580;
	[sflag:s30] =	ssyncadd.s32 $0xFFFFE000  }
0x9d: {  	[spmem:s2] =	stream.indirect.scatter.add.f32 [tilespmem:s31], [sflag:$0x8], $0x80, s16, s20, $0xb8;
	[tilespmem:$0x1E800] =	vst v63  }
0x9e: {  	_ =	swait.ge [sflag:s29], $0x2000  }
0x9f: {  	[sflag:s29] =	ssyncset.done $0x0  }
0xa0: {  	s14 =	simm.s32 $0x800;
	s15 =	simm.s32 $0x280;
	[sflag:s29] =	ssyncadd.s32 $0xFFFFE000  }
.LBB2_5:
0xa1: {  	[tilespmem:s23], [sflag:$0x2] =	stream.indirect.gather [hbm4b:s4+s20], $0x80, s15, s20, $0xb8;
	[tilespmem:$0x1E800] =	vst v63  }
0xa2: {  	s3 =	smov.u32 s14  }
0xa3: {  	p0 =	sne.s32 s14, $0x4000;
	s14 =	sadd.s32 $0x800, s14;
	_ =	swait.ge [sflag:s24], $0x2000  }
0xa4: {  	s15 =	sshra.s32 s3, $0x2;
	[sflag:s24] =	ssyncset.done $0x0  }
0xa5: {  	s3 =	sadd.s32 $0x1400, s15;
	[sflag:s24] =	ssyncadd.s32 $0xFFFFE000  }
0xa6: {  	[spmem:s2] =	stream.indirect.scatter.add.f32 [tilespmem:s21], [sflag:$0x5], $0x80, s3, s20, $0xb8;
	[tilespmem:$0x1E800] =	vst v63  }
0xa7: {  	_ =	swait.ge [sflag:s1], $0x2000  }
0xa8: {  	[sflag:s1] =	ssyncset.done $0x0  }
0xa9: {  	s3 =	sadd.s32 $0x100, s15;
	[sflag:s1] =	ssyncadd.s32 $0xFFFFE000  }
0xaa: {  	[tilespmem:s26], [sflag:$0x3] =	stream.indirect.gather [hbm4b:s4+s20], $0x80, s3, s20, $0xb8;
	[tilespmem:$0x1E800] =	vst v63  }
0xab: {  	_ =	swait.ge [sflag:s28], $0x2000  }
0xac: {  	[sflag:s28] =	ssyncset.done $0x0  }
0xad: {  	s3 =	sadd.s32 $0x1480, s15;
	[sflag:s28] =	ssyncadd.s32 $0xFFFFE000  }
0xae: {  	[spmem:s2] =	stream.indirect.scatter.add.f32 [tilespmem:s23], [sflag:$0x6], $0x80, s3, s20, $0xb8;
	[tilespmem:$0x1E800] =	vst v63  }
0xaf: {  	_ =	swait.ge [sflag:s5], $0x2000  }
0xb0: {  	[sflag:s5] =	ssyncset.done $0x0  }
0xb1: {  	s3 =	sadd.s32 $0x180, s15;
	[sflag:s5] =	ssyncadd.s32 $0xFFFFE000  }
0xb2: {  	[tilespmem:s31], [sflag:$0x4] =	stream.indirect.gather [hbm4b:s4+s20], $0x80, s3, s20, $0xb8;
	[tilespmem:$0x1E800] =	vst v63  }
0xb3: {  	_ =	swait.ge [sflag:s0], $0x2000  }
0xb4: {  	[sflag:s0] =	ssyncset.done $0x0  }
0xb5: {  	s3 =	sadd.s32 $0x1500, s15;
	[sflag:s0] =	ssyncadd.s32 $0xFFFFE000  }
0xb6: {  	[spmem:s2] =	stream.indirect.scatter.add.f32 [tilespmem:s26], [sflag:$0x7], $0x80, s3, s20, $0xb8;
	[tilespmem:$0x1E800] =	vst v63  }
0xb7: {  	_ =	swait.ge [sflag:s25], $0x2000  }
0xb8: {  	[sflag:s25] =	ssyncset.done $0x0  }
0xb9: {  	s3 =	sadd.s32 $0x200, s15;
	[sflag:s25] =	ssyncadd.s32 $0xFFFFE000  }
0xba: {  	[tilespmem:s21], [sflag:$0x1] =	stream.indirect.gather [hbm4b:s4+s20], $0x80, s3, s20, $0xb8;
	[tilespmem:$0x1E800] =	vst v63  }
0xbb: {  	_ =	swait.ge [sflag:s30], $0x2000  }
0xbc: {  	[sflag:s30] =	ssyncset.done $0x0  }
.Ltmp2:
0xbd: {  	s3 =	sadd.s32 $0x1580, s15;
	[sflag:s30] =	ssyncadd.s32 $0xFFFFE000;
	(pc) =	sbr.rel @p0 .LBB2_5-.Ltmp2, $4  }
0xbe: {  	[spmem:s2] =	stream.indirect.scatter.add.f32 [tilespmem:s31], [sflag:$0x8], $0x80, s3, s20, $0xb8;
	[tilespmem:$0x1E800] =	vst v63  }
0xbf: {  	_ =	swait.ge [sflag:s29], $0x2000  }
0xc0: {  	[sflag:s29] =	ssyncset.done $0x0  }
0xc1: {  	s15 =	sadd.s32 $0x280, s15;
	[sflag:s29] =	ssyncadd.s32 $0xFFFFE000  }
0xc2: {  	[tilespmem:s23], [sflag:$0x2] =	stream.indirect.gather [hbm4b:s4+s20], $0x80, s15, s20, $0xb8;
	[tilespmem:$0x1E800] =	vst v63  }
0xc3: {  	_ =	swait.ge [sflag:s24], $0x2000  }
0xc4: {  	[sflag:s24] =	ssyncset.done $0x0  }
0xc5: {  	[sflag:s24] =	ssyncadd.s32 $0xFFFFE000  }
0xc6: {  	[spmem:s2] =	stream.indirect.scatter.add.f32 [tilespmem:s21], [sflag:$0x5], $0x80, s7, s20, $0xb8;
	[tilespmem:$0x1E800] =	vst v63  }
0xc7: {  	_ =	swait.ge [sflag:s1], $0x2000  }
0xc8: {  	[sflag:s1] =	ssyncset.done $0x0  }
0xc9: {  	[sflag:s1] =	ssyncadd.s32 $0xFFFFE000  }
0xca: {  	[tilespmem:s26], [sflag:$0x3] =	stream.indirect.gather [hbm4b:s4+s20], $0x80, s8, s20, $0xb8;
	[tilespmem:$0x1E800] =	vst v63  }
0xcb: {  	_ =	swait.ge [sflag:s28], $0x2000  }
0xcc: {  	[sflag:s28] =	ssyncset.done $0x0  }
0xcd: {  	[sflag:s28] =	ssyncadd.s32 $0xFFFFE000  }
0xce: {  	[spmem:s2] =	stream.indirect.scatter.add.f32 [tilespmem:s23], [sflag:$0x6], $0x80, s9, s20, $0xb8;
	[tilespmem:$0x1E800] =	vst v63  }
0xcf: {  	_ =	swait.ge [sflag:s5], $0x2000  }
0xd0: {  	[sflag:s5] =	ssyncset.done $0x0  }
0xd1: {  	[sflag:s5] =	ssyncadd.s32 $0xFFFFE000  }
0xd2: {  	[tilespmem:s31], [sflag:$0x4] =	stream.indirect.gather [hbm4b:s4+s20], $0x80, s10, s20, $0xb8;
	[tilespmem:$0x1E800] =	vst v63  }
0xd3: {  	_ =	swait.ge [sflag:s0], $0x2000  }
0xd4: {  	[sflag:s0] =	ssyncset.done $0x0  }
0xd5: {  	[sflag:s0] =	ssyncadd.s32 $0xFFFFE000  }
0xd6: {  	[spmem:s2] =	stream.indirect.scatter.add.f32 [tilespmem:s26], [sflag:$0x7], $0x80, s11, s20, $0xb8;
	[tilespmem:$0x1E800] =	vst v63  }
0xd7: {  	_ =	swait.ge [sflag:s30], $0x2000  }
0xd8: {  	[sflag:s30] =	ssyncset.done $0x0  }
0xd9: {  	[sflag:s30] =	ssyncadd.s32 $0xFFFFE000  }
0xda: {  	[spmem:s2] =	stream.indirect.scatter.add.f32 [tilespmem:s31], [sflag:$0x8], $0x80, s12, s20, $0xb8;
	[tilespmem:$0x1E800] =	vst v63  }
0xdb: {  	_ =	swait.ge [sflag:s25], $0x2000  }
0xdc: {  	[sflag:s25] =	ssyncset.done $0x0  }
0xdd: {  	[sflag:s25] =	ssyncadd.s32 $0xFFFFE000  }
0xde: {  	_ =	swait.ge [sflag:s29], $0x2000  }
0xdf: {  	[sflag:s29] =	ssyncset.done $0x0  }
0xe0: {  	s3 =	simm.s32 $0x0;
	s14 =	rddreg [dreg:$0x9];
	[sflag:s29] =	ssyncadd.s32 $0xFFFFE000  }
0xe1: {  	[tilespmem:s3], [sflag:$0x9] =	stream.linear.gather [hbm4b:s14+s3], $0x1400, $0x38;
	[tilespmem:$0x1E800] =	vst v63  }
0xe2: {  	_ =	swait.ge [sflag:s18], $0x1400  }
0xe3: {  	[sflag:s18] =	ssyncset.done $0x0  }
0xe4: {  	s15 =	rddreg [dreg:$0xa];
	[sflag:s18] =	ssyncadd.s32 $0xFFFFEC00  }
0xe5: {  	[tilespmem:s19], [sflag:$0x9] =	stream.linear.gather [hbm4b:s15+s3], $0x1400, $0x38;
	[tilespmem:$0x1E800] =	vst v63  }
0xe6: {  	_ =	swait.ge [sflag:s18], $0x1400  }
0xe7: {  	[sflag:s18] =	ssyncset.done $0x0  }
0xe8: {  	[sflag:s18] =	ssyncadd.s32 $0xFFFFEC00  }
0xe9: {  	[tilespmem:s21], [sflag:$0x1] =	stream.indirect.gather [hbm4b:s4+s20], $0x80, s3, s20, $0xb8;
	[tilespmem:$0x1E800] =	vst v63  }
0xea: {  	_ = 	snop  }
0xeb: {  	[tilespmem:s23], [sflag:$0x2] =	stream.indirect.gather [hbm4b:s4+s20], $0x80, s22, s20, $0xb8;
	[tilespmem:$0x1E800] =	vst v63  }
0xec: {  	_ =	swait.ge [sflag:s24], $0x2000  }
0xed: {  	[sflag:s24] =	ssyncset.done $0x0  }
0xee: {  	s16 =	simm.s32 $0x1400;
	[sflag:s24] =	ssyncadd.s32 $0xFFFFE000  }
0xef: {  	[spmem:s2] =	stream.indirect.scatter.add.f32 [tilespmem:s21], [sflag:$0x5], $0x80, s16, s20, $0xb8;
	[tilespmem:$0x1E800] =	vst v63  }
0xf0: {  	_ =	swait.ge [sflag:s1], $0x2000  }
0xf1: {  	[sflag:s1] =	ssyncset.done $0x0  }
0xf2: {  	s14 =	simm.s32 $0x100;
	[sflag:s1] =	ssyncadd.s32 $0xFFFFE000  }
0xf3: {  	[tilespmem:s26], [sflag:$0x3] =	stream.indirect.gather [hbm4b:s4+s20], $0x80, s14, s20, $0xb8;
	[tilespmem:$0x1E800] =	vst v63  }
0xf4: {  	_ =	swait.ge [sflag:s28], $0x2000  }
0xf5: {  	[sflag:s28] =	ssyncset.done $0x0  }
0xf6: {  	s15 =	simm.s32 $0x1480;
	[sflag:s28] =	ssyncadd.s32 $0xFFFFE000  }
0xf7: {  	[spmem:s2] =	stream.indirect.scatter.add.f32 [tilespmem:s23], [sflag:$0x6], $0x80, s15, s20, $0xb8;
	[tilespmem:$0x1E800] =	vst v63  }
0xf8: {  	_ =	swait.ge [sflag:s5], $0x2000  }
0xf9: {  	[sflag:s5] =	ssyncset.done $0x0  }
0xfa: {  	s16 =	simm.s32 $0x180;
	[sflag:s5] =	ssyncadd.s32 $0xFFFFE000  }
0xfb: {  	[tilespmem:s31], [sflag:$0x4] =	stream.indirect.gather [hbm4b:s4+s20], $0x80, s16, s20, $0xb8;
	[tilespmem:$0x1E800] =	vst v63  }
0xfc: {  	_ =	swait.ge [sflag:s0], $0x2000  }
0xfd: {  	[sflag:s0] =	ssyncset.done $0x0  }
0xfe: {  	s14 =	simm.s32 $0x1500;
	[sflag:s0] =	ssyncadd.s32 $0xFFFFE000  }
0xff: {  	[spmem:s2] =	stream.indirect.scatter.add.f32 [tilespmem:s26], [sflag:$0x7], $0x80, s14, s20, $0xb8;
	[tilespmem:$0x1E800] =	vst v63  }
0x100: {  	_ =	swait.ge [sflag:s25], $0x2000  }
0x101: {  	[sflag:s25] =	ssyncset.done $0x0  }
0x102: {  	s15 =	simm.s32 $0x200;
	[sflag:s25] =	ssyncadd.s32 $0xFFFFE000  }
0x103: {  	[tilespmem:s21], [sflag:$0x1] =	stream.indirect.gather [hbm4b:s4+s20], $0x80, s15, s20, $0xb8;
	[tilespmem:$0x1E800] =	vst v63  }
0x104: {  	_ =	swait.ge [sflag:s30], $0x2000  }
0x105: {  	[sflag:s30] =	ssyncset.done $0x0  }
0x106: {  	s16 =	simm.s32 $0x1580;
	[sflag:s30] =	ssyncadd.s32 $0xFFFFE000  }
0x107: {  	[spmem:s2] =	stream.indirect.scatter.add.f32 [tilespmem:s31], [sflag:$0x8], $0x80, s16, s20, $0xb8;
	[tilespmem:$0x1E800] =	vst v63  }
0x108: {  	_ =	swait.ge [sflag:s29], $0x2000  }
0x109: {  	[sflag:s29] =	ssyncset.done $0x0  }
0x10a: {  	s14 =	simm.s32 $0x800;
	s15 =	simm.s32 $0x280;
	[sflag:s29] =	ssyncadd.s32 $0xFFFFE000  }
.LBB2_7:
0x10b: {  	[tilespmem:s23], [sflag:$0x2] =	stream.indirect.gather [hbm4b:s4+s20], $0x80, s15, s20, $0xb8;
	[tilespmem:$0x1E800] =	vst v63  }
0x10c: {  	s3 =	smov.u32 s14  }
0x10d: {  	p0 =	sne.s32 s14, $0x4000;
	s14 =	sadd.s32 $0x800, s14;
	_ =	swait.ge [sflag:s24], $0x2000  }
0x10e: {  	s15 =	sshra.s32 s3, $0x2;
	[sflag:s24] =	ssyncset.done $0x0  }
0x10f: {  	s3 =	sadd.s32 $0x1400, s15;
	[sflag:s24] =	ssyncadd.s32 $0xFFFFE000  }
0x110: {  	[spmem:s2] =	stream.indirect.scatter.add.f32 [tilespmem:s21], [sflag:$0x5], $0x80, s3, s20, $0xb8;
	[tilespmem:$0x1E800] =	vst v63  }
0x111: {  	_ =	swait.ge [sflag:s1], $0x2000  }
0x112: {  	[sflag:s1] =	ssyncset.done $0x0  }
0x113: {  	s3 =	sadd.s32 $0x100, s15;
	[sflag:s1] =	ssyncadd.s32 $0xFFFFE000  }
0x114: {  	[tilespmem:s26], [sflag:$0x3] =	stream.indirect.gather [hbm4b:s4+s20], $0x80, s3, s20, $0xb8;
	[tilespmem:$0x1E800] =	vst v63  }
0x115: {  	_ =	swait.ge [sflag:s28], $0x2000  }
0x116: {  	[sflag:s28] =	ssyncset.done $0x0  }
0x117: {  	s3 =	sadd.s32 $0x1480, s15;
	[sflag:s28] =	ssyncadd.s32 $0xFFFFE000  }
0x118: {  	[spmem:s2] =	stream.indirect.scatter.add.f32 [tilespmem:s23], [sflag:$0x6], $0x80, s3, s20, $0xb8;
	[tilespmem:$0x1E800] =	vst v63  }
0x119: {  	_ =	swait.ge [sflag:s5], $0x2000  }
0x11a: {  	[sflag:s5] =	ssyncset.done $0x0  }
0x11b: {  	s3 =	sadd.s32 $0x180, s15;
	[sflag:s5] =	ssyncadd.s32 $0xFFFFE000  }
0x11c: {  	[tilespmem:s31], [sflag:$0x4] =	stream.indirect.gather [hbm4b:s4+s20], $0x80, s3, s20, $0xb8;
	[tilespmem:$0x1E800] =	vst v63  }
0x11d: {  	_ =	swait.ge [sflag:s0], $0x2000  }
0x11e: {  	[sflag:s0] =	ssyncset.done $0x0  }
0x11f: {  	s3 =	sadd.s32 $0x1500, s15;
	[sflag:s0] =	ssyncadd.s32 $0xFFFFE000  }
0x120: {  	[spmem:s2] =	stream.indirect.scatter.add.f32 [tilespmem:s26], [sflag:$0x7], $0x80, s3, s20, $0xb8;
	[tilespmem:$0x1E800] =	vst v63  }
0x121: {  	_ =	swait.ge [sflag:s25], $0x2000  }
0x122: {  	[sflag:s25] =	ssyncset.done $0x0  }
0x123: {  	s3 =	sadd.s32 $0x200, s15;
	[sflag:s25] =	ssyncadd.s32 $0xFFFFE000  }
0x124: {  	[tilespmem:s21], [sflag:$0x1] =	stream.indirect.gather [hbm4b:s4+s20], $0x80, s3, s20, $0xb8;
	[tilespmem:$0x1E800] =	vst v63  }
0x125: {  	_ =	swait.ge [sflag:s30], $0x2000  }
0x126: {  	[sflag:s30] =	ssyncset.done $0x0  }
.Ltmp3:
0x127: {  	s3 =	sadd.s32 $0x1580, s15;
	[sflag:s30] =	ssyncadd.s32 $0xFFFFE000;
	(pc) =	sbr.rel @p0 .LBB2_7-.Ltmp3, $4  }
0x128: {  	[spmem:s2] =	stream.indirect.scatter.add.f32 [tilespmem:s31], [sflag:$0x8], $0x80, s3, s20, $0xb8;
	[tilespmem:$0x1E800] =	vst v63  }
0x129: {  	_ =	swait.ge [sflag:s29], $0x2000  }
0x12a: {  	[sflag:s29] =	ssyncset.done $0x0  }
0x12b: {  	s15 =	sadd.s32 $0x280, s15;
	[sflag:s29] =	ssyncadd.s32 $0xFFFFE000  }
0x12c: {  	[tilespmem:s23], [sflag:$0x2] =	stream.indirect.gather [hbm4b:s4+s20], $0x80, s15, s20, $0xb8;
	[tilespmem:$0x1E800] =	vst v63  }
0x12d: {  	_ =	swait.ge [sflag:s24], $0x2000  }
0x12e: {  	[sflag:s24] =	ssyncset.done $0x0  }
0x12f: {  	[sflag:s24] =	ssyncadd.s32 $0xFFFFE000  }
0x130: {  	[spmem:s2] =	stream.indirect.scatter.add.f32 [tilespmem:s21], [sflag:$0x5], $0x80, s7, s20, $0xb8;
	[tilespmem:$0x1E800] =	vst v63  }
0x131: {  	_ =	swait.ge [sflag:s1], $0x2000  }
0x132: {  	[sflag:s1] =	ssyncset.done $0x0  }
0x133: {  	[sflag:s1] =	ssyncadd.s32 $0xFFFFE000  }
0x134: {  	[tilespmem:s26], [sflag:$0x3] =	stream.indirect.gather [hbm4b:s4+s20], $0x80, s8, s20, $0xb8;
	[tilespmem:$0x1E800] =	vst v63  }
0x135: {  	_ =	swait.ge [sflag:s28], $0x2000  }
0x136: {  	[sflag:s28] =	ssyncset.done $0x0  }
0x137: {  	[sflag:s28] =	ssyncadd.s32 $0xFFFFE000  }
0x138: {  	[spmem:s2] =	stream.indirect.scatter.add.f32 [tilespmem:s23], [sflag:$0x6], $0x80, s9, s20, $0xb8;
	[tilespmem:$0x1E800] =	vst v63  }
0x139: {  	_ =	swait.ge [sflag:s5], $0x2000  }
0x13a: {  	[sflag:s5] =	ssyncset.done $0x0  }
0x13b: {  	[sflag:s5] =	ssyncadd.s32 $0xFFFFE000  }
0x13c: {  	[tilespmem:s31], [sflag:$0x4] =	stream.indirect.gather [hbm4b:s4+s20], $0x80, s10, s20, $0xb8;
	[tilespmem:$0x1E800] =	vst v63  }
0x13d: {  	_ =	swait.ge [sflag:s0], $0x2000  }
0x13e: {  	[sflag:s0] =	ssyncset.done $0x0  }
0x13f: {  	[sflag:s0] =	ssyncadd.s32 $0xFFFFE000  }
0x140: {  	[spmem:s2] =	stream.indirect.scatter.add.f32 [tilespmem:s26], [sflag:$0x7], $0x80, s11, s20, $0xb8;
	[tilespmem:$0x1E800] =	vst v63  }
0x141: {  	_ =	swait.ge [sflag:s30], $0x2000  }
0x142: {  	[sflag:s30] =	ssyncset.done $0x0  }
0x143: {  	[sflag:s30] =	ssyncadd.s32 $0xFFFFE000  }
0x144: {  	[spmem:s2] =	stream.indirect.scatter.add.f32 [tilespmem:s31], [sflag:$0x8], $0x80, s12, s20, $0xb8;
	[tilespmem:$0x1E800] =	vst v63  }
0x145: {  	_ =	swait.ge [sflag:s25], $0x2000  }
0x146: {  	[sflag:s25] =	ssyncset.done $0x0  }
0x147: {  	[sflag:s25] =	ssyncadd.s32 $0xFFFFE000  }
0x148: {  	_ =	swait.ge [sflag:s29], $0x2000  }
0x149: {  	[sflag:s29] =	ssyncset.done $0x0  }
0x14a: {  	s3 =	simm.s32 $0x0;
	s14 =	rddreg [dreg:$0xb];
	[sflag:s29] =	ssyncadd.s32 $0xFFFFE000  }
0x14b: {  	[tilespmem:s3], [sflag:$0x9] =	stream.linear.gather [hbm4b:s14+s3], $0x1400, $0x38;
	[tilespmem:$0x1E800] =	vst v63  }
0x14c: {  	_ =	swait.ge [sflag:s18], $0x1400  }
0x14d: {  	[sflag:s18] =	ssyncset.done $0x0  }
0x14e: {  	s15 =	rddreg [dreg:$0xc];
	[sflag:s18] =	ssyncadd.s32 $0xFFFFEC00  }
0x14f: {  	[tilespmem:s19], [sflag:$0x9] =	stream.linear.gather [hbm4b:s15+s3], $0x1400, $0x38;
	[tilespmem:$0x1E800] =	vst v63  }
0x150: {  	_ =	swait.ge [sflag:s18], $0x1400  }
0x151: {  	[sflag:s18] =	ssyncset.done $0x0  }
0x152: {  	[sflag:s18] =	ssyncadd.s32 $0xFFFFEC00  }
0x153: {  	[tilespmem:s21], [sflag:$0x1] =	stream.indirect.gather [hbm4b:s4+s20], $0x80, s3, s20, $0xb8;
	[tilespmem:$0x1E800] =	vst v63  }
0x154: {  	_ = 	snop  }
0x155: {  	[tilespmem:s23], [sflag:$0x2] =	stream.indirect.gather [hbm4b:s4+s20], $0x80, s22, s20, $0xb8;
	[tilespmem:$0x1E800] =	vst v63  }
0x156: {  	_ =	swait.ge [sflag:s24], $0x2000  }
0x157: {  	[sflag:s24] =	ssyncset.done $0x0  }
0x158: {  	s16 =	simm.s32 $0x1400;
	[sflag:s24] =	ssyncadd.s32 $0xFFFFE000  }
0x159: {  	[spmem:s2] =	stream.indirect.scatter.add.f32 [tilespmem:s21], [sflag:$0x5], $0x80, s16, s20, $0xb8;
	[tilespmem:$0x1E800] =	vst v63  }
0x15a: {  	_ =	swait.ge [sflag:s1], $0x2000  }
0x15b: {  	[sflag:s1] =	ssyncset.done $0x0  }
0x15c: {  	s14 =	simm.s32 $0x100;
	[sflag:s1] =	ssyncadd.s32 $0xFFFFE000  }
0x15d: {  	[tilespmem:s26], [sflag:$0x3] =	stream.indirect.gather [hbm4b:s4+s20], $0x80, s14, s20, $0xb8;
	[tilespmem:$0x1E800] =	vst v63  }
0x15e: {  	_ =	swait.ge [sflag:s28], $0x2000  }
0x15f: {  	[sflag:s28] =	ssyncset.done $0x0  }
0x160: {  	s15 =	simm.s32 $0x1480;
	[sflag:s28] =	ssyncadd.s32 $0xFFFFE000  }
0x161: {  	[spmem:s2] =	stream.indirect.scatter.add.f32 [tilespmem:s23], [sflag:$0x6], $0x80, s15, s20, $0xb8;
	[tilespmem:$0x1E800] =	vst v63  }
0x162: {  	_ =	swait.ge [sflag:s5], $0x2000  }
0x163: {  	[sflag:s5] =	ssyncset.done $0x0  }
0x164: {  	s16 =	simm.s32 $0x180;
	[sflag:s5] =	ssyncadd.s32 $0xFFFFE000  }
0x165: {  	[tilespmem:s31], [sflag:$0x4] =	stream.indirect.gather [hbm4b:s4+s20], $0x80, s16, s20, $0xb8;
	[tilespmem:$0x1E800] =	vst v63  }
0x166: {  	_ =	swait.ge [sflag:s0], $0x2000  }
0x167: {  	[sflag:s0] =	ssyncset.done $0x0  }
0x168: {  	s14 =	simm.s32 $0x1500;
	[sflag:s0] =	ssyncadd.s32 $0xFFFFE000  }
0x169: {  	[spmem:s2] =	stream.indirect.scatter.add.f32 [tilespmem:s26], [sflag:$0x7], $0x80, s14, s20, $0xb8;
	[tilespmem:$0x1E800] =	vst v63  }
0x16a: {  	_ =	swait.ge [sflag:s25], $0x2000  }
0x16b: {  	[sflag:s25] =	ssyncset.done $0x0  }
0x16c: {  	s15 =	simm.s32 $0x200;
	[sflag:s25] =	ssyncadd.s32 $0xFFFFE000  }
0x16d: {  	[tilespmem:s21], [sflag:$0x1] =	stream.indirect.gather [hbm4b:s4+s20], $0x80, s15, s20, $0xb8;
	[tilespmem:$0x1E800] =	vst v63  }
0x16e: {  	_ =	swait.ge [sflag:s30], $0x2000  }
0x16f: {  	[sflag:s30] =	ssyncset.done $0x0  }
0x170: {  	s16 =	simm.s32 $0x1580;
	[sflag:s30] =	ssyncadd.s32 $0xFFFFE000  }
0x171: {  	[spmem:s2] =	stream.indirect.scatter.add.f32 [tilespmem:s31], [sflag:$0x8], $0x80, s16, s20, $0xb8;
	[tilespmem:$0x1E800] =	vst v63  }
0x172: {  	_ =	swait.ge [sflag:s29], $0x2000  }
0x173: {  	[sflag:s29] =	ssyncset.done $0x0  }
0x174: {  	s14 =	simm.s32 $0x800;
	s15 =	simm.s32 $0x280;
	[sflag:s29] =	ssyncadd.s32 $0xFFFFE000  }
.LBB2_9:
0x175: {  	[tilespmem:s23], [sflag:$0x2] =	stream.indirect.gather [hbm4b:s4+s20], $0x80, s15, s20, $0xb8;
	[tilespmem:$0x1E800] =	vst v63  }
0x176: {  	s3 =	smov.u32 s14  }
0x177: {  	p0 =	sne.s32 s14, $0x4000;
	s14 =	sadd.s32 $0x800, s14;
	_ =	swait.ge [sflag:s24], $0x2000  }
0x178: {  	s15 =	sshra.s32 s3, $0x2;
	[sflag:s24] =	ssyncset.done $0x0  }
0x179: {  	s3 =	sadd.s32 $0x1400, s15;
	[sflag:s24] =	ssyncadd.s32 $0xFFFFE000  }
0x17a: {  	[spmem:s2] =	stream.indirect.scatter.add.f32 [tilespmem:s21], [sflag:$0x5], $0x80, s3, s20, $0xb8;
	[tilespmem:$0x1E800] =	vst v63  }
0x17b: {  	_ =	swait.ge [sflag:s1], $0x2000  }
0x17c: {  	[sflag:s1] =	ssyncset.done $0x0  }
0x17d: {  	s3 =	sadd.s32 $0x100, s15;
	[sflag:s1] =	ssyncadd.s32 $0xFFFFE000  }
0x17e: {  	[tilespmem:s26], [sflag:$0x3] =	stream.indirect.gather [hbm4b:s4+s20], $0x80, s3, s20, $0xb8;
	[tilespmem:$0x1E800] =	vst v63  }
0x17f: {  	_ =	swait.ge [sflag:s28], $0x2000  }
0x180: {  	[sflag:s28] =	ssyncset.done $0x0  }
0x181: {  	s3 =	sadd.s32 $0x1480, s15;
	[sflag:s28] =	ssyncadd.s32 $0xFFFFE000  }
0x182: {  	[spmem:s2] =	stream.indirect.scatter.add.f32 [tilespmem:s23], [sflag:$0x6], $0x80, s3, s20, $0xb8;
	[tilespmem:$0x1E800] =	vst v63  }
0x183: {  	_ =	swait.ge [sflag:s5], $0x2000  }
0x184: {  	[sflag:s5] =	ssyncset.done $0x0  }
0x185: {  	s3 =	sadd.s32 $0x180, s15;
	[sflag:s5] =	ssyncadd.s32 $0xFFFFE000  }
0x186: {  	[tilespmem:s31], [sflag:$0x4] =	stream.indirect.gather [hbm4b:s4+s20], $0x80, s3, s20, $0xb8;
	[tilespmem:$0x1E800] =	vst v63  }
0x187: {  	_ =	swait.ge [sflag:s0], $0x2000  }
0x188: {  	[sflag:s0] =	ssyncset.done $0x0  }
0x189: {  	s3 =	sadd.s32 $0x1500, s15;
	[sflag:s0] =	ssyncadd.s32 $0xFFFFE000  }
0x18a: {  	[spmem:s2] =	stream.indirect.scatter.add.f32 [tilespmem:s26], [sflag:$0x7], $0x80, s3, s20, $0xb8;
	[tilespmem:$0x1E800] =	vst v63  }
0x18b: {  	_ =	swait.ge [sflag:s25], $0x2000  }
0x18c: {  	[sflag:s25] =	ssyncset.done $0x0  }
0x18d: {  	s3 =	sadd.s32 $0x200, s15;
	[sflag:s25] =	ssyncadd.s32 $0xFFFFE000  }
0x18e: {  	[tilespmem:s21], [sflag:$0x1] =	stream.indirect.gather [hbm4b:s4+s20], $0x80, s3, s20, $0xb8;
	[tilespmem:$0x1E800] =	vst v63  }
0x18f: {  	_ =	swait.ge [sflag:s30], $0x2000  }
0x190: {  	[sflag:s30] =	ssyncset.done $0x0  }
.Ltmp4:
0x191: {  	s3 =	sadd.s32 $0x1580, s15;
	[sflag:s30] =	ssyncadd.s32 $0xFFFFE000;
	(pc) =	sbr.rel @p0 .LBB2_9-.Ltmp4, $4  }
0x192: {  	[spmem:s2] =	stream.indirect.scatter.add.f32 [tilespmem:s31], [sflag:$0x8], $0x80, s3, s20, $0xb8;
	[tilespmem:$0x1E800] =	vst v63  }
0x193: {  	_ =	swait.ge [sflag:s29], $0x2000  }
0x194: {  	[sflag:s29] =	ssyncset.done $0x0  }
0x195: {  	s15 =	sadd.s32 $0x280, s15;
	[sflag:s29] =	ssyncadd.s32 $0xFFFFE000  }
0x196: {  	[tilespmem:s23], [sflag:$0x2] =	stream.indirect.gather [hbm4b:s4+s20], $0x80, s15, s20, $0xb8;
	[tilespmem:$0x1E800] =	vst v63  }
0x197: {  	_ =	swait.ge [sflag:s24], $0x2000  }
0x198: {  	[sflag:s24] =	ssyncset.done $0x0  }
0x199: {  	[sflag:s24] =	ssyncadd.s32 $0xFFFFE000  }
0x19a: {  	[spmem:s2] =	stream.indirect.scatter.add.f32 [tilespmem:s21], [sflag:$0x5], $0x80, s7, s20, $0xb8;
	[tilespmem:$0x1E800] =	vst v63  }
0x19b: {  	_ =	swait.ge [sflag:s1], $0x2000  }
0x19c: {  	[sflag:s1] =	ssyncset.done $0x0  }
0x19d: {  	[sflag:s1] =	ssyncadd.s32 $0xFFFFE000  }
0x19e: {  	[tilespmem:s26], [sflag:$0x3] =	stream.indirect.gather [hbm4b:s4+s20], $0x80, s8, s20, $0xb8;
	[tilespmem:$0x1E800] =	vst v63  }
0x19f: {  	_ =	swait.ge [sflag:s28], $0x2000  }
0x1a0: {  	[sflag:s28] =	ssyncset.done $0x0  }
0x1a1: {  	[sflag:s28] =	ssyncadd.s32 $0xFFFFE000  }
0x1a2: {  	[spmem:s2] =	stream.indirect.scatter.add.f32 [tilespmem:s23], [sflag:$0x6], $0x80, s9, s20, $0xb8;
	[tilespmem:$0x1E800] =	vst v63  }
0x1a3: {  	_ =	swait.ge [sflag:s5], $0x2000  }
0x1a4: {  	[sflag:s5] =	ssyncset.done $0x0  }
0x1a5: {  	[sflag:s5] =	ssyncadd.s32 $0xFFFFE000  }
0x1a6: {  	[tilespmem:s31], [sflag:$0x4] =	stream.indirect.gather [hbm4b:s4+s20], $0x80, s10, s20, $0xb8;
	[tilespmem:$0x1E800] =	vst v63  }
0x1a7: {  	_ =	swait.ge [sflag:s0], $0x2000  }
0x1a8: {  	[sflag:s0] =	ssyncset.done $0x0  }
0x1a9: {  	[sflag:s0] =	ssyncadd.s32 $0xFFFFE000  }
0x1aa: {  	[spmem:s2] =	stream.indirect.scatter.add.f32 [tilespmem:s26], [sflag:$0x7], $0x80, s11, s20, $0xb8;
	[tilespmem:$0x1E800] =	vst v63  }
0x1ab: {  	_ =	swait.ge [sflag:s30], $0x2000  }
0x1ac: {  	[sflag:s30] =	ssyncset.done $0x0  }
0x1ad: {  	[sflag:s30] =	ssyncadd.s32 $0xFFFFE000  }
0x1ae: {  	[spmem:s2] =	stream.indirect.scatter.add.f32 [tilespmem:s31], [sflag:$0x8], $0x80, s12, s20, $0xb8;
	[tilespmem:$0x1E800] =	vst v63  }
0x1af: {  	_ =	swait.ge [sflag:s25], $0x2000  }
0x1b0: {  	[sflag:s25] =	ssyncset.done $0x0  }
0x1b1: {  	[sflag:s25] =	ssyncadd.s32 $0xFFFFE000  }
0x1b2: {  	_ =	swait.ge [sflag:s29], $0x2000  }
0x1b3: {  	[sflag:s29] =	ssyncset.done $0x0  }
0x1b4: {  	[sflag:s29] =	ssyncadd.s32 $0xFFFFE000  }
0x1b5: {  	_ =	swait.ge [sflag:s1], $0x2000  }
0x1b6: {  	[sflag:s1] =	ssyncset.done $0x0  }
0x1b7: {  	[sflag:s1] =	ssyncadd.s32 $0xFFFFE000  }
0x1b8: {  	_ =	swait.ge [sflag:s5], $0x2000  }
0x1b9: {  	[sflag:s5] =	ssyncset.done $0x0  }
0x1ba: {  	[sflag:s5] =	ssyncadd.s32 $0xFFFFE000  }
0x1bb: {  	[bflag:$0x0] =	sbarrier.arrive $0xFFFF  }
0x1bc: {  	s3 =	rddreg [dreg:$0xd]  }
0x1bd: {  	[hbm:s3], [sflag:s6] =	dma.local [spmem:s17], $0x2800  }
0x1be: {  	_ =	swait.ge [sflag:s18], $0x2800  }
0x1bf: {  	s13 =	sadd.s32 $0x1, s13;
	s16 =	rddreg [dreg:$0xe]  }
0x1c0: {  	p0 =	sne.s32 s13, s16  }
.Ltmp5:
0x1c1: {  	_ = 	snop;
	(pc) =	sbr.rel @p0 .LBB2_1-.Ltmp5, $3  }
0x1c2: {  	_ =	sdelay $0x1  }
0x1c3: {  	[sflag:s18] =	ssyncset.done $0x0  }
0x1c4: {  	[sflag:s18] =	ssyncadd.s32 $0xFFFFD800  }
0x1c5: {  	_ =	sfence.sel $0x180000  }
0x1c6: {  	[bflag:$0x0] =	sbarrier.arrive $0xFFFF  }
0x1c7: {  	_ =	strace $0x9000004A  }
0x1c8: {  	s0 =	stileid.u32;
	[bflag:$0x2] =	sbarrier.arrive $0xFFFF  }
0x1c9: {  	p0 =	sne.s32 s0, $0x0;
	s0 =	rddreg [dreg:$0x3]  }
0x1ca: {  	s0 =	sadd.s32 @!p0 $0x100000, s0  }
0x1cb: {  	[sflag:s0] =	ssyncadd.tile.s32 @!p0 $0x1;
	_ =	shalt  }
.Lfunc_end2:
_tile_overlayer_lowered:
.L_overlay_start_2:
0x1cc: {  	(tag) =	ssettag $0x2  }
0x1cd: {  	s0 =	rddreg [dreg:$0x0];
	s2 =	stileid.u32  }
0x1ce: {  	s1 =	rddreg [dreg:$0x1];
	p0 =	sne.s32 s2, $0x0  }
0x1cf: {  	s3 =	rddreg [dreg:$0x2];
	[bflag:$0x3] =	sbarrier.arrive $0xFFFF;
	s2 =	simm.s32 @!p0 $0x1C09  }
0x1d0: {  	[timem:s3], [sflag:s2] =	dma.local @!p0 [hbm:s0], s1  }
0x1d1: {  	s0 =	simm.s32 @!p0 $0x9  }
0x1d2: {  	_ =	swait.ge @!p0 [sflag:s0], s1  }
0x1d3: {  	s1 =	ssub.s32 @!p0 $0x0, s1;
	[sflag:s0] =	ssyncset.done @!p0 $0x0  }
0x1d4: {  	[sflag:s0] =	ssyncadd.s32 @!p0 s1  }
0x1d5: {  	[bflag:$0x3] =	sbarrier.arrive $0xFFFF  }
0x1d6: {  	_ =	shalt  }

// kernel: kernel.14.cloned.1.call-start
scs
__scs_entry_jumppad:
0x0: {  	(pc) =	sbr.rel $0x88, $3  }
0x1: {  	(tag) =	ssettag $0x0;
	lr =	simm.s32 $0x1  }
0x2: {  	[smem:$0x3F9D] =	sst lr;
	_ =	strace $0xD0000000  }
0x3: {  	_ = 	snop  }
0x4: {  	_ = 	snop  }
0x5: {  	_ = 	snop  }
0x6: {  	_ = 	snop  }
0x7: {  	_ = 	snop  }
__scs_overlays_trampoline_lowered:
0x8: {  	[smem:$0x3FAC] =	sst s0  }
0x9: {  	[smem:$0x3FAD] =	sst s1  }
0xa: {  	[smem:$0x3FAE] =	sst s2  }
0xb: {  	[smem:$0x3FAF] =	sst s3  }
0xc: {  	[smem:$0x3FB0] =	sst s4  }
0xd: {  	[smem:$0x3FB1] =	sst s5  }
0xe: {  	[smem:$0x3FB2] =	sst s6  }
0xf: {  	[smem:$0x3FB3] =	sst s7  }
0x10: {  	[smem:$0x3FB4] =	sst s8  }
0x11: {  	[smem:$0x3FB5] =	sst s9;
	s0 =	simm.s32 @!p0 $0x0  }
0x12: {  	s1 =	sld [smem:$0x3F9B];
	s0 =	simm.s32 @p0 $0x1  }
0x13: {  	[smem:$0x3FB6] =	sst s0;
	s0 =	simm.s32 @!p1 $0x0  }
0x14: {  	s2 =	sld [smem:$0x3F9A];
	s0 =	simm.s32 @p1 $0x1  }
0x15: {  	[smem:$0x3FB7] =	sst s0;
	s0 =	simm.s32 @!p2 $0x0  }
0x16: {  	s3 =	sld [smem:$0x3FDB];
	s0 =	simm.s32 @p2 $0x1  }
0x17: {  	s4 =	simm.s32 $0x1BF5;
	[smem:$0x3FB9] =	sst s0  }
0x18: {  	s0 =	sld [smem:$0x3F9C];
	_ =	swait.ge [sflag:s4], $0x0  }
0x19: {  	s7 =	sld [smem:$0x3F9D]  }
0x1a: {  	s8 =	sadd.s32 $0xFFFFE003, lr  }
0x1b: {  	s9 =	sadd.s32 $0xFFFFFEF7, lr;
	s5 =	simm.s32 $0xFFFFFFFF;
	p2 =	slt.u32 s8, $0xFFFFF086  }
0x1c: {  	p1 =	slt.u32 s9, $0xF7A;
	s5 =	simm.s32 @!p2 $0x0  }
0x1d: {  	s5 =	simm.s32 @p1 $0x1;
	p0 =	seq.s32 s7, s2  }
0x1e: {  	s7 =	smul.u32 @!p0 $0xF7A, s2;
	p2 =	seq.s32 @!p0 s5, $0x0  }
0x1f: {  	s9 =	smul.u32 $0xF7A, s1;
	s8 =	simm.s32 @!p0 $0x1BF5;
	p2 =	por !p2, p0  }
0x20: {  	[sflag:s8] =	ssyncset.s32 @!p0 $0xFFFFF086;
	s6 =	sadd.s32 @!p0 s3, s7;
	s7 =	simm.s32 @!p0 $0x108  }
0x21: {  	s3 =	sadd.s32 s3, s9;
	s6 =	sadd.s32 @!p0 $0x88, s6;
	s7 =	simm.s32 @p2 $0x1082  }
0x22: {  	[simem:s7], [sflag:s8] =	dma.local @!p0 [hbm:s6], $0xF7A  }
0x23: {  	s9 =	sor.u32 $0xD0000000, s2;
	s6 =	simm.s32 $0x108;
	_ =	swait.ge @!p0 [sflag:s8], $0x0  }
0x24: {  	s3 =	sadd.s32 $0x88, s3;
	s6 =	simm.s32 @!p1 $0x1082;
	[sflag:s4] =	ssyncset.s32 $0xFFFFF086  }
0x25: {  	[simem:s6], [sflag:s4] =	dma.local [hbm:s3], $0xF7A  }
0x26: {  	[smem:$0x3F9D] =	sst s1;
	(tag) =	ssettag s2;
	_ =	strace s9  }
0x27: {  	s1 =	sld [smem:$0x3FAD]  }
0x28: {  	s2 =	sld [smem:$0x3FAE]  }
0x29: {  	s4 =	sld [smem:$0x3FB0]  }
0x2a: {  	p0 =	seq.s32 s5, $0x0;
	s5 =	sld [smem:$0x3FB1]  }
0x2b: {  	s6 =	sld [smem:$0x3FB2]  }
0x2c: {  	s7 =	sld [smem:$0x3FB3]  }
0x2d: {  	s3 =	simm.s32 $0x108;
	s8 =	sld [smem:$0x3FB4]  }
0x2e: {  	s3 =	simm.s32 @!p0 $0x1082;
	s9 =	sld [smem:$0x3FB5]  }
0x2f: {  	lr =	sadd.s32 s0, s3;
	s0 =	sld [smem:$0x3FAC]  }
0x30: {  	s3 =	sld [smem:$0x3FAF]  }
0x31: {  	[smem:$0x3FB8] =	sst s10  }
0x32: {  	s10 =	sld [smem:$0x3FB6];
	_ =	sdelay $0x3  }
0x33: {  	p0 =	seq.s32 s10, $0x1;
	s10 =	sld [smem:$0x3FB8];
	_ =	sdelay $0x3  }
0x34: {  	[smem:$0x3FB8] =	sst s10  }
0x35: {  	s10 =	sld [smem:$0x3FB7];
	_ =	sdelay $0x3  }
0x36: {  	p1 =	seq.s32 s10, $0x1;
	s10 =	sld [smem:$0x3FB8];
	_ =	sdelay $0x3  }
0x37: {  	[smem:$0x3FB8] =	sst s10  }
0x38: {  	s10 =	sld [smem:$0x3FB9]  }
0x39: {  	_ = 	snop;
	(pc) =	sbr.ind lr, $3  }
0x3a: {  	_ = 	snop  }
0x3b: {  	_ = 	snop  }
0x3c: {  	p2 =	seq.s32 s10, $0x1;
	s10 =	sld [smem:$0x3FB8]  }
0x3d: {  	_ =	shalt  }
0x3e: {  	_ =	shalt  }
0x3f: {  	_ =	shalt  }
0x40: {  	_ =	shalt  }
0x41: {  	_ =	shalt  }
0x42: {  	_ =	shalt  }
0x43: {  	_ =	shalt  }
0x44: {  	_ =	shalt  }
0x45: {  	_ =	shalt  }
0x46: {  	_ =	shalt  }
0x47: {  	_ =	shalt  }
0x48: {  	_ =	shalt  }
0x49: {  	_ =	shalt  }
0x4a: {  	_ =	shalt  }
0x4b: {  	_ =	shalt  }
0x4c: {  	_ =	shalt  }
0x4d: {  	_ =	shalt  }
0x4e: {  	_ =	shalt  }
0x4f: {  	_ =	shalt  }
0x50: {  	_ =	shalt  }
0x51: {  	_ =	shalt  }
0x52: {  	_ =	shalt  }
0x53: {  	_ =	shalt  }
0x54: {  	_ =	shalt  }
0x55: {  	_ =	shalt  }
0x56: {  	_ =	shalt  }
0x57: {  	_ =	shalt  }
0x58: {  	_ =	shalt  }
0x59: {  	_ =	shalt  }
0x5a: {  	_ =	shalt  }
0x5b: {  	_ =	shalt  }
0x5c: {  	_ =	shalt  }
0x5d: {  	_ =	shalt  }
0x5e: {  	_ =	shalt  }
0x5f: {  	_ =	shalt  }
0x60: {  	_ =	shalt  }
0x61: {  	_ =	shalt  }
0x62: {  	_ =	shalt  }
0x63: {  	_ =	shalt  }
0x64: {  	_ =	shalt  }
0x65: {  	_ =	shalt  }
0x66: {  	_ =	shalt  }
0x67: {  	_ =	shalt  }
0x68: {  	_ =	shalt  }
0x69: {  	_ =	shalt  }
0x6a: {  	_ =	shalt  }
0x6b: {  	_ =	shalt  }
0x6c: {  	_ =	shalt  }
0x6d: {  	_ =	shalt  }
0x6e: {  	_ =	shalt  }
0x6f: {  	_ =	shalt  }
0x70: {  	_ =	shalt  }
0x71: {  	_ =	shalt  }
0x72: {  	_ =	shalt  }
0x73: {  	_ =	shalt  }
0x74: {  	_ =	shalt  }
0x75: {  	_ =	shalt  }
0x76: {  	_ =	shalt  }
0x77: {  	_ =	shalt  }
0x78: {  	_ =	shalt  }
0x79: {  	_ =	shalt  }
0x7a: {  	_ =	shalt  }
0x7b: {  	_ =	shalt  }
0x7c: {  	_ =	shalt  }
0x7d: {  	_ =	shalt  }
0x7e: {  	_ =	shalt  }
0x7f: {  	_ =	shalt  }
0x80: {  	_ =	shalt  }
0x81: {  	_ =	shalt  }
0x82: {  	_ =	shalt  }
0x83: {  	_ =	shalt  }
0x84: {  	_ =	shalt  }
0x85: {  	_ =	shalt  }
0x86: {  	_ =	shalt  }
0x87: {  	_ =	shalt  }
.Lfunc_end0:
.L_simem_size_0:
called_computation.2_lowered:
.L_overlay_start_0:
0x88: {  	s2 =	sld [smem:$0x3FD9]  }
0x89: {  	s3 =	sld [smem:$0x3FFE];
	_ =	sdelay $0x1  }
0x8a: {  	s1 =	srdreg.scid  }
0x8b: {  	s0 =	sand.u32 $0x1, s1  }
0x8c: {  	s17 =	sshll.u32 s0, $0xA;
	s2 =	sadd.s32 s3, s2  }
0x8d: {  	s2 =	sadd.s32 s2, s17  }
0x8e: {  	[smem:$0x3FC4] =	sst s2  }
0x8f: {  	_ = 	snop  }
0x90: {  	s2 =	sld [smem:$0x3FD0];
	(tm) =	ssettm $0x1  }
0x91: {  	s18 =	sld [smem:$0x3FFB];
	_ =	sdelay $0x3  }
0x92: {  	_ =	strace s18  }
0x93: {  	s3 =	sld [smem:$0x3FFC];
	_ =	sdelay $0x3  }
0x94: {  	_ =	strace s3  }
0x95: {  	s3 =	sld [smem:$0x3FFD];
	_ =	sdelay $0x3  }
0x96: {  	_ =	strace s3  }
0x97: {  	_ =	strace $0x8FFFFFFF  }
0x98: {  	s19 =	sld [smem:$0x3FDB];
	_ =	sdelay $0x1  }
0x99: {  	s4 =	simm.s32 $_scs_section_size  }
0x9a: {  	s5 =	simm.s32 $_size__tile_overlayer_lowered;
	s6 =	simm.s32 $_tile_overlayer_lowered  }
0x9b: {  	s22 =	simm.s32 $0x1BFF;
	s21 =	sshll.u32 s6, $0x1;
	s3 =	sadd.s32 s4, s19  }
0x9c: {  	s7 =	simm.s32 $0x0;
	s20 =	sshll.u32 s5, $0x1;
	s5 =	sadd.s32 s21, s3  }
0x9d: {  	[timem:s7], [sflag:s22] =	dma.local [hbm:s5], s20  }
0x9e: {  	_ =	swait.ge [sflag:s22], s20  }
0x9f: {  	s4 =	ssub.s32 $0x0, s20;
	[sflag:s22] =	ssyncset.done $0x0  }
0xa0: {  	[sflag:s22] =	ssyncadd.s32 s4;
	_ =	sdelay $0x1  }
0xa1: {  	s23 =	simm.s32 $0x1B8B  }
0xa2: {  	_ =	swait.ge [sflag:s23], $0x1  }
0xa3: {  	[sflag:s23] =	ssyncset.done $0x0  }
0xa4: {  	s25 =	simm.s32 $0x1B8E;
	s24 =	sld [smem:$0x3FFE];
	[sflag:s23] =	ssyncadd.s32 $0xFFFFFFFF  }
0xa5: {  	s26 =	simm.s32 $execute0_lowered;
	[smem:$0x3FD2] =	sst s25  }
0xa6: {  	s5 =	sshll.u32 s26, $0x1;
	_ =	strace $0x8000004C;
	[dreg:$0x1] =	wrdreg $0xFFFFFFFF  }
0xa7: {  	s28 =	simm.s32 $_size_execute0_lowered;
	s3 =	sadd.s32 s3, s5;
	[dreg:$0x0] =	wrdreg $0x0  }
0xa8: {  	s5 =	sshll.u32 s28, $0x1;
	[dreg:$0x2] =	wrdreg s3  }
0xa9: {  	[dreg:$0x3] =	wrdreg s5  }
0xaa: {  	[dreg:$0x4] =	wrdreg $0xC0  }
0xab: {  	_ =	task [dreg:s7], $0x5FFFF  }
0xac: {  	[dreg:$0x1] =	wrdreg $0xFFFFFFFF  }
0xad: {  	[dreg:$0x0] =	wrdreg $0x60  }
0xae: {  	[dreg:$0x2] =	wrdreg s24  }
0xaf: {  	[dreg:$0x3] =	wrdreg s2  }
0xb0: {  	[dreg:$0x4] =	wrdreg $0xA8000  }
0xb1: {  	[dreg:$0x5] =	wrdreg $0x9  }
0xb2: {  	_ =	task.clear_ibuf [dreg:s7], $0x6FFFF;
	_ =	strace $0x9000004C  }
0xb3: {  	s29 =	simm.s32 $0x9;
	_ =	strace $0x8000004E  }
0xb4: {  	_ =	swait.ge [sflag:s29], $0x1  }
0xb5: {  	[sflag:s29] =	ssyncadd.s32 $0xFFFFFFFF  }
0xb6: {  	_ =	strace $0x9000004E  }
0xb7: {  	_ =	sfence  }
0xb8: {  	s30 =	sld [smem:$0x0];
	_ =	sdelay $0x2  }
0xb9: {  	s31 =	sshll.u32 s1, $0xD;
	s1 =	sshrl.u32 s1, $0x2  }
0xba: {  	s3 =	sand.u32 $0x4000, s31;
	s1 =	sadd.s32 s1, s30  }
0xbb: {  	s0 =	sor.u32 s3, s0;
	s1 =	sshll.u32 s1, $0x11  }
0xbc: {  	s0 =	sor.u32 s1, s0  }
0xbd: {  	s0 =	sadd.s32 $0x8F2B, s0  }
0xbe: {  	[sflag:s0] =	ssyncadd.remote.s32 $0x1  }
0xbf: {  	_ =	sfence.sel $0xFFFF  }
0xc0: {  	[dreg:$0x0] =	wrdreg $0xFFFFFFFF;
	(pc) =	sbr.abs _section_cstart, $3  }
0xc1: {  	[dreg:$0x1] =	wrdreg $0xFFFFFFFF  }
0xc2: {  	_ =	task.clear_ibuf [dreg:s7], $0x2FFFF;
	_ =	strace $0x9FFFFFFF  }
0xc3: {  	(tm) =	ssettm $0x7FFFFFFF  }
tec
execute0_lowered:
.L_overlay_start_1:
0x0: {  	(tag) =	ssettag $0x1  }
0x1: {  	s0 =	rddreg [dreg:$0x0]  }
0x2: {  	s1 =	rddreg [dreg:$0x1]  }
0x3: {  	s2 =	rddreg [dreg:$0x2]  }
0x4: {  	s4 =	srdreg.scid;
	s3 =	stileid.u32;
	s7 =	simm.s32 $0x0  }
0x5: {  	s28 =	simm.s32 $0x2;
	s31 =	simm.s32 $0x8800;
	s30 =	simm.s32 $0x4  }
0x6: {  	s29 =	simm.s32 $0x6;
	s12 =	simm.s32 $0x2780;
	s13 =	simm.s32 $0x0  }
0x7: {  	s5 =	sand.u32 $0x1, s4;
	s6 =	smul.u32 $0x14000, s3;
	[smem:$0x7FF] =	sst s7  }
0x8: {  	s4 =	sadd.s32 $0x21C00, s0;
	s8 =	sadd.s32 $0xDC00, s0;
	s9 =	smul.u32 $0x50000, s3  }
0x9: {  	s17 =	sshll.u32 s3, $0x6;
	s14 =	smul.u32 $0x140000, s5;
	s10 =	sshll.u32 s5, $0x4  }
0xa: {  	_ =	strace $0x8000004D;
	s5 =	ssub.s32 $0x2, s5;
	s15 =	sor.u32 s3, s10  }
0xb: {  	s16 =	sshrl.u32 s5, $0x1;
	s9 =	sshrl.u32 s9, $0x2;
	s10 =	simm.s32 $0x1380  }
0xc: {  	s7 =	sadd.s32 s6, s14;
	s5 =	ssub.s32 s5, s16;
	s6 =	sshrl.u32 s6, $0x3  }
0xd: {  	s9 =	sadd.s32 s9, s2;
	s7 =	sshrl.u32 s7, $0x3;
	s6 =	sadd.s32 s4, s6  }
0xe: {  	s26 =	smax.u32 s5, $0x1;
	s5 =	simm.s32 $0x8;
	s0 =	sadd.s32 s7, s0  }
0xf: {  	s7 =	smul.u32 $0x5000, s15;
	[dreg:$0x4] =	wrdreg s6;
	s6 =	sor.u32 $0x1C09, s17  }
0x10: {  	[dreg:$0xe] =	wrdreg s26;
	s17 =	sshrl.u32 s9, $0x3;
	s26 =	simm.s32 $0x6800  }
0x11: {  	s9 =	simm.s32 $0x2680;
	s0 =	sadd.s32 $0x71C00, s0;
	s7 =	sshrl.u32 s7, $0x3  }
0x12: {  	[dreg:$0xd] =	wrdreg s0;
	s0 =	simm.s32 $0x3;
	s18 =	sadd.s32 s1, s7  }
0x13: {  	s19 =	sadd.s32 $0x280, s7;
	s20 =	sadd.s32 s8, s7;
	[dreg:$0x5] =	wrdreg s18  }
0x14: {  	s11 =	sadd.s32 $0x500, s7;
	[dreg:$0x6] =	wrdreg s20;
	s21 =	sadd.s32 s1, s19  }
0x15: {  	s7 =	sadd.s32 $0x780, s7;
	s22 =	sadd.s32 s8, s19;
	[dreg:$0x7] =	wrdreg s21  }
0x16: {  	s23 =	sadd.s32 s1, s11;
	s24 =	sadd.s32 s8, s11;
	[dreg:$0x8] =	wrdreg s22  }
0x17: {  	s1 =	sadd.s32 s1, s7;
	s25 =	sadd.s32 s8, s7;
	[dreg:$0x9] =	wrdreg s23  }
0x18: {  	s18 =	simm.s32 $0x9;
	s19 =	simm.s32 $0x1400;
	[dreg:$0xa] =	wrdreg s24  }
0x19: {  	s20 =	simm.s32 $0x40;
	s7 =	simm.s32 $0x2600;
	[dreg:$0xb] =	wrdreg s1  }
0x1a: {  	s8 =	simm.s32 $0x1300;
	s11 =	simm.s32 $0x2700;
	[dreg:$0xc] =	wrdreg s25  }
0x1b: {  	s21 =	simm.s32 $0x2800;
	s22 =	simm.s32 $0x80;
	s23 =	simm.s32 $0x4800  }
0x1c: {  	s24 =	simm.s32 $0x1;
	s25 =	simm.s32 $0x5;
	s1 =	simm.s32 $0x7  }
.LBB2_1:
0x1d: {  	s3 =	rddreg [dreg:$0x4]  }
0x1e: {  	[spmem:s17], [sflag:s6] =	dma.local [hbm:s3], $0x2800  }
0x1f: {  	_ =	swait.ge [sflag:s18], $0x2800  }
0x20: {  	[sflag:s18] =	ssyncset.done $0x0  }
0x21: {  	[sflag:s18] =	ssyncadd.s32 $0xFFFFD800  }
0x22: {  	[bflag:$0x0] =	sbarrier.arrive $0xFFFF  }
0x23: {  	s16 =	simm.s32 $0x0;
	s14 =	rddreg [dreg:$0x5]  }
0x24: {  	[tilespmem:s16], [sflag:$0x9] =	stream.linear.gather [hbm4b:s14+s16], $0x1400, $0x38;
	[tilespmem:$0x1E800] =	vst v63  }
0x25: {  	_ =	swait.ge [sflag:s18], $0x1400  }
0x26: {  	[sflag:s18] =	ssyncset.done $0x0  }
0x27: {  	s15 =	rddreg [dreg:$0x6];
	[sflag:s18] =	ssyncadd.s32 $0xFFFFEC00  }
0x28: {  	[tilespmem:s19], [sflag:$0x9] =	stream.linear.gather [hbm4b:s15+s16], $0x1400, $0x38;
	[tilespmem:$0x1E800] =	vst v63  }
0x29: {  	_ =	swait.ge [sflag:s18], $0x1400  }
0x2a: {  	[sflag:s18] =	ssyncset.done $0x0  }
0x2b: {  	[sflag:s18] =	ssyncadd.s32 $0xFFFFEC00  }
0x2c: {  	[tilespmem:s21], [sflag:$0x1] =	stream.indirect.gather [hbm4b:s4+s20], $0x80, s16, s20, $0xb8;
	[tilespmem:$0x1E800] =	vst v63  }
0x2d: {  	_ = 	snop  }
0x2e: {  	[tilespmem:s23], [sflag:$0x2] =	stream.indirect.gather [hbm4b:s4+s20], $0x80, s22, s20, $0xb8;
	[tilespmem:$0x1E800] =	vst v63  }
0x2f: {  	_ =	swait.ge [sflag:s24], $0x2000  }
0x30: {  	[sflag:s24] =	ssyncset.done $0x0  }
0x31: {  	[sflag:s24] =	ssyncadd.s32 $0xFFFFE000  }
0x32: {  	[spmem:s2] =	stream.indirect.scatter.add.f32 [tilespmem:s21], [sflag:$0x5], $0x80, s19, s20, $0xb8;
	[tilespmem:$0x1E800] =	vst v63  }
0x33: {  	s16 =	simm.s32 $0x100  }
0x34: {  	[tilespmem:s26], [sflag:$0x3] =	stream.indirect.gather [hbm4b:s4+s20], $0x80, s16, s20, $0xb8;
	[tilespmem:$0x1E800] =	vst v63  }
0x35: {  	_ =	swait.ge [sflag:s28], $0x2000  }
0x36: {  	[sflag:s28] =	ssyncset.done $0x0  }
0x37: {  	s14 =	simm.s32 $0x1480;
	[sflag:s28] =	ssyncadd.s32 $0xFFFFE000  }
0x38: {  	[spmem:s2] =	stream.indirect.scatter.add.f32 [tilespmem:s23], [sflag:$0x6], $0x80, s14, s20, $0xb8;
	[tilespmem:$0x1E800] =	vst v63  }
0x39: {  	s15 =	simm.s32 $0x180  }
0x3a: {  	[tilespmem:s31], [sflag:$0x4] =	stream.indirect.gather [hbm4b:s4+s20], $0x80, s15, s20, $0xb8;
	[tilespmem:$0x1E800] =	vst v63  }
0x3b: {  	_ =	swait.ge [sflag:s0], $0x2000  }
0x3c: {  	[sflag:s0] =	ssyncset.done $0x0  }
0x3d: {  	s16 =	simm.s32 $0x1500;
	[sflag:s0] =	ssyncadd.s32 $0xFFFFE000  }
0x3e: {  	[spmem:s2] =	stream.indirect.scatter.add.f32 [tilespmem:s26], [sflag:$0x7], $0x80, s16, s20, $0xb8;
	[tilespmem:$0x1E800] =	vst v63  }
0x3f: {  	_ =	swait.ge [sflag:s25], $0x2000  }
0x40: {  	[sflag:s25] =	ssyncset.done $0x0  }
0x41: {  	s14 =	simm.s32 $0x200;
	[sflag:s25] =	ssyncadd.s32 $0xFFFFE000  }
0x42: {  	[tilespmem:s21], [sflag:$0x1] =	stream.indirect.gather [hbm4b:s4+s20], $0x80, s14, s20, $0xb8;
	[tilespmem:$0x1E800] =	vst v63  }
0x43: {  	_ =	swait.ge [sflag:s30], $0x2000  }
0x44: {  	[sflag:s30] =	ssyncset.done $0x0  }
0x45: {  	s15 =	simm.s32 $0x1580;
	[sflag:s30] =	ssyncadd.s32 $0xFFFFE000  }
0x46: {  	[spmem:s2] =	stream.indirect.scatter.add.f32 [tilespmem:s31], [sflag:$0x8], $0x80, s15, s20, $0xb8;
	[tilespmem:$0x1E800] =	vst v63  }
0x47: {  	_ =	swait.ge [sflag:s29], $0x2000  }
0x48: {  	[sflag:s29] =	ssyncset.done $0x0  }
0x49: {  	s16 =	simm.s32 $0x280;
	s14 =	simm.s32 $0x0;
	[sflag:s29] =	ssyncadd.s32 $0xFFFFE000  }
0x4a: {  	[tilespmem:s23], [sflag:$0x2] =	stream.indirect.gather [hbm4b:s4+s20], $0x80, s16, s20, $0xb8;
	[tilespmem:$0x1E800] =	vst v63  }
.LBB2_2:
0x4b: {  	_ =	swait.ge [sflag:s24], $0x2000  }
0x4c: {  	s15 =	sshra.s32 s14, $0x2;
	[sflag:s24] =	ssyncset.done $0x0  }
0x4d: {  	s16 =	sadd.s32 $0x1600, s15;
	[sflag:s24] =	ssyncadd.s32 $0xFFFFE000  }
0x4e: {  	[spmem:s2] =	stream.indirect.scatter.add.f32 [tilespmem:s21], [sflag:$0x5], $0x80, s16, s20, $0xb8;
	[tilespmem:$0x1E800] =	vst v63  }
0x4f: {  	_ =	swait.ge [sflag:s1], $0x2000  }
0x50: {  	[sflag:s1] =	ssyncset.done $0x0  }
0x51: {  	s3 =	sadd.s32 $0x300, s15;
	[sflag:s1] =	ssyncadd.s32 $0xFFFFE000  }
0x52: {  	[tilespmem:s26], [sflag:$0x3] =	stream.indirect.gather [hbm4b:s4+s20], $0x80, s3, s20, $0xb8;
	[tilespmem:$0x1E800] =	vst v63  }
0x53: {  	_ =	swait.ge [sflag:s28], $0x2000  }
0x54: {  	[sflag:s28] =	ssyncset.done $0x0  }
0x55: {  	s3 =	sadd.s32 $0x1680, s15;
	[sflag:s28] =	ssyncadd.s32 $0xFFFFE000  }
0x56: {  	[spmem:s2] =	stream.indirect.scatter.add.f32 [tilespmem:s23], [sflag:$0x6], $0x80, s3, s20, $0xb8;
	[tilespmem:$0x1E800] =	vst v63  }
0x57: {  	_ =	swait.ge [sflag:s5], $0x2000  }
0x58: {  	[sflag:s5] =	ssyncset.done $0x0  }
0x59: {  	p0 =	seq.s32 s14, $0x4000;
	s3 =	sadd.s32 $0x380, s15;
	[sflag:s5] =	ssyncadd.s32 $0xFFFFE000  }
0x5a: {  	[tilespmem:s31], [sflag:$0x4] =	stream.indirect.gather [hbm4b:s4+s20], $0x80, s3, s20, $0xb8;
	[tilespmem:$0x1E800] =	vst v63  }
.Ltmp0:
0x5b: {  	_ = 	snop;
	(pc) =	sbr.rel @p0 .LBB2_4-.Ltmp0, $4  }
0x5c: {  	_ =	swait.ge [sflag:s0], $0x2000  }
0x5d: {  	[sflag:s0] =	ssyncset.done $0x0  }
0x5e: {  	s16 =	sadd.s32 $0x1780, s15;
	s3 =	sadd.s32 $0x1700, s15;
	[sflag:s0] =	ssyncadd.s32 $0xFFFFE000  }
0x5f: {  	[spmem:s2] =	stream.indirect.scatter.add.f32 [tilespmem:s26], [sflag:$0x7], $0x80, s3, s20, $0xb8;
	[tilespmem:$0x1E800] =	vst v63  }
0x60: {  	_ =	swait.ge [sflag:s25], $0x2000  }
0x61: {  	[sflag:s25] =	ssyncset.done $0x0  }
0x62: {  	s3 =	sadd.s32 $0x400, s15;
	[sflag:s25] =	ssyncadd.s32 $0xFFFFE000  }
0x63: {  	[tilespmem:s21], [sflag:$0x1] =	stream.indirect.gather [hbm4b:s4+s20], $0x80, s3, s20, $0xb8;
	[tilespmem:$0x1E800] =	vst v63  }
0x64: {  	_ =	swait.ge [sflag:s30], $0x2000  }
0x65: {  	[sflag:s30] =	ssyncset.done $0x0  }
0x66: {  	[sflag:s30] =	ssyncadd.s32 $0xFFFFE000  }
0x67: {  	[spmem:s2] =	stream.indirect.scatter.add.f32 [tilespmem:s31], [sflag:$0x8], $0x80, s16, s20, $0xb8;
	[tilespmem:$0x1E800] =	vst v63  }
.Ltmp1:
0x68: {  	_ = 	snop;
	(pc) =	sbr.rel .LBB2_2-.Ltmp1, $4  }
0x69: {  	_ =	swait.ge [sflag:s29], $0x2000  }
0x6a: {  	[sflag:s29] =	ssyncset.done $0x0  }
0x6b: {  	s14 =	sadd.s32 $0x800, s14;
	s16 =	sadd.s32 $0x480, s15;
	[sflag:s29] =	ssyncadd.s32 $0xFFFFE000  }
0x6c: {  	[tilespmem:s23], [sflag:$0x2] =	stream.indirect.gather [hbm4b:s4+s20], $0x80, s16, s20, $0xb8;
	[tilespmem:$0x1E800] =	vst v63  }
.LBB2_4:
0x6d: {  	_ =	swait.ge [sflag:s30], $0x2000  }
0x6e: {  	[sflag:s30] =	ssyncset.done $0x0  }
0x6f: {  	[sflag:s30] =	ssyncadd.s32 $0xFFFFE000  }
0x70: {  	[spmem:s2] =	stream.indirect.scatter.add.f32 [tilespmem:s31], [sflag:$0x8], $0x80, s16, s20, $0xb8;
	[tilespmem:$0x1E800] =	vst v63  }
0x71: {  	_ =	swait.ge [sflag:s25], $0x2000  }
0x72: {  	[sflag:s25] =	ssyncset.done $0x0  }
0x73: {  	[sflag:s25] =	ssyncadd.s32 $0xFFFFE000  }
0x74: {  	_ =	swait.ge [sflag:s29], $0x2000  }
0x75: {  	[sflag:s29] =	ssyncset.done $0x0  }
0x76: {  	s3 =	simm.s32 $0x0;
	s14 =	rddreg [dreg:$0x7];
	[sflag:s29] =	ssyncadd.s32 $0xFFFFE000  }
0x77: {  	[tilespmem:s3], [sflag:$0x9] =	stream.linear.gather [hbm4b:s14+s3], $0x1400, $0x38;
	[tilespmem:$0x1E800] =	vst v63  }
0x78: {  	_ =	swait.ge [sflag:s18], $0x1400  }
0x79: {  	[sflag:s18] =	ssyncset.done $0x0  }
0x7a: {  	s15 =	rddreg [dreg:$0x8];
	[sflag:s18] =	ssyncadd.s32 $0xFFFFEC00  }
0x7b: {  	[tilespmem:s19], [sflag:$0x9] =	stream.linear.gather [hbm4b:s15+s3], $0x1400, $0x38;
	[tilespmem:$0x1E800] =	vst v63  }
0x7c: {  	_ =	swait.ge [sflag:s18], $0x1400  }
0x7d: {  	[sflag:s18] =	ssyncset.done $0x0  }
0x7e: {  	[sflag:s18] =	ssyncadd.s32 $0xFFFFEC00  }
0x7f: {  	[tilespmem:s21], [sflag:$0x1] =	stream.indirect.gather [hbm4b:s4+s20], $0x80, s3, s20, $0xb8;
	[tilespmem:$0x1E800] =	vst v63  }
0x80: {  	_ = 	snop  }
0x81: {  	[tilespmem:s23], [sflag:$0x2] =	stream.indirect.gather [hbm4b:s4+s20], $0x80, s22, s20, $0xb8;
	[tilespmem:$0x1E800] =	vst v63  }
0x82: {  	_ =	swait.ge [sflag:s24], $0x2000  }
0x83: {  	[sflag:s24] =	ssyncset.done $0x0  }
0x84: {  	s16 =	simm.s32 $0x1400;
	[sflag:s24] =	ssyncadd.s32 $0xFFFFE000  }
0x85: {  	[spmem:s2] =	stream.indirect.scatter.add.f32 [tilespmem:s21], [sflag:$0x5], $0x80, s16, s20, $0xb8;
	[tilespmem:$0x1E800] =	vst v63  }
0x86: {  	_ =	swait.ge [sflag:s1], $0x2000  }
0x87: {  	[sflag:s1] =	ssyncset.done $0x0  }
0x88: {  	s14 =	simm.s32 $0x100;
	[sflag:s1] =	ssyncadd.s32 $0xFFFFE000  }
0x89: {  	[tilespmem:s26], [sflag:$0x3] =	stream.indirect.gather [hbm4b:s4+s20], $0x80, s14, s20, $0xb8;
	[tilespmem:$0x1E800] =	vst v63  }
0x8a: {  	_ =	swait.ge [sflag:s28], $0x2000  }
0x8b: {  	[sflag:s28] =	ssyncset.done $0x0  }
0x8c: {  	s15 =	simm.s32 $0x1480;
	[sflag:s28] =	ssyncadd.s32 $0xFFFFE000  }
0x8d: {  	[spmem:s2] =	stream.indirect.scatter.add.f32 [tilespmem:s23], [sflag:$0x6], $0x80, s15, s20, $0xb8;
	[tilespmem:$0x1E800] =	vst v63  }
0x8e: {  	_ =	swait.ge [sflag:s5], $0x2000  }
0x8f: {  	[sflag:s5] =	ssyncset.done $0x0  }
0x90: {  	s16 =	simm.s32 $0x180;
	[sflag:s5] =	ssyncadd.s32 $0xFFFFE000  }
0x91: {  	[tilespmem:s31], [sflag:$0x4] =	stream.indirect.gather [hbm4b:s4+s20], $0x80, s16, s20, $0xb8;
	[tilespmem:$0x1E800] =	vst v63  }
0x92: {  	_ =	swait.ge [sflag:s0], $0x2000  }
0x93: {  	[sflag:s0] =	ssyncset.done $0x0  }
0x94: {  	s14 =	simm.s32 $0x1500;
	[sflag:s0] =	ssyncadd.s32 $0xFFFFE000  }
0x95: {  	[spmem:s2] =	stream.indirect.scatter.add.f32 [tilespmem:s26], [sflag:$0x7], $0x80, s14, s20, $0xb8;
	[tilespmem:$0x1E800] =	vst v63  }
0x96: {  	_ =	swait.ge [sflag:s25], $0x2000  }
0x97: {  	[sflag:s25] =	ssyncset.done $0x0  }
0x98: {  	s15 =	simm.s32 $0x200;
	[sflag:s25] =	ssyncadd.s32 $0xFFFFE000  }
0x99: {  	[tilespmem:s21], [sflag:$0x1] =	stream.indirect.gather [hbm4b:s4+s20], $0x80, s15, s20, $0xb8;
	[tilespmem:$0x1E800] =	vst v63  }
0x9a: {  	_ =	swait.ge [sflag:s30], $0x2000  }
0x9b: {  	[sflag:s30] =	ssyncset.done $0x0  }
0x9c: {  	s16 =	simm.s32 $0x1580;
	[sflag:s30] =	ssyncadd.s32 $0xFFFFE000  }
0x9d: {  	[spmem:s2] =	stream.indirect.scatter.add.f32 [tilespmem:s31], [sflag:$0x8], $0x80, s16, s20, $0xb8;
	[tilespmem:$0x1E800] =	vst v63  }
0x9e: {  	_ =	swait.ge [sflag:s29], $0x2000  }
0x9f: {  	[sflag:s29] =	ssyncset.done $0x0  }
0xa0: {  	s14 =	simm.s32 $0x800;
	s15 =	simm.s32 $0x280;
	[sflag:s29] =	ssyncadd.s32 $0xFFFFE000  }
.LBB2_5:
0xa1: {  	[tilespmem:s23], [sflag:$0x2] =	stream.indirect.gather [hbm4b:s4+s20], $0x80, s15, s20, $0xb8;
	[tilespmem:$0x1E800] =	vst v63  }
0xa2: {  	s3 =	smov.u32 s14  }
0xa3: {  	p0 =	sne.s32 s14, $0x4000;
	s14 =	sadd.s32 $0x800, s14;
	_ =	swait.ge [sflag:s24], $0x2000  }
0xa4: {  	s15 =	sshra.s32 s3, $0x2;
	[sflag:s24] =	ssyncset.done $0x0  }
0xa5: {  	s3 =	sadd.s32 $0x1400, s15;
	[sflag:s24] =	ssyncadd.s32 $0xFFFFE000  }
0xa6: {  	[spmem:s2] =	stream.indirect.scatter.add.f32 [tilespmem:s21], [sflag:$0x5], $0x80, s3, s20, $0xb8;
	[tilespmem:$0x1E800] =	vst v63  }
0xa7: {  	_ =	swait.ge [sflag:s1], $0x2000  }
0xa8: {  	[sflag:s1] =	ssyncset.done $0x0  }
0xa9: {  	s3 =	sadd.s32 $0x100, s15;
	[sflag:s1] =	ssyncadd.s32 $0xFFFFE000  }
0xaa: {  	[tilespmem:s26], [sflag:$0x3] =	stream.indirect.gather [hbm4b:s4+s20], $0x80, s3, s20, $0xb8;
	[tilespmem:$0x1E800] =	vst v63  }
0xab: {  	_ =	swait.ge [sflag:s28], $0x2000  }
0xac: {  	[sflag:s28] =	ssyncset.done $0x0  }
0xad: {  	s3 =	sadd.s32 $0x1480, s15;
	[sflag:s28] =	ssyncadd.s32 $0xFFFFE000  }
0xae: {  	[spmem:s2] =	stream.indirect.scatter.add.f32 [tilespmem:s23], [sflag:$0x6], $0x80, s3, s20, $0xb8;
	[tilespmem:$0x1E800] =	vst v63  }
0xaf: {  	_ =	swait.ge [sflag:s5], $0x2000  }
0xb0: {  	[sflag:s5] =	ssyncset.done $0x0  }
0xb1: {  	s3 =	sadd.s32 $0x180, s15;
	[sflag:s5] =	ssyncadd.s32 $0xFFFFE000  }
0xb2: {  	[tilespmem:s31], [sflag:$0x4] =	stream.indirect.gather [hbm4b:s4+s20], $0x80, s3, s20, $0xb8;
	[tilespmem:$0x1E800] =	vst v63  }
0xb3: {  	_ =	swait.ge [sflag:s0], $0x2000  }
0xb4: {  	[sflag:s0] =	ssyncset.done $0x0  }
0xb5: {  	s3 =	sadd.s32 $0x1500, s15;
	[sflag:s0] =	ssyncadd.s32 $0xFFFFE000  }
0xb6: {  	[spmem:s2] =	stream.indirect.scatter.add.f32 [tilespmem:s26], [sflag:$0x7], $0x80, s3, s20, $0xb8;
	[tilespmem:$0x1E800] =	vst v63  }
0xb7: {  	_ =	swait.ge [sflag:s25], $0x2000  }
0xb8: {  	[sflag:s25] =	ssyncset.done $0x0  }
0xb9: {  	s3 =	sadd.s32 $0x200, s15;
	[sflag:s25] =	ssyncadd.s32 $0xFFFFE000  }
0xba: {  	[tilespmem:s21], [sflag:$0x1] =	stream.indirect.gather [hbm4b:s4+s20], $0x80, s3, s20, $0xb8;
	[tilespmem:$0x1E800] =	vst v63  }
0xbb: {  	_ =	swait.ge [sflag:s30], $0x2000  }
0xbc: {  	[sflag:s30] =	ssyncset.done $0x0  }
.Ltmp2:
0xbd: {  	s3 =	sadd.s32 $0x1580, s15;
	[sflag:s30] =	ssyncadd.s32 $0xFFFFE000;
	(pc) =	sbr.rel @p0 .LBB2_5-.Ltmp2, $4  }
0xbe: {  	[spmem:s2] =	stream.indirect.scatter.add.f32 [tilespmem:s31], [sflag:$0x8], $0x80, s3, s20, $0xb8;
	[tilespmem:$0x1E800] =	vst v63  }
0xbf: {  	_ =	swait.ge [sflag:s29], $0x2000  }
0xc0: {  	[sflag:s29] =	ssyncset.done $0x0  }
0xc1: {  	s15 =	sadd.s32 $0x280, s15;
	[sflag:s29] =	ssyncadd.s32 $0xFFFFE000  }
0xc2: {  	[tilespmem:s23], [sflag:$0x2] =	stream.indirect.gather [hbm4b:s4+s20], $0x80, s15, s20, $0xb8;
	[tilespmem:$0x1E800] =	vst v63  }
0xc3: {  	_ =	swait.ge [sflag:s24], $0x2000  }
0xc4: {  	[sflag:s24] =	ssyncset.done $0x0  }
0xc5: {  	[sflag:s24] =	ssyncadd.s32 $0xFFFFE000  }
0xc6: {  	[spmem:s2] =	stream.indirect.scatter.add.f32 [tilespmem:s21], [sflag:$0x5], $0x80, s7, s20, $0xb8;
	[tilespmem:$0x1E800] =	vst v63  }
0xc7: {  	_ =	swait.ge [sflag:s1], $0x2000  }
0xc8: {  	[sflag:s1] =	ssyncset.done $0x0  }
0xc9: {  	[sflag:s1] =	ssyncadd.s32 $0xFFFFE000  }
0xca: {  	[tilespmem:s26], [sflag:$0x3] =	stream.indirect.gather [hbm4b:s4+s20], $0x80, s8, s20, $0xb8;
	[tilespmem:$0x1E800] =	vst v63  }
0xcb: {  	_ =	swait.ge [sflag:s28], $0x2000  }
0xcc: {  	[sflag:s28] =	ssyncset.done $0x0  }
0xcd: {  	[sflag:s28] =	ssyncadd.s32 $0xFFFFE000  }
0xce: {  	[spmem:s2] =	stream.indirect.scatter.add.f32 [tilespmem:s23], [sflag:$0x6], $0x80, s9, s20, $0xb8;
	[tilespmem:$0x1E800] =	vst v63  }
0xcf: {  	_ =	swait.ge [sflag:s5], $0x2000  }
0xd0: {  	[sflag:s5] =	ssyncset.done $0x0  }
0xd1: {  	[sflag:s5] =	ssyncadd.s32 $0xFFFFE000  }
0xd2: {  	[tilespmem:s31], [sflag:$0x4] =	stream.indirect.gather [hbm4b:s4+s20], $0x80, s10, s20, $0xb8;
	[tilespmem:$0x1E800] =	vst v63  }
0xd3: {  	_ =	swait.ge [sflag:s0], $0x2000  }
0xd4: {  	[sflag:s0] =	ssyncset.done $0x0  }
0xd5: {  	[sflag:s0] =	ssyncadd.s32 $0xFFFFE000  }
0xd6: {  	[spmem:s2] =	stream.indirect.scatter.add.f32 [tilespmem:s26], [sflag:$0x7], $0x80, s11, s20, $0xb8;
	[tilespmem:$0x1E800] =	vst v63  }
0xd7: {  	_ =	swait.ge [sflag:s30], $0x2000  }
0xd8: {  	[sflag:s30] =	ssyncset.done $0x0  }
0xd9: {  	[sflag:s30] =	ssyncadd.s32 $0xFFFFE000  }
0xda: {  	[spmem:s2] =	stream.indirect.scatter.add.f32 [tilespmem:s31], [sflag:$0x8], $0x80, s12, s20, $0xb8;
	[tilespmem:$0x1E800] =	vst v63  }
0xdb: {  	_ =	swait.ge [sflag:s25], $0x2000  }
0xdc: {  	[sflag:s25] =	ssyncset.done $0x0  }
0xdd: {  	[sflag:s25] =	ssyncadd.s32 $0xFFFFE000  }
0xde: {  	_ =	swait.ge [sflag:s29], $0x2000  }
0xdf: {  	[sflag:s29] =	ssyncset.done $0x0  }
0xe0: {  	s3 =	simm.s32 $0x0;
	s14 =	rddreg [dreg:$0x9];
	[sflag:s29] =	ssyncadd.s32 $0xFFFFE000  }
0xe1: {  	[tilespmem:s3], [sflag:$0x9] =	stream.linear.gather [hbm4b:s14+s3], $0x1400, $0x38;
	[tilespmem:$0x1E800] =	vst v63  }
0xe2: {  	_ =	swait.ge [sflag:s18], $0x1400  }
0xe3: {  	[sflag:s18] =	ssyncset.done $0x0  }
0xe4: {  	s15 =	rddreg [dreg:$0xa];
	[sflag:s18] =	ssyncadd.s32 $0xFFFFEC00  }
0xe5: {  	[tilespmem:s19], [sflag:$0x9] =	stream.linear.gather [hbm4b:s15+s3], $0x1400, $0x38;
	[tilespmem:$0x1E800] =	vst v63  }
0xe6: {  	_ =	swait.ge [sflag:s18], $0x1400  }
0xe7: {  	[sflag:s18] =	ssyncset.done $0x0  }
0xe8: {  	[sflag:s18] =	ssyncadd.s32 $0xFFFFEC00  }
0xe9: {  	[tilespmem:s21], [sflag:$0x1] =	stream.indirect.gather [hbm4b:s4+s20], $0x80, s3, s20, $0xb8;
	[tilespmem:$0x1E800] =	vst v63  }
0xea: {  	_ = 	snop  }
0xeb: {  	[tilespmem:s23], [sflag:$0x2] =	stream.indirect.gather [hbm4b:s4+s20], $0x80, s22, s20, $0xb8;
	[tilespmem:$0x1E800] =	vst v63  }
0xec: {  	_ =	swait.ge [sflag:s24], $0x2000  }
0xed: {  	[sflag:s24] =	ssyncset.done $0x0  }
0xee: {  	s16 =	simm.s32 $0x1400;
	[sflag:s24] =	ssyncadd.s32 $0xFFFFE000  }
0xef: {  	[spmem:s2] =	stream.indirect.scatter.add.f32 [tilespmem:s21], [sflag:$0x5], $0x80, s16, s20, $0xb8;
	[tilespmem:$0x1E800] =	vst v63  }
0xf0: {  	_ =	swait.ge [sflag:s1], $0x2000  }
0xf1: {  	[sflag:s1] =	ssyncset.done $0x0  }
0xf2: {  	s14 =	simm.s32 $0x100;
	[sflag:s1] =	ssyncadd.s32 $0xFFFFE000  }
0xf3: {  	[tilespmem:s26], [sflag:$0x3] =	stream.indirect.gather [hbm4b:s4+s20], $0x80, s14, s20, $0xb8;
	[tilespmem:$0x1E800] =	vst v63  }
0xf4: {  	_ =	swait.ge [sflag:s28], $0x2000  }
0xf5: {  	[sflag:s28] =	ssyncset.done $0x0  }
0xf6: {  	s15 =	simm.s32 $0x1480;
	[sflag:s28] =	ssyncadd.s32 $0xFFFFE000  }
0xf7: {  	[spmem:s2] =	stream.indirect.scatter.add.f32 [tilespmem:s23], [sflag:$0x6], $0x80, s15, s20, $0xb8;
	[tilespmem:$0x1E800] =	vst v63  }
0xf8: {  	_ =	swait.ge [sflag:s5], $0x2000  }
0xf9: {  	[sflag:s5] =	ssyncset.done $0x0  }
0xfa: {  	s16 =	simm.s32 $0x180;
	[sflag:s5] =	ssyncadd.s32 $0xFFFFE000  }
0xfb: {  	[tilespmem:s31], [sflag:$0x4] =	stream.indirect.gather [hbm4b:s4+s20], $0x80, s16, s20, $0xb8;
	[tilespmem:$0x1E800] =	vst v63  }
0xfc: {  	_ =	swait.ge [sflag:s0], $0x2000  }
0xfd: {  	[sflag:s0] =	ssyncset.done $0x0  }
0xfe: {  	s14 =	simm.s32 $0x1500;
	[sflag:s0] =	ssyncadd.s32 $0xFFFFE000  }
0xff: {  	[spmem:s2] =	stream.indirect.scatter.add.f32 [tilespmem:s26], [sflag:$0x7], $0x80, s14, s20, $0xb8;
	[tilespmem:$0x1E800] =	vst v63  }
0x100: {  	_ =	swait.ge [sflag:s25], $0x2000  }
0x101: {  	[sflag:s25] =	ssyncset.done $0x0  }
0x102: {  	s15 =	simm.s32 $0x200;
	[sflag:s25] =	ssyncadd.s32 $0xFFFFE000  }
0x103: {  	[tilespmem:s21], [sflag:$0x1] =	stream.indirect.gather [hbm4b:s4+s20], $0x80, s15, s20, $0xb8;
	[tilespmem:$0x1E800] =	vst v63  }
0x104: {  	_ =	swait.ge [sflag:s30], $0x2000  }
0x105: {  	[sflag:s30] =	ssyncset.done $0x0  }
0x106: {  	s16 =	simm.s32 $0x1580;
	[sflag:s30] =	ssyncadd.s32 $0xFFFFE000  }
0x107: {  	[spmem:s2] =	stream.indirect.scatter.add.f32 [tilespmem:s31], [sflag:$0x8], $0x80, s16, s20, $0xb8;
	[tilespmem:$0x1E800] =	vst v63  }
0x108: {  	_ =	swait.ge [sflag:s29], $0x2000  }
0x109: {  	[sflag:s29] =	ssyncset.done $0x0  }
0x10a: {  	s14 =	simm.s32 $0x800;
	s15 =	simm.s32 $0x280;
	[sflag:s29] =	ssyncadd.s32 $0xFFFFE000  }
.LBB2_7:
0x10b: {  	[tilespmem:s23], [sflag:$0x2] =	stream.indirect.gather [hbm4b:s4+s20], $0x80, s15, s20, $0xb8;
	[tilespmem:$0x1E800] =	vst v63  }
0x10c: {  	s3 =	smov.u32 s14  }
0x10d: {  	p0 =	sne.s32 s14, $0x4000;
	s14 =	sadd.s32 $0x800, s14;
	_ =	swait.ge [sflag:s24], $0x2000  }
0x10e: {  	s15 =	sshra.s32 s3, $0x2;
	[sflag:s24] =	ssyncset.done $0x0  }
0x10f: {  	s3 =	sadd.s32 $0x1400, s15;
	[sflag:s24] =	ssyncadd.s32 $0xFFFFE000  }
0x110: {  	[spmem:s2] =	stream.indirect.scatter.add.f32 [tilespmem:s21], [sflag:$0x5], $0x80, s3, s20, $0xb8;
	[tilespmem:$0x1E800] =	vst v63  }
0x111: {  	_ =	swait.ge [sflag:s1], $0x2000  }
0x112: {  	[sflag:s1] =	ssyncset.done $0x0  }
0x113: {  	s3 =	sadd.s32 $0x100, s15;
	[sflag:s1] =	ssyncadd.s32 $0xFFFFE000  }
0x114: {  	[tilespmem:s26], [sflag:$0x3] =	stream.indirect.gather [hbm4b:s4+s20], $0x80, s3, s20, $0xb8;
	[tilespmem:$0x1E800] =	vst v63  }
0x115: {  	_ =	swait.ge [sflag:s28], $0x2000  }
0x116: {  	[sflag:s28] =	ssyncset.done $0x0  }
0x117: {  	s3 =	sadd.s32 $0x1480, s15;
	[sflag:s28] =	ssyncadd.s32 $0xFFFFE000  }
0x118: {  	[spmem:s2] =	stream.indirect.scatter.add.f32 [tilespmem:s23], [sflag:$0x6], $0x80, s3, s20, $0xb8;
	[tilespmem:$0x1E800] =	vst v63  }
0x119: {  	_ =	swait.ge [sflag:s5], $0x2000  }
0x11a: {  	[sflag:s5] =	ssyncset.done $0x0  }
0x11b: {  	s3 =	sadd.s32 $0x180, s15;
	[sflag:s5] =	ssyncadd.s32 $0xFFFFE000  }
0x11c: {  	[tilespmem:s31], [sflag:$0x4] =	stream.indirect.gather [hbm4b:s4+s20], $0x80, s3, s20, $0xb8;
	[tilespmem:$0x1E800] =	vst v63  }
0x11d: {  	_ =	swait.ge [sflag:s0], $0x2000  }
0x11e: {  	[sflag:s0] =	ssyncset.done $0x0  }
0x11f: {  	s3 =	sadd.s32 $0x1500, s15;
	[sflag:s0] =	ssyncadd.s32 $0xFFFFE000  }
0x120: {  	[spmem:s2] =	stream.indirect.scatter.add.f32 [tilespmem:s26], [sflag:$0x7], $0x80, s3, s20, $0xb8;
	[tilespmem:$0x1E800] =	vst v63  }
0x121: {  	_ =	swait.ge [sflag:s25], $0x2000  }
0x122: {  	[sflag:s25] =	ssyncset.done $0x0  }
0x123: {  	s3 =	sadd.s32 $0x200, s15;
	[sflag:s25] =	ssyncadd.s32 $0xFFFFE000  }
0x124: {  	[tilespmem:s21], [sflag:$0x1] =	stream.indirect.gather [hbm4b:s4+s20], $0x80, s3, s20, $0xb8;
	[tilespmem:$0x1E800] =	vst v63  }
0x125: {  	_ =	swait.ge [sflag:s30], $0x2000  }
0x126: {  	[sflag:s30] =	ssyncset.done $0x0  }
.Ltmp3:
0x127: {  	s3 =	sadd.s32 $0x1580, s15;
	[sflag:s30] =	ssyncadd.s32 $0xFFFFE000;
	(pc) =	sbr.rel @p0 .LBB2_7-.Ltmp3, $4  }
0x128: {  	[spmem:s2] =	stream.indirect.scatter.add.f32 [tilespmem:s31], [sflag:$0x8], $0x80, s3, s20, $0xb8;
	[tilespmem:$0x1E800] =	vst v63  }
0x129: {  	_ =	swait.ge [sflag:s29], $0x2000  }
0x12a: {  	[sflag:s29] =	ssyncset.done $0x0  }
0x12b: {  	s15 =	sadd.s32 $0x280, s15;
	[sflag:s29] =	ssyncadd.s32 $0xFFFFE000  }
0x12c: {  	[tilespmem:s23], [sflag:$0x2] =	stream.indirect.gather [hbm4b:s4+s20], $0x80, s15, s20, $0xb8;
	[tilespmem:$0x1E800] =	vst v63  }
0x12d: {  	_ =	swait.ge [sflag:s24], $0x2000  }
0x12e: {  	[sflag:s24] =	ssyncset.done $0x0  }
0x12f: {  	[sflag:s24] =	ssyncadd.s32 $0xFFFFE000  }
0x130: {  	[spmem:s2] =	stream.indirect.scatter.add.f32 [tilespmem:s21], [sflag:$0x5], $0x80, s7, s20, $0xb8;
	[tilespmem:$0x1E800] =	vst v63  }
0x131: {  	_ =	swait.ge [sflag:s1], $0x2000  }
0x132: {  	[sflag:s1] =	ssyncset.done $0x0  }
0x133: {  	[sflag:s1] =	ssyncadd.s32 $0xFFFFE000  }
0x134: {  	[tilespmem:s26], [sflag:$0x3] =	stream.indirect.gather [hbm4b:s4+s20], $0x80, s8, s20, $0xb8;
	[tilespmem:$0x1E800] =	vst v63  }
0x135: {  	_ =	swait.ge [sflag:s28], $0x2000  }
0x136: {  	[sflag:s28] =	ssyncset.done $0x0  }
0x137: {  	[sflag:s28] =	ssyncadd.s32 $0xFFFFE000  }
0x138: {  	[spmem:s2] =	stream.indirect.scatter.add.f32 [tilespmem:s23], [sflag:$0x6], $0x80, s9, s20, $0xb8;
	[tilespmem:$0x1E800] =	vst v63  }
0x139: {  	_ =	swait.ge [sflag:s5], $0x2000  }
0x13a: {  	[sflag:s5] =	ssyncset.done $0x0  }
0x13b: {  	[sflag:s5] =	ssyncadd.s32 $0xFFFFE000  }
0x13c: {  	[tilespmem:s31], [sflag:$0x4] =	stream.indirect.gather [hbm4b:s4+s20], $0x80, s10, s20, $0xb8;
	[tilespmem:$0x1E800] =	vst v63  }
0x13d: {  	_ =	swait.ge [sflag:s0], $0x2000  }
0x13e: {  	[sflag:s0] =	ssyncset.done $0x0  }
0x13f: {  	[sflag:s0] =	ssyncadd.s32 $0xFFFFE000  }
0x140: {  	[spmem:s2] =	stream.indirect.scatter.add.f32 [tilespmem:s26], [sflag:$0x7], $0x80, s11, s20, $0xb8;
	[tilespmem:$0x1E800] =	vst v63  }
0x141: {  	_ =	swait.ge [sflag:s30], $0x2000  }
0x142: {  	[sflag:s30] =	ssyncset.done $0x0  }
0x143: {  	[sflag:s30] =	ssyncadd.s32 $0xFFFFE000  }
0x144: {  	[spmem:s2] =	stream.indirect.scatter.add.f32 [tilespmem:s31], [sflag:$0x8], $0x80, s12, s20, $0xb8;
	[tilespmem:$0x1E800] =	vst v63  }
0x145: {  	_ =	swait.ge [sflag:s25], $0x2000  }
0x146: {  	[sflag:s25] =	ssyncset.done $0x0  }
0x147: {  	[sflag:s25] =	ssyncadd.s32 $0xFFFFE000  }
0x148: {  	_ =	swait.ge [sflag:s29], $0x2000  }
0x149: {  	[sflag:s29] =	ssyncset.done $0x0  }
0x14a: {  	s3 =	simm.s32 $0x0;
	s14 =	rddreg [dreg:$0xb];
	[sflag:s29] =	ssyncadd.s32 $0xFFFFE000  }
0x14b: {  	[tilespmem:s3], [sflag:$0x9] =	stream.linear.gather [hbm4b:s14+s3], $0x1400, $0x38;
	[tilespmem:$0x1E800] =	vst v63  }
0x14c: {  	_ =	swait.ge [sflag:s18], $0x1400  }
0x14d: {  	[sflag:s18] =	ssyncset.done $0x0  }
0x14e: {  	s15 =	rddreg [dreg:$0xc];
	[sflag:s18] =	ssyncadd.s32 $0xFFFFEC00  }
0x14f: {  	[tilespmem:s19], [sflag:$0x9] =	stream.linear.gather [hbm4b:s15+s3], $0x1400, $0x38;
	[tilespmem:$0x1E800] =	vst v63  }
0x150: {  	_ =	swait.ge [sflag:s18], $0x1400  }
0x151: {  	[sflag:s18] =	ssyncset.done $0x0  }
0x152: {  	[sflag:s18] =	ssyncadd.s32 $0xFFFFEC00  }
0x153: {  	[tilespmem:s21], [sflag:$0x1] =	stream.indirect.gather [hbm4b:s4+s20], $0x80, s3, s20, $0xb8;
	[tilespmem:$0x1E800] =	vst v63  }
0x154: {  	_ = 	snop  }
0x155: {  	[tilespmem:s23], [sflag:$0x2] =	stream.indirect.gather [hbm4b:s4+s20], $0x80, s22, s20, $0xb8;
	[tilespmem:$0x1E800] =	vst v63  }
0x156: {  	_ =	swait.ge [sflag:s24], $0x2000  }
0x157: {  	[sflag:s24] =	ssyncset.done $0x0  }
0x158: {  	s16 =	simm.s32 $0x1400;
	[sflag:s24] =	ssyncadd.s32 $0xFFFFE000  }
0x159: {  	[spmem:s2] =	stream.indirect.scatter.add.f32 [tilespmem:s21], [sflag:$0x5], $0x80, s16, s20, $0xb8;
	[tilespmem:$0x1E800] =	vst v63  }
0x15a: {  	_ =	swait.ge [sflag:s1], $0x2000  }
0x15b: {  	[sflag:s1] =	ssyncset.done $0x0  }
0x15c: {  	s14 =	simm.s32 $0x100;
	[sflag:s1] =	ssyncadd.s32 $0xFFFFE000  }
0x15d: {  	[tilespmem:s26], [sflag:$0x3] =	stream.indirect.gather [hbm4b:s4+s20], $0x80, s14, s20, $0xb8;
	[tilespmem:$0x1E800] =	vst v63  }
0x15e: {  	_ =	swait.ge [sflag:s28], $0x2000  }
0x15f: {  	[sflag:s28] =	ssyncset.done $0x0  }
0x160: {  	s15 =	simm.s32 $0x1480;
	[sflag:s28] =	ssyncadd.s32 $0xFFFFE000  }
0x161: {  	[spmem:s2] =	stream.indirect.scatter.add.f32 [tilespmem:s23], [sflag:$0x6], $0x80, s15, s20, $0xb8;
	[tilespmem:$0x1E800] =	vst v63  }
0x162: {  	_ =	swait.ge [sflag:s5], $0x2000  }
0x163: {  	[sflag:s5] =	ssyncset.done $0x0  }
0x164: {  	s16 =	simm.s32 $0x180;
	[sflag:s5] =	ssyncadd.s32 $0xFFFFE000  }
0x165: {  	[tilespmem:s31], [sflag:$0x4] =	stream.indirect.gather [hbm4b:s4+s20], $0x80, s16, s20, $0xb8;
	[tilespmem:$0x1E800] =	vst v63  }
0x166: {  	_ =	swait.ge [sflag:s0], $0x2000  }
0x167: {  	[sflag:s0] =	ssyncset.done $0x0  }
0x168: {  	s14 =	simm.s32 $0x1500;
	[sflag:s0] =	ssyncadd.s32 $0xFFFFE000  }
0x169: {  	[spmem:s2] =	stream.indirect.scatter.add.f32 [tilespmem:s26], [sflag:$0x7], $0x80, s14, s20, $0xb8;
	[tilespmem:$0x1E800] =	vst v63  }
0x16a: {  	_ =	swait.ge [sflag:s25], $0x2000  }
0x16b: {  	[sflag:s25] =	ssyncset.done $0x0  }
0x16c: {  	s15 =	simm.s32 $0x200;
	[sflag:s25] =	ssyncadd.s32 $0xFFFFE000  }
0x16d: {  	[tilespmem:s21], [sflag:$0x1] =	stream.indirect.gather [hbm4b:s4+s20], $0x80, s15, s20, $0xb8;
	[tilespmem:$0x1E800] =	vst v63  }
0x16e: {  	_ =	swait.ge [sflag:s30], $0x2000  }
0x16f: {  	[sflag:s30] =	ssyncset.done $0x0  }
0x170: {  	s16 =	simm.s32 $0x1580;
	[sflag:s30] =	ssyncadd.s32 $0xFFFFE000  }
0x171: {  	[spmem:s2] =	stream.indirect.scatter.add.f32 [tilespmem:s31], [sflag:$0x8], $0x80, s16, s20, $0xb8;
	[tilespmem:$0x1E800] =	vst v63  }
0x172: {  	_ =	swait.ge [sflag:s29], $0x2000  }
0x173: {  	[sflag:s29] =	ssyncset.done $0x0  }
0x174: {  	s14 =	simm.s32 $0x800;
	s15 =	simm.s32 $0x280;
	[sflag:s29] =	ssyncadd.s32 $0xFFFFE000  }
.LBB2_9:
0x175: {  	[tilespmem:s23], [sflag:$0x2] =	stream.indirect.gather [hbm4b:s4+s20], $0x80, s15, s20, $0xb8;
	[tilespmem:$0x1E800] =	vst v63  }
0x176: {  	s3 =	smov.u32 s14  }
0x177: {  	p0 =	sne.s32 s14, $0x4000;
	s14 =	sadd.s32 $0x800, s14;
	_ =	swait.ge [sflag:s24], $0x2000  }
0x178: {  	s15 =	sshra.s32 s3, $0x2;
	[sflag:s24] =	ssyncset.done $0x0  }
0x179: {  	s3 =	sadd.s32 $0x1400, s15;
	[sflag:s24] =	ssyncadd.s32 $0xFFFFE000  }
0x17a: {  	[spmem:s2] =	stream.indirect.scatter.add.f32 [tilespmem:s21], [sflag:$0x5], $0x80, s3, s20, $0xb8;
	[tilespmem:$0x1E800] =	vst v63  }
0x17b: {  	_ =	swait.ge [sflag:s1], $0x2000  }
0x17c: {  	[sflag:s1] =	ssyncset.done $0x0  }
0x17d: {  	s3 =	sadd.s32 $0x100, s15;
	[sflag:s1] =	ssyncadd.s32 $0xFFFFE000  }
0x17e: {  	[tilespmem:s26], [sflag:$0x3] =	stream.indirect.gather [hbm4b:s4+s20], $0x80, s3, s20, $0xb8;
	[tilespmem:$0x1E800] =	vst v63  }
0x17f: {  	_ =	swait.ge [sflag:s28], $0x2000  }
0x180: {  	[sflag:s28] =	ssyncset.done $0x0  }
0x181: {  	s3 =	sadd.s32 $0x1480, s15;
	[sflag:s28] =	ssyncadd.s32 $0xFFFFE000  }
0x182: {  	[spmem:s2] =	stream.indirect.scatter.add.f32 [tilespmem:s23], [sflag:$0x6], $0x80, s3, s20, $0xb8;
	[tilespmem:$0x1E800] =	vst v63  }
0x183: {  	_ =	swait.ge [sflag:s5], $0x2000  }
0x184: {  	[sflag:s5] =	ssyncset.done $0x0  }
0x185: {  	s3 =	sadd.s32 $0x180, s15;
	[sflag:s5] =	ssyncadd.s32 $0xFFFFE000  }
0x186: {  	[tilespmem:s31], [sflag:$0x4] =	stream.indirect.gather [hbm4b:s4+s20], $0x80, s3, s20, $0xb8;
	[tilespmem:$0x1E800] =	vst v63  }
0x187: {  	_ =	swait.ge [sflag:s0], $0x2000  }
0x188: {  	[sflag:s0] =	ssyncset.done $0x0  }
0x189: {  	s3 =	sadd.s32 $0x1500, s15;
	[sflag:s0] =	ssyncadd.s32 $0xFFFFE000  }
0x18a: {  	[spmem:s2] =	stream.indirect.scatter.add.f32 [tilespmem:s26], [sflag:$0x7], $0x80, s3, s20, $0xb8;
	[tilespmem:$0x1E800] =	vst v63  }
0x18b: {  	_ =	swait.ge [sflag:s25], $0x2000  }
0x18c: {  	[sflag:s25] =	ssyncset.done $0x0  }
0x18d: {  	s3 =	sadd.s32 $0x200, s15;
	[sflag:s25] =	ssyncadd.s32 $0xFFFFE000  }
0x18e: {  	[tilespmem:s21], [sflag:$0x1] =	stream.indirect.gather [hbm4b:s4+s20], $0x80, s3, s20, $0xb8;
	[tilespmem:$0x1E800] =	vst v63  }
0x18f: {  	_ =	swait.ge [sflag:s30], $0x2000  }
0x190: {  	[sflag:s30] =	ssyncset.done $0x0  }
.Ltmp4:
0x191: {  	s3 =	sadd.s32 $0x1580, s15;
	[sflag:s30] =	ssyncadd.s32 $0xFFFFE000;
	(pc) =	sbr.rel @p0 .LBB2_9-.Ltmp4, $4  }
0x192: {  	[spmem:s2] =	stream.indirect.scatter.add.f32 [tilespmem:s31], [sflag:$0x8], $0x80, s3, s20, $0xb8;
	[tilespmem:$0x1E800] =	vst v63  }
0x193: {  	_ =	swait.ge [sflag:s29], $0x2000  }
0x194: {  	[sflag:s29] =	ssyncset.done $0x0  }
0x195: {  	s15 =	sadd.s32 $0x280, s15;
	[sflag:s29] =	ssyncadd.s32 $0xFFFFE000  }
0x196: {  	[tilespmem:s23], [sflag:$0x2] =	stream.indirect.gather [hbm4b:s4+s20], $0x80, s15, s20, $0xb8;
	[tilespmem:$0x1E800] =	vst v63  }
0x197: {  	_ =	swait.ge [sflag:s24], $0x2000  }
0x198: {  	[sflag:s24] =	ssyncset.done $0x0  }
0x199: {  	[sflag:s24] =	ssyncadd.s32 $0xFFFFE000  }
0x19a: {  	[spmem:s2] =	stream.indirect.scatter.add.f32 [tilespmem:s21], [sflag:$0x5], $0x80, s7, s20, $0xb8;
	[tilespmem:$0x1E800] =	vst v63  }
0x19b: {  	_ =	swait.ge [sflag:s1], $0x2000  }
0x19c: {  	[sflag:s1] =	ssyncset.done $0x0  }
0x19d: {  	[sflag:s1] =	ssyncadd.s32 $0xFFFFE000  }
0x19e: {  	[tilespmem:s26], [sflag:$0x3] =	stream.indirect.gather [hbm4b:s4+s20], $0x80, s8, s20, $0xb8;
	[tilespmem:$0x1E800] =	vst v63  }
0x19f: {  	_ =	swait.ge [sflag:s28], $0x2000  }
0x1a0: {  	[sflag:s28] =	ssyncset.done $0x0  }
0x1a1: {  	[sflag:s28] =	ssyncadd.s32 $0xFFFFE000  }
0x1a2: {  	[spmem:s2] =	stream.indirect.scatter.add.f32 [tilespmem:s23], [sflag:$0x6], $0x80, s9, s20, $0xb8;
	[tilespmem:$0x1E800] =	vst v63  }
0x1a3: {  	_ =	swait.ge [sflag:s5], $0x2000  }
0x1a4: {  	[sflag:s5] =	ssyncset.done $0x0  }
0x1a5: {  	[sflag:s5] =	ssyncadd.s32 $0xFFFFE000  }
0x1a6: {  	[tilespmem:s31], [sflag:$0x4] =	stream.indirect.gather [hbm4b:s4+s20], $0x80, s10, s20, $0xb8;
	[tilespmem:$0x1E800] =	vst v63  }
0x1a7: {  	_ =	swait.ge [sflag:s0], $0x2000  }
0x1a8: {  	[sflag:s0] =	ssyncset.done $0x0  }
0x1a9: {  	[sflag:s0] =	ssyncadd.s32 $0xFFFFE000  }
0x1aa: {  	[spmem:s2] =	stream.indirect.scatter.add.f32 [tilespmem:s26], [sflag:$0x7], $0x80, s11, s20, $0xb8;
	[tilespmem:$0x1E800] =	vst v63  }
0x1ab: {  	_ =	swait.ge [sflag:s30], $0x2000  }
0x1ac: {  	[sflag:s30] =	ssyncset.done $0x0  }
0x1ad: {  	[sflag:s30] =	ssyncadd.s32 $0xFFFFE000  }
0x1ae: {  	[spmem:s2] =	stream.indirect.scatter.add.f32 [tilespmem:s31], [sflag:$0x8], $0x80, s12, s20, $0xb8;
	[tilespmem:$0x1E800] =	vst v63  }
0x1af: {  	_ =	swait.ge [sflag:s25], $0x2000  }
0x1b0: {  	[sflag:s25] =	ssyncset.done $0x0  }
0x1b1: {  	[sflag:s25] =	ssyncadd.s32 $0xFFFFE000  }
0x1b2: {  	_ =	swait.ge [sflag:s29], $0x2000  }
0x1b3: {  	[sflag:s29] =	ssyncset.done $0x0  }
0x1b4: {  	[sflag:s29] =	ssyncadd.s32 $0xFFFFE000  }
0x1b5: {  	_ =	swait.ge [sflag:s1], $0x2000  }
0x1b6: {  	[sflag:s1] =	ssyncset.done $0x0  }
0x1b7: {  	[sflag:s1] =	ssyncadd.s32 $0xFFFFE000  }
0x1b8: {  	_ =	swait.ge [sflag:s5], $0x2000  }
0x1b9: {  	[sflag:s5] =	ssyncset.done $0x0  }
0x1ba: {  	[sflag:s5] =	ssyncadd.s32 $0xFFFFE000  }
0x1bb: {  	[bflag:$0x0] =	sbarrier.arrive $0xFFFF  }
0x1bc: {  	s3 =	rddreg [dreg:$0xd]  }
0x1bd: {  	[hbm:s3], [sflag:s6] =	dma.local [spmem:s17], $0x2800  }
0x1be: {  	_ =	swait.ge [sflag:s18], $0x2800  }
0x1bf: {  	s13 =	sadd.s32 $0x1, s13;
	s16 =	rddreg [dreg:$0xe]  }
0x1c0: {  	p0 =	sne.s32 s13, s16  }
.Ltmp5:
0x1c1: {  	_ = 	snop;
	(pc) =	sbr.rel @p0 .LBB2_1-.Ltmp5, $3  }
0x1c2: {  	_ =	sdelay $0x1  }
0x1c3: {  	[sflag:s18] =	ssyncset.done $0x0  }
0x1c4: {  	[sflag:s18] =	ssyncadd.s32 $0xFFFFD800  }
0x1c5: {  	_ =	sfence.sel $0x180000  }
0x1c6: {  	[bflag:$0x0] =	sbarrier.arrive $0xFFFF  }
0x1c7: {  	_ =	strace $0x9000004D  }
0x1c8: {  	s0 =	stileid.u32;
	[bflag:$0x2] =	sbarrier.arrive $0xFFFF  }
0x1c9: {  	p0 =	sne.s32 s0, $0x0;
	s0 =	rddreg [dreg:$0x3]  }
0x1ca: {  	s0 =	sadd.s32 @!p0 $0x100000, s0  }
0x1cb: {  	[sflag:s0] =	ssyncadd.tile.s32 @!p0 $0x1;
	_ =	shalt  }
.Lfunc_end2:
_tile_overlayer_lowered:
.L_overlay_start_2:
0x1cc: {  	(tag) =	ssettag $0x2  }
0x1cd: {  	s0 =	rddreg [dreg:$0x0];
	s2 =	stileid.u32  }
0x1ce: {  	s1 =	rddreg [dreg:$0x1];
	p0 =	sne.s32 s2, $0x0  }
0x1cf: {  	s3 =	rddreg [dreg:$0x2];
	[bflag:$0x3] =	sbarrier.arrive $0xFFFF;
	s2 =	simm.s32 @!p0 $0x1C09  }
0x1d0: {  	[timem:s3], [sflag:s2] =	dma.local @!p0 [hbm:s0], s1  }
0x1d1: {  	s0 =	simm.s32 @!p0 $0x9  }
0x1d2: {  	_ =	swait.ge @!p0 [sflag:s0], s1  }
0x1d3: {  	s1 =	ssub.s32 @!p0 $0x0, s1;
	[sflag:s0] =	ssyncset.done @!p0 $0x0  }
0x1d4: {  	[sflag:s0] =	ssyncadd.s32 @!p0 s1  }
0x1d5: {  	[bflag:$0x3] =	sbarrier.arrive $0xFFFF  }
0x1d6: {  	_ =	shalt  }

// kernel: kernel.8.cloned.1.call-start
scs
__scs_entry_jumppad:
0x0: {  	(pc) =	sbr.rel $0x88, $3  }
0x1: {  	(tag) =	ssettag $0x0;
	lr =	simm.s32 $0x1  }
0x2: {  	[smem:$0x3F9D] =	sst lr;
	_ =	strace $0xD0000000  }
0x3: {  	_ = 	snop  }
0x4: {  	_ = 	snop  }
0x5: {  	_ = 	snop  }
0x6: {  	_ = 	snop  }
0x7: {  	_ = 	snop  }
__scs_overlays_trampoline_lowered:
0x8: {  	[smem:$0x3FAC] =	sst s0  }
0x9: {  	[smem:$0x3FAD] =	sst s1  }
0xa: {  	[smem:$0x3FAE] =	sst s2  }
0xb: {  	[smem:$0x3FAF] =	sst s3  }
0xc: {  	[smem:$0x3FB0] =	sst s4  }
0xd: {  	[smem:$0x3FB1] =	sst s5  }
0xe: {  	[smem:$0x3FB2] =	sst s6  }
0xf: {  	[smem:$0x3FB3] =	sst s7  }
0x10: {  	[smem:$0x3FB4] =	sst s8  }
0x11: {  	[smem:$0x3FB5] =	sst s9;
	s0 =	simm.s32 @!p0 $0x0  }
0x12: {  	s1 =	sld [smem:$0x3F9B];
	s0 =	simm.s32 @p0 $0x1  }
0x13: {  	[smem:$0x3FB6] =	sst s0;
	s0 =	simm.s32 @!p1 $0x0  }
0x14: {  	s2 =	sld [smem:$0x3F9A];
	s0 =	simm.s32 @p1 $0x1  }
0x15: {  	[smem:$0x3FB7] =	sst s0;
	s0 =	simm.s32 @!p2 $0x0  }
0x16: {  	s3 =	sld [smem:$0x3FDB];
	s0 =	simm.s32 @p2 $0x1  }
0x17: {  	s4 =	simm.s32 $0x1BF5;
	[smem:$0x3FB9] =	sst s0  }
0x18: {  	s0 =	sld [smem:$0x3F9C];
	_ =	swait.ge [sflag:s4], $0x0  }
0x19: {  	s7 =	sld [smem:$0x3F9D]  }
0x1a: {  	s8 =	sadd.s32 $0xFFFFE003, lr  }
0x1b: {  	s9 =	sadd.s32 $0xFFFFFEF7, lr;
	s5 =	simm.s32 $0xFFFFFFFF;
	p2 =	slt.u32 s8, $0xFFFFF086  }
0x1c: {  	p1 =	slt.u32 s9, $0xF7A;
	s5 =	simm.s32 @!p2 $0x0  }
0x1d: {  	s5 =	simm.s32 @p1 $0x1;
	p0 =	seq.s32 s7, s2  }
0x1e: {  	s7 =	smul.u32 @!p0 $0xF7A, s2;
	p2 =	seq.s32 @!p0 s5, $0x0  }
0x1f: {  	s9 =	smul.u32 $0xF7A, s1;
	s8 =	simm.s32 @!p0 $0x1BF5;
	p2 =	por !p2, p0  }
0x20: {  	[sflag:s8] =	ssyncset.s32 @!p0 $0xFFFFF086;
	s6 =	sadd.s32 @!p0 s3, s7;
	s7 =	simm.s32 @!p0 $0x108  }
0x21: {  	s3 =	sadd.s32 s3, s9;
	s6 =	sadd.s32 @!p0 $0x88, s6;
	s7 =	simm.s32 @p2 $0x1082  }
0x22: {  	[simem:s7], [sflag:s8] =	dma.local @!p0 [hbm:s6], $0xF7A  }
0x23: {  	s9 =	sor.u32 $0xD0000000, s2;
	s6 =	simm.s32 $0x108;
	_ =	swait.ge @!p0 [sflag:s8], $0x0  }
0x24: {  	s3 =	sadd.s32 $0x88, s3;
	s6 =	simm.s32 @!p1 $0x1082;
	[sflag:s4] =	ssyncset.s32 $0xFFFFF086  }
0x25: {  	[simem:s6], [sflag:s4] =	dma.local [hbm:s3], $0xF7A  }
0x26: {  	[smem:$0x3F9D] =	sst s1;
	(tag) =	ssettag s2;
	_ =	strace s9  }
0x27: {  	s1 =	sld [smem:$0x3FAD]  }
0x28: {  	s2 =	sld [smem:$0x3FAE]  }
0x29: {  	s4 =	sld [smem:$0x3FB0]  }
0x2a: {  	p0 =	seq.s32 s5, $0x0;
	s5 =	sld [smem:$0x3FB1]  }
0x2b: {  	s6 =	sld [smem:$0x3FB2]  }
0x2c: {  	s7 =	sld [smem:$0x3FB3]  }
0x2d: {  	s3 =	simm.s32 $0x108;
	s8 =	sld [smem:$0x3FB4]  }
0x2e: {  	s3 =	simm.s32 @!p0 $0x1082;
	s9 =	sld [smem:$0x3FB5]  }
0x2f: {  	lr =	sadd.s32 s0, s3;
	s0 =	sld [smem:$0x3FAC]  }
0x30: {  	s3 =	sld [smem:$0x3FAF]  }
0x31: {  	[smem:$0x3FB8] =	sst s10  }
0x32: {  	s10 =	sld [smem:$0x3FB6];
	_ =	sdelay $0x3  }
0x33: {  	p0 =	seq.s32 s10, $0x1;
	s10 =	sld [smem:$0x3FB8];
	_ =	sdelay $0x3  }
0x34: {  	[smem:$0x3FB8] =	sst s10  }
0x35: {  	s10 =	sld [smem:$0x3FB7];
	_ =	sdelay $0x3  }
0x36: {  	p1 =	seq.s32 s10, $0x1;
	s10 =	sld [smem:$0x3FB8];
	_ =	sdelay $0x3  }
0x37: {  	[smem:$0x3FB8] =	sst s10  }
0x38: {  	s10 =	sld [smem:$0x3FB9]  }
0x39: {  	_ = 	snop;
	(pc) =	sbr.ind lr, $3  }
0x3a: {  	_ = 	snop  }
0x3b: {  	_ = 	snop  }
0x3c: {  	p2 =	seq.s32 s10, $0x1;
	s10 =	sld [smem:$0x3FB8]  }
0x3d: {  	_ =	shalt  }
0x3e: {  	_ =	shalt  }
0x3f: {  	_ =	shalt  }
0x40: {  	_ =	shalt  }
0x41: {  	_ =	shalt  }
0x42: {  	_ =	shalt  }
0x43: {  	_ =	shalt  }
0x44: {  	_ =	shalt  }
0x45: {  	_ =	shalt  }
0x46: {  	_ =	shalt  }
0x47: {  	_ =	shalt  }
0x48: {  	_ =	shalt  }
0x49: {  	_ =	shalt  }
0x4a: {  	_ =	shalt  }
0x4b: {  	_ =	shalt  }
0x4c: {  	_ =	shalt  }
0x4d: {  	_ =	shalt  }
0x4e: {  	_ =	shalt  }
0x4f: {  	_ =	shalt  }
0x50: {  	_ =	shalt  }
0x51: {  	_ =	shalt  }
0x52: {  	_ =	shalt  }
0x53: {  	_ =	shalt  }
0x54: {  	_ =	shalt  }
0x55: {  	_ =	shalt  }
0x56: {  	_ =	shalt  }
0x57: {  	_ =	shalt  }
0x58: {  	_ =	shalt  }
0x59: {  	_ =	shalt  }
0x5a: {  	_ =	shalt  }
0x5b: {  	_ =	shalt  }
0x5c: {  	_ =	shalt  }
0x5d: {  	_ =	shalt  }
0x5e: {  	_ =	shalt  }
0x5f: {  	_ =	shalt  }
0x60: {  	_ =	shalt  }
0x61: {  	_ =	shalt  }
0x62: {  	_ =	shalt  }
0x63: {  	_ =	shalt  }
0x64: {  	_ =	shalt  }
0x65: {  	_ =	shalt  }
0x66: {  	_ =	shalt  }
0x67: {  	_ =	shalt  }
0x68: {  	_ =	shalt  }
0x69: {  	_ =	shalt  }
0x6a: {  	_ =	shalt  }
0x6b: {  	_ =	shalt  }
0x6c: {  	_ =	shalt  }
0x6d: {  	_ =	shalt  }
0x6e: {  	_ =	shalt  }
0x6f: {  	_ =	shalt  }
0x70: {  	_ =	shalt  }
0x71: {  	_ =	shalt  }
0x72: {  	_ =	shalt  }
0x73: {  	_ =	shalt  }
0x74: {  	_ =	shalt  }
0x75: {  	_ =	shalt  }
0x76: {  	_ =	shalt  }
0x77: {  	_ =	shalt  }
0x78: {  	_ =	shalt  }
0x79: {  	_ =	shalt  }
0x7a: {  	_ =	shalt  }
0x7b: {  	_ =	shalt  }
0x7c: {  	_ =	shalt  }
0x7d: {  	_ =	shalt  }
0x7e: {  	_ =	shalt  }
0x7f: {  	_ =	shalt  }
0x80: {  	_ =	shalt  }
0x81: {  	_ =	shalt  }
0x82: {  	_ =	shalt  }
0x83: {  	_ =	shalt  }
0x84: {  	_ =	shalt  }
0x85: {  	_ =	shalt  }
0x86: {  	_ =	shalt  }
0x87: {  	_ =	shalt  }
.Lfunc_end0:
.L_simem_size_0:
called_computation_lowered:
.L_overlay_start_0:
0x88: {  	s2 =	sld [smem:$0x3FD9]  }
0x89: {  	s3 =	sld [smem:$0x3FFE];
	_ =	sdelay $0x1  }
0x8a: {  	s1 =	srdreg.scid  }
0x8b: {  	s0 =	sand.u32 $0x1, s1  }
0x8c: {  	s16 =	sshll.u32 s0, $0xA;
	s2 =	sadd.s32 s3, s2  }
0x8d: {  	s2 =	sadd.s32 s2, s16  }
0x8e: {  	[smem:$0x3FC4] =	sst s2  }
0x8f: {  	_ = 	snop  }
0x90: {  	(tm) =	ssettm $0x1  }
0x91: {  	s17 =	sld [smem:$0x3FFB];
	_ =	sdelay $0x3  }
0x92: {  	_ =	strace s17  }
0x93: {  	s2 =	sld [smem:$0x3FFC];
	_ =	sdelay $0x3  }
0x94: {  	_ =	strace s2  }
0x95: {  	s2 =	sld [smem:$0x3FFD];
	_ =	sdelay $0x3  }
0x96: {  	_ =	strace s2  }
0x97: {  	_ =	strace $0x8FFFFFFF  }
0x98: {  	s18 =	sld [smem:$0x3FDB];
	_ =	sdelay $0x1  }
0x99: {  	s19 =	simm.s32 $_scs_section_size  }
0x9a: {  	s4 =	simm.s32 $_size__tile_overlayer_lowered;
	s5 =	simm.s32 $_tile_overlayer_lowered  }
0x9b: {  	s22 =	simm.s32 $0x1BFF;
	s21 =	sshll.u32 s5, $0x1;
	s2 =	sadd.s32 s19, s18  }
0x9c: {  	s6 =	simm.s32 $0x0;
	s20 =	sshll.u32 s4, $0x1;
	s4 =	sadd.s32 s21, s2  }
0x9d: {  	[timem:s6], [sflag:s22] =	dma.local [hbm:s4], s20  }
0x9e: {  	_ =	swait.ge [sflag:s22], s20  }
0x9f: {  	s3 =	ssub.s32 $0x0, s20;
	[sflag:s22] =	ssyncset.done $0x0  }
0xa0: {  	[sflag:s22] =	ssyncadd.s32 s3;
	_ =	sdelay $0x1  }
0xa1: {  	s23 =	simm.s32 $0x1B8B  }
0xa2: {  	_ =	swait.ge [sflag:s23], $0x1  }
0xa3: {  	[sflag:s23] =	ssyncset.done $0x0  }
0xa4: {  	s25 =	simm.s32 $0x1B8E;
	s24 =	sld [smem:$0x3FFE];
	[sflag:s23] =	ssyncadd.s32 $0xFFFFFFFF  }
0xa5: {  	s26 =	simm.s32 $execute0_lowered;
	[smem:$0x3FD2] =	sst s25  }
0xa6: {  	s4 =	sshll.u32 s26, $0x1;
	_ =	strace $0x80000046;
	[dreg:$0x1] =	wrdreg $0xFFFFFFFF  }
0xa7: {  	s28 =	simm.s32 $_size_execute0_lowered;
	s2 =	sadd.s32 s2, s4;
	[dreg:$0x0] =	wrdreg $0x0  }
0xa8: {  	s4 =	sshll.u32 s28, $0x1;
	[dreg:$0x2] =	wrdreg s2  }
0xa9: {  	[dreg:$0x3] =	wrdreg s4  }
0xaa: {  	[dreg:$0x4] =	wrdreg $0xC0  }
0xab: {  	_ =	task [dreg:s6], $0x5FFFF  }
0xac: {  	[dreg:$0x1] =	wrdreg $0xFFFFFFFF  }
0xad: {  	[dreg:$0x0] =	wrdreg $0x60  }
0xae: {  	[dreg:$0x2] =	wrdreg s24  }
0xaf: {  	[dreg:$0x3] =	wrdreg $0x28800  }
0xb0: {  	[dreg:$0x4] =	wrdreg $0x9  }
0xb1: {  	_ =	task.clear_ibuf [dreg:s6], $0x5FFFF;
	_ =	strace $0x90000046  }
0xb2: {  	s29 =	simm.s32 $0x9;
	_ =	strace $0x80000048  }
0xb3: {  	_ =	swait.ge [sflag:s29], $0x1  }
0xb4: {  	[sflag:s29] =	ssyncadd.s32 $0xFFFFFFFF  }
0xb5: {  	_ =	strace $0x90000048  }
0xb6: {  	_ =	sfence  }
0xb7: {  	s30 =	sld [smem:$0x0];
	_ =	sdelay $0x2  }
0xb8: {  	s31 =	sshll.u32 s1, $0xD;
	s1 =	sshrl.u32 s1, $0x2  }
0xb9: {  	s3 =	sand.u32 $0x4000, s31;
	s1 =	sadd.s32 s1, s30  }
0xba: {  	s0 =	sor.u32 s3, s0;
	s1 =	sshll.u32 s1, $0x11  }
0xbb: {  	s0 =	sor.u32 s1, s0  }
0xbc: {  	s0 =	sadd.s32 $0x8F2B, s0  }
0xbd: {  	[sflag:s0] =	ssyncadd.remote.s32 $0x1  }
0xbe: {  	_ =	sfence.sel $0xFFFF  }
0xbf: {  	[dreg:$0x0] =	wrdreg $0xFFFFFFFF;
	(pc) =	sbr.abs _section_cstart, $3  }
0xc0: {  	[dreg:$0x1] =	wrdreg $0xFFFFFFFF  }
0xc1: {  	_ =	task.clear_ibuf [dreg:s6], $0x2FFFF;
	_ =	strace $0x9FFFFFFF  }
0xc2: {  	(tm) =	ssettm $0x7FFFFFFF  }
0xc3: {  	_ =	shalt  }
tec
execute0_lowered:
.L_overlay_start_1:
0x0: {  	(tag) =	ssettag $0x1  }
0x1: {  	s5 =	rddreg [dreg:$0x0]  }
0x2: {  	s0 =	srdreg.scid;
	s2 =	rddreg [dreg:$0x1];
	s3 =	simm.s32 $0x0  }
0x3: {  	s13 =	simm.s32 $0x80;
	s14 =	simm.s32 $0x1;
	s15 =	simm.s32 $0x20  }
0x4: {  	s16 =	simm.s32 $0x10;
	s4 =	sand.u32 $0x1, s0;
	s0 =	stileid.u32  }
0x5: {  	s17 =	simm.s32 $0x0;
	[smem:$0x7FF] =	sst s3;
	s7 =	smul.u32 $0x280, s0  }
0x6: {  	s1 =	sshll.u32 s4, $0x4;
	s8 =	smul.u32 $0x500, s0;
	s9 =	sshll.u32 s4, $0x7  }
0x7: {  	s30 =	ssub.s32 $0x2, s4;
	s4 =	sadd.s32 $0xCA00, s5;
	s1 =	sor.u32 s0, s1  }
0x8: {  	s31 =	sshll.u32 s0, $0x6;
	s11 =	sshrl.u32 s30, $0x1;
	s6 =	smul.u32 $0x500, s1  }
0x9: {  	s1 =	rddreg [dreg:$0x2];
	_ =	strace $0x80000047;
	s10 =	sshrl.u32 s7, $0x3  }
0xa: {  	s8 =	sor.u32 s9, s8;
	s9 =	ssub.s32 s30, s11;
	s12 =	sadd.s32 s7, s2  }
0xb: {  	s11 =	sor.u32 $0x1C02, s31;
	s10 =	sadd.s32 s10, s5;
	s8 =	sshrl.u32 s8, $0x3  }
0xc: {  	s12 =	sshrl.u32 s12, $0x3;
	s6 =	sadd.s32 s6, s5;
	s8 =	sadd.s32 s8, s5  }
0xd: {  	s5 =	sadd.s32 $0x2A00, s6;
	s6 =	sadd.s32 $0xCC00, s10;
	s7 =	sadd.s32 $0xD200, s8  }
0xe: {  	s8 =	smax.u32 s9, $0x1;
	s9 =	simm.s32 $0x2800;
	s10 =	simm.s32 $0x2  }
.LBB2_1:
0xf: {  	[tilespmem:s9], [sflag:$0x2] =	stream.linear.gather [hbm4b:s4+s3], $0x80, $0x38;
	[tilespmem:$0x2B00] =	vst v63  }
0x10: {  	_ =	swait.ge [sflag:s10], $0x80  }
0x11: {  	[sflag:s10] =	ssyncset.done $0x0  }
0x12: {  	[sflag:s10] =	ssyncadd.s32 $0xFFFFFF80  }
0x13: {  	[tilespmem:s3], [sflag:$0x2] =	stream.linear.gather [hbm4b:s5+s3], $0x2780, $0x38;
	[tilespmem:$0x2B00] =	vst v63  }
0x14: {  	_ =	swait.ge [sflag:s10], $0x2780  }
0x15: {  	[sflag:s10] =	ssyncset.done $0x0  }
0x16: {  	[sflag:s10] =	ssyncadd.s32 $0xFFFFD880  }
0x17: {  	[spmem:s12], [sflag:s11] =	dma.local [hbm:s6], $0x50  }
0x18: {  	_ =	swait.ge [sflag:s10], $0x50  }
0x19: {  	[sflag:s10] =	ssyncset.done $0x0  }
0x1a: {  	[sflag:s10] =	ssyncadd.s32 $0xFFFFFFB0  }
0x1b: {  	s18 =	simm.s32 $0x0;
	[bflag:$0x0] =	sbarrier.arrive $0xFFFF  }
.LBB2_2:
0x1c: {  	p0 =	sne.s32 s18, $0x9C00  }
.Ltmp0:
0x1d: {  	_ = 	snop;
	(pc) =	sbr.rel @p0 .LBB2_2-.Ltmp0, $3  }
0x1e: {  	_ =	sdelay $0x1  }
0x1f: {  	s19 =	sshra.s32 s18, $0x2;
	s18 =	sadd.s32 $0x200, s18  }
0x20: {  	[spmem:s2] =	stream.indirect.scatter.add.f32 [tilespmem:s9], [sflag:$0x1], $0x1, s19, s13, $0xb8;
	[tilespmem:$0x2B00] =	vst v63  }
0x21: {  	_ =	swait.ge [sflag:s14], $0x80  }
0x22: {  	s18 =	simm.s32 $0x4E;
	[sflag:s14] =	ssyncset.done $0x0  }
.LBB2_4:
0x23: {  	p0 =	sne.s32 s18, $0x1;
	s18 =	sadd.s32 $0xFFFFFFFF, s18;
	[sflag:s14] =	ssyncadd.s32 $0xFFFFFF80  }
.Ltmp1:
0x24: {  	(pc) =	sbr.rel @p0 .LBB2_4-.Ltmp1, $3  }
0x25: {  	_ =	sdelay $0x1  }
0x26: {  	_ =	swait.ge [sflag:s14], $0x80  }
0x27: {  	[sflag:s14] =	ssyncset.done $0x0  }
0x28: {  	s17 =	sadd.s32 $0x1, s17  }
0x29: {  	[sflag:s14] =	ssyncadd.s32 $0xFFFFFF80;
	p0 =	sne.s32 s17, s8  }
.Ltmp2:
0x2a: {  	[bflag:$0x0] =	sbarrier.arrive $0xFFFF;
	(pc) =	sbr.rel @p0 .LBB2_1-.Ltmp2, $4  }
0x2b: {  	[hbm:s7@s15], [sflag:s11] =	dma.strided [spmem:s12@s16], $0x50, s14, $0x10   }
0x2c: {  	_ =	swait.ge [sflag:s10], $0x50  }
0x2d: {  	[sflag:s10] =	ssyncset.done $0x0  }
0x2e: {  	[sflag:s10] =	ssyncadd.s32 $0xFFFFFFB0  }
0x2f: {  	_ =	sfence.sel $0x180000  }
0x30: {  	[bflag:$0x0] =	sbarrier.arrive $0xFFFF  }
0x31: {  	p0 =	sne.s32 s0, $0x0;
	_ =	strace $0x90000047  }
0x32: {  	s0 =	sadd.s32 @!p0 $0x100000, s1;
	[bflag:$0x2] =	sbarrier.arrive $0xFFFF  }
0x33: {  	[sflag:s0] =	ssyncadd.tile.s32 @!p0 $0x1;
	_ =	shalt  }
.Lfunc_end2:
_tile_overlayer_lowered:
.L_overlay_start_2:
0x34: {  	(tag) =	ssettag $0x2  }
0x35: {  	s0 =	rddreg [dreg:$0x0];
	s2 =	stileid.u32  }
0x36: {  	s1 =	rddreg [dreg:$0x1];
	p0 =	sne.s32 s2, $0x0  }
0x37: {  	s3 =	rddreg [dreg:$0x2];
	[bflag:$0x3] =	sbarrier.arrive $0xFFFF;
	s2 =	simm.s32 @!p0 $0x1C02  }
0x38: {  	[timem:s3], [sflag:s2] =	dma.local @!p0 [hbm:s0], s1  }
0x39: {  	s0 =	simm.s32 @!p0 $0x2  }
0x3a: {  	_ =	swait.ge @!p0 [sflag:s0], s1  }
0x3b: {  	s1 =	ssub.s32 @!p0 $0x0, s1;
	[sflag:s0] =	ssyncset.done @!p0 $0x0  }
0x3c: {  	[sflag:s0] =	ssyncadd.s32 @!p0 s1  }
0x3d: {  	[bflag:$0x3] =	sbarrier.arrive $0xFFFF  }
0x3e: {  	_ =	shalt  }

</sc_bundles>
